<compile_context>
chip_gen: v7x
topology: tpu7x:2x2x1
jax: 0.10.2.dev20260603
libtpu: 0.0.44.dev20260713+nightly
codegen_flags: <defaults>
</compile_context>

<pallas_src>
import functools

import jax
import jax.numpy as jnp
from jax import lax
from jax.experimental import pallas as pl
from jax.experimental.pallas import tpu as pltpu
from jax.experimental.pallas import tpu_sc as plsc

NBLK = 32
KC = 1024

_SC_WORKERS = 32
_SC_CHUNK = 256


def _bf16_round(v):
    hb = jax.lax.bitcast_convert_type(v, jnp.uint32)
    hb = (hb + jnp.uint32(0x7FFF) + ((hb >> 16) & jnp.uint32(1))) \
        & jnp.uint32(0xFFFF0000)
    return jax.lax.bitcast_convert_type(hb, jnp.float32)


def _step_kernel(r_ref, q_ref, cb2_ref, cn_ref, idx_ref, rout_ref, loss_ref,
                 dscr, *, ksize):
    d = r_ref.shape[1]
    nb = r_ref.shape[0]
    r = r_ref[...] - q_ref[:, 0:d]
    rout_ref[...] = r
    fn = jnp.sum(r * r, axis=1, keepdims=True)
    loss_ref[...] = jnp.full((1, 1, 128), jnp.sum(fn), jnp.float32)
    rbf = r.astype(jnp.bfloat16)
    nchunks = ksize // KC
    half = nchunks // 2
    win_min = []
    win_idx = []
    bigf = jnp.float32(ksize)
    io0 = jax.lax.broadcasted_iota(jnp.int32, (nb, KC), 1).astype(jnp.float32)
    for w in range(2):
        wmin = jnp.full((nb, 1), jnp.inf, jnp.float32)
        for c in range(half):
            kb = w * half + c
            cchunk = cb2_ref[0, kb * KC:(kb + 1) * KC, :]
            cn = cn_ref[0, :, kb * KC:(kb + 1) * KC]
            mm2 = jax.lax.dot_general(
                rbf, cchunk, (((1,), (1,)), ((), ())),
                preferred_element_type=jnp.float32)
            dv = (fn - mm2) + cn
            dscr[:, c * KC:(c + 1) * KC] = dv
            wmin = jnp.minimum(wmin, jnp.min(dv, axis=1, keepdims=True))
        idxw = jnp.full((nb, 1), bigf, jnp.float32)
        for c in range(half):
            kb = w * half + c
            dv = dscr[:, c * KC:(c + 1) * KC]
            cand = jnp.where(dv <= wmin, io0, bigf)
            idxc = jnp.min(cand, axis=1, keepdims=True) + jnp.float32(kb * KC)
            idxw = jnp.minimum(idxw, idxc)
        win_min.append(wmin)
        win_idx.append(idxw)
    w1_wins = win_min[1] < _bf16_round(win_min[0])
    best_idx = jnp.where(w1_wins, win_idx[1], win_idx[0]).astype(jnp.int32)
    idx_ref[...] = best_idx.reshape(1, nb, 1)


def _final_kernel(x_ref, r_ref, q_ref, qout_ref, loss_ref):
    rn = r_ref[...] - q_ref[:, 0:r_ref.shape[1]]
    loss_ref[...] = jnp.full((1, 1, 128), jnp.sum(rn * rn), jnp.float32)
    qout_ref[...] = x_ref[...] - rn


def _tc_step(r, q, cb2, cn, nblk):
    n, d = r.shape
    ksize = cb2.shape[0]
    nb = n // nblk
    idx3, rout, lossp = pl.pallas_call(
        functools.partial(_step_kernel, ksize=ksize),
        grid=(nblk,),
        in_specs=[
            pl.BlockSpec((nb, d), lambda i: (i, 0)),
            pl.BlockSpec((nb, 128), lambda i: (i, 0)),
            pl.BlockSpec((1, ksize, d), lambda i: (0, 0, 0)),
            pl.BlockSpec((1, 1, ksize), lambda i: (0, 0, 0)),
        ],
        out_specs=[
            pl.BlockSpec((1, nb, 1), lambda i: (i, 0, 0)),
            pl.BlockSpec((nb, d), lambda i: (i, 0)),
            pl.BlockSpec((1, 1, 128), lambda i: (i, 0, 0)),
        ],
        out_shape=[
            jax.ShapeDtypeStruct((nblk, nb, 1), jnp.int32),
            jax.ShapeDtypeStruct((n, d), jnp.float32),
            jax.ShapeDtypeStruct((nblk, 1, 128), jnp.float32),
        ],
        scratch_shapes=[pltpu.VMEM((nb, ksize // 2), jnp.float32)],
        compiler_params=pltpu.CompilerParams(
            dimension_semantics=("arbitrary",),
        ),
    )(r, q, cb2[None], cn[None, None])
    return idx3.reshape(n), rout, jnp.sum(lossp[:, 0, 0])


def _tc_final(x2, r, q, nblk):
    n, d = x2.shape
    nb = n // nblk
    qout, lossp = pl.pallas_call(
        _final_kernel,
        grid=(nblk,),
        in_specs=[
            pl.BlockSpec((nb, d), lambda i: (i, 0)),
            pl.BlockSpec((nb, d), lambda i: (i, 0)),
            pl.BlockSpec((nb, 128), lambda i: (i, 0)),
        ],
        out_specs=[
            pl.BlockSpec((nb, d), lambda i: (i, 0)),
            pl.BlockSpec((1, 1, 128), lambda i: (i, 0, 0)),
        ],
        out_shape=[
            jax.ShapeDtypeStruct((n, d), jnp.float32),
            jax.ShapeDtypeStruct((nblk, 1, 128), jnp.float32),
        ],
        compiler_params=pltpu.CompilerParams(
            dimension_semantics=("arbitrary",),
        ),
    )(x2, r, q)
    return qout, jnp.sum(lossp[:, 0, 0])


def _make_sc_gather(v, d, b):
    b_per_w = b // _SC_WORKERS
    nchunks = b_per_w // _SC_CHUNK
    mesh = plsc.VectorSubcoreMesh(core_axis_name="c", subcore_axis_name="s")

    @functools.partial(
        pl.kernel, mesh=mesh,
        out_type=jax.ShapeDtypeStruct((b, d), jnp.float32),
        scratch_types=[
            pltpu.VMEM((_SC_CHUNK,), jnp.int32),
            pltpu.VMEM((_SC_CHUNK, d), jnp.float32),
            pltpu.SemaphoreType.DMA,
        ],
    )
    def k(table_hbm, idx_hbm, out_hbm, idx_v, rows_v, sem):
        wid = lax.axis_index("s") * 2 + lax.axis_index("c")
        base = wid * b_per_w
        for c in range(nchunks):
            off = base + c * _SC_CHUNK
            pltpu.sync_copy(idx_hbm.at[pl.ds(off, _SC_CHUNK)], idx_v)
            pltpu.async_copy(table_hbm.at[idx_v], rows_v, sem).wait()
            pltpu.sync_copy(rows_v, out_hbm.at[pl.ds(off, _SC_CHUNK)])

    return k


@jax.jit
def kernel(x, codebooks):
    b, t, d = x.shape
    nq, ksize, _ = codebooks.shape
    n = b * t
    x2 = x.reshape(n, d)
    cns = jnp.sum(codebooks**2, axis=2)
    cb2bf = (codebooks * 2.0).astype(jnp.bfloat16)

    cb_pad = jnp.pad(codebooks, ((0, 0), (0, 0), (0, 128 - d)))
    sc_gather = _make_sc_gather(ksize, 128, n)
    r = x2
    q = jnp.zeros((n, 128), jnp.float32)
    loss_parts = []
    indices = []
    for i in range(nq):
        idx, r, lp = _tc_step(r, q, cb2bf[i], cns[i], NBLK)
        if i > 0:
            loss_parts.append(lp)
        indices.append(idx)
        q = sc_gather(cb_pad[i], idx)
    qout, lp_last = _tc_final(x2, r, q, NBLK)
    loss_parts.append(lp_last)

    losses = 1.25 * jnp.stack(loss_parts) / (n * d)
    return (qout.reshape(b, t, d),
            jnp.stack(indices).reshape(nq, b, t),
            losses)

# --- scband reference (transcript-rebuilt; emitter-appended) ---
"""Pipeline reference for scband-residual-vq-42468636622990 (READ-ONLY COPY).

The authoritative reference and input builder live on the scoring server;
editing this copy changes nothing except your own understanding.
"""

import jax, jax.numpy as jnp
import numpy as np

NUM_Q = 8
CODEBOOK_SIZE = 8192
DIM = 64
B = 32
T = 1024


def setup_inputs(seed: int = 0) -> dict:
    key = jax.random.key(seed)
    k1, k2 = jax.random.split(key)
    x = jax.random.normal(k1, (B, T, DIM), dtype=jnp.float32)
    codebooks = jax.random.normal(k2, (NUM_Q, CODEBOOK_SIZE, DIM), dtype=jnp.float32) * 0.02
    return {"x": x, "codebooks": codebooks}


def _vq_layer(residual, codebook):
    # residual: [B, T, D]; codebook: [K, D]
    d = residual.shape[-1]
    flat = residual.reshape(-1, d)  # [N, D]
    # negative squared euclidean distance (so argmax picks nearest code)
    dist = -(jnp.sum(flat ** 2, axis=1, keepdims=True)
             - 2.0 * flat @ codebook.T
             + jnp.sum(codebook ** 2, axis=1)[None, :])  # [N, K]
    indices = jnp.argmax(dist, axis=-1)  # [N]
    quantized = jnp.take(codebook, indices, axis=0).reshape(residual.shape)
    # commitment + codebook loss (beta = 0.25)
    commit_loss = jnp.mean((jax.lax.stop_gradient(quantized) - residual) ** 2)
    codebook_loss = jnp.mean((quantized - jax.lax.stop_gradient(residual)) ** 2)
    loss = codebook_loss + 0.25 * commit_loss
    # straight-through estimator
    quantized_st = residual + jax.lax.stop_gradient(quantized - residual)
    indices = indices.reshape(residual.shape[:-1])
    return quantized_st, indices, loss, dist


def reference(x, codebooks):
    quantized_out = jnp.zeros_like(x)
    residual = x
    all_losses = []
    all_indices = []
    for i in range(codebooks.shape[0]):
        quantized, indices, loss, _ = _vq_layer(residual, codebooks[i])
        residual = residual - quantized
        quantized_out = quantized_out + quantized
        all_indices.append(indices)
        all_losses.append(loss)
    all_losses = jnp.stack(all_losses)
    all_indices = jnp.stack(all_indices)
    return (quantized_out, all_indices, all_losses)

if __name__ == "__main__":
    import jax
    _d = setup_inputs()
    print(jax.jit(kernel)(*tuple(_d.values())))

</pallas_src>

<mosaic_0001>
#map = affine_map<(d0, d1) -> (0, 0)>
#map1 = affine_map<(d0, d1) -> (0)>
module attributes {stable_mosaic.version = 14 : i64} {
  func.func @k(%arg0: i32, %arg1: i32, %arg2: memref<8192x128xf32, #tpu.memory_space<hbm>>, %arg3: memref<32768xi32, #tpu.memory_space<hbm>>, %arg4: memref<32768x128xf32, #tpu.memory_space<hbm>>, %arg5: memref<256xi32, #tpu.memory_space<vmem>>, %arg6: memref<256x128xf32, #tpu.memory_space<vmem>>, %arg7: memref<!tpu.dma_semaphore, #tpu.memory_space<semaphore_mem>>) attributes {dimension_semantics = [#tpu.dimension_semantics<core_parallel>, #tpu.dimension_semantics<subcore_parallel>], iteration_bounds = array<i64: 2, 16>, scalar_prefetch = 0 : i64, scratch_operands = 3 : i64, tpu.core_type = #tpu.core_type<sc_vector_subcore>, window_params = [{transform_indices = #map}, {transform_indices = #map1}, {transform_indices = #map}]} {
    %mul3A = arith.constant 2 : i32
    %mul3A_0 = arith.muli %arg1, %mul3A : i32
    %add3A = arith.addi %mul3A_0, %arg0 : i32
    %mul3A_1 = arith.constant 1024 : i32
    %mul3A_2 = arith.muli %add3A, %mul3A_1 : i32
    %add3A_3 = arith.constant 0 : i32
    %add3A_4 = arith.addi %mul3A_2, %add3A_3 : i32
    "tpu.region"() ({
      %run_scoped3A = tpu.sem_alloc : memref<!tpu.dma_semaphore, #tpu.memory_space<semaphore_mem>>
      %dma_start3A_33 = tpu.memref_slice %arg3[%add3A_4] : memref<32768xi32, #tpu.memory_space<hbm>> -> memref<256xi32, #tpu.memory_space<hbm>>
      %dma_start3A_34 = tpu.memref_slice %arg3[%add3A_4] : memref<32768xi32, #tpu.memory_space<hbm>> -> memref<256xi32, #tpu.memory_space<hbm>>
      tpu.enqueue_dma source(%dma_start3A_34 : memref<256xi32, #tpu.memory_space<hbm>>) target(%arg5 : memref<256xi32, #tpu.memory_space<vmem>>) target_semaphore(%run_scoped3A : memref<!tpu.dma_semaphore, #tpu.memory_space<semaphore_mem>>)
      %dma_wait3A_35 = tpu.memref_slice %arg3[%add3A_4] : memref<32768xi32, #tpu.memory_space<hbm>> -> memref<256xi32, #tpu.memory_space<hbm>>
      %dma_wait3A_36 = tpu.memref_slice %arg3[%add3A_4] : memref<32768xi32, #tpu.memory_space<hbm>> -> memref<256xi32, #tpu.memory_space<hbm>>
      tpu.wait_dma2 semaphore(%run_scoped3A : memref<!tpu.dma_semaphore, #tpu.memory_space<semaphore_mem>>) src(%dma_wait3A_36 : memref<256xi32, #tpu.memory_space<hbm>>) dst(%arg5 : memref<256xi32, #tpu.memory_space<vmem>>)
      tpu.yield
    }) : () -> ()
    %dma_start3A = arith.constant 0 : i32
    %dma_start3A_5 = arith.constant 0 : i32
    %dma_start3A_6 = tpu.memref_slice %arg2[%dma_start3A, %dma_start3A_5] : memref<8192x128xf32, #tpu.memory_space<hbm>> -> memref<8192x128xf32, #tpu.memory_space<hbm>>
    tpu.enqueue_indirect_dma source(%dma_start3A_6 : memref<8192x128xf32, #tpu.memory_space<hbm>>) target(%arg6 : memref<256x128xf32, #tpu.memory_space<vmem>>) offsets(%arg5 : memref<256xi32, #tpu.memory_space<vmem>>) semaphore(%arg7 : memref<!tpu.dma_semaphore, #tpu.memory_space<semaphore_mem>>)
    %dma_wait3A = arith.constant 0 : i32
    %dma_wait3A_7 = arith.constant 0 : i32
    %dma_wait3A_8 = tpu.memref_slice %arg2[%dma_wait3A, %dma_wait3A_7] : memref<8192x128xf32, #tpu.memory_space<hbm>> -> memref<8192x128xf32, #tpu.memory_space<hbm>>
    tpu.wait_indirect_dma semaphore(%arg7 : memref<!tpu.dma_semaphore, #tpu.memory_space<semaphore_mem>>) src(%dma_wait3A_8 : memref<8192x128xf32, #tpu.memory_space<hbm>>) dst(%arg6 : memref<256x128xf32, #tpu.memory_space<vmem>>)
    "tpu.region"() ({
      %run_scoped3A = tpu.sem_alloc : memref<!tpu.dma_semaphore, #tpu.memory_space<semaphore_mem>>
      %dma_start3A_33 = arith.constant 0 : i32
      %dma_start3A_34 = tpu.memref_slice %arg4[%add3A_4, %dma_start3A_33] : memref<32768x128xf32, #tpu.memory_space<hbm>> -> memref<256x128xf32, #tpu.memory_space<hbm>>
      %dma_start3A_35 = arith.constant 0 : i32
      %dma_start3A_36 = tpu.memref_slice %arg4[%add3A_4, %dma_start3A_35] : memref<32768x128xf32, #tpu.memory_space<hbm>> -> memref<256x128xf32, #tpu.memory_space<hbm>>
      tpu.enqueue_dma source(%arg6 : memref<256x128xf32, #tpu.memory_space<vmem>>) target(%dma_start3A_36 : memref<256x128xf32, #tpu.memory_space<hbm>>) target_semaphore(%run_scoped3A : memref<!tpu.dma_semaphore, #tpu.memory_space<semaphore_mem>>)
      %dma_wait3A_37 = arith.constant 0 : i32
      %dma_wait3A_38 = tpu.memref_slice %arg4[%add3A_4, %dma_wait3A_37] : memref<32768x128xf32, #tpu.memory_space<hbm>> -> memref<256x128xf32, #tpu.memory_space<hbm>>
      %dma_wait3A_39 = arith.constant 0 : i32
      %dma_wait3A_40 = tpu.memref_slice %arg4[%add3A_4, %dma_wait3A_39] : memref<32768x128xf32, #tpu.memory_space<hbm>> -> memref<256x128xf32, #tpu.memory_space<hbm>>
      tpu.wait_dma2 semaphore(%run_scoped3A : memref<!tpu.dma_semaphore, #tpu.memory_space<semaphore_mem>>) src(%arg6 : memref<256x128xf32, #tpu.memory_space<vmem>>) dst(%dma_wait3A_40 : memref<256x128xf32, #tpu.memory_space<hbm>>)
      tpu.yield
    }) : () -> ()
    %add3A_9 = arith.constant 256 : i32
    %add3A_10 = arith.addi %mul3A_2, %add3A_9 : i32
    "tpu.region"() ({
      %run_scoped3A = tpu.sem_alloc : memref<!tpu.dma_semaphore, #tpu.memory_space<semaphore_mem>>
      %dma_start3A_33 = tpu.memref_slice %arg3[%add3A_10] : memref<32768xi32, #tpu.memory_space<hbm>> -> memref<256xi32, #tpu.memory_space<hbm>>
      %dma_start3A_34 = tpu.memref_slice %arg3[%add3A_10] : memref<32768xi32, #tpu.memory_space<hbm>> -> memref<256xi32, #tpu.memory_space<hbm>>
      tpu.enqueue_dma source(%dma_start3A_34 : memref<256xi32, #tpu.memory_space<hbm>>) target(%arg5 : memref<256xi32, #tpu.memory_space<vmem>>) target_semaphore(%run_scoped3A : memref<!tpu.dma_semaphore, #tpu.memory_space<semaphore_mem>>)
      %dma_wait3A_35 = tpu.memref_slice %arg3[%add3A_10] : memref<32768xi32, #tpu.memory_space<hbm>> -> memref<256xi32, #tpu.memory_space<hbm>>
      %dma_wait3A_36 = tpu.memref_slice %arg3[%add3A_10] : memref<32768xi32, #tpu.memory_space<hbm>> -> memref<256xi32, #tpu.memory_space<hbm>>
      tpu.wait_dma2 semaphore(%run_scoped3A : memref<!tpu.dma_semaphore, #tpu.memory_space<semaphore_mem>>) src(%dma_wait3A_36 : memref<256xi32, #tpu.memory_space<hbm>>) dst(%arg5 : memref<256xi32, #tpu.memory_space<vmem>>)
      tpu.yield
    }) : () -> ()
    %dma_start3A_11 = arith.constant 0 : i32
    %dma_start3A_12 = arith.constant 0 : i32
    %dma_start3A_13 = tpu.memref_slice %arg2[%dma_start3A_11, %dma_start3A_12] : memref<8192x128xf32, #tpu.memory_space<hbm>> -> memref<8192x128xf32, #tpu.memory_space<hbm>>
    tpu.enqueue_indirect_dma source(%dma_start3A_13 : memref<8192x128xf32, #tpu.memory_space<hbm>>) target(%arg6 : memref<256x128xf32, #tpu.memory_space<vmem>>) offsets(%arg5 : memref<256xi32, #tpu.memory_space<vmem>>) semaphore(%arg7 : memref<!tpu.dma_semaphore, #tpu.memory_space<semaphore_mem>>)
    %dma_wait3A_14 = arith.constant 0 : i32
    %dma_wait3A_15 = arith.constant 0 : i32
    %dma_wait3A_16 = tpu.memref_slice %arg2[%dma_wait3A_14, %dma_wait3A_15] : memref<8192x128xf32, #tpu.memory_space<hbm>> -> memref<8192x128xf32, #tpu.memory_space<hbm>>
    tpu.wait_indirect_dma semaphore(%arg7 : memref<!tpu.dma_semaphore, #tpu.memory_space<semaphore_mem>>) src(%dma_wait3A_16 : memref<8192x128xf32, #tpu.memory_space<hbm>>) dst(%arg6 : memref<256x128xf32, #tpu.memory_space<vmem>>)
    "tpu.region"() ({
      %run_scoped3A = tpu.sem_alloc : memref<!tpu.dma_semaphore, #tpu.memory_space<semaphore_mem>>
      %dma_start3A_33 = arith.constant 0 : i32
      %dma_start3A_34 = tpu.memref_slice %arg4[%add3A_10, %dma_start3A_33] : memref<32768x128xf32, #tpu.memory_space<hbm>> -> memref<256x128xf32, #tpu.memory_space<hbm>>
      %dma_start3A_35 = arith.constant 0 : i32
      %dma_start3A_36 = tpu.memref_slice %arg4[%add3A_10, %dma_start3A_35] : memref<32768x128xf32, #tpu.memory_space<hbm>> -> memref<256x128xf32, #tpu.memory_space<hbm>>
      tpu.enqueue_dma source(%arg6 : memref<256x128xf32, #tpu.memory_space<vmem>>) target(%dma_start3A_36 : memref<256x128xf32, #tpu.memory_space<hbm>>) target_semaphore(%run_scoped3A : memref<!tpu.dma_semaphore, #tpu.memory_space<semaphore_mem>>)
      %dma_wait3A_37 = arith.constant 0 : i32
      %dma_wait3A_38 = tpu.memref_slice %arg4[%add3A_10, %dma_wait3A_37] : memref<32768x128xf32, #tpu.memory_space<hbm>> -> memref<256x128xf32, #tpu.memory_space<hbm>>
      %dma_wait3A_39 = arith.constant 0 : i32
      %dma_wait3A_40 = tpu.memref_slice %arg4[%add3A_10, %dma_wait3A_39] : memref<32768x128xf32, #tpu.memory_space<hbm>> -> memref<256x128xf32, #tpu.memory_space<hbm>>
      tpu.wait_dma2 semaphore(%run_scoped3A : memref<!tpu.dma_semaphore, #tpu.memory_space<semaphore_mem>>) src(%arg6 : memref<256x128xf32, #tpu.memory_space<vmem>>) dst(%dma_wait3A_40 : memref<256x128xf32, #tpu.memory_space<hbm>>)
      tpu.yield
    }) : () -> ()
    %add3A_17 = arith.constant 512 : i32
    %add3A_18 = arith.addi %mul3A_2, %add3A_17 : i32
    "tpu.region"() ({
      %run_scoped3A = tpu.sem_alloc : memref<!tpu.dma_semaphore, #tpu.memory_space<semaphore_mem>>
      %dma_start3A_33 = tpu.memref_slice %arg3[%add3A_18] : memref<32768xi32, #tpu.memory_space<hbm>> -> memref<256xi32, #tpu.memory_space<hbm>>
      %dma_start3A_34 = tpu.memref_slice %arg3[%add3A_18] : memref<32768xi32, #tpu.memory_space<hbm>> -> memref<256xi32, #tpu.memory_space<hbm>>
      tpu.enqueue_dma source(%dma_start3A_34 : memref<256xi32, #tpu.memory_space<hbm>>) target(%arg5 : memref<256xi32, #tpu.memory_space<vmem>>) target_semaphore(%run_scoped3A : memref<!tpu.dma_semaphore, #tpu.memory_space<semaphore_mem>>)
      %dma_wait3A_35 = tpu.memref_slice %arg3[%add3A_18] : memref<32768xi32, #tpu.memory_space<hbm>> -> memref<256xi32, #tpu.memory_space<hbm>>
      %dma_wait3A_36 = tpu.memref_slice %arg3[%add3A_18] : memref<32768xi32, #tpu.memory_space<hbm>> -> memref<256xi32, #tpu.memory_space<hbm>>
      tpu.wait_dma2 semaphore(%run_scoped3A : memref<!tpu.dma_semaphore, #tpu.memory_space<semaphore_mem>>) src(%dma_wait3A_36 : memref<256xi32, #tpu.memory_space<hbm>>) dst(%arg5 : memref<256xi32, #tpu.memory_space<vmem>>)
      tpu.yield
    }) : () -> ()
    %dma_start3A_19 = arith.constant 0 : i32
    %dma_start3A_20 = arith.constant 0 : i32
    %dma_start3A_21 = tpu.memref_slice %arg2[%dma_start3A_19, %dma_start3A_20] : memref<8192x128xf32, #tpu.memory_space<hbm>> -> memref<8192x128xf32, #tpu.memory_space<hbm>>
    tpu.enqueue_indirect_dma source(%dma_start3A_21 : memref<8192x128xf32, #tpu.memory_space<hbm>>) target(%arg6 : memref<256x128xf32, #tpu.memory_space<vmem>>) offsets(%arg5 : memref<256xi32, #tpu.memory_space<vmem>>) semaphore(%arg7 : memref<!tpu.dma_semaphore, #tpu.memory_space<semaphore_mem>>)
    %dma_wait3A_22 = arith.constant 0 : i32
    %dma_wait3A_23 = arith.constant 0 : i32
    %dma_wait3A_24 = tpu.memref_slice %arg2[%dma_wait3A_22, %dma_wait3A_23] : memref<8192x128xf32, #tpu.memory_space<hbm>> -> memref<8192x128xf32, #tpu.memory_space<hbm>>
    tpu.wait_indirect_dma semaphore(%arg7 : memref<!tpu.dma_semaphore, #tpu.memory_space<semaphore_mem>>) src(%dma_wait3A_24 : memref<8192x128xf32, #tpu.memory_space<hbm>>) dst(%arg6 : memref<256x128xf32, #tpu.memory_space<vmem>>)
    "tpu.region"() ({
      %run_scoped3A = tpu.sem_alloc : memref<!tpu.dma_semaphore, #tpu.memory_space<semaphore_mem>>
      %dma_start3A_33 = arith.constant 0 : i32
      %dma_start3A_34 = tpu.memref_slice %arg4[%add3A_18, %dma_start3A_33] : memref<32768x128xf32, #tpu.memory_space<hbm>> -> memref<256x128xf32, #tpu.memory_space<hbm>>
      %dma_start3A_35 = arith.constant 0 : i32
      %dma_start3A_36 = tpu.memref_slice %arg4[%add3A_18, %dma_start3A_35] : memref<32768x128xf32, #tpu.memory_space<hbm>> -> memref<256x128xf32, #tpu.memory_space<hbm>>
      tpu.enqueue_dma source(%arg6 : memref<256x128xf32, #tpu.memory_space<vmem>>) target(%dma_start3A_36 : memref<256x128xf32, #tpu.memory_space<hbm>>) target_semaphore(%run_scoped3A : memref<!tpu.dma_semaphore, #tpu.memory_space<semaphore_mem>>)
      %dma_wait3A_37 = arith.constant 0 : i32
      %dma_wait3A_38 = tpu.memref_slice %arg4[%add3A_18, %dma_wait3A_37] : memref<32768x128xf32, #tpu.memory_space<hbm>> -> memref<256x128xf32, #tpu.memory_space<hbm>>
      %dma_wait3A_39 = arith.constant 0 : i32
      %dma_wait3A_40 = tpu.memref_slice %arg4[%add3A_18, %dma_wait3A_39] : memref<32768x128xf32, #tpu.memory_space<hbm>> -> memref<256x128xf32, #tpu.memory_space<hbm>>
      tpu.wait_dma2 semaphore(%run_scoped3A : memref<!tpu.dma_semaphore, #tpu.memory_space<semaphore_mem>>) src(%arg6 : memref<256x128xf32, #tpu.memory_space<vmem>>) dst(%dma_wait3A_40 : memref<256x128xf32, #tpu.memory_space<hbm>>)
      tpu.yield
    }) : () -> ()
    %add3A_25 = arith.constant 768 : i32
    %add3A_26 = arith.addi %mul3A_2, %add3A_25 : i32
    "tpu.region"() ({
      %run_scoped3A = tpu.sem_alloc : memref<!tpu.dma_semaphore, #tpu.memory_space<semaphore_mem>>
      %dma_start3A_33 = tpu.memref_slice %arg3[%add3A_26] : memref<32768xi32, #tpu.memory_space<hbm>> -> memref<256xi32, #tpu.memory_space<hbm>>
      %dma_start3A_34 = tpu.memref_slice %arg3[%add3A_26] : memref<32768xi32, #tpu.memory_space<hbm>> -> memref<256xi32, #tpu.memory_space<hbm>>
      tpu.enqueue_dma source(%dma_start3A_34 : memref<256xi32, #tpu.memory_space<hbm>>) target(%arg5 : memref<256xi32, #tpu.memory_space<vmem>>) target_semaphore(%run_scoped3A : memref<!tpu.dma_semaphore, #tpu.memory_space<semaphore_mem>>)
      %dma_wait3A_35 = tpu.memref_slice %arg3[%add3A_26] : memref<32768xi32, #tpu.memory_space<hbm>> -> memref<256xi32, #tpu.memory_space<hbm>>
      %dma_wait3A_36 = tpu.memref_slice %arg3[%add3A_26] : memref<32768xi32, #tpu.memory_space<hbm>> -> memref<256xi32, #tpu.memory_space<hbm>>
      tpu.wait_dma2 semaphore(%run_scoped3A : memref<!tpu.dma_semaphore, #tpu.memory_space<semaphore_mem>>) src(%dma_wait3A_36 : memref<256xi32, #tpu.memory_space<hbm>>) dst(%arg5 : memref<256xi32, #tpu.memory_space<vmem>>)
      tpu.yield
    }) : () -> ()
    %dma_start3A_27 = arith.constant 0 : i32
    %dma_start3A_28 = arith.constant 0 : i32
    %dma_start3A_29 = tpu.memref_slice %arg2[%dma_start3A_27, %dma_start3A_28] : memref<8192x128xf32, #tpu.memory_space<hbm>> -> memref<8192x128xf32, #tpu.memory_space<hbm>>
    tpu.enqueue_indirect_dma source(%dma_start3A_29 : memref<8192x128xf32, #tpu.memory_space<hbm>>) target(%arg6 : memref<256x128xf32, #tpu.memory_space<vmem>>) offsets(%arg5 : memref<256xi32, #tpu.memory_space<vmem>>) semaphore(%arg7 : memref<!tpu.dma_semaphore, #tpu.memory_space<semaphore_mem>>)
    %dma_wait3A_30 = arith.constant 0 : i32
    %dma_wait3A_31 = arith.constant 0 : i32
    %dma_wait3A_32 = tpu.memref_slice %arg2[%dma_wait3A_30, %dma_wait3A_31] : memref<8192x128xf32, #tpu.memory_space<hbm>> -> memref<8192x128xf32, #tpu.memory_space<hbm>>
    tpu.wait_indirect_dma semaphore(%arg7 : memref<!tpu.dma_semaphore, #tpu.memory_space<semaphore_mem>>) src(%dma_wait3A_32 : memref<8192x128xf32, #tpu.memory_space<hbm>>) dst(%arg6 : memref<256x128xf32, #tpu.memory_space<vmem>>)
    "tpu.region"() ({
      %run_scoped3A = tpu.sem_alloc : memref<!tpu.dma_semaphore, #tpu.memory_space<semaphore_mem>>
      %dma_start3A_33 = arith.constant 0 : i32
      %dma_start3A_34 = tpu.memref_slice %arg4[%add3A_26, %dma_start3A_33] : memref<32768x128xf32, #tpu.memory_space<hbm>> -> memref<256x128xf32, #tpu.memory_space<hbm>>
      %dma_start3A_35 = arith.constant 0 : i32
      %dma_start3A_36 = tpu.memref_slice %arg4[%add3A_26, %dma_start3A_35] : memref<32768x128xf32, #tpu.memory_space<hbm>> -> memref<256x128xf32, #tpu.memory_space<hbm>>
      tpu.enqueue_dma source(%arg6 : memref<256x128xf32, #tpu.memory_space<vmem>>) target(%dma_start3A_36 : memref<256x128xf32, #tpu.memory_space<hbm>>) target_semaphore(%run_scoped3A : memref<!tpu.dma_semaphore, #tpu.memory_space<semaphore_mem>>)
      %dma_wait3A_37 = arith.constant 0 : i32
      %dma_wait3A_38 = tpu.memref_slice %arg4[%add3A_26, %dma_wait3A_37] : memref<32768x128xf32, #tpu.memory_space<hbm>> -> memref<256x128xf32, #tpu.memory_space<hbm>>
      %dma_wait3A_39 = arith.constant 0 : i32
      %dma_wait3A_40 = tpu.memref_slice %arg4[%add3A_26, %dma_wait3A_39] : memref<32768x128xf32, #tpu.memory_space<hbm>> -> memref<256x128xf32, #tpu.memory_space<hbm>>
      tpu.wait_dma2 semaphore(%run_scoped3A : memref<!tpu.dma_semaphore, #tpu.memory_space<semaphore_mem>>) src(%arg6 : memref<256x128xf32, #tpu.memory_space<vmem>>) dst(%dma_wait3A_40 : memref<256x128xf32, #tpu.memory_space<hbm>>)
      tpu.yield
    }) : () -> ()
    return
  }
}

#map = affine_map<(d0, d1) -> (0, 0)>
#map1 = affine_map<(d0, d1) -> (0)>
module attributes {stable_mosaic.version = 14 : i64} {
  func.func @k(%arg0: i32, %arg1: i32, %arg2: memref<8192x128xf32, #tpu.memory_space<hbm>>, %arg3: memref<32768xi32, #tpu.memory_space<hbm>>, %arg4: memref<32768x128xf32, #tpu.memory_space<hbm>>, %arg5: memref<256xi32, #tpu.memory_space<vmem>>, %arg6: memref<256x128xf32, #tpu.memory_space<vmem>>, %arg7: memref<!tpu.dma_semaphore, #tpu.memory_space<semaphore_mem>>) attributes {dimension_semantics = [#tpu.dimension_semantics<core_parallel>, #tpu.dimension_semantics<subcore_parallel>], iteration_bounds = array<i64: 2, 16>, scalar_prefetch = 0 : i64, scratch_operands = 3 : i64, tpu.core_type = #tpu.core_type<sc_vector_subcore>, window_params = [{transform_indices = #map}, {transform_indices = #map1}, {transform_indices = #map}]} {
    %mul3A = arith.constant 2 : i32
    %mul3A_0 = arith.muli %arg1, %mul3A : i32
    %add3A = arith.addi %mul3A_0, %arg0 : i32
    %mul3A_1 = arith.constant 1024 : i32
    %mul3A_2 = arith.muli %add3A, %mul3A_1 : i32
    %add3A_3 = arith.constant 0 : i32
    %add3A_4 = arith.addi %mul3A_2, %add3A_3 : i32
    "tpu.region"() ({
      %run_scoped3A = tpu.sem_alloc : memref<!tpu.dma_semaphore, #tpu.memory_space<semaphore_mem>>
      %dma_start3A_33 = tpu.memref_slice %arg3[%add3A_4] : memref<32768xi32, #tpu.memory_space<hbm>> -> memref<256xi32, #tpu.memory_space<hbm>>
      %dma_start3A_34 = tpu.memref_slice %arg3[%add3A_4] : memref<32768xi32, #tpu.memory_space<hbm>> -> memref<256xi32, #tpu.memory_space<hbm>>
      tpu.enqueue_dma source(%dma_start3A_34 : memref<256xi32, #tpu.memory_space<hbm>>) target(%arg5 : memref<256xi32, #tpu.memory_space<vmem>>) target_semaphore(%run_scoped3A : memref<!tpu.dma_semaphore, #tpu.memory_space<semaphore_mem>>)
      %dma_wait3A_35 = tpu.memref_slice %arg3[%add3A_4] : memref<32768xi32, #tpu.memory_space<hbm>> -> memref<256xi32, #tpu.memory_space<hbm>>
      %dma_wait3A_36 = tpu.memref_slice %arg3[%add3A_4] : memref<32768xi32, #tpu.memory_space<hbm>> -> memref<256xi32, #tpu.memory_space<hbm>>
      tpu.wait_dma2 semaphore(%run_scoped3A : memref<!tpu.dma_semaphore, #tpu.memory_space<semaphore_mem>>) src(%dma_wait3A_36 : memref<256xi32, #tpu.memory_space<hbm>>) dst(%arg5 : memref<256xi32, #tpu.memory_space<vmem>>)
      tpu.yield
    }) : () -> ()
    %dma_start3A = arith.constant 0 : i32
    %dma_start3A_5 = arith.constant 0 : i32
    %dma_start3A_6 = tpu.memref_slice %arg2[%dma_start3A, %dma_start3A_5] : memref<8192x128xf32, #tpu.memory_space<hbm>> -> memref<8192x128xf32, #tpu.memory_space<hbm>>
    tpu.enqueue_indirect_dma source(%dma_start3A_6 : memref<8192x128xf32, #tpu.memory_space<hbm>>) target(%arg6 : memref<256x128xf32, #tpu.memory_space<vmem>>) offsets(%arg5 : memref<256xi32, #tpu.memory_space<vmem>>) semaphore(%arg7 : memref<!tpu.dma_semaphore, #tpu.memory_space<semaphore_mem>>)
    %dma_wait3A = arith.constant 0 : i32
    %dma_wait3A_7 = arith.constant 0 : i32
    %dma_wait3A_8 = tpu.memref_slice %arg2[%dma_wait3A, %dma_wait3A_7] : memref<8192x128xf32, #tpu.memory_space<hbm>> -> memref<8192x128xf32, #tpu.memory_space<hbm>>
    tpu.wait_indirect_dma semaphore(%arg7 : memref<!tpu.dma_semaphore, #tpu.memory_space<semaphore_mem>>) src(%dma_wait3A_8 : memref<8192x128xf32, #tpu.memory_space<hbm>>) dst(%arg6 : memref<256x128xf32, #tpu.memory_space<vmem>>)
    "tpu.region"() ({
      %run_scoped3A = tpu.sem_alloc : memref<!tpu.dma_semaphore, #tpu.memory_space<semaphore_mem>>
      %dma_start3A_33 = arith.constant 0 : i32
      %dma_start3A_34 = tpu.memref_slice %arg4[%add3A_4, %dma_start3A_33] : memref<32768x128xf32, #tpu.memory_space<hbm>> -> memref<256x128xf32, #tpu.memory_space<hbm>>
      %dma_start3A_35 = arith.constant 0 : i32
      %dma_start3A_36 = tpu.memref_slice %arg4[%add3A_4, %dma_start3A_35] : memref<32768x128xf32, #tpu.memory_space<hbm>> -> memref<256x128xf32, #tpu.memory_space<hbm>>
      tpu.enqueue_dma source(%arg6 : memref<256x128xf32, #tpu.memory_space<vmem>>) target(%dma_start3A_36 : memref<256x128xf32, #tpu.memory_space<hbm>>) target_semaphore(%run_scoped3A : memref<!tpu.dma_semaphore, #tpu.memory_space<semaphore_mem>>)
      %dma_wait3A_37 = arith.constant 0 : i32
      %dma_wait3A_38 = tpu.memref_slice %arg4[%add3A_4, %dma_wait3A_37] : memref<32768x128xf32, #tpu.memory_space<hbm>> -> memref<256x128xf32, #tpu.memory_space<hbm>>
      %dma_wait3A_39 = arith.constant 0 : i32
      %dma_wait3A_40 = tpu.memref_slice %arg4[%add3A_4, %dma_wait3A_39] : memref<32768x128xf32, #tpu.memory_space<hbm>> -> memref<256x128xf32, #tpu.memory_space<hbm>>
      tpu.wait_dma2 semaphore(%run_scoped3A : memref<!tpu.dma_semaphore, #tpu.memory_space<semaphore_mem>>) src(%arg6 : memref<256x128xf32, #tpu.memory_space<vmem>>) dst(%dma_wait3A_40 : memref<256x128xf32, #tpu.memory_space<hbm>>)
      tpu.yield
    }) : () -> ()
    %add3A_9 = arith.constant 256 : i32
    %add3A_10 = arith.addi %mul3A_2, %add3A_9 : i32
    "tpu.region"() ({
      %run_scoped3A = tpu.sem_alloc : memref<!tpu.dma_semaphore, #tpu.memory_space<semaphore_mem>>
      %dma_start3A_33 = tpu.memref_slice %arg3[%add3A_10] : memref<32768xi32, #tpu.memory_space<hbm>> -> memref<256xi32, #tpu.memory_space<hbm>>
      %dma_start3A_34 = tpu.memref_slice %arg3[%add3A_10] : memref<32768xi32, #tpu.memory_space<hbm>> -> memref<256xi32, #tpu.memory_space<hbm>>
      tpu.enqueue_dma source(%dma_start3A_34 : memref<256xi32, #tpu.memory_space<hbm>>) target(%arg5 : memref<256xi32, #tpu.memory_space<vmem>>) target_semaphore(%run_scoped3A : memref<!tpu.dma_semaphore, #tpu.memory_space<semaphore_mem>>)
      %dma_wait3A_35 = tpu.memref_slice %arg3[%add3A_10] : memref<32768xi32, #tpu.memory_space<hbm>> -> memref<256xi32, #tpu.memory_space<hbm>>
      %dma_wait3A_36 = tpu.memref_slice %arg3[%add3A_10] : memref<32768xi32, #tpu.memory_space<hbm>> -> memref<256xi32, #tpu.memory_space<hbm>>
      tpu.wait_dma2 semaphore(%run_scoped3A : memref<!tpu.dma_semaphore, #tpu.memory_space<semaphore_mem>>) src(%dma_wait3A_36 : memref<256xi32, #tpu.memory_space<hbm>>) dst(%arg5 : memref<256xi32, #tpu.memory_space<vmem>>)
      tpu.yield
    }) : () -> ()
    %dma_start3A_11 = arith.constant 0 : i32
    %dma_start3A_12 = arith.constant 0 : i32
    %dma_start3A_13 = tpu.memref_slice %arg2[%dma_start3A_11, %dma_start3A_12] : memref<8192x128xf32, #tpu.memory_space<hbm>> -> memref<8192x128xf32, #tpu.memory_space<hbm>>
    tpu.enqueue_indirect_dma source(%dma_start3A_13 : memref<8192x128xf32, #tpu.memory_space<hbm>>) target(%arg6 : memref<256x128xf32, #tpu.memory_space<vmem>>) offsets(%arg5 : memref<256xi32, #tpu.memory_space<vmem>>) semaphore(%arg7 : memref<!tpu.dma_semaphore, #tpu.memory_space<semaphore_mem>>)
    %dma_wait3A_14 = arith.constant 0 : i32
    %dma_wait3A_15 = arith.constant 0 : i32
    %dma_wait3A_16 = tpu.memref_slice %arg2[%dma_wait3A_14, %dma_wait3A_15] : memref<8192x128xf32, #tpu.memory_space<hbm>> -> memref<8192x128xf32, #tpu.memory_space<hbm>>
    tpu.wait_indirect_dma semaphore(%arg7 : memref<!tpu.dma_semaphore, #tpu.memory_space<semaphore_mem>>) src(%dma_wait3A_16 : memref<8192x128xf32, #tpu.memory_space<hbm>>) dst(%arg6 : memref<256x128xf32, #tpu.memory_space<vmem>>)
    "tpu.region"() ({
      %run_scoped3A = tpu.sem_alloc : memref<!tpu.dma_semaphore, #tpu.memory_space<semaphore_mem>>
      %dma_start3A_33 = arith.constant 0 : i32
      %dma_start3A_34 = tpu.memref_slice %arg4[%add3A_10, %dma_start3A_33] : memref<32768x128xf32, #tpu.memory_space<hbm>> -> memref<256x128xf32, #tpu.memory_space<hbm>>
      %dma_start3A_35 = arith.constant 0 : i32
      %dma_start3A_36 = tpu.memref_slice %arg4[%add3A_10, %dma_start3A_35] : memref<32768x128xf32, #tpu.memory_space<hbm>> -> memref<256x128xf32, #tpu.memory_space<hbm>>
      tpu.enqueue_dma source(%arg6 : memref<256x128xf32, #tpu.memory_space<vmem>>) target(%dma_start3A_36 : memref<256x128xf32, #tpu.memory_space<hbm>>) target_semaphore(%run_scoped3A : memref<!tpu.dma_semaphore, #tpu.memory_space<semaphore_mem>>)
      %dma_wait3A_37 = arith.constant 0 : i32
      %dma_wait3A_38 = tpu.memref_slice %arg4[%add3A_10, %dma_wait3A_37] : memref<32768x128xf32, #tpu.memory_space<hbm>> -> memref<256x128xf32, #tpu.memory_space<hbm>>
      %dma_wait3A_39 = arith.constant 0 : i32
      %dma_wait3A_40 = tpu.memref_slice %arg4[%add3A_10, %dma_wait3A_39] : memref<32768x128xf32, #tpu.memory_space<hbm>> -> memref<256x128xf32, #tpu.memory_space<hbm>>
      tpu.wait_dma2 semaphore(%run_scoped3A : memref<!tpu.dma_semaphore, #tpu.memory_space<semaphore_mem>>) src(%arg6 : memref<256x128xf32, #tpu.memory_space<vmem>>) dst(%dma_wait3A_40 : memref<256x128xf32, #tpu.memory_space<hbm>>)
      tpu.yield
    }) : () -> ()
    %add3A_17 = arith.constant 512 : i32
    %add3A_18 = arith.addi %mul3A_2, %add3A_17 : i32
    "tpu.region"() ({
      %run_scoped3A = tpu.sem_alloc : memref<!tpu.dma_semaphore, #tpu.memory_space<semaphore_mem>>
      %dma_start3A_33 = tpu.memref_slice %arg3[%add3A_18] : memref<32768xi32, #tpu.memory_space<hbm>> -> memref<256xi32, #tpu.memory_space<hbm>>
      %dma_start3A_34 = tpu.memref_slice %arg3[%add3A_18] : memref<32768xi32, #tpu.memory_space<hbm>> -> memref<256xi32, #tpu.memory_space<hbm>>
      tpu.enqueue_dma source(%dma_start3A_34 : memref<256xi32, #tpu.memory_space<hbm>>) target(%arg5 : memref<256xi32, #tpu.memory_space<vmem>>) target_semaphore(%run_scoped3A : memref<!tpu.dma_semaphore, #tpu.memory_space<semaphore_mem>>)
      %dma_wait3A_35 = tpu.memref_slice %arg3[%add3A_18] : memref<32768xi32, #tpu.memory_space<hbm>> -> memref<256xi32, #tpu.memory_space<hbm>>
      %dma_wait3A_36 = tpu.memref_slice %arg3[%add3A_18] : memref<32768xi32, #tpu.memory_space<hbm>> -> memref<256xi32, #tpu.memory_space<hbm>>
      tpu.wait_dma2 semaphore(%run_scoped3A : memref<!tpu.dma_semaphore, #tpu.memory_space<semaphore_mem>>) src(%dma_wait3A_36 : memref<256xi32, #tpu.memory_space<hbm>>) dst(%arg5 : memref<256xi32, #tpu.memory_space<vmem>>)
      tpu.yield
    }) : () -> ()
    %dma_start3A_19 = arith.constant 0 : i32
    %dma_start3A_20 = arith.constant 0 : i32
    %dma_start3A_21 = tpu.memref_slice %arg2[%dma_start3A_19, %dma_start3A_20] : memref<8192x128xf32, #tpu.memory_space<hbm>> -> memref<8192x128xf32, #tpu.memory_space<hbm>>
    tpu.enqueue_indirect_dma source(%dma_start3A_21 : memref<8192x128xf32, #tpu.memory_space<hbm>>) target(%arg6 : memref<256x128xf32, #tpu.memory_space<vmem>>) offsets(%arg5 : memref<256xi32, #tpu.memory_space<vmem>>) semaphore(%arg7 : memref<!tpu.dma_semaphore, #tpu.memory_space<semaphore_mem>>)
    %dma_wait3A_22 = arith.constant 0 : i32
    %dma_wait3A_23 = arith.constant 0 : i32
    %dma_wait3A_24 = tpu.memref_slice %arg2[%dma_wait3A_22, %dma_wait3A_23] : memref<8192x128xf32, #tpu.memory_space<hbm>> -> memref<8192x128xf32, #tpu.memory_space<hbm>>
    tpu.wait_indirect_dma semaphore(%arg7 : memref<!tpu.dma_semaphore, #tpu.memory_space<semaphore_mem>>) src(%dma_wait3A_24 : memref<8192x128xf32, #tpu.memory_space<hbm>>) dst(%arg6 : memref<256x128xf32, #tpu.memory_space<vmem>>)
    "tpu.region"() ({
      %run_scoped3A = tpu.sem_alloc : memref<!tpu.dma_semaphore, #tpu.memory_space<semaphore_mem>>
      %dma_start3A_33 = arith.constant 0 : i32
      %dma_start3A_34 = tpu.memref_slice %arg4[%add3A_18, %dma_start3A_33] : memref<32768x128xf32, #tpu.memory_space<hbm>> -> memref<256x128xf32, #tpu.memory_space<hbm>>
      %dma_start3A_35 = arith.constant 0 : i32
      %dma_start3A_36 = tpu.memref_slice %arg4[%add3A_18, %dma_start3A_35] : memref<32768x128xf32, #tpu.memory_space<hbm>> -> memref<256x128xf32, #tpu.memory_space<hbm>>
      tpu.enqueue_dma source(%arg6 : memref<256x128xf32, #tpu.memory_space<vmem>>) target(%dma_start3A_36 : memref<256x128xf32, #tpu.memory_space<hbm>>) target_semaphore(%run_scoped3A : memref<!tpu.dma_semaphore, #tpu.memory_space<semaphore_mem>>)
      %dma_wait3A_37 = arith.constant 0 : i32
      %dma_wait3A_38 = tpu.memref_slice %arg4[%add3A_18, %dma_wait3A_37] : memref<32768x128xf32, #tpu.memory_space<hbm>> -> memref<256x128xf32, #tpu.memory_space<hbm>>
      %dma_wait3A_39 = arith.constant 0 : i32
      %dma_wait3A_40 = tpu.memref_slice %arg4[%add3A_18, %dma_wait3A_39] : memref<32768x128xf32, #tpu.memory_space<hbm>> -> memref<256x128xf32, #tpu.memory_space<hbm>>
      tpu.wait_dma2 semaphore(%run_scoped3A : memref<!tpu.dma_semaphore, #tpu.memory_space<semaphore_mem>>) src(%arg6 : memref<256x128xf32, #tpu.memory_space<vmem>>) dst(%dma_wait3A_40 : memref<256x128xf32, #tpu.memory_space<hbm>>)
      tpu.yield
    }) : () -> ()
    %add3A_25 = arith.constant 768 : i32
    %add3A_26 = arith.addi %mul3A_2, %add3A_25 : i32
    "tpu.region"() ({
      %run_scoped3A = tpu.sem_alloc : memref<!tpu.dma_semaphore, #tpu.memory_space<semaphore_mem>>
      %dma_start3A_33 = tpu.memref_slice %arg3[%add3A_26] : memref<32768xi32, #tpu.memory_space<hbm>> -> memref<256xi32, #tpu.memory_space<hbm>>
      %dma_start3A_34 = tpu.memref_slice %arg3[%add3A_26] : memref<32768xi32, #tpu.memory_space<hbm>> -> memref<256xi32, #tpu.memory_space<hbm>>
      tpu.enqueue_dma source(%dma_start3A_34 : memref<256xi32, #tpu.memory_space<hbm>>) target(%arg5 : memref<256xi32, #tpu.memory_space<vmem>>) target_semaphore(%run_scoped3A : memref<!tpu.dma_semaphore, #tpu.memory_space<semaphore_mem>>)
      %dma_wait3A_35 = tpu.memref_slice %arg3[%add3A_26] : memref<32768xi32, #tpu.memory_space<hbm>> -> memref<256xi32, #tpu.memory_space<hbm>>
      %dma_wait3A_36 = tpu.memref_slice %arg3[%add3A_26] : memref<32768xi32, #tpu.memory_space<hbm>> -> memref<256xi32, #tpu.memory_space<hbm>>
      tpu.wait_dma2 semaphore(%run_scoped3A : memref<!tpu.dma_semaphore, #tpu.memory_space<semaphore_mem>>) src(%dma_wait3A_36 : memref<256xi32, #tpu.memory_space<hbm>>) dst(%arg5 : memref<256xi32, #tpu.memory_space<vmem>>)
      tpu.yield
    }) : () -> ()
    %dma_start3A_27 = arith.constant 0 : i32
    %dma_start3A_28 = arith.constant 0 : i32
    %dma_start3A_29 = tpu.memref_slice %arg2[%dma_start3A_27, %dma_start3A_28] : memref<8192x128xf32, #tpu.memory_space<hbm>> -> memref<8192x128xf32, #tpu.memory_space<hbm>>
    tpu.enqueue_indirect_dma source(%dma_start3A_29 : memref<8192x128xf32, #tpu.memory_space<hbm>>) target(%arg6 : memref<256x128xf32, #tpu.memory_space<vmem>>) offsets(%arg5 : memref<256xi32, #tpu.memory_space<vmem>>) semaphore(%arg7 : memref<!tpu.dma_semaphore, #tpu.memory_space<semaphore_mem>>)
    %dma_wait3A_30 = arith.constant 0 : i32
    %dma_wait3A_31 = arith.constant 0 : i32
    %dma_wait3A_32 = tpu.memref_slice %arg2[%dma_wait3A_30, %dma_wait3A_31] : memref<8192x128xf32, #tpu.memory_space<hbm>> -> memref<8192x128xf32, #tpu.memory_space<hbm>>
    tpu.wait_indirect_dma semaphore(%arg7 : memref<!tpu.dma_semaphore, #tpu.memory_space<semaphore_mem>>) src(%dma_wait3A_32 : memref<8192x128xf32, #tpu.memory_space<hbm>>) dst(%arg6 : memref<256x128xf32, #tpu.memory_space<vmem>>)
    "tpu.region"() ({
      %run_scoped3A = tpu.sem_alloc : memref<!tpu.dma_semaphore, #tpu.memory_space<semaphore_mem>>
      %dma_start3A_33 = arith.constant 0 : i32
      %dma_start3A_34 = tpu.memref_slice %arg4[%add3A_26, %dma_start3A_33] : memref<32768x128xf32, #tpu.memory_space<hbm>> -> memref<256x128xf32, #tpu.memory_space<hbm>>
      %dma_start3A_35 = arith.constant 0 : i32
      %dma_start3A_36 = tpu.memref_slice %arg4[%add3A_26, %dma_start3A_35] : memref<32768x128xf32, #tpu.memory_space<hbm>> -> memref<256x128xf32, #tpu.memory_space<hbm>>
      tpu.enqueue_dma source(%arg6 : memref<256x128xf32, #tpu.memory_space<vmem>>) target(%dma_start3A_36 : memref<256x128xf32, #tpu.memory_space<hbm>>) target_semaphore(%run_scoped3A : memref<!tpu.dma_semaphore, #tpu.memory_space<semaphore_mem>>)
      %dma_wait3A_37 = arith.constant 0 : i32
      %dma_wait3A_38 = tpu.memref_slice %arg4[%add3A_26, %dma_wait3A_37] : memref<32768x128xf32, #tpu.memory_space<hbm>> -> memref<256x128xf32, #tpu.memory_space<hbm>>
      %dma_wait3A_39 = arith.constant 0 : i32
      %dma_wait3A_40 = tpu.memref_slice %arg4[%add3A_26, %dma_wait3A_39] : memref<32768x128xf32, #tpu.memory_space<hbm>> -> memref<256x128xf32, #tpu.memory_space<hbm>>
      tpu.wait_dma2 semaphore(%run_scoped3A : memref<!tpu.dma_semaphore, #tpu.memory_space<semaphore_mem>>) src(%arg6 : memref<256x128xf32, #tpu.memory_space<vmem>>) dst(%dma_wait3A_40 : memref<256x128xf32, #tpu.memory_space<hbm>>)
      tpu.yield
    }) : () -> ()
    return
  }
}

#map = affine_map<(d0, d1) -> (0, 0)>
#map1 = affine_map<(d0, d1) -> (0)>
module attributes {stable_mosaic.version = 14 : i64} {
  func.func @k(%arg0: i32, %arg1: i32, %arg2: memref<8192x128xf32, #tpu.memory_space<hbm>>, %arg3: memref<32768xi32, #tpu.memory_space<hbm>>, %arg4: memref<32768x128xf32, #tpu.memory_space<hbm>>, %arg5: memref<256xi32, #tpu.memory_space<vmem>>, %arg6: memref<256x128xf32, #tpu.memory_space<vmem>>, %arg7: memref<!tpu.dma_semaphore, #tpu.memory_space<semaphore_mem>>) attributes {dimension_semantics = [#tpu.dimension_semantics<core_parallel>, #tpu.dimension_semantics<subcore_parallel>], iteration_bounds = array<i64: 2, 16>, scalar_prefetch = 0 : i64, scratch_operands = 3 : i64, tpu.core_type = #tpu.core_type<sc_vector_subcore>, window_params = [{transform_indices = #map}, {transform_indices = #map1}, {transform_indices = #map}]} {
    %mul3A = arith.constant 2 : i32
    %mul3A_0 = arith.muli %arg1, %mul3A : i32
    %add3A = arith.addi %mul3A_0, %arg0 : i32
    %mul3A_1 = arith.constant 1024 : i32
    %mul3A_2 = arith.muli %add3A, %mul3A_1 : i32
    %add3A_3 = arith.constant 0 : i32
    %add3A_4 = arith.addi %mul3A_2, %add3A_3 : i32
    "tpu.region"() ({
      %run_scoped3A = tpu.sem_alloc : memref<!tpu.dma_semaphore, #tpu.memory_space<semaphore_mem>>
      %dma_start3A_33 = tpu.memref_slice %arg3[%add3A_4] : memref<32768xi32, #tpu.memory_space<hbm>> -> memref<256xi32, #tpu.memory_space<hbm>>
      %dma_start3A_34 = tpu.memref_slice %arg3[%add3A_4] : memref<32768xi32, #tpu.memory_space<hbm>> -> memref<256xi32, #tpu.memory_space<hbm>>
      tpu.enqueue_dma source(%dma_start3A_34 : memref<256xi32, #tpu.memory_space<hbm>>) target(%arg5 : memref<256xi32, #tpu.memory_space<vmem>>) target_semaphore(%run_scoped3A : memref<!tpu.dma_semaphore, #tpu.memory_space<semaphore_mem>>)
      %dma_wait3A_35 = tpu.memref_slice %arg3[%add3A_4] : memref<32768xi32, #tpu.memory_space<hbm>> -> memref<256xi32, #tpu.memory_space<hbm>>
      %dma_wait3A_36 = tpu.memref_slice %arg3[%add3A_4] : memref<32768xi32, #tpu.memory_space<hbm>> -> memref<256xi32, #tpu.memory_space<hbm>>
      tpu.wait_dma2 semaphore(%run_scoped3A : memref<!tpu.dma_semaphore, #tpu.memory_space<semaphore_mem>>) src(%dma_wait3A_36 : memref<256xi32, #tpu.memory_space<hbm>>) dst(%arg5 : memref<256xi32, #tpu.memory_space<vmem>>)
      tpu.yield
    }) : () -> ()
    %dma_start3A = arith.constant 0 : i32
    %dma_start3A_5 = arith.constant 0 : i32
    %dma_start3A_6 = tpu.memref_slice %arg2[%dma_start3A, %dma_start3A_5] : memref<8192x128xf32, #tpu.memory_space<hbm>> -> memref<8192x128xf32, #tpu.memory_space<hbm>>
    tpu.enqueue_indirect_dma source(%dma_start3A_6 : memref<8192x128xf32, #tpu.memory_space<hbm>>) target(%arg6 : memref<256x128xf32, #tpu.memory_space<vmem>>) offsets(%arg5 : memref<256xi32, #tpu.memory_space<vmem>>) semaphore(%arg7 : memref<!tpu.dma_semaphore, #tpu.memory_space<semaphore_mem>>)
    %dma_wait3A = arith.constant 0 : i32
    %dma_wait3A_7 = arith.constant 0 : i32
    %dma_wait3A_8 = tpu.memref_slice %arg2[%dma_wait3A, %dma_wait3A_7] : memref<8192x128xf32, #tpu.memory_space<hbm>> -> memref<8192x128xf32, #tpu.memory_space<hbm>>
    tpu.wait_indirect_dma semaphore(%arg7 : memref<!tpu.dma_semaphore, #tpu.memory_space<semaphore_mem>>) src(%dma_wait3A_8 : memref<8192x128xf32, #tpu.memory_space<hbm>>) dst(%arg6 : memref<256x128xf32, #tpu.memory_space<vmem>>)
    "tpu.region"() ({
      %run_scoped3A = tpu.sem_alloc : memref<!tpu.dma_semaphore, #tpu.memory_space<semaphore_mem>>
      %dma_start3A_33 = arith.constant 0 : i32
      %dma_start3A_34 = tpu.memref_slice %arg4[%add3A_4, %dma_start3A_33] : memref<32768x128xf32, #tpu.memory_space<hbm>> -> memref<256x128xf32, #tpu.memory_space<hbm>>
      %dma_start3A_35 = arith.constant 0 : i32
      %dma_start3A_36 = tpu.memref_slice %arg4[%add3A_4, %dma_start3A_35] : memref<32768x128xf32, #tpu.memory_space<hbm>> -> memref<256x128xf32, #tpu.memory_space<hbm>>
      tpu.enqueue_dma source(%arg6 : memref<256x128xf32, #tpu.memory_space<vmem>>) target(%dma_start3A_36 : memref<256x128xf32, #tpu.memory_space<hbm>>) target_semaphore(%run_scoped3A : memref<!tpu.dma_semaphore, #tpu.memory_space<semaphore_mem>>)
      %dma_wait3A_37 = arith.constant 0 : i32
      %dma_wait3A_38 = tpu.memref_slice %arg4[%add3A_4, %dma_wait3A_37] : memref<32768x128xf32, #tpu.memory_space<hbm>> -> memref<256x128xf32, #tpu.memory_space<hbm>>
      %dma_wait3A_39 = arith.constant 0 : i32
      %dma_wait3A_40 = tpu.memref_slice %arg4[%add3A_4, %dma_wait3A_39] : memref<32768x128xf32, #tpu.memory_space<hbm>> -> memref<256x128xf32, #tpu.memory_space<hbm>>
      tpu.wait_dma2 semaphore(%run_scoped3A : memref<!tpu.dma_semaphore, #tpu.memory_space<semaphore_mem>>) src(%arg6 : memref<256x128xf32, #tpu.memory_space<vmem>>) dst(%dma_wait3A_40 : memref<256x128xf32, #tpu.memory_space<hbm>>)
      tpu.yield
    }) : () -> ()
    %add3A_9 = arith.constant 256 : i32
    %add3A_10 = arith.addi %mul3A_2, %add3A_9 : i32
    "tpu.region"() ({
      %run_scoped3A = tpu.sem_alloc : memref<!tpu.dma_semaphore, #tpu.memory_space<semaphore_mem>>
      %dma_start3A_33 = tpu.memref_slice %arg3[%add3A_10] : memref<32768xi32, #tpu.memory_space<hbm>> -> memref<256xi32, #tpu.memory_space<hbm>>
      %dma_start3A_34 = tpu.memref_slice %arg3[%add3A_10] : memref<32768xi32, #tpu.memory_space<hbm>> -> memref<256xi32, #tpu.memory_space<hbm>>
      tpu.enqueue_dma source(%dma_start3A_34 : memref<256xi32, #tpu.memory_space<hbm>>) target(%arg5 : memref<256xi32, #tpu.memory_space<vmem>>) target_semaphore(%run_scoped3A : memref<!tpu.dma_semaphore, #tpu.memory_space<semaphore_mem>>)
      %dma_wait3A_35 = tpu.memref_slice %arg3[%add3A_10] : memref<32768xi32, #tpu.memory_space<hbm>> -> memref<256xi32, #tpu.memory_space<hbm>>
      %dma_wait3A_36 = tpu.memref_slice %arg3[%add3A_10] : memref<32768xi32, #tpu.memory_space<hbm>> -> memref<256xi32, #tpu.memory_space<hbm>>
      tpu.wait_dma2 semaphore(%run_scoped3A : memref<!tpu.dma_semaphore, #tpu.memory_space<semaphore_mem>>) src(%dma_wait3A_36 : memref<256xi32, #tpu.memory_space<hbm>>) dst(%arg5 : memref<256xi32, #tpu.memory_space<vmem>>)
      tpu.yield
    }) : () -> ()
    %dma_start3A_11 = arith.constant 0 : i32
    %dma_start3A_12 = arith.constant 0 : i32
    %dma_start3A_13 = tpu.memref_slice %arg2[%dma_start3A_11, %dma_start3A_12] : memref<8192x128xf32, #tpu.memory_space<hbm>> -> memref<8192x128xf32, #tpu.memory_space<hbm>>
    tpu.enqueue_indirect_dma source(%dma_start3A_13 : memref<8192x128xf32, #tpu.memory_space<hbm>>) target(%arg6 : memref<256x128xf32, #tpu.memory_space<vmem>>) offsets(%arg5 : memref<256xi32, #tpu.memory_space<vmem>>) semaphore(%arg7 : memref<!tpu.dma_semaphore, #tpu.memory_space<semaphore_mem>>)
    %dma_wait3A_14 = arith.constant 0 : i32
    %dma_wait3A_15 = arith.constant 0 : i32
    %dma_wait3A_16 = tpu.memref_slice %arg2[%dma_wait3A_14, %dma_wait3A_15] : memref<8192x128xf32, #tpu.memory_space<hbm>> -> memref<8192x128xf32, #tpu.memory_space<hbm>>
    tpu.wait_indirect_dma semaphore(%arg7 : memref<!tpu.dma_semaphore, #tpu.memory_space<semaphore_mem>>) src(%dma_wait3A_16 : memref<8192x128xf32, #tpu.memory_space<hbm>>) dst(%arg6 : memref<256x128xf32, #tpu.memory_space<vmem>>)
    "tpu.region"() ({
      %run_scoped3A = tpu.sem_alloc : memref<!tpu.dma_semaphore, #tpu.memory_space<semaphore_mem>>
      %dma_start3A_33 = arith.constant 0 : i32
      %dma_start3A_34 = tpu.memref_slice %arg4[%add3A_10, %dma_start3A_33] : memref<32768x128xf32, #tpu.memory_space<hbm>> -> memref<256x128xf32, #tpu.memory_space<hbm>>
      %dma_start3A_35 = arith.constant 0 : i32
      %dma_start3A_36 = tpu.memref_slice %arg4[%add3A_10, %dma_start3A_35] : memref<32768x128xf32, #tpu.memory_space<hbm>> -> memref<256x128xf32, #tpu.memory_space<hbm>>
      tpu.enqueue_dma source(%arg6 : memref<256x128xf32, #tpu.memory_space<vmem>>) target(%dma_start3A_36 : memref<256x128xf32, #tpu.memory_space<hbm>>) target_semaphore(%run_scoped3A : memref<!tpu.dma_semaphore, #tpu.memory_space<semaphore_mem>>)
      %dma_wait3A_37 = arith.constant 0 : i32
      %dma_wait3A_38 = tpu.memref_slice %arg4[%add3A_10, %dma_wait3A_37] : memref<32768x128xf32, #tpu.memory_space<hbm>> -> memref<256x128xf32, #tpu.memory_space<hbm>>
      %dma_wait3A_39 = arith.constant 0 : i32
      %dma_wait3A_40 = tpu.memref_slice %arg4[%add3A_10, %dma_wait3A_39] : memref<32768x128xf32, #tpu.memory_space<hbm>> -> memref<256x128xf32, #tpu.memory_space<hbm>>
      tpu.wait_dma2 semaphore(%run_scoped3A : memref<!tpu.dma_semaphore, #tpu.memory_space<semaphore_mem>>) src(%arg6 : memref<256x128xf32, #tpu.memory_space<vmem>>) dst(%dma_wait3A_40 : memref<256x128xf32, #tpu.memory_space<hbm>>)
      tpu.yield
    }) : () -> ()
    %add3A_17 = arith.constant 512 : i32
    %add3A_18 = arith.addi %mul3A_2, %add3A_17 : i32
    "tpu.region"() ({
      %run_scoped3A = tpu.sem_alloc : memref<!tpu.dma_semaphore, #tpu.memory_space<semaphore_mem>>
      %dma_start3A_33 = tpu.memref_slice %arg3[%add3A_18] : memref<32768xi32, #tpu.memory_space<hbm>> -> memref<256xi32, #tpu.memory_space<hbm>>
      %dma_start3A_34 = tpu.memref_slice %arg3[%add3A_18] : memref<32768xi32, #tpu.memory_space<hbm>> -> memref<256xi32, #tpu.memory_space<hbm>>
      tpu.enqueue_dma source(%dma_start3A_34 : memref<256xi32, #tpu.memory_space<hbm>>) target(%arg5 : memref<256xi32, #tpu.memory_space<vmem>>) target_semaphore(%run_scoped3A : memref<!tpu.dma_semaphore, #tpu.memory_space<semaphore_mem>>)
      %dma_wait3A_35 = tpu.memref_slice %arg3[%add3A_18] : memref<32768xi32, #tpu.memory_space<hbm>> -> memref<256xi32, #tpu.memory_space<hbm>>
      %dma_wait3A_36 = tpu.memref_slice %arg3[%add3A_18] : memref<32768xi32, #tpu.memory_space<hbm>> -> memref<256xi32, #tpu.memory_space<hbm>>
      tpu.wait_dma2 semaphore(%run_scoped3A : memref<!tpu.dma_semaphore, #tpu.memory_space<semaphore_mem>>) src(%dma_wait3A_36 : memref<256xi32, #tpu.memory_space<hbm>>) dst(%arg5 : memref<256xi32, #tpu.memory_space<vmem>>)
      tpu.yield
    }) : () -> ()
    %dma_start3A_19 = arith.constant 0 : i32
    %dma_start3A_20 = arith.constant 0 : i32
    %dma_start3A_21 = tpu.memref_slice %arg2[%dma_start3A_19, %dma_start3A_20] : memref<8192x128xf32, #tpu.memory_space<hbm>> -> memref<8192x128xf32, #tpu.memory_space<hbm>>
    tpu.enqueue_indirect_dma source(%dma_start3A_21 : memref<8192x128xf32, #tpu.memory_space<hbm>>) target(%arg6 : memref<256x128xf32, #tpu.memory_space<vmem>>) offsets(%arg5 : memref<256xi32, #tpu.memory_space<vmem>>) semaphore(%arg7 : memref<!tpu.dma_semaphore, #tpu.memory_space<semaphore_mem>>)
    %dma_wait3A_22 = arith.constant 0 : i32
    %dma_wait3A_23 = arith.constant 0 : i32
    %dma_wait3A_24 = tpu.memref_slice %arg2[%dma_wait3A_22, %dma_wait3A_23] : memref<8192x128xf32, #tpu.memory_space<hbm>> -> memref<8192x128xf32, #tpu.memory_space<hbm>>
    tpu.wait_indirect_dma semaphore(%arg7 : memref<!tpu.dma_semaphore, #tpu.memory_space<semaphore_mem>>) src(%dma_wait3A_24 : memref<8192x128xf32, #tpu.memory_space<hbm>>) dst(%arg6 : memref<256x128xf32, #tpu.memory_space<vmem>>)
    "tpu.region"() ({
      %run_scoped3A = tpu.sem_alloc : memref<!tpu.dma_semaphore, #tpu.memory_space<semaphore_mem>>
      %dma_start3A_33 = arith.constant 0 : i32
      %dma_start3A_34 = tpu.memref_slice %arg4[%add3A_18, %dma_start3A_33] : memref<32768x128xf32, #tpu.memory_space<hbm>> -> memref<256x128xf32, #tpu.memory_space<hbm>>
      %dma_start3A_35 = arith.constant 0 : i32
      %dma_start3A_36 = tpu.memref_slice %arg4[%add3A_18, %dma_start3A_35] : memref<32768x128xf32, #tpu.memory_space<hbm>> -> memref<256x128xf32, #tpu.memory_space<hbm>>
      tpu.enqueue_dma source(%arg6 : memref<256x128xf32, #tpu.memory_space<vmem>>) target(%dma_start3A_36 : memref<256x128xf32, #tpu.memory_space<hbm>>) target_semaphore(%run_scoped3A : memref<!tpu.dma_semaphore, #tpu.memory_space<semaphore_mem>>)
      %dma_wait3A_37 = arith.constant 0 : i32
      %dma_wait3A_38 = tpu.memref_slice %arg4[%add3A_18, %dma_wait3A_37] : memref<32768x128xf32, #tpu.memory_space<hbm>> -> memref<256x128xf32, #tpu.memory_space<hbm>>
      %dma_wait3A_39 = arith.constant 0 : i32
      %dma_wait3A_40 = tpu.memref_slice %arg4[%add3A_18, %dma_wait3A_39] : memref<32768x128xf32, #tpu.memory_space<hbm>> -> memref<256x128xf32, #tpu.memory_space<hbm>>
      tpu.wait_dma2 semaphore(%run_scoped3A : memref<!tpu.dma_semaphore, #tpu.memory_space<semaphore_mem>>) src(%arg6 : memref<256x128xf32, #tpu.memory_space<vmem>>) dst(%dma_wait3A_40 : memref<256x128xf32, #tpu.memory_space<hbm>>)
      tpu.yield
    }) : () -> ()
    %add3A_25 = arith.constant 768 : i32
    %add3A_26 = arith.addi %mul3A_2, %add3A_25 : i32
    "tpu.region"() ({
      %run_scoped3A = tpu.sem_alloc : memref<!tpu.dma_semaphore, #tpu.memory_space<semaphore_mem>>
      %dma_start3A_33 = tpu.memref_slice %arg3[%add3A_26] : memref<32768xi32, #tpu.memory_space<hbm>> -> memref<256xi32, #tpu.memory_space<hbm>>
      %dma_start3A_34 = tpu.memref_slice %arg3[%add3A_26] : memref<32768xi32, #tpu.memory_space<hbm>> -> memref<256xi32, #tpu.memory_space<hbm>>
      tpu.enqueue_dma source(%dma_start3A_34 : memref<256xi32, #tpu.memory_space<hbm>>) target(%arg5 : memref<256xi32, #tpu.memory_space<vmem>>) target_semaphore(%run_scoped3A : memref<!tpu.dma_semaphore, #tpu.memory_space<semaphore_mem>>)
      %dma_wait3A_35 = tpu.memref_slice %arg3[%add3A_26] : memref<32768xi32, #tpu.memory_space<hbm>> -> memref<256xi32, #tpu.memory_space<hbm>>
      %dma_wait3A_36 = tpu.memref_slice %arg3[%add3A_26] : memref<32768xi32, #tpu.memory_space<hbm>> -> memref<256xi32, #tpu.memory_space<hbm>>
      tpu.wait_dma2 semaphore(%run_scoped3A : memref<!tpu.dma_semaphore, #tpu.memory_space<semaphore_mem>>) src(%dma_wait3A_36 : memref<256xi32, #tpu.memory_space<hbm>>) dst(%arg5 : memref<256xi32, #tpu.memory_space<vmem>>)
      tpu.yield
    }) : () -> ()
    %dma_start3A_27 = arith.constant 0 : i32
    %dma_start3A_28 = arith.constant 0 : i32
    %dma_start3A_29 = tpu.memref_slice %arg2[%dma_start3A_27, %dma_start3A_28] : memref<8192x128xf32, #tpu.memory_space<hbm>> -> memref<8192x128xf32, #tpu.memory_space<hbm>>
    tpu.enqueue_indirect_dma source(%dma_start3A_29 : memref<8192x128xf32, #tpu.memory_space<hbm>>) target(%arg6 : memref<256x128xf32, #tpu.memory_space<vmem>>) offsets(%arg5 : memref<256xi32, #tpu.memory_space<vmem>>) semaphore(%arg7 : memref<!tpu.dma_semaphore, #tpu.memory_space<semaphore_mem>>)
    %dma_wait3A_30 = arith.constant 0 : i32
    %dma_wait3A_31 = arith.constant 0 : i32
    %dma_wait3A_32 = tpu.memref_slice %arg2[%dma_wait3A_30, %dma_wait3A_31] : memref<8192x128xf32, #tpu.memory_space<hbm>> -> memref<8192x128xf32, #tpu.memory_space<hbm>>
    tpu.wait_indirect_dma semaphore(%arg7 : memref<!tpu.dma_semaphore, #tpu.memory_space<semaphore_mem>>) src(%dma_wait3A_32 : memref<8192x128xf32, #tpu.memory_space<hbm>>) dst(%arg6 : memref<256x128xf32, #tpu.memory_space<vmem>>)
    "tpu.region"() ({
      %run_scoped3A = tpu.sem_alloc : memref<!tpu.dma_semaphore, #tpu.memory_space<semaphore_mem>>
      %dma_start3A_33 = arith.constant 0 : i32
      %dma_start3A_34 = tpu.memref_slice %arg4[%add3A_26, %dma_start3A_33] : memref<32768x128xf32, #tpu.memory_space<hbm>> -> memref<256x128xf32, #tpu.memory_space<hbm>>
      %dma_start3A_35 = arith.constant 0 : i32
      %dma_start3A_36 = tpu.memref_slice %arg4[%add3A_26, %dma_start3A_35] : memref<32768x128xf32, #tpu.memory_space<hbm>> -> memref<256x128xf32, #tpu.memory_space<hbm>>
      tpu.enqueue_dma source(%arg6 : memref<256x128xf32, #tpu.memory_space<vmem>>) target(%dma_start3A_36 : memref<256x128xf32, #tpu.memory_space<hbm>>) target_semaphore(%run_scoped3A : memref<!tpu.dma_semaphore, #tpu.memory_space<semaphore_mem>>)
      %dma_wait3A_37 = arith.constant 0 : i32
      %dma_wait3A_38 = tpu.memref_slice %arg4[%add3A_26, %dma_wait3A_37] : memref<32768x128xf32, #tpu.memory_space<hbm>> -> memref<256x128xf32, #tpu.memory_space<hbm>>
      %dma_wait3A_39 = arith.constant 0 : i32
      %dma_wait3A_40 = tpu.memref_slice %arg4[%add3A_26, %dma_wait3A_39] : memref<32768x128xf32, #tpu.memory_space<hbm>> -> memref<256x128xf32, #tpu.memory_space<hbm>>
      tpu.wait_dma2 semaphore(%run_scoped3A : memref<!tpu.dma_semaphore, #tpu.memory_space<semaphore_mem>>) src(%arg6 : memref<256x128xf32, #tpu.memory_space<vmem>>) dst(%dma_wait3A_40 : memref<256x128xf32, #tpu.memory_space<hbm>>)
      tpu.yield
    }) : () -> ()
    return
  }
}

#map = affine_map<(d0, d1) -> (0, 0)>
#map1 = affine_map<(d0, d1) -> (0)>
module attributes {stable_mosaic.version = 14 : i64} {
  func.func @k(%arg0: i32, %arg1: i32, %arg2: memref<8192x128xf32, #tpu.memory_space<hbm>>, %arg3: memref<32768xi32, #tpu.memory_space<hbm>>, %arg4: memref<32768x128xf32, #tpu.memory_space<hbm>>, %arg5: memref<256xi32, #tpu.memory_space<vmem>>, %arg6: memref<256x128xf32, #tpu.memory_space<vmem>>, %arg7: memref<!tpu.dma_semaphore, #tpu.memory_space<semaphore_mem>>) attributes {dimension_semantics = [#tpu.dimension_semantics<core_parallel>, #tpu.dimension_semantics<subcore_parallel>], iteration_bounds = array<i64: 2, 16>, scalar_prefetch = 0 : i64, scratch_operands = 3 : i64, tpu.core_type = #tpu.core_type<sc_vector_subcore>, window_params = [{transform_indices = #map}, {transform_indices = #map1}, {transform_indices = #map}]} {
    %mul3A = arith.constant 2 : i32
    %mul3A_0 = arith.muli %arg1, %mul3A : i32
    %add3A = arith.addi %mul3A_0, %arg0 : i32
    %mul3A_1 = arith.constant 1024 : i32
    %mul3A_2 = arith.muli %add3A, %mul3A_1 : i32
    %add3A_3 = arith.constant 0 : i32
    %add3A_4 = arith.addi %mul3A_2, %add3A_3 : i32
    "tpu.region"() ({
      %run_scoped3A = tpu.sem_alloc : memref<!tpu.dma_semaphore, #tpu.memory_space<semaphore_mem>>
      %dma_start3A_33 = tpu.memref_slice %arg3[%add3A_4] : memref<32768xi32, #tpu.memory_space<hbm>> -> memref<256xi32, #tpu.memory_space<hbm>>
      %dma_start3A_34 = tpu.memref_slice %arg3[%add3A_4] : memref<32768xi32, #tpu.memory_space<hbm>> -> memref<256xi32, #tpu.memory_space<hbm>>
      tpu.enqueue_dma source(%dma_start3A_34 : memref<256xi32, #tpu.memory_space<hbm>>) target(%arg5 : memref<256xi32, #tpu.memory_space<vmem>>) target_semaphore(%run_scoped3A : memref<!tpu.dma_semaphore, #tpu.memory_space<semaphore_mem>>)
      %dma_wait3A_35 = tpu.memref_slice %arg3[%add3A_4] : memref<32768xi32, #tpu.memory_space<hbm>> -> memref<256xi32, #tpu.memory_space<hbm>>
      %dma_wait3A_36 = tpu.memref_slice %arg3[%add3A_4] : memref<32768xi32, #tpu.memory_space<hbm>> -> memref<256xi32, #tpu.memory_space<hbm>>
      tpu.wait_dma2 semaphore(%run_scoped3A : memref<!tpu.dma_semaphore, #tpu.memory_space<semaphore_mem>>) src(%dma_wait3A_36 : memref<256xi32, #tpu.memory_space<hbm>>) dst(%arg5 : memref<256xi32, #tpu.memory_space<vmem>>)
      tpu.yield
    }) : () -> ()
    %dma_start3A = arith.constant 0 : i32
    %dma_start3A_5 = arith.constant 0 : i32
    %dma_start3A_6 = tpu.memref_slice %arg2[%dma_start3A, %dma_start3A_5] : memref<8192x128xf32, #tpu.memory_space<hbm>> -> memref<8192x128xf32, #tpu.memory_space<hbm>>
    tpu.enqueue_indirect_dma source(%dma_start3A_6 : memref<8192x128xf32, #tpu.memory_space<hbm>>) target(%arg6 : memref<256x128xf32, #tpu.memory_space<vmem>>) offsets(%arg5 : memref<256xi32, #tpu.memory_space<vmem>>) semaphore(%arg7 : memref<!tpu.dma_semaphore, #tpu.memory_space<semaphore_mem>>)
    %dma_wait3A = arith.constant 0 : i32
    %dma_wait3A_7 = arith.constant 0 : i32
    %dma_wait3A_8 = tpu.memref_slice %arg2[%dma_wait3A, %dma_wait3A_7] : memref<8192x128xf32, #tpu.memory_space<hbm>> -> memref<8192x128xf32, #tpu.memory_space<hbm>>
    tpu.wait_indirect_dma semaphore(%arg7 : memref<!tpu.dma_semaphore, #tpu.memory_space<semaphore_mem>>) src(%dma_wait3A_8 : memref<8192x128xf32, #tpu.memory_space<hbm>>) dst(%arg6 : memref<256x128xf32, #tpu.memory_space<vmem>>)
    "tpu.region"() ({
      %run_scoped3A = tpu.sem_alloc : memref<!tpu.dma_semaphore, #tpu.memory_space<semaphore_mem>>
      %dma_start3A_33 = arith.constant 0 : i32
      %dma_start3A_34 = tpu.memref_slice %arg4[%add3A_4, %dma_start3A_33] : memref<32768x128xf32, #tpu.memory_space<hbm>> -> memref<256x128xf32, #tpu.memory_space<hbm>>
      %dma_start3A_35 = arith.constant 0 : i32
      %dma_start3A_36 = tpu.memref_slice %arg4[%add3A_4, %dma_start3A_35] : memref<32768x128xf32, #tpu.memory_space<hbm>> -> memref<256x128xf32, #tpu.memory_space<hbm>>
      tpu.enqueue_dma source(%arg6 : memref<256x128xf32, #tpu.memory_space<vmem>>) target(%dma_start3A_36 : memref<256x128xf32, #tpu.memory_space<hbm>>) target_semaphore(%run_scoped3A : memref<!tpu.dma_semaphore, #tpu.memory_space<semaphore_mem>>)
      %dma_wait3A_37 = arith.constant 0 : i32
      %dma_wait3A_38 = tpu.memref_slice %arg4[%add3A_4, %dma_wait3A_37] : memref<32768x128xf32, #tpu.memory_space<hbm>> -> memref<256x128xf32, #tpu.memory_space<hbm>>
      %dma_wait3A_39 = arith.constant 0 : i32
      %dma_wait3A_40 = tpu.memref_slice %arg4[%add3A_4, %dma_wait3A_39] : memref<32768x128xf32, #tpu.memory_space<hbm>> -> memref<256x128xf32, #tpu.memory_space<hbm>>
      tpu.wait_dma2 semaphore(%run_scoped3A : memref<!tpu.dma_semaphore, #tpu.memory_space<semaphore_mem>>) src(%arg6 : memref<256x128xf32, #tpu.memory_space<vmem>>) dst(%dma_wait3A_40 : memref<256x128xf32, #tpu.memory_space<hbm>>)
      tpu.yield
    }) : () -> ()
    %add3A_9 = arith.constant 256 : i32
    %add3A_10 = arith.addi %mul3A_2, %add3A_9 : i32
    "tpu.region"() ({
      %run_scoped3A = tpu.sem_alloc : memref<!tpu.dma_semaphore, #tpu.memory_space<semaphore_mem>>
      %dma_start3A_33 = tpu.memref_slice %arg3[%add3A_10] : memref<32768xi32, #tpu.memory_space<hbm>> -> memref<256xi32, #tpu.memory_space<hbm>>
      %dma_start3A_34 = tpu.memref_slice %arg3[%add3A_10] : memref<32768xi32, #tpu.memory_space<hbm>> -> memref<256xi32, #tpu.memory_space<hbm>>
      tpu.enqueue_dma source(%dma_start3A_34 : memref<256xi32, #tpu.memory_space<hbm>>) target(%arg5 : memref<256xi32, #tpu.memory_space<vmem>>) target_semaphore(%run_scoped3A : memref<!tpu.dma_semaphore, #tpu.memory_space<semaphore_mem>>)
      %dma_wait3A_35 = tpu.memref_slice %arg3[%add3A_10] : memref<32768xi32, #tpu.memory_space<hbm>> -> memref<256xi32, #tpu.memory_space<hbm>>
      %dma_wait3A_36 = tpu.memref_slice %arg3[%add3A_10] : memref<32768xi32, #tpu.memory_space<hbm>> -> memref<256xi32, #tpu.memory_space<hbm>>
      tpu.wait_dma2 semaphore(%run_scoped3A : memref<!tpu.dma_semaphore, #tpu.memory_space<semaphore_mem>>) src(%dma_wait3A_36 : memref<256xi32, #tpu.memory_space<hbm>>) dst(%arg5 : memref<256xi32, #tpu.memory_space<vmem>>)
      tpu.yield
    }) : () -> ()
    %dma_start3A_11 = arith.constant 0 : i32
    %dma_start3A_12 = arith.constant 0 : i32
    %dma_start3A_13 = tpu.memref_slice %arg2[%dma_start3A_11, %dma_start3A_12] : memref<8192x128xf32, #tpu.memory_space<hbm>> -> memref<8192x128xf32, #tpu.memory_space<hbm>>
    tpu.enqueue_indirect_dma source(%dma_start3A_13 : memref<8192x128xf32, #tpu.memory_space<hbm>>) target(%arg6 : memref<256x128xf32, #tpu.memory_space<vmem>>) offsets(%arg5 : memref<256xi32, #tpu.memory_space<vmem>>) semaphore(%arg7 : memref<!tpu.dma_semaphore, #tpu.memory_space<semaphore_mem>>)
    %dma_wait3A_14 = arith.constant 0 : i32
    %dma_wait3A_15 = arith.constant 0 : i32
    %dma_wait3A_16 = tpu.memref_slice %arg2[%dma_wait3A_14, %dma_wait3A_15] : memref<8192x128xf32, #tpu.memory_space<hbm>> -> memref<8192x128xf32, #tpu.memory_space<hbm>>
    tpu.wait_indirect_dma semaphore(%arg7 : memref<!tpu.dma_semaphore, #tpu.memory_space<semaphore_mem>>) src(%dma_wait3A_16 : memref<8192x128xf32, #tpu.memory_space<hbm>>) dst(%arg6 : memref<256x128xf32, #tpu.memory_space<vmem>>)
    "tpu.region"() ({
      %run_scoped3A = tpu.sem_alloc : memref<!tpu.dma_semaphore, #tpu.memory_space<semaphore_mem>>
      %dma_start3A_33 = arith.constant 0 : i32
      %dma_start3A_34 = tpu.memref_slice %arg4[%add3A_10, %dma_start3A_33] : memref<32768x128xf32, #tpu.memory_space<hbm>> -> memref<256x128xf32, #tpu.memory_space<hbm>>
      %dma_start3A_35 = arith.constant 0 : i32
      %dma_start3A_36 = tpu.memref_slice %arg4[%add3A_10, %dma_start3A_35] : memref<32768x128xf32, #tpu.memory_space<hbm>> -> memref<256x128xf32, #tpu.memory_space<hbm>>
      tpu.enqueue_dma source(%arg6 : memref<256x128xf32, #tpu.memory_space<vmem>>) target(%dma_start3A_36 : memref<256x128xf32, #tpu.memory_space<hbm>>) target_semaphore(%run_scoped3A : memref<!tpu.dma_semaphore, #tpu.memory_space<semaphore_mem>>)
      %dma_wait3A_37 = arith.constant 0 : i32
      %dma_wait3A_38 = tpu.memref_slice %arg4[%add3A_10, %dma_wait3A_37] : memref<32768x128xf32, #tpu.memory_space<hbm>> -> memref<256x128xf32, #tpu.memory_space<hbm>>
      %dma_wait3A_39 = arith.constant 0 : i32
      %dma_wait3A_40 = tpu.memref_slice %arg4[%add3A_10, %dma_wait3A_39] : memref<32768x128xf32, #tpu.memory_space<hbm>> -> memref<256x128xf32, #tpu.memory_space<hbm>>
      tpu.wait_dma2 semaphore(%run_scoped3A : memref<!tpu.dma_semaphore, #tpu.memory_space<semaphore_mem>>) src(%arg6 : memref<256x128xf32, #tpu.memory_space<vmem>>) dst(%dma_wait3A_40 : memref<256x128xf32, #tpu.memory_space<hbm>>)
      tpu.yield
    }) : () -> ()
    %add3A_17 = arith.constant 512 : i32
    %add3A_18 = arith.addi %mul3A_2, %add3A_17 : i32
    "tpu.region"() ({
      %run_scoped3A = tpu.sem_alloc : memref<!tpu.dma_semaphore, #tpu.memory_space<semaphore_mem>>
      %dma_start3A_33 = tpu.memref_slice %arg3[%add3A_18] : memref<32768xi32, #tpu.memory_space<hbm>> -> memref<256xi32, #tpu.memory_space<hbm>>
      %dma_start3A_34 = tpu.memref_slice %arg3[%add3A_18] : memref<32768xi32, #tpu.memory_space<hbm>> -> memref<256xi32, #tpu.memory_space<hbm>>
      tpu.enqueue_dma source(%dma_start3A_34 : memref<256xi32, #tpu.memory_space<hbm>>) target(%arg5 : memref<256xi32, #tpu.memory_space<vmem>>) target_semaphore(%run_scoped3A : memref<!tpu.dma_semaphore, #tpu.memory_space<semaphore_mem>>)
      %dma_wait3A_35 = tpu.memref_slice %arg3[%add3A_18] : memref<32768xi32, #tpu.memory_space<hbm>> -> memref<256xi32, #tpu.memory_space<hbm>>
      %dma_wait3A_36 = tpu.memref_slice %arg3[%add3A_18] : memref<32768xi32, #tpu.memory_space<hbm>> -> memref<256xi32, #tpu.memory_space<hbm>>
      tpu.wait_dma2 semaphore(%run_scoped3A : memref<!tpu.dma_semaphore, #tpu.memory_space<semaphore_mem>>) src(%dma_wait3A_36 : memref<256xi32, #tpu.memory_space<hbm>>) dst(%arg5 : memref<256xi32, #tpu.memory_space<vmem>>)
      tpu.yield
    }) : () -> ()
    %dma_start3A_19 = arith.constant 0 : i32
    %dma_start3A_20 = arith.constant 0 : i32
    %dma_start3A_21 = tpu.memref_slice %arg2[%dma_start3A_19, %dma_start3A_20] : memref<8192x128xf32, #tpu.memory_space<hbm>> -> memref<8192x128xf32, #tpu.memory_space<hbm>>
    tpu.enqueue_indirect_dma source(%dma_start3A_21 : memref<8192x128xf32, #tpu.memory_space<hbm>>) target(%arg6 : memref<256x128xf32, #tpu.memory_space<vmem>>) offsets(%arg5 : memref<256xi32, #tpu.memory_space<vmem>>) semaphore(%arg7 : memref<!tpu.dma_semaphore, #tpu.memory_space<semaphore_mem>>)
    %dma_wait3A_22 = arith.constant 0 : i32
    %dma_wait3A_23 = arith.constant 0 : i32
    %dma_wait3A_24 = tpu.memref_slice %arg2[%dma_wait3A_22, %dma_wait3A_23] : memref<8192x128xf32, #tpu.memory_space<hbm>> -> memref<8192x128xf32, #tpu.memory_space<hbm>>
    tpu.wait_indirect_dma semaphore(%arg7 : memref<!tpu.dma_semaphore, #tpu.memory_space<semaphore_mem>>) src(%dma_wait3A_24 : memref<8192x128xf32, #tpu.memory_space<hbm>>) dst(%arg6 : memref<256x128xf32, #tpu.memory_space<vmem>>)
    "tpu.region"() ({
      %run_scoped3A = tpu.sem_alloc : memref<!tpu.dma_semaphore, #tpu.memory_space<semaphore_mem>>
      %dma_start3A_33 = arith.constant 0 : i32
      %dma_start3A_34 = tpu.memref_slice %arg4[%add3A_18, %dma_start3A_33] : memref<32768x128xf32, #tpu.memory_space<hbm>> -> memref<256x128xf32, #tpu.memory_space<hbm>>
      %dma_start3A_35 = arith.constant 0 : i32
      %dma_start3A_36 = tpu.memref_slice %arg4[%add3A_18, %dma_start3A_35] : memref<32768x128xf32, #tpu.memory_space<hbm>> -> memref<256x128xf32, #tpu.memory_space<hbm>>
      tpu.enqueue_dma source(%arg6 : memref<256x128xf32, #tpu.memory_space<vmem>>) target(%dma_start3A_36 : memref<256x128xf32, #tpu.memory_space<hbm>>) target_semaphore(%run_scoped3A : memref<!tpu.dma_semaphore, #tpu.memory_space<semaphore_mem>>)
      %dma_wait3A_37 = arith.constant 0 : i32
      %dma_wait3A_38 = tpu.memref_slice %arg4[%add3A_18, %dma_wait3A_37] : memref<32768x128xf32, #tpu.memory_space<hbm>> -> memref<256x128xf32, #tpu.memory_space<hbm>>
      %dma_wait3A_39 = arith.constant 0 : i32
      %dma_wait3A_40 = tpu.memref_slice %arg4[%add3A_18, %dma_wait3A_39] : memref<32768x128xf32, #tpu.memory_space<hbm>> -> memref<256x128xf32, #tpu.memory_space<hbm>>
      tpu.wait_dma2 semaphore(%run_scoped3A : memref<!tpu.dma_semaphore, #tpu.memory_space<semaphore_mem>>) src(%arg6 : memref<256x128xf32, #tpu.memory_space<vmem>>) dst(%dma_wait3A_40 : memref<256x128xf32, #tpu.memory_space<hbm>>)
      tpu.yield
    }) : () -> ()
    %add3A_25 = arith.constant 768 : i32
    %add3A_26 = arith.addi %mul3A_2, %add3A_25 : i32
    "tpu.region"() ({
      %run_scoped3A = tpu.sem_alloc : memref<!tpu.dma_semaphore, #tpu.memory_space<semaphore_mem>>
      %dma_start3A_33 = tpu.memref_slice %arg3[%add3A_26] : memref<32768xi32, #tpu.memory_space<hbm>> -> memref<256xi32, #tpu.memory_space<hbm>>
      %dma_start3A_34 = tpu.memref_slice %arg3[%add3A_26] : memref<32768xi32, #tpu.memory_space<hbm>> -> memref<256xi32, #tpu.memory_space<hbm>>
      tpu.enqueue_dma source(%dma_start3A_34 : memref<256xi32, #tpu.memory_space<hbm>>) target(%arg5 : memref<256xi32, #tpu.memory_space<vmem>>) target_semaphore(%run_scoped3A : memref<!tpu.dma_semaphore, #tpu.memory_space<semaphore_mem>>)
      %dma_wait3A_35 = tpu.memref_slice %arg3[%add3A_26] : memref<32768xi32, #tpu.memory_space<hbm>> -> memref<256xi32, #tpu.memory_space<hbm>>
      %dma_wait3A_36 = tpu.memref_slice %arg3[%add3A_26] : memref<32768xi32, #tpu.memory_space<hbm>> -> memref<256xi32, #tpu.memory_space<hbm>>
      tpu.wait_dma2 semaphore(%run_scoped3A : memref<!tpu.dma_semaphore, #tpu.memory_space<semaphore_mem>>) src(%dma_wait3A_36 : memref<256xi32, #tpu.memory_space<hbm>>) dst(%arg5 : memref<256xi32, #tpu.memory_space<vmem>>)
      tpu.yield
    }) : () -> ()
    %dma_start3A_27 = arith.constant 0 : i32
    %dma_start3A_28 = arith.constant 0 : i32
    %dma_start3A_29 = tpu.memref_slice %arg2[%dma_start3A_27, %dma_start3A_28] : memref<8192x128xf32, #tpu.memory_space<hbm>> -> memref<8192x128xf32, #tpu.memory_space<hbm>>
    tpu.enqueue_indirect_dma source(%dma_start3A_29 : memref<8192x128xf32, #tpu.memory_space<hbm>>) target(%arg6 : memref<256x128xf32, #tpu.memory_space<vmem>>) offsets(%arg5 : memref<256xi32, #tpu.memory_space<vmem>>) semaphore(%arg7 : memref<!tpu.dma_semaphore, #tpu.memory_space<semaphore_mem>>)
    %dma_wait3A_30 = arith.constant 0 : i32
    %dma_wait3A_31 = arith.constant 0 : i32
    %dma_wait3A_32 = tpu.memref_slice %arg2[%dma_wait3A_30, %dma_wait3A_31] : memref<8192x128xf32, #tpu.memory_space<hbm>> -> memref<8192x128xf32, #tpu.memory_space<hbm>>
    tpu.wait_indirect_dma semaphore(%arg7 : memref<!tpu.dma_semaphore, #tpu.memory_space<semaphore_mem>>) src(%dma_wait3A_32 : memref<8192x128xf32, #tpu.memory_space<hbm>>) dst(%arg6 : memref<256x128xf32, #tpu.memory_space<vmem>>)
    "tpu.region"() ({
      %run_scoped3A = tpu.sem_alloc : memref<!tpu.dma_semaphore, #tpu.memory_space<semaphore_mem>>
      %dma_start3A_33 = arith.constant 0 : i32
      %dma_start3A_34 = tpu.memref_slice %arg4[%add3A_26, %dma_start3A_33] : memref<32768x128xf32, #tpu.memory_space<hbm>> -> memref<256x128xf32, #tpu.memory_space<hbm>>
      %dma_start3A_35 = arith.constant 0 : i32
      %dma_start3A_36 = tpu.memref_slice %arg4[%add3A_26, %dma_start3A_35] : memref<32768x128xf32, #tpu.memory_space<hbm>> -> memref<256x128xf32, #tpu.memory_space<hbm>>
      tpu.enqueue_dma source(%arg6 : memref<256x128xf32, #tpu.memory_space<vmem>>) target(%dma_start3A_36 : memref<256x128xf32, #tpu.memory_space<hbm>>) target_semaphore(%run_scoped3A : memref<!tpu.dma_semaphore, #tpu.memory_space<semaphore_mem>>)
      %dma_wait3A_37 = arith.constant 0 : i32
      %dma_wait3A_38 = tpu.memref_slice %arg4[%add3A_26, %dma_wait3A_37] : memref<32768x128xf32, #tpu.memory_space<hbm>> -> memref<256x128xf32, #tpu.memory_space<hbm>>
      %dma_wait3A_39 = arith.constant 0 : i32
      %dma_wait3A_40 = tpu.memref_slice %arg4[%add3A_26, %dma_wait3A_39] : memref<32768x128xf32, #tpu.memory_space<hbm>> -> memref<256x128xf32, #tpu.memory_space<hbm>>
      tpu.wait_dma2 semaphore(%run_scoped3A : memref<!tpu.dma_semaphore, #tpu.memory_space<semaphore_mem>>) src(%arg6 : memref<256x128xf32, #tpu.memory_space<vmem>>) dst(%dma_wait3A_40 : memref<256x128xf32, #tpu.memory_space<hbm>>)
      tpu.yield
    }) : () -> ()
    return
  }
}

#map = affine_map<(d0, d1) -> (0, 0)>
#map1 = affine_map<(d0, d1) -> (0)>
module attributes {stable_mosaic.version = 14 : i64} {
  func.func @k(%arg0: i32, %arg1: i32, %arg2: memref<8192x128xf32, #tpu.memory_space<hbm>>, %arg3: memref<32768xi32, #tpu.memory_space<hbm>>, %arg4: memref<32768x128xf32, #tpu.memory_space<hbm>>, %arg5: memref<256xi32, #tpu.memory_space<vmem>>, %arg6: memref<256x128xf32, #tpu.memory_space<vmem>>, %arg7: memref<!tpu.dma_semaphore, #tpu.memory_space<semaphore_mem>>) attributes {dimension_semantics = [#tpu.dimension_semantics<core_parallel>, #tpu.dimension_semantics<subcore_parallel>], iteration_bounds = array<i64: 2, 16>, scalar_prefetch = 0 : i64, scratch_operands = 3 : i64, tpu.core_type = #tpu.core_type<sc_vector_subcore>, window_params = [{transform_indices = #map}, {transform_indices = #map1}, {transform_indices = #map}]} {
    %mul3A = arith.constant 2 : i32
    %mul3A_0 = arith.muli %arg1, %mul3A : i32
    %add3A = arith.addi %mul3A_0, %arg0 : i32
    %mul3A_1 = arith.constant 1024 : i32
    %mul3A_2 = arith.muli %add3A, %mul3A_1 : i32
    %add3A_3 = arith.constant 0 : i32
    %add3A_4 = arith.addi %mul3A_2, %add3A_3 : i32
    "tpu.region"() ({
      %run_scoped3A = tpu.sem_alloc : memref<!tpu.dma_semaphore, #tpu.memory_space<semaphore_mem>>
      %dma_start3A_33 = tpu.memref_slice %arg3[%add3A_4] : memref<32768xi32, #tpu.memory_space<hbm>> -> memref<256xi32, #tpu.memory_space<hbm>>
      %dma_start3A_34 = tpu.memref_slice %arg3[%add3A_4] : memref<32768xi32, #tpu.memory_space<hbm>> -> memref<256xi32, #tpu.memory_space<hbm>>
      tpu.enqueue_dma source(%dma_start3A_34 : memref<256xi32, #tpu.memory_space<hbm>>) target(%arg5 : memref<256xi32, #tpu.memory_space<vmem>>) target_semaphore(%run_scoped3A : memref<!tpu.dma_semaphore, #tpu.memory_space<semaphore_mem>>)
      %dma_wait3A_35 = tpu.memref_slice %arg3[%add3A_4] : memref<32768xi32, #tpu.memory_space<hbm>> -> memref<256xi32, #tpu.memory_space<hbm>>
      %dma_wait3A_36 = tpu.memref_slice %arg3[%add3A_4] : memref<32768xi32, #tpu.memory_space<hbm>> -> memref<256xi32, #tpu.memory_space<hbm>>
      tpu.wait_dma2 semaphore(%run_scoped3A : memref<!tpu.dma_semaphore, #tpu.memory_space<semaphore_mem>>) src(%dma_wait3A_36 : memref<256xi32, #tpu.memory_space<hbm>>) dst(%arg5 : memref<256xi32, #tpu.memory_space<vmem>>)
      tpu.yield
    }) : () -> ()
    %dma_start3A = arith.constant 0 : i32
    %dma_start3A_5 = arith.constant 0 : i32
    %dma_start3A_6 = tpu.memref_slice %arg2[%dma_start3A, %dma_start3A_5] : memref<8192x128xf32, #tpu.memory_space<hbm>> -> memref<8192x128xf32, #tpu.memory_space<hbm>>
    tpu.enqueue_indirect_dma source(%dma_start3A_6 : memref<8192x128xf32, #tpu.memory_space<hbm>>) target(%arg6 : memref<256x128xf32, #tpu.memory_space<vmem>>) offsets(%arg5 : memref<256xi32, #tpu.memory_space<vmem>>) semaphore(%arg7 : memref<!tpu.dma_semaphore, #tpu.memory_space<semaphore_mem>>)
    %dma_wait3A = arith.constant 0 : i32
    %dma_wait3A_7 = arith.constant 0 : i32
    %dma_wait3A_8 = tpu.memref_slice %arg2[%dma_wait3A, %dma_wait3A_7] : memref<8192x128xf32, #tpu.memory_space<hbm>> -> memref<8192x128xf32, #tpu.memory_space<hbm>>
    tpu.wait_indirect_dma semaphore(%arg7 : memref<!tpu.dma_semaphore, #tpu.memory_space<semaphore_mem>>) src(%dma_wait3A_8 : memref<8192x128xf32, #tpu.memory_space<hbm>>) dst(%arg6 : memref<256x128xf32, #tpu.memory_space<vmem>>)
    "tpu.region"() ({
      %run_scoped3A = tpu.sem_alloc : memref<!tpu.dma_semaphore, #tpu.memory_space<semaphore_mem>>
      %dma_start3A_33 = arith.constant 0 : i32
      %dma_start3A_34 = tpu.memref_slice %arg4[%add3A_4, %dma_start3A_33] : memref<32768x128xf32, #tpu.memory_space<hbm>> -> memref<256x128xf32, #tpu.memory_space<hbm>>
      %dma_start3A_35 = arith.constant 0 : i32
      %dma_start3A_36 = tpu.memref_slice %arg4[%add3A_4, %dma_start3A_35] : memref<32768x128xf32, #tpu.memory_space<hbm>> -> memref<256x128xf32, #tpu.memory_space<hbm>>
      tpu.enqueue_dma source(%arg6 : memref<256x128xf32, #tpu.memory_space<vmem>>) target(%dma_start3A_36 : memref<256x128xf32, #tpu.memory_space<hbm>>) target_semaphore(%run_scoped3A : memref<!tpu.dma_semaphore, #tpu.memory_space<semaphore_mem>>)
      %dma_wait3A_37 = arith.constant 0 : i32
      %dma_wait3A_38 = tpu.memref_slice %arg4[%add3A_4, %dma_wait3A_37] : memref<32768x128xf32, #tpu.memory_space<hbm>> -> memref<256x128xf32, #tpu.memory_space<hbm>>
      %dma_wait3A_39 = arith.constant 0 : i32
      %dma_wait3A_40 = tpu.memref_slice %arg4[%add3A_4, %dma_wait3A_39] : memref<32768x128xf32, #tpu.memory_space<hbm>> -> memref<256x128xf32, #tpu.memory_space<hbm>>
      tpu.wait_dma2 semaphore(%run_scoped3A : memref<!tpu.dma_semaphore, #tpu.memory_space<semaphore_mem>>) src(%arg6 : memref<256x128xf32, #tpu.memory_space<vmem>>) dst(%dma_wait3A_40 : memref<256x128xf32, #tpu.memory_space<hbm>>)
      tpu.yield
    }) : () -> ()
    %add3A_9 = arith.constant 256 : i32
    %add3A_10 = arith.addi %mul3A_2, %add3A_9 : i32
    "tpu.region"() ({
      %run_scoped3A = tpu.sem_alloc : memref<!tpu.dma_semaphore, #tpu.memory_space<semaphore_mem>>
      %dma_start3A_33 = tpu.memref_slice %arg3[%add3A_10] : memref<32768xi32, #tpu.memory_space<hbm>> -> memref<256xi32, #tpu.memory_space<hbm>>
      %dma_start3A_34 = tpu.memref_slice %arg3[%add3A_10] : memref<32768xi32, #tpu.memory_space<hbm>> -> memref<256xi32, #tpu.memory_space<hbm>>
      tpu.enqueue_dma source(%dma_start3A_34 : memref<256xi32, #tpu.memory_space<hbm>>) target(%arg5 : memref<256xi32, #tpu.memory_space<vmem>>) target_semaphore(%run_scoped3A : memref<!tpu.dma_semaphore, #tpu.memory_space<semaphore_mem>>)
      %dma_wait3A_35 = tpu.memref_slice %arg3[%add3A_10] : memref<32768xi32, #tpu.memory_space<hbm>> -> memref<256xi32, #tpu.memory_space<hbm>>
      %dma_wait3A_36 = tpu.memref_slice %arg3[%add3A_10] : memref<32768xi32, #tpu.memory_space<hbm>> -> memref<256xi32, #tpu.memory_space<hbm>>
      tpu.wait_dma2 semaphore(%run_scoped3A : memref<!tpu.dma_semaphore, #tpu.memory_space<semaphore_mem>>) src(%dma_wait3A_36 : memref<256xi32, #tpu.memory_space<hbm>>) dst(%arg5 : memref<256xi32, #tpu.memory_space<vmem>>)
      tpu.yield
    }) : () -> ()
    %dma_start3A_11 = arith.constant 0 : i32
    %dma_start3A_12 = arith.constant 0 : i32
    %dma_start3A_13 = tpu.memref_slice %arg2[%dma_start3A_11, %dma_start3A_12] : memref<8192x128xf32, #tpu.memory_space<hbm>> -> memref<8192x128xf32, #tpu.memory_space<hbm>>
    tpu.enqueue_indirect_dma source(%dma_start3A_13 : memref<8192x128xf32, #tpu.memory_space<hbm>>) target(%arg6 : memref<256x128xf32, #tpu.memory_space<vmem>>) offsets(%arg5 : memref<256xi32, #tpu.memory_space<vmem>>) semaphore(%arg7 : memref<!tpu.dma_semaphore, #tpu.memory_space<semaphore_mem>>)
    %dma_wait3A_14 = arith.constant 0 : i32
    %dma_wait3A_15 = arith.constant 0 : i32
    %dma_wait3A_16 = tpu.memref_slice %arg2[%dma_wait3A_14, %dma_wait3A_15] : memref<8192x128xf32, #tpu.memory_space<hbm>> -> memref<8192x128xf32, #tpu.memory_space<hbm>>
    tpu.wait_indirect_dma semaphore(%arg7 : memref<!tpu.dma_semaphore, #tpu.memory_space<semaphore_mem>>) src(%dma_wait3A_16 : memref<8192x128xf32, #tpu.memory_space<hbm>>) dst(%arg6 : memref<256x128xf32, #tpu.memory_space<vmem>>)
    "tpu.region"() ({
      %run_scoped3A = tpu.sem_alloc : memref<!tpu.dma_semaphore, #tpu.memory_space<semaphore_mem>>
      %dma_start3A_33 = arith.constant 0 : i32
      %dma_start3A_34 = tpu.memref_slice %arg4[%add3A_10, %dma_start3A_33] : memref<32768x128xf32, #tpu.memory_space<hbm>> -> memref<256x128xf32, #tpu.memory_space<hbm>>
      %dma_start3A_35 = arith.constant 0 : i32
      %dma_start3A_36 = tpu.memref_slice %arg4[%add3A_10, %dma_start3A_35] : memref<32768x128xf32, #tpu.memory_space<hbm>> -> memref<256x128xf32, #tpu.memory_space<hbm>>
      tpu.enqueue_dma source(%arg6 : memref<256x128xf32, #tpu.memory_space<vmem>>) target(%dma_start3A_36 : memref<256x128xf32, #tpu.memory_space<hbm>>) target_semaphore(%run_scoped3A : memref<!tpu.dma_semaphore, #tpu.memory_space<semaphore_mem>>)
      %dma_wait3A_37 = arith.constant 0 : i32
      %dma_wait3A_38 = tpu.memref_slice %arg4[%add3A_10, %dma_wait3A_37] : memref<32768x128xf32, #tpu.memory_space<hbm>> -> memref<256x128xf32, #tpu.memory_space<hbm>>
      %dma_wait3A_39 = arith.constant 0 : i32
      %dma_wait3A_40 = tpu.memref_slice %arg4[%add3A_10, %dma_wait3A_39] : memref<32768x128xf32, #tpu.memory_space<hbm>> -> memref<256x128xf32, #tpu.memory_space<hbm>>
      tpu.wait_dma2 semaphore(%run_scoped3A : memref<!tpu.dma_semaphore, #tpu.memory_space<semaphore_mem>>) src(%arg6 : memref<256x128xf32, #tpu.memory_space<vmem>>) dst(%dma_wait3A_40 : memref<256x128xf32, #tpu.memory_space<hbm>>)
      tpu.yield
    }) : () -> ()
    %add3A_17 = arith.constant 512 : i32
    %add3A_18 = arith.addi %mul3A_2, %add3A_17 : i32
    "tpu.region"() ({
      %run_scoped3A = tpu.sem_alloc : memref<!tpu.dma_semaphore, #tpu.memory_space<semaphore_mem>>
      %dma_start3A_33 = tpu.memref_slice %arg3[%add3A_18] : memref<32768xi32, #tpu.memory_space<hbm>> -> memref<256xi32, #tpu.memory_space<hbm>>
      %dma_start3A_34 = tpu.memref_slice %arg3[%add3A_18] : memref<32768xi32, #tpu.memory_space<hbm>> -> memref<256xi32, #tpu.memory_space<hbm>>
      tpu.enqueue_dma source(%dma_start3A_34 : memref<256xi32, #tpu.memory_space<hbm>>) target(%arg5 : memref<256xi32, #tpu.memory_space<vmem>>) target_semaphore(%run_scoped3A : memref<!tpu.dma_semaphore, #tpu.memory_space<semaphore_mem>>)
      %dma_wait3A_35 = tpu.memref_slice %arg3[%add3A_18] : memref<32768xi32, #tpu.memory_space<hbm>> -> memref<256xi32, #tpu.memory_space<hbm>>
      %dma_wait3A_36 = tpu.memref_slice %arg3[%add3A_18] : memref<32768xi32, #tpu.memory_space<hbm>> -> memref<256xi32, #tpu.memory_space<hbm>>
      tpu.wait_dma2 semaphore(%run_scoped3A : memref<!tpu.dma_semaphore, #tpu.memory_space<semaphore_mem>>) src(%dma_wait3A_36 : memref<256xi32, #tpu.memory_space<hbm>>) dst(%arg5 : memref<256xi32, #tpu.memory_space<vmem>>)
      tpu.yield
    }) : () -> ()
    %dma_start3A_19 = arith.constant 0 : i32
    %dma_start3A_20 = arith.constant 0 : i32
    %dma_start3A_21 = tpu.memref_slice %arg2[%dma_start3A_19, %dma_start3A_20] : memref<8192x128xf32, #tpu.memory_space<hbm>> -> memref<8192x128xf32, #tpu.memory_space<hbm>>
    tpu.enqueue_indirect_dma source(%dma_start3A_21 : memref<8192x128xf32, #tpu.memory_space<hbm>>) target(%arg6 : memref<256x128xf32, #tpu.memory_space<vmem>>) offsets(%arg5 : memref<256xi32, #tpu.memory_space<vmem>>) semaphore(%arg7 : memref<!tpu.dma_semaphore, #tpu.memory_space<semaphore_mem>>)
    %dma_wait3A_22 = arith.constant 0 : i32
    %dma_wait3A_23 = arith.constant 0 : i32
    %dma_wait3A_24 = tpu.memref_slice %arg2[%dma_wait3A_22, %dma_wait3A_23] : memref<8192x128xf32, #tpu.memory_space<hbm>> -> memref<8192x128xf32, #tpu.memory_space<hbm>>
    tpu.wait_indirect_dma semaphore(%arg7 : memref<!tpu.dma_semaphore, #tpu.memory_space<semaphore_mem>>) src(%dma_wait3A_24 : memref<8192x128xf32, #tpu.memory_space<hbm>>) dst(%arg6 : memref<256x128xf32, #tpu.memory_space<vmem>>)
    "tpu.region"() ({
      %run_scoped3A = tpu.sem_alloc : memref<!tpu.dma_semaphore, #tpu.memory_space<semaphore_mem>>
      %dma_start3A_33 = arith.constant 0 : i32
      %dma_start3A_34 = tpu.memref_slice %arg4[%add3A_18, %dma_start3A_33] : memref<32768x128xf32, #tpu.memory_space<hbm>> -> memref<256x128xf32, #tpu.memory_space<hbm>>
      %dma_start3A_35 = arith.constant 0 : i32
      %dma_start3A_36 = tpu.memref_slice %arg4[%add3A_18, %dma_start3A_35] : memref<32768x128xf32, #tpu.memory_space<hbm>> -> memref<256x128xf32, #tpu.memory_space<hbm>>
      tpu.enqueue_dma source(%arg6 : memref<256x128xf32, #tpu.memory_space<vmem>>) target(%dma_start3A_36 : memref<256x128xf32, #tpu.memory_space<hbm>>) target_semaphore(%run_scoped3A : memref<!tpu.dma_semaphore, #tpu.memory_space<semaphore_mem>>)
      %dma_wait3A_37 = arith.constant 0 : i32
      %dma_wait3A_38 = tpu.memref_slice %arg4[%add3A_18, %dma_wait3A_37] : memref<32768x128xf32, #tpu.memory_space<hbm>> -> memref<256x128xf32, #tpu.memory_space<hbm>>
      %dma_wait3A_39 = arith.constant 0 : i32
      %dma_wait3A_40 = tpu.memref_slice %arg4[%add3A_18, %dma_wait3A_39] : memref<32768x128xf32, #tpu.memory_space<hbm>> -> memref<256x128xf32, #tpu.memory_space<hbm>>
      tpu.wait_dma2 semaphore(%run_scoped3A : memref<!tpu.dma_semaphore, #tpu.memory_space<semaphore_mem>>) src(%arg6 : memref<256x128xf32, #tpu.memory_space<vmem>>) dst(%dma_wait3A_40 : memref<256x128xf32, #tpu.memory_space<hbm>>)
      tpu.yield
    }) : () -> ()
    %add3A_25 = arith.constant 768 : i32
    %add3A_26 = arith.addi %mul3A_2, %add3A_25 : i32
    "tpu.region"() ({
      %run_scoped3A = tpu.sem_alloc : memref<!tpu.dma_semaphore, #tpu.memory_space<semaphore_mem>>
      %dma_start3A_33 = tpu.memref_slice %arg3[%add3A_26] : memref<32768xi32, #tpu.memory_space<hbm>> -> memref<256xi32, #tpu.memory_space<hbm>>
      %dma_start3A_34 = tpu.memref_slice %arg3[%add3A_26] : memref<32768xi32, #tpu.memory_space<hbm>> -> memref<256xi32, #tpu.memory_space<hbm>>
      tpu.enqueue_dma source(%dma_start3A_34 : memref<256xi32, #tpu.memory_space<hbm>>) target(%arg5 : memref<256xi32, #tpu.memory_space<vmem>>) target_semaphore(%run_scoped3A : memref<!tpu.dma_semaphore, #tpu.memory_space<semaphore_mem>>)
      %dma_wait3A_35 = tpu.memref_slice %arg3[%add3A_26] : memref<32768xi32, #tpu.memory_space<hbm>> -> memref<256xi32, #tpu.memory_space<hbm>>
      %dma_wait3A_36 = tpu.memref_slice %arg3[%add3A_26] : memref<32768xi32, #tpu.memory_space<hbm>> -> memref<256xi32, #tpu.memory_space<hbm>>
      tpu.wait_dma2 semaphore(%run_scoped3A : memref<!tpu.dma_semaphore, #tpu.memory_space<semaphore_mem>>) src(%dma_wait3A_36 : memref<256xi32, #tpu.memory_space<hbm>>) dst(%arg5 : memref<256xi32, #tpu.memory_space<vmem>>)
      tpu.yield
    }) : () -> ()
    %dma_start3A_27 = arith.constant 0 : i32
    %dma_start3A_28 = arith.constant 0 : i32
    %dma_start3A_29 = tpu.memref_slice %arg2[%dma_start3A_27, %dma_start3A_28] : memref<8192x128xf32, #tpu.memory_space<hbm>> -> memref<8192x128xf32, #tpu.memory_space<hbm>>
    tpu.enqueue_indirect_dma source(%dma_start3A_29 : memref<8192x128xf32, #tpu.memory_space<hbm>>) target(%arg6 : memref<256x128xf32, #tpu.memory_space<vmem>>) offsets(%arg5 : memref<256xi32, #tpu.memory_space<vmem>>) semaphore(%arg7 : memref<!tpu.dma_semaphore, #tpu.memory_space<semaphore_mem>>)
    %dma_wait3A_30 = arith.constant 0 : i32
    %dma_wait3A_31 = arith.constant 0 : i32
    %dma_wait3A_32 = tpu.memref_slice %arg2[%dma_wait3A_30, %dma_wait3A_31] : memref<8192x128xf32, #tpu.memory_space<hbm>> -> memref<8192x128xf32, #tpu.memory_space<hbm>>
    tpu.wait_indirect_dma semaphore(%arg7 : memref<!tpu.dma_semaphore, #tpu.memory_space<semaphore_mem>>) src(%dma_wait3A_32 : memref<8192x128xf32, #tpu.memory_space<hbm>>) dst(%arg6 : memref<256x128xf32, #tpu.memory_space<vmem>>)
    "tpu.region"() ({
      %run_scoped3A = tpu.sem_alloc : memref<!tpu.dma_semaphore, #tpu.memory_space<semaphore_mem>>
      %dma_start3A_33 = arith.constant 0 : i32
      %dma_start3A_34 = tpu.memref_slice %arg4[%add3A_26, %dma_start3A_33] : memref<32768x128xf32, #tpu.memory_space<hbm>> -> memref<256x128xf32, #tpu.memory_space<hbm>>
      %dma_start3A_35 = arith.constant 0 : i32
      %dma_start3A_36 = tpu.memref_slice %arg4[%add3A_26, %dma_start3A_35] : memref<32768x128xf32, #tpu.memory_space<hbm>> -> memref<256x128xf32, #tpu.memory_space<hbm>>
      tpu.enqueue_dma source(%arg6 : memref<256x128xf32, #tpu.memory_space<vmem>>) target(%dma_start3A_36 : memref<256x128xf32, #tpu.memory_space<hbm>>) target_semaphore(%run_scoped3A : memref<!tpu.dma_semaphore, #tpu.memory_space<semaphore_mem>>)
      %dma_wait3A_37 = arith.constant 0 : i32
      %dma_wait3A_38 = tpu.memref_slice %arg4[%add3A_26, %dma_wait3A_37] : memref<32768x128xf32, #tpu.memory_space<hbm>> -> memref<256x128xf32, #tpu.memory_space<hbm>>
      %dma_wait3A_39 = arith.constant 0 : i32
      %dma_wait3A_40 = tpu.memref_slice %arg4[%add3A_26, %dma_wait3A_39] : memref<32768x128xf32, #tpu.memory_space<hbm>> -> memref<256x128xf32, #tpu.memory_space<hbm>>
      tpu.wait_dma2 semaphore(%run_scoped3A : memref<!tpu.dma_semaphore, #tpu.memory_space<semaphore_mem>>) src(%arg6 : memref<256x128xf32, #tpu.memory_space<vmem>>) dst(%dma_wait3A_40 : memref<256x128xf32, #tpu.memory_space<hbm>>)
      tpu.yield
    }) : () -> ()
    return
  }
}

#map = affine_map<(d0, d1) -> (0, 0)>
#map1 = affine_map<(d0, d1) -> (0)>
module attributes {stable_mosaic.version = 14 : i64} {
  func.func @k(%arg0: i32, %arg1: i32, %arg2: memref<8192x128xf32, #tpu.memory_space<hbm>>, %arg3: memref<32768xi32, #tpu.memory_space<hbm>>, %arg4: memref<32768x128xf32, #tpu.memory_space<hbm>>, %arg5: memref<256xi32, #tpu.memory_space<vmem>>, %arg6: memref<256x128xf32, #tpu.memory_space<vmem>>, %arg7: memref<!tpu.dma_semaphore, #tpu.memory_space<semaphore_mem>>) attributes {dimension_semantics = [#tpu.dimension_semantics<core_parallel>, #tpu.dimension_semantics<subcore_parallel>], iteration_bounds = array<i64: 2, 16>, scalar_prefetch = 0 : i64, scratch_operands = 3 : i64, tpu.core_type = #tpu.core_type<sc_vector_subcore>, window_params = [{transform_indices = #map}, {transform_indices = #map1}, {transform_indices = #map}]} {
    %mul3A = arith.constant 2 : i32
    %mul3A_0 = arith.muli %arg1, %mul3A : i32
    %add3A = arith.addi %mul3A_0, %arg0 : i32
    %mul3A_1 = arith.constant 1024 : i32
    %mul3A_2 = arith.muli %add3A, %mul3A_1 : i32
    %add3A_3 = arith.constant 0 : i32
    %add3A_4 = arith.addi %mul3A_2, %add3A_3 : i32
    "tpu.region"() ({
      %run_scoped3A = tpu.sem_alloc : memref<!tpu.dma_semaphore, #tpu.memory_space<semaphore_mem>>
      %dma_start3A_33 = tpu.memref_slice %arg3[%add3A_4] : memref<32768xi32, #tpu.memory_space<hbm>> -> memref<256xi32, #tpu.memory_space<hbm>>
      %dma_start3A_34 = tpu.memref_slice %arg3[%add3A_4] : memref<32768xi32, #tpu.memory_space<hbm>> -> memref<256xi32, #tpu.memory_space<hbm>>
      tpu.enqueue_dma source(%dma_start3A_34 : memref<256xi32, #tpu.memory_space<hbm>>) target(%arg5 : memref<256xi32, #tpu.memory_space<vmem>>) target_semaphore(%run_scoped3A : memref<!tpu.dma_semaphore, #tpu.memory_space<semaphore_mem>>)
      %dma_wait3A_35 = tpu.memref_slice %arg3[%add3A_4] : memref<32768xi32, #tpu.memory_space<hbm>> -> memref<256xi32, #tpu.memory_space<hbm>>
      %dma_wait3A_36 = tpu.memref_slice %arg3[%add3A_4] : memref<32768xi32, #tpu.memory_space<hbm>> -> memref<256xi32, #tpu.memory_space<hbm>>
      tpu.wait_dma2 semaphore(%run_scoped3A : memref<!tpu.dma_semaphore, #tpu.memory_space<semaphore_mem>>) src(%dma_wait3A_36 : memref<256xi32, #tpu.memory_space<hbm>>) dst(%arg5 : memref<256xi32, #tpu.memory_space<vmem>>)
      tpu.yield
    }) : () -> ()
    %dma_start3A = arith.constant 0 : i32
    %dma_start3A_5 = arith.constant 0 : i32
    %dma_start3A_6 = tpu.memref_slice %arg2[%dma_start3A, %dma_start3A_5] : memref<8192x128xf32, #tpu.memory_space<hbm>> -> memref<8192x128xf32, #tpu.memory_space<hbm>>
    tpu.enqueue_indirect_dma source(%dma_start3A_6 : memref<8192x128xf32, #tpu.memory_space<hbm>>) target(%arg6 : memref<256x128xf32, #tpu.memory_space<vmem>>) offsets(%arg5 : memref<256xi32, #tpu.memory_space<vmem>>) semaphore(%arg7 : memref<!tpu.dma_semaphore, #tpu.memory_space<semaphore_mem>>)
    %dma_wait3A = arith.constant 0 : i32
    %dma_wait3A_7 = arith.constant 0 : i32
    %dma_wait3A_8 = tpu.memref_slice %arg2[%dma_wait3A, %dma_wait3A_7] : memref<8192x128xf32, #tpu.memory_space<hbm>> -> memref<8192x128xf32, #tpu.memory_space<hbm>>
    tpu.wait_indirect_dma semaphore(%arg7 : memref<!tpu.dma_semaphore, #tpu.memory_space<semaphore_mem>>) src(%dma_wait3A_8 : memref<8192x128xf32, #tpu.memory_space<hbm>>) dst(%arg6 : memref<256x128xf32, #tpu.memory_space<vmem>>)
    "tpu.region"() ({
      %run_scoped3A = tpu.sem_alloc : memref<!tpu.dma_semaphore, #tpu.memory_space<semaphore_mem>>
      %dma_start3A_33 = arith.constant 0 : i32
      %dma_start3A_34 = tpu.memref_slice %arg4[%add3A_4, %dma_start3A_33] : memref<32768x128xf32, #tpu.memory_space<hbm>> -> memref<256x128xf32, #tpu.memory_space<hbm>>
      %dma_start3A_35 = arith.constant 0 : i32
      %dma_start3A_36 = tpu.memref_slice %arg4[%add3A_4, %dma_start3A_35] : memref<32768x128xf32, #tpu.memory_space<hbm>> -> memref<256x128xf32, #tpu.memory_space<hbm>>
      tpu.enqueue_dma source(%arg6 : memref<256x128xf32, #tpu.memory_space<vmem>>) target(%dma_start3A_36 : memref<256x128xf32, #tpu.memory_space<hbm>>) target_semaphore(%run_scoped3A : memref<!tpu.dma_semaphore, #tpu.memory_space<semaphore_mem>>)
      %dma_wait3A_37 = arith.constant 0 : i32
      %dma_wait3A_38 = tpu.memref_slice %arg4[%add3A_4, %dma_wait3A_37] : memref<32768x128xf32, #tpu.memory_space<hbm>> -> memref<256x128xf32, #tpu.memory_space<hbm>>
      %dma_wait3A_39 = arith.constant 0 : i32
      %dma_wait3A_40 = tpu.memref_slice %arg4[%add3A_4, %dma_wait3A_39] : memref<32768x128xf32, #tpu.memory_space<hbm>> -> memref<256x128xf32, #tpu.memory_space<hbm>>
      tpu.wait_dma2 semaphore(%run_scoped3A : memref<!tpu.dma_semaphore, #tpu.memory_space<semaphore_mem>>) src(%arg6 : memref<256x128xf32, #tpu.memory_space<vmem>>) dst(%dma_wait3A_40 : memref<256x128xf32, #tpu.memory_space<hbm>>)
      tpu.yield
    }) : () -> ()
    %add3A_9 = arith.constant 256 : i32
    %add3A_10 = arith.addi %mul3A_2, %add3A_9 : i32
    "tpu.region"() ({
      %run_scoped3A = tpu.sem_alloc : memref<!tpu.dma_semaphore, #tpu.memory_space<semaphore_mem>>
      %dma_start3A_33 = tpu.memref_slice %arg3[%add3A_10] : memref<32768xi32, #tpu.memory_space<hbm>> -> memref<256xi32, #tpu.memory_space<hbm>>
      %dma_start3A_34 = tpu.memref_slice %arg3[%add3A_10] : memref<32768xi32, #tpu.memory_space<hbm>> -> memref<256xi32, #tpu.memory_space<hbm>>
      tpu.enqueue_dma source(%dma_start3A_34 : memref<256xi32, #tpu.memory_space<hbm>>) target(%arg5 : memref<256xi32, #tpu.memory_space<vmem>>) target_semaphore(%run_scoped3A : memref<!tpu.dma_semaphore, #tpu.memory_space<semaphore_mem>>)
      %dma_wait3A_35 = tpu.memref_slice %arg3[%add3A_10] : memref<32768xi32, #tpu.memory_space<hbm>> -> memref<256xi32, #tpu.memory_space<hbm>>
      %dma_wait3A_36 = tpu.memref_slice %arg3[%add3A_10] : memref<32768xi32, #tpu.memory_space<hbm>> -> memref<256xi32, #tpu.memory_space<hbm>>
      tpu.wait_dma2 semaphore(%run_scoped3A : memref<!tpu.dma_semaphore, #tpu.memory_space<semaphore_mem>>) src(%dma_wait3A_36 : memref<256xi32, #tpu.memory_space<hbm>>) dst(%arg5 : memref<256xi32, #tpu.memory_space<vmem>>)
      tpu.yield
    }) : () -> ()
    %dma_start3A_11 = arith.constant 0 : i32
    %dma_start3A_12 = arith.constant 0 : i32
    %dma_start3A_13 = tpu.memref_slice %arg2[%dma_start3A_11, %dma_start3A_12] : memref<8192x128xf32, #tpu.memory_space<hbm>> -> memref<8192x128xf32, #tpu.memory_space<hbm>>
    tpu.enqueue_indirect_dma source(%dma_start3A_13 : memref<8192x128xf32, #tpu.memory_space<hbm>>) target(%arg6 : memref<256x128xf32, #tpu.memory_space<vmem>>) offsets(%arg5 : memref<256xi32, #tpu.memory_space<vmem>>) semaphore(%arg7 : memref<!tpu.dma_semaphore, #tpu.memory_space<semaphore_mem>>)
    %dma_wait3A_14 = arith.constant 0 : i32
    %dma_wait3A_15 = arith.constant 0 : i32
    %dma_wait3A_16 = tpu.memref_slice %arg2[%dma_wait3A_14, %dma_wait3A_15] : memref<8192x128xf32, #tpu.memory_space<hbm>> -> memref<8192x128xf32, #tpu.memory_space<hbm>>
    tpu.wait_indirect_dma semaphore(%arg7 : memref<!tpu.dma_semaphore, #tpu.memory_space<semaphore_mem>>) src(%dma_wait3A_16 : memref<8192x128xf32, #tpu.memory_space<hbm>>) dst(%arg6 : memref<256x128xf32, #tpu.memory_space<vmem>>)
    "tpu.region"() ({
      %run_scoped3A = tpu.sem_alloc : memref<!tpu.dma_semaphore, #tpu.memory_space<semaphore_mem>>
      %dma_start3A_33 = arith.constant 0 : i32
      %dma_start3A_34 = tpu.memref_slice %arg4[%add3A_10, %dma_start3A_33] : memref<32768x128xf32, #tpu.memory_space<hbm>> -> memref<256x128xf32, #tpu.memory_space<hbm>>
      %dma_start3A_35 = arith.constant 0 : i32
      %dma_start3A_36 = tpu.memref_slice %arg4[%add3A_10, %dma_start3A_35] : memref<32768x128xf32, #tpu.memory_space<hbm>> -> memref<256x128xf32, #tpu.memory_space<hbm>>
      tpu.enqueue_dma source(%arg6 : memref<256x128xf32, #tpu.memory_space<vmem>>) target(%dma_start3A_36 : memref<256x128xf32, #tpu.memory_space<hbm>>) target_semaphore(%run_scoped3A : memref<!tpu.dma_semaphore, #tpu.memory_space<semaphore_mem>>)
      %dma_wait3A_37 = arith.constant 0 : i32
      %dma_wait3A_38 = tpu.memref_slice %arg4[%add3A_10, %dma_wait3A_37] : memref<32768x128xf32, #tpu.memory_space<hbm>> -> memref<256x128xf32, #tpu.memory_space<hbm>>
      %dma_wait3A_39 = arith.constant 0 : i32
      %dma_wait3A_40 = tpu.memref_slice %arg4[%add3A_10, %dma_wait3A_39] : memref<32768x128xf32, #tpu.memory_space<hbm>> -> memref<256x128xf32, #tpu.memory_space<hbm>>
      tpu.wait_dma2 semaphore(%run_scoped3A : memref<!tpu.dma_semaphore, #tpu.memory_space<semaphore_mem>>) src(%arg6 : memref<256x128xf32, #tpu.memory_space<vmem>>) dst(%dma_wait3A_40 : memref<256x128xf32, #tpu.memory_space<hbm>>)
      tpu.yield
    }) : () -> ()
    %add3A_17 = arith.constant 512 : i32
    %add3A_18 = arith.addi %mul3A_2, %add3A_17 : i32
    "tpu.region"() ({
      %run_scoped3A = tpu.sem_alloc : memref<!tpu.dma_semaphore, #tpu.memory_space<semaphore_mem>>
      %dma_start3A_33 = tpu.memref_slice %arg3[%add3A_18] : memref<32768xi32, #tpu.memory_space<hbm>> -> memref<256xi32, #tpu.memory_space<hbm>>
      %dma_start3A_34 = tpu.memref_slice %arg3[%add3A_18] : memref<32768xi32, #tpu.memory_space<hbm>> -> memref<256xi32, #tpu.memory_space<hbm>>
      tpu.enqueue_dma source(%dma_start3A_34 : memref<256xi32, #tpu.memory_space<hbm>>) target(%arg5 : memref<256xi32, #tpu.memory_space<vmem>>) target_semaphore(%run_scoped3A : memref<!tpu.dma_semaphore, #tpu.memory_space<semaphore_mem>>)
      %dma_wait3A_35 = tpu.memref_slice %arg3[%add3A_18] : memref<32768xi32, #tpu.memory_space<hbm>> -> memref<256xi32, #tpu.memory_space<hbm>>
      %dma_wait3A_36 = tpu.memref_slice %arg3[%add3A_18] : memref<32768xi32, #tpu.memory_space<hbm>> -> memref<256xi32, #tpu.memory_space<hbm>>
      tpu.wait_dma2 semaphore(%run_scoped3A : memref<!tpu.dma_semaphore, #tpu.memory_space<semaphore_mem>>) src(%dma_wait3A_36 : memref<256xi32, #tpu.memory_space<hbm>>) dst(%arg5 : memref<256xi32, #tpu.memory_space<vmem>>)
      tpu.yield
    }) : () -> ()
    %dma_start3A_19 = arith.constant 0 : i32
    %dma_start3A_20 = arith.constant 0 : i32
    %dma_start3A_21 = tpu.memref_slice %arg2[%dma_start3A_19, %dma_start3A_20] : memref<8192x128xf32, #tpu.memory_space<hbm>> -> memref<8192x128xf32, #tpu.memory_space<hbm>>
    tpu.enqueue_indirect_dma source(%dma_start3A_21 : memref<8192x128xf32, #tpu.memory_space<hbm>>) target(%arg6 : memref<256x128xf32, #tpu.memory_space<vmem>>) offsets(%arg5 : memref<256xi32, #tpu.memory_space<vmem>>) semaphore(%arg7 : memref<!tpu.dma_semaphore, #tpu.memory_space<semaphore_mem>>)
    %dma_wait3A_22 = arith.constant 0 : i32
    %dma_wait3A_23 = arith.constant 0 : i32
    %dma_wait3A_24 = tpu.memref_slice %arg2[%dma_wait3A_22, %dma_wait3A_23] : memref<8192x128xf32, #tpu.memory_space<hbm>> -> memref<8192x128xf32, #tpu.memory_space<hbm>>
    tpu.wait_indirect_dma semaphore(%arg7 : memref<!tpu.dma_semaphore, #tpu.memory_space<semaphore_mem>>) src(%dma_wait3A_24 : memref<8192x128xf32, #tpu.memory_space<hbm>>) dst(%arg6 : memref<256x128xf32, #tpu.memory_space<vmem>>)
    "tpu.region"() ({
      %run_scoped3A = tpu.sem_alloc : memref<!tpu.dma_semaphore, #tpu.memory_space<semaphore_mem>>
      %dma_start3A_33 = arith.constant 0 : i32
      %dma_start3A_34 = tpu.memref_slice %arg4[%add3A_18, %dma_start3A_33] : memref<32768x128xf32, #tpu.memory_space<hbm>> -> memref<256x128xf32, #tpu.memory_space<hbm>>
      %dma_start3A_35 = arith.constant 0 : i32
      %dma_start3A_36 = tpu.memref_slice %arg4[%add3A_18, %dma_start3A_35] : memref<32768x128xf32, #tpu.memory_space<hbm>> -> memref<256x128xf32, #tpu.memory_space<hbm>>
      tpu.enqueue_dma source(%arg6 : memref<256x128xf32, #tpu.memory_space<vmem>>) target(%dma_start3A_36 : memref<256x128xf32, #tpu.memory_space<hbm>>) target_semaphore(%run_scoped3A : memref<!tpu.dma_semaphore, #tpu.memory_space<semaphore_mem>>)
      %dma_wait3A_37 = arith.constant 0 : i32
      %dma_wait3A_38 = tpu.memref_slice %arg4[%add3A_18, %dma_wait3A_37] : memref<32768x128xf32, #tpu.memory_space<hbm>> -> memref<256x128xf32, #tpu.memory_space<hbm>>
      %dma_wait3A_39 = arith.constant 0 : i32
      %dma_wait3A_40 = tpu.memref_slice %arg4[%add3A_18, %dma_wait3A_39] : memref<32768x128xf32, #tpu.memory_space<hbm>> -> memref<256x128xf32, #tpu.memory_space<hbm>>
      tpu.wait_dma2 semaphore(%run_scoped3A : memref<!tpu.dma_semaphore, #tpu.memory_space<semaphore_mem>>) src(%arg6 : memref<256x128xf32, #tpu.memory_space<vmem>>) dst(%dma_wait3A_40 : memref<256x128xf32, #tpu.memory_space<hbm>>)
      tpu.yield
    }) : () -> ()
    %add3A_25 = arith.constant 768 : i32
    %add3A_26 = arith.addi %mul3A_2, %add3A_25 : i32
    "tpu.region"() ({
      %run_scoped3A = tpu.sem_alloc : memref<!tpu.dma_semaphore, #tpu.memory_space<semaphore_mem>>
      %dma_start3A_33 = tpu.memref_slice %arg3[%add3A_26] : memref<32768xi32, #tpu.memory_space<hbm>> -> memref<256xi32, #tpu.memory_space<hbm>>
      %dma_start3A_34 = tpu.memref_slice %arg3[%add3A_26] : memref<32768xi32, #tpu.memory_space<hbm>> -> memref<256xi32, #tpu.memory_space<hbm>>
      tpu.enqueue_dma source(%dma_start3A_34 : memref<256xi32, #tpu.memory_space<hbm>>) target(%arg5 : memref<256xi32, #tpu.memory_space<vmem>>) target_semaphore(%run_scoped3A : memref<!tpu.dma_semaphore, #tpu.memory_space<semaphore_mem>>)
      %dma_wait3A_35 = tpu.memref_slice %arg3[%add3A_26] : memref<32768xi32, #tpu.memory_space<hbm>> -> memref<256xi32, #tpu.memory_space<hbm>>
      %dma_wait3A_36 = tpu.memref_slice %arg3[%add3A_26] : memref<32768xi32, #tpu.memory_space<hbm>> -> memref<256xi32, #tpu.memory_space<hbm>>
      tpu.wait_dma2 semaphore(%run_scoped3A : memref<!tpu.dma_semaphore, #tpu.memory_space<semaphore_mem>>) src(%dma_wait3A_36 : memref<256xi32, #tpu.memory_space<hbm>>) dst(%arg5 : memref<256xi32, #tpu.memory_space<vmem>>)
      tpu.yield
    }) : () -> ()
    %dma_start3A_27 = arith.constant 0 : i32
    %dma_start3A_28 = arith.constant 0 : i32
    %dma_start3A_29 = tpu.memref_slice %arg2[%dma_start3A_27, %dma_start3A_28] : memref<8192x128xf32, #tpu.memory_space<hbm>> -> memref<8192x128xf32, #tpu.memory_space<hbm>>
    tpu.enqueue_indirect_dma source(%dma_start3A_29 : memref<8192x128xf32, #tpu.memory_space<hbm>>) target(%arg6 : memref<256x128xf32, #tpu.memory_space<vmem>>) offsets(%arg5 : memref<256xi32, #tpu.memory_space<vmem>>) semaphore(%arg7 : memref<!tpu.dma_semaphore, #tpu.memory_space<semaphore_mem>>)
    %dma_wait3A_30 = arith.constant 0 : i32
    %dma_wait3A_31 = arith.constant 0 : i32
    %dma_wait3A_32 = tpu.memref_slice %arg2[%dma_wait3A_30, %dma_wait3A_31] : memref<8192x128xf32, #tpu.memory_space<hbm>> -> memref<8192x128xf32, #tpu.memory_space<hbm>>
    tpu.wait_indirect_dma semaphore(%arg7 : memref<!tpu.dma_semaphore, #tpu.memory_space<semaphore_mem>>) src(%dma_wait3A_32 : memref<8192x128xf32, #tpu.memory_space<hbm>>) dst(%arg6 : memref<256x128xf32, #tpu.memory_space<vmem>>)
    "tpu.region"() ({
      %run_scoped3A = tpu.sem_alloc : memref<!tpu.dma_semaphore, #tpu.memory_space<semaphore_mem>>
      %dma_start3A_33 = arith.constant 0 : i32
      %dma_start3A_34 = tpu.memref_slice %arg4[%add3A_26, %dma_start3A_33] : memref<32768x128xf32, #tpu.memory_space<hbm>> -> memref<256x128xf32, #tpu.memory_space<hbm>>
      %dma_start3A_35 = arith.constant 0 : i32
      %dma_start3A_36 = tpu.memref_slice %arg4[%add3A_26, %dma_start3A_35] : memref<32768x128xf32, #tpu.memory_space<hbm>> -> memref<256x128xf32, #tpu.memory_space<hbm>>
      tpu.enqueue_dma source(%arg6 : memref<256x128xf32, #tpu.memory_space<vmem>>) target(%dma_start3A_36 : memref<256x128xf32, #tpu.memory_space<hbm>>) target_semaphore(%run_scoped3A : memref<!tpu.dma_semaphore, #tpu.memory_space<semaphore_mem>>)
      %dma_wait3A_37 = arith.constant 0 : i32
      %dma_wait3A_38 = tpu.memref_slice %arg4[%add3A_26, %dma_wait3A_37] : memref<32768x128xf32, #tpu.memory_space<hbm>> -> memref<256x128xf32, #tpu.memory_space<hbm>>
      %dma_wait3A_39 = arith.constant 0 : i32
      %dma_wait3A_40 = tpu.memref_slice %arg4[%add3A_26, %dma_wait3A_39] : memref<32768x128xf32, #tpu.memory_space<hbm>> -> memref<256x128xf32, #tpu.memory_space<hbm>>
      tpu.wait_dma2 semaphore(%run_scoped3A : memref<!tpu.dma_semaphore, #tpu.memory_space<semaphore_mem>>) src(%arg6 : memref<256x128xf32, #tpu.memory_space<vmem>>) dst(%dma_wait3A_40 : memref<256x128xf32, #tpu.memory_space<hbm>>)
      tpu.yield
    }) : () -> ()
    return
  }
}

#map = affine_map<(d0, d1) -> (0, 0)>
#map1 = affine_map<(d0, d1) -> (0)>
module attributes {stable_mosaic.version = 14 : i64} {
  func.func @k(%arg0: i32, %arg1: i32, %arg2: memref<8192x128xf32, #tpu.memory_space<hbm>>, %arg3: memref<32768xi32, #tpu.memory_space<hbm>>, %arg4: memref<32768x128xf32, #tpu.memory_space<hbm>>, %arg5: memref<256xi32, #tpu.memory_space<vmem>>, %arg6: memref<256x128xf32, #tpu.memory_space<vmem>>, %arg7: memref<!tpu.dma_semaphore, #tpu.memory_space<semaphore_mem>>) attributes {dimension_semantics = [#tpu.dimension_semantics<core_parallel>, #tpu.dimension_semantics<subcore_parallel>], iteration_bounds = array<i64: 2, 16>, scalar_prefetch = 0 : i64, scratch_operands = 3 : i64, tpu.core_type = #tpu.core_type<sc_vector_subcore>, window_params = [{transform_indices = #map}, {transform_indices = #map1}, {transform_indices = #map}]} {
    %mul3A = arith.constant 2 : i32
    %mul3A_0 = arith.muli %arg1, %mul3A : i32
    %add3A = arith.addi %mul3A_0, %arg0 : i32
    %mul3A_1 = arith.constant 1024 : i32
    %mul3A_2 = arith.muli %add3A, %mul3A_1 : i32
    %add3A_3 = arith.constant 0 : i32
    %add3A_4 = arith.addi %mul3A_2, %add3A_3 : i32
    "tpu.region"() ({
      %run_scoped3A = tpu.sem_alloc : memref<!tpu.dma_semaphore, #tpu.memory_space<semaphore_mem>>
      %dma_start3A_33 = tpu.memref_slice %arg3[%add3A_4] : memref<32768xi32, #tpu.memory_space<hbm>> -> memref<256xi32, #tpu.memory_space<hbm>>
      %dma_start3A_34 = tpu.memref_slice %arg3[%add3A_4] : memref<32768xi32, #tpu.memory_space<hbm>> -> memref<256xi32, #tpu.memory_space<hbm>>
      tpu.enqueue_dma source(%dma_start3A_34 : memref<256xi32, #tpu.memory_space<hbm>>) target(%arg5 : memref<256xi32, #tpu.memory_space<vmem>>) target_semaphore(%run_scoped3A : memref<!tpu.dma_semaphore, #tpu.memory_space<semaphore_mem>>)
      %dma_wait3A_35 = tpu.memref_slice %arg3[%add3A_4] : memref<32768xi32, #tpu.memory_space<hbm>> -> memref<256xi32, #tpu.memory_space<hbm>>
      %dma_wait3A_36 = tpu.memref_slice %arg3[%add3A_4] : memref<32768xi32, #tpu.memory_space<hbm>> -> memref<256xi32, #tpu.memory_space<hbm>>
      tpu.wait_dma2 semaphore(%run_scoped3A : memref<!tpu.dma_semaphore, #tpu.memory_space<semaphore_mem>>) src(%dma_wait3A_36 : memref<256xi32, #tpu.memory_space<hbm>>) dst(%arg5 : memref<256xi32, #tpu.memory_space<vmem>>)
      tpu.yield
    }) : () -> ()
    %dma_start3A = arith.constant 0 : i32
    %dma_start3A_5 = arith.constant 0 : i32
    %dma_start3A_6 = tpu.memref_slice %arg2[%dma_start3A, %dma_start3A_5] : memref<8192x128xf32, #tpu.memory_space<hbm>> -> memref<8192x128xf32, #tpu.memory_space<hbm>>
    tpu.enqueue_indirect_dma source(%dma_start3A_6 : memref<8192x128xf32, #tpu.memory_space<hbm>>) target(%arg6 : memref<256x128xf32, #tpu.memory_space<vmem>>) offsets(%arg5 : memref<256xi32, #tpu.memory_space<vmem>>) semaphore(%arg7 : memref<!tpu.dma_semaphore, #tpu.memory_space<semaphore_mem>>)
    %dma_wait3A = arith.constant 0 : i32
    %dma_wait3A_7 = arith.constant 0 : i32
    %dma_wait3A_8 = tpu.memref_slice %arg2[%dma_wait3A, %dma_wait3A_7] : memref<8192x128xf32, #tpu.memory_space<hbm>> -> memref<8192x128xf32, #tpu.memory_space<hbm>>
    tpu.wait_indirect_dma semaphore(%arg7 : memref<!tpu.dma_semaphore, #tpu.memory_space<semaphore_mem>>) src(%dma_wait3A_8 : memref<8192x128xf32, #tpu.memory_space<hbm>>) dst(%arg6 : memref<256x128xf32, #tpu.memory_space<vmem>>)
    "tpu.region"() ({
      %run_scoped3A = tpu.sem_alloc : memref<!tpu.dma_semaphore, #tpu.memory_space<semaphore_mem>>
      %dma_start3A_33 = arith.constant 0 : i32
      %dma_start3A_34 = tpu.memref_slice %arg4[%add3A_4, %dma_start3A_33] : memref<32768x128xf32, #tpu.memory_space<hbm>> -> memref<256x128xf32, #tpu.memory_space<hbm>>
      %dma_start3A_35 = arith.constant 0 : i32
      %dma_start3A_36 = tpu.memref_slice %arg4[%add3A_4, %dma_start3A_35] : memref<32768x128xf32, #tpu.memory_space<hbm>> -> memref<256x128xf32, #tpu.memory_space<hbm>>
      tpu.enqueue_dma source(%arg6 : memref<256x128xf32, #tpu.memory_space<vmem>>) target(%dma_start3A_36 : memref<256x128xf32, #tpu.memory_space<hbm>>) target_semaphore(%run_scoped3A : memref<!tpu.dma_semaphore, #tpu.memory_space<semaphore_mem>>)
      %dma_wait3A_37 = arith.constant 0 : i32
      %dma_wait3A_38 = tpu.memref_slice %arg4[%add3A_4, %dma_wait3A_37] : memref<32768x128xf32, #tpu.memory_space<hbm>> -> memref<256x128xf32, #tpu.memory_space<hbm>>
      %dma_wait3A_39 = arith.constant 0 : i32
      %dma_wait3A_40 = tpu.memref_slice %arg4[%add3A_4, %dma_wait3A_39] : memref<32768x128xf32, #tpu.memory_space<hbm>> -> memref<256x128xf32, #tpu.memory_space<hbm>>
      tpu.wait_dma2 semaphore(%run_scoped3A : memref<!tpu.dma_semaphore, #tpu.memory_space<semaphore_mem>>) src(%arg6 : memref<256x128xf32, #tpu.memory_space<vmem>>) dst(%dma_wait3A_40 : memref<256x128xf32, #tpu.memory_space<hbm>>)
      tpu.yield
    }) : () -> ()
    %add3A_9 = arith.constant 256 : i32
    %add3A_10 = arith.addi %mul3A_2, %add3A_9 : i32
    "tpu.region"() ({
      %run_scoped3A = tpu.sem_alloc : memref<!tpu.dma_semaphore, #tpu.memory_space<semaphore_mem>>
      %dma_start3A_33 = tpu.memref_slice %arg3[%add3A_10] : memref<32768xi32, #tpu.memory_space<hbm>> -> memref<256xi32, #tpu.memory_space<hbm>>
      %dma_start3A_34 = tpu.memref_slice %arg3[%add3A_10] : memref<32768xi32, #tpu.memory_space<hbm>> -> memref<256xi32, #tpu.memory_space<hbm>>
      tpu.enqueue_dma source(%dma_start3A_34 : memref<256xi32, #tpu.memory_space<hbm>>) target(%arg5 : memref<256xi32, #tpu.memory_space<vmem>>) target_semaphore(%run_scoped3A : memref<!tpu.dma_semaphore, #tpu.memory_space<semaphore_mem>>)
      %dma_wait3A_35 = tpu.memref_slice %arg3[%add3A_10] : memref<32768xi32, #tpu.memory_space<hbm>> -> memref<256xi32, #tpu.memory_space<hbm>>
      %dma_wait3A_36 = tpu.memref_slice %arg3[%add3A_10] : memref<32768xi32, #tpu.memory_space<hbm>> -> memref<256xi32, #tpu.memory_space<hbm>>
      tpu.wait_dma2 semaphore(%run_scoped3A : memref<!tpu.dma_semaphore, #tpu.memory_space<semaphore_mem>>) src(%dma_wait3A_36 : memref<256xi32, #tpu.memory_space<hbm>>) dst(%arg5 : memref<256xi32, #tpu.memory_space<vmem>>)
      tpu.yield
    }) : () -> ()
    %dma_start3A_11 = arith.constant 0 : i32
    %dma_start3A_12 = arith.constant 0 : i32
    %dma_start3A_13 = tpu.memref_slice %arg2[%dma_start3A_11, %dma_start3A_12] : memref<8192x128xf32, #tpu.memory_space<hbm>> -> memref<8192x128xf32, #tpu.memory_space<hbm>>
    tpu.enqueue_indirect_dma source(%dma_start3A_13 : memref<8192x128xf32, #tpu.memory_space<hbm>>) target(%arg6 : memref<256x128xf32, #tpu.memory_space<vmem>>) offsets(%arg5 : memref<256xi32, #tpu.memory_space<vmem>>) semaphore(%arg7 : memref<!tpu.dma_semaphore, #tpu.memory_space<semaphore_mem>>)
    %dma_wait3A_14 = arith.constant 0 : i32
    %dma_wait3A_15 = arith.constant 0 : i32
    %dma_wait3A_16 = tpu.memref_slice %arg2[%dma_wait3A_14, %dma_wait3A_15] : memref<8192x128xf32, #tpu.memory_space<hbm>> -> memref<8192x128xf32, #tpu.memory_space<hbm>>
    tpu.wait_indirect_dma semaphore(%arg7 : memref<!tpu.dma_semaphore, #tpu.memory_space<semaphore_mem>>) src(%dma_wait3A_16 : memref<8192x128xf32, #tpu.memory_space<hbm>>) dst(%arg6 : memref<256x128xf32, #tpu.memory_space<vmem>>)
    "tpu.region"() ({
      %run_scoped3A = tpu.sem_alloc : memref<!tpu.dma_semaphore, #tpu.memory_space<semaphore_mem>>
      %dma_start3A_33 = arith.constant 0 : i32
      %dma_start3A_34 = tpu.memref_slice %arg4[%add3A_10, %dma_start3A_33] : memref<32768x128xf32, #tpu.memory_space<hbm>> -> memref<256x128xf32, #tpu.memory_space<hbm>>
      %dma_start3A_35 = arith.constant 0 : i32
      %dma_start3A_36 = tpu.memref_slice %arg4[%add3A_10, %dma_start3A_35] : memref<32768x128xf32, #tpu.memory_space<hbm>> -> memref<256x128xf32, #tpu.memory_space<hbm>>
      tpu.enqueue_dma source(%arg6 : memref<256x128xf32, #tpu.memory_space<vmem>>) target(%dma_start3A_36 : memref<256x128xf32, #tpu.memory_space<hbm>>) target_semaphore(%run_scoped3A : memref<!tpu.dma_semaphore, #tpu.memory_space<semaphore_mem>>)
      %dma_wait3A_37 = arith.constant 0 : i32
      %dma_wait3A_38 = tpu.memref_slice %arg4[%add3A_10, %dma_wait3A_37] : memref<32768x128xf32, #tpu.memory_space<hbm>> -> memref<256x128xf32, #tpu.memory_space<hbm>>
      %dma_wait3A_39 = arith.constant 0 : i32
      %dma_wait3A_40 = tpu.memref_slice %arg4[%add3A_10, %dma_wait3A_39] : memref<32768x128xf32, #tpu.memory_space<hbm>> -> memref<256x128xf32, #tpu.memory_space<hbm>>
      tpu.wait_dma2 semaphore(%run_scoped3A : memref<!tpu.dma_semaphore, #tpu.memory_space<semaphore_mem>>) src(%arg6 : memref<256x128xf32, #tpu.memory_space<vmem>>) dst(%dma_wait3A_40 : memref<256x128xf32, #tpu.memory_space<hbm>>)
      tpu.yield
    }) : () -> ()
    %add3A_17 = arith.constant 512 : i32
    %add3A_18 = arith.addi %mul3A_2, %add3A_17 : i32
    "tpu.region"() ({
      %run_scoped3A = tpu.sem_alloc : memref<!tpu.dma_semaphore, #tpu.memory_space<semaphore_mem>>
      %dma_start3A_33 = tpu.memref_slice %arg3[%add3A_18] : memref<32768xi32, #tpu.memory_space<hbm>> -> memref<256xi32, #tpu.memory_space<hbm>>
      %dma_start3A_34 = tpu.memref_slice %arg3[%add3A_18] : memref<32768xi32, #tpu.memory_space<hbm>> -> memref<256xi32, #tpu.memory_space<hbm>>
      tpu.enqueue_dma source(%dma_start3A_34 : memref<256xi32, #tpu.memory_space<hbm>>) target(%arg5 : memref<256xi32, #tpu.memory_space<vmem>>) target_semaphore(%run_scoped3A : memref<!tpu.dma_semaphore, #tpu.memory_space<semaphore_mem>>)
      %dma_wait3A_35 = tpu.memref_slice %arg3[%add3A_18] : memref<32768xi32, #tpu.memory_space<hbm>> -> memref<256xi32, #tpu.memory_space<hbm>>
      %dma_wait3A_36 = tpu.memref_slice %arg3[%add3A_18] : memref<32768xi32, #tpu.memory_space<hbm>> -> memref<256xi32, #tpu.memory_space<hbm>>
      tpu.wait_dma2 semaphore(%run_scoped3A : memref<!tpu.dma_semaphore, #tpu.memory_space<semaphore_mem>>) src(%dma_wait3A_36 : memref<256xi32, #tpu.memory_space<hbm>>) dst(%arg5 : memref<256xi32, #tpu.memory_space<vmem>>)
      tpu.yield
    }) : () -> ()
    %dma_start3A_19 = arith.constant 0 : i32
    %dma_start3A_20 = arith.constant 0 : i32
    %dma_start3A_21 = tpu.memref_slice %arg2[%dma_start3A_19, %dma_start3A_20] : memref<8192x128xf32, #tpu.memory_space<hbm>> -> memref<8192x128xf32, #tpu.memory_space<hbm>>
    tpu.enqueue_indirect_dma source(%dma_start3A_21 : memref<8192x128xf32, #tpu.memory_space<hbm>>) target(%arg6 : memref<256x128xf32, #tpu.memory_space<vmem>>) offsets(%arg5 : memref<256xi32, #tpu.memory_space<vmem>>) semaphore(%arg7 : memref<!tpu.dma_semaphore, #tpu.memory_space<semaphore_mem>>)
    %dma_wait3A_22 = arith.constant 0 : i32
    %dma_wait3A_23 = arith.constant 0 : i32
    %dma_wait3A_24 = tpu.memref_slice %arg2[%dma_wait3A_22, %dma_wait3A_23] : memref<8192x128xf32, #tpu.memory_space<hbm>> -> memref<8192x128xf32, #tpu.memory_space<hbm>>
    tpu.wait_indirect_dma semaphore(%arg7 : memref<!tpu.dma_semaphore, #tpu.memory_space<semaphore_mem>>) src(%dma_wait3A_24 : memref<8192x128xf32, #tpu.memory_space<hbm>>) dst(%arg6 : memref<256x128xf32, #tpu.memory_space<vmem>>)
    "tpu.region"() ({
      %run_scoped3A = tpu.sem_alloc : memref<!tpu.dma_semaphore, #tpu.memory_space<semaphore_mem>>
      %dma_start3A_33 = arith.constant 0 : i32
      %dma_start3A_34 = tpu.memref_slice %arg4[%add3A_18, %dma_start3A_33] : memref<32768x128xf32, #tpu.memory_space<hbm>> -> memref<256x128xf32, #tpu.memory_space<hbm>>
      %dma_start3A_35 = arith.constant 0 : i32
      %dma_start3A_36 = tpu.memref_slice %arg4[%add3A_18, %dma_start3A_35] : memref<32768x128xf32, #tpu.memory_space<hbm>> -> memref<256x128xf32, #tpu.memory_space<hbm>>
      tpu.enqueue_dma source(%arg6 : memref<256x128xf32, #tpu.memory_space<vmem>>) target(%dma_start3A_36 : memref<256x128xf32, #tpu.memory_space<hbm>>) target_semaphore(%run_scoped3A : memref<!tpu.dma_semaphore, #tpu.memory_space<semaphore_mem>>)
      %dma_wait3A_37 = arith.constant 0 : i32
      %dma_wait3A_38 = tpu.memref_slice %arg4[%add3A_18, %dma_wait3A_37] : memref<32768x128xf32, #tpu.memory_space<hbm>> -> memref<256x128xf32, #tpu.memory_space<hbm>>
      %dma_wait3A_39 = arith.constant 0 : i32
      %dma_wait3A_40 = tpu.memref_slice %arg4[%add3A_18, %dma_wait3A_39] : memref<32768x128xf32, #tpu.memory_space<hbm>> -> memref<256x128xf32, #tpu.memory_space<hbm>>
      tpu.wait_dma2 semaphore(%run_scoped3A : memref<!tpu.dma_semaphore, #tpu.memory_space<semaphore_mem>>) src(%arg6 : memref<256x128xf32, #tpu.memory_space<vmem>>) dst(%dma_wait3A_40 : memref<256x128xf32, #tpu.memory_space<hbm>>)
      tpu.yield
    }) : () -> ()
    %add3A_25 = arith.constant 768 : i32
    %add3A_26 = arith.addi %mul3A_2, %add3A_25 : i32
    "tpu.region"() ({
      %run_scoped3A = tpu.sem_alloc : memref<!tpu.dma_semaphore, #tpu.memory_space<semaphore_mem>>
      %dma_start3A_33 = tpu.memref_slice %arg3[%add3A_26] : memref<32768xi32, #tpu.memory_space<hbm>> -> memref<256xi32, #tpu.memory_space<hbm>>
      %dma_start3A_34 = tpu.memref_slice %arg3[%add3A_26] : memref<32768xi32, #tpu.memory_space<hbm>> -> memref<256xi32, #tpu.memory_space<hbm>>
      tpu.enqueue_dma source(%dma_start3A_34 : memref<256xi32, #tpu.memory_space<hbm>>) target(%arg5 : memref<256xi32, #tpu.memory_space<vmem>>) target_semaphore(%run_scoped3A : memref<!tpu.dma_semaphore, #tpu.memory_space<semaphore_mem>>)
      %dma_wait3A_35 = tpu.memref_slice %arg3[%add3A_26] : memref<32768xi32, #tpu.memory_space<hbm>> -> memref<256xi32, #tpu.memory_space<hbm>>
      %dma_wait3A_36 = tpu.memref_slice %arg3[%add3A_26] : memref<32768xi32, #tpu.memory_space<hbm>> -> memref<256xi32, #tpu.memory_space<hbm>>
      tpu.wait_dma2 semaphore(%run_scoped3A : memref<!tpu.dma_semaphore, #tpu.memory_space<semaphore_mem>>) src(%dma_wait3A_36 : memref<256xi32, #tpu.memory_space<hbm>>) dst(%arg5 : memref<256xi32, #tpu.memory_space<vmem>>)
      tpu.yield
    }) : () -> ()
    %dma_start3A_27 = arith.constant 0 : i32
    %dma_start3A_28 = arith.constant 0 : i32
    %dma_start3A_29 = tpu.memref_slice %arg2[%dma_start3A_27, %dma_start3A_28] : memref<8192x128xf32, #tpu.memory_space<hbm>> -> memref<8192x128xf32, #tpu.memory_space<hbm>>
    tpu.enqueue_indirect_dma source(%dma_start3A_29 : memref<8192x128xf32, #tpu.memory_space<hbm>>) target(%arg6 : memref<256x128xf32, #tpu.memory_space<vmem>>) offsets(%arg5 : memref<256xi32, #tpu.memory_space<vmem>>) semaphore(%arg7 : memref<!tpu.dma_semaphore, #tpu.memory_space<semaphore_mem>>)
    %dma_wait3A_30 = arith.constant 0 : i32
    %dma_wait3A_31 = arith.constant 0 : i32
    %dma_wait3A_32 = tpu.memref_slice %arg2[%dma_wait3A_30, %dma_wait3A_31] : memref<8192x128xf32, #tpu.memory_space<hbm>> -> memref<8192x128xf32, #tpu.memory_space<hbm>>
    tpu.wait_indirect_dma semaphore(%arg7 : memref<!tpu.dma_semaphore, #tpu.memory_space<semaphore_mem>>) src(%dma_wait3A_32 : memref<8192x128xf32, #tpu.memory_space<hbm>>) dst(%arg6 : memref<256x128xf32, #tpu.memory_space<vmem>>)
    "tpu.region"() ({
      %run_scoped3A = tpu.sem_alloc : memref<!tpu.dma_semaphore, #tpu.memory_space<semaphore_mem>>
      %dma_start3A_33 = arith.constant 0 : i32
      %dma_start3A_34 = tpu.memref_slice %arg4[%add3A_26, %dma_start3A_33] : memref<32768x128xf32, #tpu.memory_space<hbm>> -> memref<256x128xf32, #tpu.memory_space<hbm>>
      %dma_start3A_35 = arith.constant 0 : i32
      %dma_start3A_36 = tpu.memref_slice %arg4[%add3A_26, %dma_start3A_35] : memref<32768x128xf32, #tpu.memory_space<hbm>> -> memref<256x128xf32, #tpu.memory_space<hbm>>
      tpu.enqueue_dma source(%arg6 : memref<256x128xf32, #tpu.memory_space<vmem>>) target(%dma_start3A_36 : memref<256x128xf32, #tpu.memory_space<hbm>>) target_semaphore(%run_scoped3A : memref<!tpu.dma_semaphore, #tpu.memory_space<semaphore_mem>>)
      %dma_wait3A_37 = arith.constant 0 : i32
      %dma_wait3A_38 = tpu.memref_slice %arg4[%add3A_26, %dma_wait3A_37] : memref<32768x128xf32, #tpu.memory_space<hbm>> -> memref<256x128xf32, #tpu.memory_space<hbm>>
      %dma_wait3A_39 = arith.constant 0 : i32
      %dma_wait3A_40 = tpu.memref_slice %arg4[%add3A_26, %dma_wait3A_39] : memref<32768x128xf32, #tpu.memory_space<hbm>> -> memref<256x128xf32, #tpu.memory_space<hbm>>
      tpu.wait_dma2 semaphore(%run_scoped3A : memref<!tpu.dma_semaphore, #tpu.memory_space<semaphore_mem>>) src(%arg6 : memref<256x128xf32, #tpu.memory_space<vmem>>) dst(%dma_wait3A_40 : memref<256x128xf32, #tpu.memory_space<hbm>>)
      tpu.yield
    }) : () -> ()
    return
  }
}

#map = affine_map<(d0, d1) -> (0, 0)>
#map1 = affine_map<(d0, d1) -> (0)>
module attributes {stable_mosaic.version = 14 : i64} {
  func.func @k(%arg0: i32, %arg1: i32, %arg2: memref<8192x128xf32, #tpu.memory_space<hbm>>, %arg3: memref<32768xi32, #tpu.memory_space<hbm>>, %arg4: memref<32768x128xf32, #tpu.memory_space<hbm>>, %arg5: memref<256xi32, #tpu.memory_space<vmem>>, %arg6: memref<256x128xf32, #tpu.memory_space<vmem>>, %arg7: memref<!tpu.dma_semaphore, #tpu.memory_space<semaphore_mem>>) attributes {dimension_semantics = [#tpu.dimension_semantics<core_parallel>, #tpu.dimension_semantics<subcore_parallel>], iteration_bounds = array<i64: 2, 16>, scalar_prefetch = 0 : i64, scratch_operands = 3 : i64, tpu.core_type = #tpu.core_type<sc_vector_subcore>, window_params = [{transform_indices = #map}, {transform_indices = #map1}, {transform_indices = #map}]} {
    %mul3A = arith.constant 2 : i32
    %mul3A_0 = arith.muli %arg1, %mul3A : i32
    %add3A = arith.addi %mul3A_0, %arg0 : i32
    %mul3A_1 = arith.constant 1024 : i32
    %mul3A_2 = arith.muli %add3A, %mul3A_1 : i32
    %add3A_3 = arith.constant 0 : i32
    %add3A_4 = arith.addi %mul3A_2, %add3A_3 : i32
    "tpu.region"() ({
      %run_scoped3A = tpu.sem_alloc : memref<!tpu.dma_semaphore, #tpu.memory_space<semaphore_mem>>
      %dma_start3A_33 = tpu.memref_slice %arg3[%add3A_4] : memref<32768xi32, #tpu.memory_space<hbm>> -> memref<256xi32, #tpu.memory_space<hbm>>
      %dma_start3A_34 = tpu.memref_slice %arg3[%add3A_4] : memref<32768xi32, #tpu.memory_space<hbm>> -> memref<256xi32, #tpu.memory_space<hbm>>
      tpu.enqueue_dma source(%dma_start3A_34 : memref<256xi32, #tpu.memory_space<hbm>>) target(%arg5 : memref<256xi32, #tpu.memory_space<vmem>>) target_semaphore(%run_scoped3A : memref<!tpu.dma_semaphore, #tpu.memory_space<semaphore_mem>>)
      %dma_wait3A_35 = tpu.memref_slice %arg3[%add3A_4] : memref<32768xi32, #tpu.memory_space<hbm>> -> memref<256xi32, #tpu.memory_space<hbm>>
      %dma_wait3A_36 = tpu.memref_slice %arg3[%add3A_4] : memref<32768xi32, #tpu.memory_space<hbm>> -> memref<256xi32, #tpu.memory_space<hbm>>
      tpu.wait_dma2 semaphore(%run_scoped3A : memref<!tpu.dma_semaphore, #tpu.memory_space<semaphore_mem>>) src(%dma_wait3A_36 : memref<256xi32, #tpu.memory_space<hbm>>) dst(%arg5 : memref<256xi32, #tpu.memory_space<vmem>>)
      tpu.yield
    }) : () -> ()
    %dma_start3A = arith.constant 0 : i32
    %dma_start3A_5 = arith.constant 0 : i32
    %dma_start3A_6 = tpu.memref_slice %arg2[%dma_start3A, %dma_start3A_5] : memref<8192x128xf32, #tpu.memory_space<hbm>> -> memref<8192x128xf32, #tpu.memory_space<hbm>>
    tpu.enqueue_indirect_dma source(%dma_start3A_6 : memref<8192x128xf32, #tpu.memory_space<hbm>>) target(%arg6 : memref<256x128xf32, #tpu.memory_space<vmem>>) offsets(%arg5 : memref<256xi32, #tpu.memory_space<vmem>>) semaphore(%arg7 : memref<!tpu.dma_semaphore, #tpu.memory_space<semaphore_mem>>)
    %dma_wait3A = arith.constant 0 : i32
    %dma_wait3A_7 = arith.constant 0 : i32
    %dma_wait3A_8 = tpu.memref_slice %arg2[%dma_wait3A, %dma_wait3A_7] : memref<8192x128xf32, #tpu.memory_space<hbm>> -> memref<8192x128xf32, #tpu.memory_space<hbm>>
    tpu.wait_indirect_dma semaphore(%arg7 : memref<!tpu.dma_semaphore, #tpu.memory_space<semaphore_mem>>) src(%dma_wait3A_8 : memref<8192x128xf32, #tpu.memory_space<hbm>>) dst(%arg6 : memref<256x128xf32, #tpu.memory_space<vmem>>)
    "tpu.region"() ({
      %run_scoped3A = tpu.sem_alloc : memref<!tpu.dma_semaphore, #tpu.memory_space<semaphore_mem>>
      %dma_start3A_33 = arith.constant 0 : i32
      %dma_start3A_34 = tpu.memref_slice %arg4[%add3A_4, %dma_start3A_33] : memref<32768x128xf32, #tpu.memory_space<hbm>> -> memref<256x128xf32, #tpu.memory_space<hbm>>
      %dma_start3A_35 = arith.constant 0 : i32
      %dma_start3A_36 = tpu.memref_slice %arg4[%add3A_4, %dma_start3A_35] : memref<32768x128xf32, #tpu.memory_space<hbm>> -> memref<256x128xf32, #tpu.memory_space<hbm>>
      tpu.enqueue_dma source(%arg6 : memref<256x128xf32, #tpu.memory_space<vmem>>) target(%dma_start3A_36 : memref<256x128xf32, #tpu.memory_space<hbm>>) target_semaphore(%run_scoped3A : memref<!tpu.dma_semaphore, #tpu.memory_space<semaphore_mem>>)
      %dma_wait3A_37 = arith.constant 0 : i32
      %dma_wait3A_38 = tpu.memref_slice %arg4[%add3A_4, %dma_wait3A_37] : memref<32768x128xf32, #tpu.memory_space<hbm>> -> memref<256x128xf32, #tpu.memory_space<hbm>>
      %dma_wait3A_39 = arith.constant 0 : i32
      %dma_wait3A_40 = tpu.memref_slice %arg4[%add3A_4, %dma_wait3A_39] : memref<32768x128xf32, #tpu.memory_space<hbm>> -> memref<256x128xf32, #tpu.memory_space<hbm>>
      tpu.wait_dma2 semaphore(%run_scoped3A : memref<!tpu.dma_semaphore, #tpu.memory_space<semaphore_mem>>) src(%arg6 : memref<256x128xf32, #tpu.memory_space<vmem>>) dst(%dma_wait3A_40 : memref<256x128xf32, #tpu.memory_space<hbm>>)
      tpu.yield
    }) : () -> ()
    %add3A_9 = arith.constant 256 : i32
    %add3A_10 = arith.addi %mul3A_2, %add3A_9 : i32
    "tpu.region"() ({
      %run_scoped3A = tpu.sem_alloc : memref<!tpu.dma_semaphore, #tpu.memory_space<semaphore_mem>>
      %dma_start3A_33 = tpu.memref_slice %arg3[%add3A_10] : memref<32768xi32, #tpu.memory_space<hbm>> -> memref<256xi32, #tpu.memory_space<hbm>>
      %dma_start3A_34 = tpu.memref_slice %arg3[%add3A_10] : memref<32768xi32, #tpu.memory_space<hbm>> -> memref<256xi32, #tpu.memory_space<hbm>>
      tpu.enqueue_dma source(%dma_start3A_34 : memref<256xi32, #tpu.memory_space<hbm>>) target(%arg5 : memref<256xi32, #tpu.memory_space<vmem>>) target_semaphore(%run_scoped3A : memref<!tpu.dma_semaphore, #tpu.memory_space<semaphore_mem>>)
      %dma_wait3A_35 = tpu.memref_slice %arg3[%add3A_10] : memref<32768xi32, #tpu.memory_space<hbm>> -> memref<256xi32, #tpu.memory_space<hbm>>
      %dma_wait3A_36 = tpu.memref_slice %arg3[%add3A_10] : memref<32768xi32, #tpu.memory_space<hbm>> -> memref<256xi32, #tpu.memory_space<hbm>>
      tpu.wait_dma2 semaphore(%run_scoped3A : memref<!tpu.dma_semaphore, #tpu.memory_space<semaphore_mem>>) src(%dma_wait3A_36 : memref<256xi32, #tpu.memory_space<hbm>>) dst(%arg5 : memref<256xi32, #tpu.memory_space<vmem>>)
      tpu.yield
    }) : () -> ()
    %dma_start3A_11 = arith.constant 0 : i32
    %dma_start3A_12 = arith.constant 0 : i32
    %dma_start3A_13 = tpu.memref_slice %arg2[%dma_start3A_11, %dma_start3A_12] : memref<8192x128xf32, #tpu.memory_space<hbm>> -> memref<8192x128xf32, #tpu.memory_space<hbm>>
    tpu.enqueue_indirect_dma source(%dma_start3A_13 : memref<8192x128xf32, #tpu.memory_space<hbm>>) target(%arg6 : memref<256x128xf32, #tpu.memory_space<vmem>>) offsets(%arg5 : memref<256xi32, #tpu.memory_space<vmem>>) semaphore(%arg7 : memref<!tpu.dma_semaphore, #tpu.memory_space<semaphore_mem>>)
    %dma_wait3A_14 = arith.constant 0 : i32
    %dma_wait3A_15 = arith.constant 0 : i32
    %dma_wait3A_16 = tpu.memref_slice %arg2[%dma_wait3A_14, %dma_wait3A_15] : memref<8192x128xf32, #tpu.memory_space<hbm>> -> memref<8192x128xf32, #tpu.memory_space<hbm>>
    tpu.wait_indirect_dma semaphore(%arg7 : memref<!tpu.dma_semaphore, #tpu.memory_space<semaphore_mem>>) src(%dma_wait3A_16 : memref<8192x128xf32, #tpu.memory_space<hbm>>) dst(%arg6 : memref<256x128xf32, #tpu.memory_space<vmem>>)
    "tpu.region"() ({
      %run_scoped3A = tpu.sem_alloc : memref<!tpu.dma_semaphore, #tpu.memory_space<semaphore_mem>>
      %dma_start3A_33 = arith.constant 0 : i32
      %dma_start3A_34 = tpu.memref_slice %arg4[%add3A_10, %dma_start3A_33] : memref<32768x128xf32, #tpu.memory_space<hbm>> -> memref<256x128xf32, #tpu.memory_space<hbm>>
      %dma_start3A_35 = arith.constant 0 : i32
      %dma_start3A_36 = tpu.memref_slice %arg4[%add3A_10, %dma_start3A_35] : memref<32768x128xf32, #tpu.memory_space<hbm>> -> memref<256x128xf32, #tpu.memory_space<hbm>>
      tpu.enqueue_dma source(%arg6 : memref<256x128xf32, #tpu.memory_space<vmem>>) target(%dma_start3A_36 : memref<256x128xf32, #tpu.memory_space<hbm>>) target_semaphore(%run_scoped3A : memref<!tpu.dma_semaphore, #tpu.memory_space<semaphore_mem>>)
      %dma_wait3A_37 = arith.constant 0 : i32
      %dma_wait3A_38 = tpu.memref_slice %arg4[%add3A_10, %dma_wait3A_37] : memref<32768x128xf32, #tpu.memory_space<hbm>> -> memref<256x128xf32, #tpu.memory_space<hbm>>
      %dma_wait3A_39 = arith.constant 0 : i32
      %dma_wait3A_40 = tpu.memref_slice %arg4[%add3A_10, %dma_wait3A_39] : memref<32768x128xf32, #tpu.memory_space<hbm>> -> memref<256x128xf32, #tpu.memory_space<hbm>>
      tpu.wait_dma2 semaphore(%run_scoped3A : memref<!tpu.dma_semaphore, #tpu.memory_space<semaphore_mem>>) src(%arg6 : memref<256x128xf32, #tpu.memory_space<vmem>>) dst(%dma_wait3A_40 : memref<256x128xf32, #tpu.memory_space<hbm>>)
      tpu.yield
    }) : () -> ()
    %add3A_17 = arith.constant 512 : i32
    %add3A_18 = arith.addi %mul3A_2, %add3A_17 : i32
    "tpu.region"() ({
      %run_scoped3A = tpu.sem_alloc : memref<!tpu.dma_semaphore, #tpu.memory_space<semaphore_mem>>
      %dma_start3A_33 = tpu.memref_slice %arg3[%add3A_18] : memref<32768xi32, #tpu.memory_space<hbm>> -> memref<256xi32, #tpu.memory_space<hbm>>
      %dma_start3A_34 = tpu.memref_slice %arg3[%add3A_18] : memref<32768xi32, #tpu.memory_space<hbm>> -> memref<256xi32, #tpu.memory_space<hbm>>
      tpu.enqueue_dma source(%dma_start3A_34 : memref<256xi32, #tpu.memory_space<hbm>>) target(%arg5 : memref<256xi32, #tpu.memory_space<vmem>>) target_semaphore(%run_scoped3A : memref<!tpu.dma_semaphore, #tpu.memory_space<semaphore_mem>>)
      %dma_wait3A_35 = tpu.memref_slice %arg3[%add3A_18] : memref<32768xi32, #tpu.memory_space<hbm>> -> memref<256xi32, #tpu.memory_space<hbm>>
      %dma_wait3A_36 = tpu.memref_slice %arg3[%add3A_18] : memref<32768xi32, #tpu.memory_space<hbm>> -> memref<256xi32, #tpu.memory_space<hbm>>
      tpu.wait_dma2 semaphore(%run_scoped3A : memref<!tpu.dma_semaphore, #tpu.memory_space<semaphore_mem>>) src(%dma_wait3A_36 : memref<256xi32, #tpu.memory_space<hbm>>) dst(%arg5 : memref<256xi32, #tpu.memory_space<vmem>>)
      tpu.yield
    }) : () -> ()
    %dma_start3A_19 = arith.constant 0 : i32
    %dma_start3A_20 = arith.constant 0 : i32
    %dma_start3A_21 = tpu.memref_slice %arg2[%dma_start3A_19, %dma_start3A_20] : memref<8192x128xf32, #tpu.memory_space<hbm>> -> memref<8192x128xf32, #tpu.memory_space<hbm>>
    tpu.enqueue_indirect_dma source(%dma_start3A_21 : memref<8192x128xf32, #tpu.memory_space<hbm>>) target(%arg6 : memref<256x128xf32, #tpu.memory_space<vmem>>) offsets(%arg5 : memref<256xi32, #tpu.memory_space<vmem>>) semaphore(%arg7 : memref<!tpu.dma_semaphore, #tpu.memory_space<semaphore_mem>>)
    %dma_wait3A_22 = arith.constant 0 : i32
    %dma_wait3A_23 = arith.constant 0 : i32
    %dma_wait3A_24 = tpu.memref_slice %arg2[%dma_wait3A_22, %dma_wait3A_23] : memref<8192x128xf32, #tpu.memory_space<hbm>> -> memref<8192x128xf32, #tpu.memory_space<hbm>>
    tpu.wait_indirect_dma semaphore(%arg7 : memref<!tpu.dma_semaphore, #tpu.memory_space<semaphore_mem>>) src(%dma_wait3A_24 : memref<8192x128xf32, #tpu.memory_space<hbm>>) dst(%arg6 : memref<256x128xf32, #tpu.memory_space<vmem>>)
    "tpu.region"() ({
      %run_scoped3A = tpu.sem_alloc : memref<!tpu.dma_semaphore, #tpu.memory_space<semaphore_mem>>
      %dma_start3A_33 = arith.constant 0 : i32
      %dma_start3A_34 = tpu.memref_slice %arg4[%add3A_18, %dma_start3A_33] : memref<32768x128xf32, #tpu.memory_space<hbm>> -> memref<256x128xf32, #tpu.memory_space<hbm>>
      %dma_start3A_35 = arith.constant 0 : i32
      %dma_start3A_36 = tpu.memref_slice %arg4[%add3A_18, %dma_start3A_35] : memref<32768x128xf32, #tpu.memory_space<hbm>> -> memref<256x128xf32, #tpu.memory_space<hbm>>
      tpu.enqueue_dma source(%arg6 : memref<256x128xf32, #tpu.memory_space<vmem>>) target(%dma_start3A_36 : memref<256x128xf32, #tpu.memory_space<hbm>>) target_semaphore(%run_scoped3A : memref<!tpu.dma_semaphore, #tpu.memory_space<semaphore_mem>>)
      %dma_wait3A_37 = arith.constant 0 : i32
      %dma_wait3A_38 = tpu.memref_slice %arg4[%add3A_18, %dma_wait3A_37] : memref<32768x128xf32, #tpu.memory_space<hbm>> -> memref<256x128xf32, #tpu.memory_space<hbm>>
      %dma_wait3A_39 = arith.constant 0 : i32
      %dma_wait3A_40 = tpu.memref_slice %arg4[%add3A_18, %dma_wait3A_39] : memref<32768x128xf32, #tpu.memory_space<hbm>> -> memref<256x128xf32, #tpu.memory_space<hbm>>
      tpu.wait_dma2 semaphore(%run_scoped3A : memref<!tpu.dma_semaphore, #tpu.memory_space<semaphore_mem>>) src(%arg6 : memref<256x128xf32, #tpu.memory_space<vmem>>) dst(%dma_wait3A_40 : memref<256x128xf32, #tpu.memory_space<hbm>>)
      tpu.yield
    }) : () -> ()
    %add3A_25 = arith.constant 768 : i32
    %add3A_26 = arith.addi %mul3A_2, %add3A_25 : i32
    "tpu.region"() ({
      %run_scoped3A = tpu.sem_alloc : memref<!tpu.dma_semaphore, #tpu.memory_space<semaphore_mem>>
      %dma_start3A_33 = tpu.memref_slice %arg3[%add3A_26] : memref<32768xi32, #tpu.memory_space<hbm>> -> memref<256xi32, #tpu.memory_space<hbm>>
      %dma_start3A_34 = tpu.memref_slice %arg3[%add3A_26] : memref<32768xi32, #tpu.memory_space<hbm>> -> memref<256xi32, #tpu.memory_space<hbm>>
      tpu.enqueue_dma source(%dma_start3A_34 : memref<256xi32, #tpu.memory_space<hbm>>) target(%arg5 : memref<256xi32, #tpu.memory_space<vmem>>) target_semaphore(%run_scoped3A : memref<!tpu.dma_semaphore, #tpu.memory_space<semaphore_mem>>)
      %dma_wait3A_35 = tpu.memref_slice %arg3[%add3A_26] : memref<32768xi32, #tpu.memory_space<hbm>> -> memref<256xi32, #tpu.memory_space<hbm>>
      %dma_wait3A_36 = tpu.memref_slice %arg3[%add3A_26] : memref<32768xi32, #tpu.memory_space<hbm>> -> memref<256xi32, #tpu.memory_space<hbm>>
      tpu.wait_dma2 semaphore(%run_scoped3A : memref<!tpu.dma_semaphore, #tpu.memory_space<semaphore_mem>>) src(%dma_wait3A_36 : memref<256xi32, #tpu.memory_space<hbm>>) dst(%arg5 : memref<256xi32, #tpu.memory_space<vmem>>)
      tpu.yield
    }) : () -> ()
    %dma_start3A_27 = arith.constant 0 : i32
    %dma_start3A_28 = arith.constant 0 : i32
    %dma_start3A_29 = tpu.memref_slice %arg2[%dma_start3A_27, %dma_start3A_28] : memref<8192x128xf32, #tpu.memory_space<hbm>> -> memref<8192x128xf32, #tpu.memory_space<hbm>>
    tpu.enqueue_indirect_dma source(%dma_start3A_29 : memref<8192x128xf32, #tpu.memory_space<hbm>>) target(%arg6 : memref<256x128xf32, #tpu.memory_space<vmem>>) offsets(%arg5 : memref<256xi32, #tpu.memory_space<vmem>>) semaphore(%arg7 : memref<!tpu.dma_semaphore, #tpu.memory_space<semaphore_mem>>)
    %dma_wait3A_30 = arith.constant 0 : i32
    %dma_wait3A_31 = arith.constant 0 : i32
    %dma_wait3A_32 = tpu.memref_slice %arg2[%dma_wait3A_30, %dma_wait3A_31] : memref<8192x128xf32, #tpu.memory_space<hbm>> -> memref<8192x128xf32, #tpu.memory_space<hbm>>
    tpu.wait_indirect_dma semaphore(%arg7 : memref<!tpu.dma_semaphore, #tpu.memory_space<semaphore_mem>>) src(%dma_wait3A_32 : memref<8192x128xf32, #tpu.memory_space<hbm>>) dst(%arg6 : memref<256x128xf32, #tpu.memory_space<vmem>>)
    "tpu.region"() ({
      %run_scoped3A = tpu.sem_alloc : memref<!tpu.dma_semaphore, #tpu.memory_space<semaphore_mem>>
      %dma_start3A_33 = arith.constant 0 : i32
      %dma_start3A_34 = tpu.memref_slice %arg4[%add3A_26, %dma_start3A_33] : memref<32768x128xf32, #tpu.memory_space<hbm>> -> memref<256x128xf32, #tpu.memory_space<hbm>>
      %dma_start3A_35 = arith.constant 0 : i32
      %dma_start3A_36 = tpu.memref_slice %arg4[%add3A_26, %dma_start3A_35] : memref<32768x128xf32, #tpu.memory_space<hbm>> -> memref<256x128xf32, #tpu.memory_space<hbm>>
      tpu.enqueue_dma source(%arg6 : memref<256x128xf32, #tpu.memory_space<vmem>>) target(%dma_start3A_36 : memref<256x128xf32, #tpu.memory_space<hbm>>) target_semaphore(%run_scoped3A : memref<!tpu.dma_semaphore, #tpu.memory_space<semaphore_mem>>)
      %dma_wait3A_37 = arith.constant 0 : i32
      %dma_wait3A_38 = tpu.memref_slice %arg4[%add3A_26, %dma_wait3A_37] : memref<32768x128xf32, #tpu.memory_space<hbm>> -> memref<256x128xf32, #tpu.memory_space<hbm>>
      %dma_wait3A_39 = arith.constant 0 : i32
      %dma_wait3A_40 = tpu.memref_slice %arg4[%add3A_26, %dma_wait3A_39] : memref<32768x128xf32, #tpu.memory_space<hbm>> -> memref<256x128xf32, #tpu.memory_space<hbm>>
      tpu.wait_dma2 semaphore(%run_scoped3A : memref<!tpu.dma_semaphore, #tpu.memory_space<semaphore_mem>>) src(%arg6 : memref<256x128xf32, #tpu.memory_space<vmem>>) dst(%dma_wait3A_40 : memref<256x128xf32, #tpu.memory_space<hbm>>)
      tpu.yield
    }) : () -> ()
    return
  }
}

module attributes {stable_mosaic.version = 14 : i64} {
  func.func @_step_kernel(%arg0: i32, %arg1: memref<1024x64xf32, #tpu.memory_space<vmem>>, %arg2: memref<1024x128xf32, #tpu.memory_space<vmem>>, %arg3: memref<1x8192x64xbf16, #tpu.memory_space<vmem>>, %arg4: memref<1x1x8192xf32, #tpu.memory_space<vmem>>, %arg5: memref<1x1024x1xi32, #tpu.memory_space<vmem>>, %arg6: memref<1024x64xf32, #tpu.memory_space<vmem>>, %arg7: memref<1x1x128xf32, #tpu.memory_space<vmem>>, %arg8: memref<1024x4096xf32, #tpu.memory_space<vmem>>) attributes {dimension_semantics = [#tpu.dimension_semantics<arbitrary>], iteration_bounds = array<i64: 32>, scalar_prefetch = 0 : i64, scratch_operands = 1 : i64, tpu.core_type = #tpu.core_type<tc>, window_params = [{transform_indices = @transform_0, window_bounds = array<i64: 1024, 64>}, {transform_indices = @transform_1, window_bounds = array<i64: 1024, 128>}, {pipeline_mode = #tpu.pipeline_mode<synchronous>, transform_indices = @transform_2, window_bounds = array<i64: 1, 8192, 64>}, {pipeline_mode = #tpu.pipeline_mode<synchronous>, transform_indices = @transform_3, window_bounds = array<i64: 1, 1, 8192>}, {transform_indices = @transform_4, window_bounds = array<i64: 1, 1024, 1>}, {transform_indices = @transform_5, window_bounds = array<i64: 1024, 64>}, {transform_indices = @transform_6, window_bounds = array<i64: 1, 1, 128>}]} {
    %get3A = arith.constant 0 : index
    %get3A_0 = arith.constant 0 : index
    %get3A_1 = vector.load %arg1[%get3A, %get3A_0] : memref<1024x64xf32, #tpu.memory_space<vmem>>, vector<1024x64xf32>
    %get3A_2 = arith.constant 0 : index
    %get3A_3 = arith.constant 0 : index
    %get3A_4 = vector.load %arg2[%get3A_2, %get3A_3] : memref<1024x128xf32, #tpu.memory_space<vmem>>, vector<1024x64xf32>
    %sub3A = arith.subf %get3A_1, %get3A_4 : vector<1024x64xf32>
    %swap3A = arith.constant 0 : index
    %swap3A_5 = arith.constant 0 : index
    %swap3A_6 = vector.load %arg6[%swap3A, %swap3A_5] : memref<1024x64xf32, #tpu.memory_space<vmem>>, vector<1024x64xf32>
    tpu.vector_store %arg6[%swap3A, %swap3A_5], %sub3A {strides = array<i32>} : memref<1024x64xf32, #tpu.memory_space<vmem>>, vector<1024x64xf32>,
    %mul3A = arith.mulf %sub3A, %sub3A : vector<1024x64xf32>
    %reduce_sum3A = arith.constant dense<0.000000e+00> : vector<1024xf32>
    %reduce_sum3A_7 = vector.multi_reduction <add>, %mul3A, %reduce_sum3A [1] : vector<1024x64xf32> to vector<1024xf32>
    %broadcast_in_dim3A = vector.shape_cast %reduce_sum3A_7 : vector<1024xf32> to vector<1024x1xf32>
    %reduce_sum3A_8 = vector.shape_cast %broadcast_in_dim3A : vector<1024x1xf32> to vector<1x1024x1xf32>
    %reduce_sum3A_9 = arith.constant dense<0.000000e+00> : vector<1xf32>
    %reduce_sum3A_10 = vector.multi_reduction <add>, %reduce_sum3A_8, %reduce_sum3A_9 [1, 2] : vector<1x1024x1xf32> to vector<1xf32>
    %reduce_sum3A_11 = vector.shape_cast %reduce_sum3A_10 : vector<1xf32> to vector<1x1x1xf32>
    %reduce_sum3A_12 = vector.extract %reduce_sum3A_11[0, 0, 0] : f32 from vector<1x1x1xf32>
    %broadcast_in_dim3A_13 = vector.broadcast %reduce_sum3A_12 : f32 to vector<1x1x128xf32>
    %swap3A_14 = arith.constant 0 : index
    %swap3A_15 = arith.constant 0 : index
    %swap3A_16 = arith.constant 0 : index
    %swap3A_17 = vector.load %arg7[%swap3A_14, %swap3A_15, %swap3A_16] : memref<1x1x128xf32, #tpu.memory_space<vmem>>, vector<1x1x128xf32>
    tpu.vector_store %arg7[%swap3A_14, %swap3A_15, %swap3A_16], %broadcast_in_dim3A_13 {strides = array<i32>} : memref<1x1x128xf32, #tpu.memory_space<vmem>>, vector<1x1x128xf32>,
    %convert_element_type3A = arith.truncf %sub3A : vector<1024x64xf32> to vector<1024x64xbf16>
    %iota3A = tpu.iota {dimensions = array<i32: 1>} : vector<1024x1024xi32>
    %convert_element_type3A_18 = arith.sitofp %iota3A : vector<1024x1024xi32> to vector<1024x1024xf32>
    %broadcast_in_dim3A_19 = arith.constant 0x7F800000 : f32
    %broadcast_in_dim3A_20 = vector.broadcast %broadcast_in_dim3A_19 : f32 to vector<1024x1xf32>
    %get3A_21 = arith.constant 0 : index
    %get3A_22 = arith.constant 0 : index
    %get3A_23 = arith.constant 0 : index
    %get3A_24 = vector.load %arg3[%get3A_21, %get3A_22, %get3A_23] : memref<1x8192x64xbf16, #tpu.memory_space<vmem>>, vector<1x1024x64xbf16>
    %get3A_25 = vector.shape_cast %get3A_24 : vector<1x1024x64xbf16> to vector<1024x64xbf16>
    %get3A_26 = arith.constant 0 : index
    %get3A_27 = arith.constant 0 : index
    %get3A_28 = arith.constant 0 : index
    %get3A_29 = vector.load %arg4[%get3A_26, %get3A_27, %get3A_28] : memref<1x1x8192xf32, #tpu.memory_space<vmem>>, vector<1x1x1024xf32>
    %get3A_30 = vector.shape_cast %get3A_29 : vector<1x1x1024xf32> to vector<1x1024xf32>
    %dot_general3A = arith.constant dense<0.000000e+00> : vector<1024x1024xf32>
    %dot_general3A_31 = tpu.matmul %convert_element_type3A, %get3A_25, %dot_general3A {dimension_numbers = #tpu.dot_dimension_numbers<[1], [1], [0], [0], [0, 0, 1, 0], [], []>, transpose_lhs_hint = false} : vector<1024x64xbf16>, vector<1024x64xbf16>, vector<1024x1024xf32> -> vector<1024x1024xf32>
    %sub3A_32 = vector.broadcast %broadcast_in_dim3A : vector<1024x1xf32> to vector<1024x1024xf32>
    %sub3A_33 = arith.subf %sub3A_32, %dot_general3A_31 : vector<1024x1024xf32>
    %add3A = vector.broadcast %get3A_30 : vector<1x1024xf32> to vector<1024x1024xf32>
    %add3A_34 = arith.addf %sub3A_33, %add3A : vector<1024x1024xf32>
    %swap3A_35 = arith.constant 0 : index
    %swap3A_36 = arith.constant 0 : index
    %swap3A_37 = vector.load %arg8[%swap3A_35, %swap3A_36] : memref<1024x4096xf32, #tpu.memory_space<vmem>>, vector<1024x1024xf32>
    tpu.vector_store %arg8[%swap3A_35, %swap3A_36], %add3A_34 {strides = array<i32>} : memref<1024x4096xf32, #tpu.memory_space<vmem>>, vector<1024x1024xf32>,
    %reduce_min3A = arith.constant dense<0x7F800000> : vector<1024xf32>
    %reduce_min3A_38 = vector.multi_reduction <minimumf>, %add3A_34, %reduce_min3A [1] : vector<1024x1024xf32> to vector<1024xf32>
    %broadcast_in_dim3A_39 = vector.shape_cast %reduce_min3A_38 : vector<1024xf32> to vector<1024x1xf32>
    %min3A = arith.minimumf %broadcast_in_dim3A_20, %broadcast_in_dim3A_39 : vector<1024x1xf32>
    %get3A_40 = arith.constant 0 : index
    %get3A_41 = arith.constant 1024 : index
    %get3A_42 = arith.constant 0 : index
    %get3A_43 = vector.load %arg3[%get3A_40, %get3A_41, %get3A_42] : memref<1x8192x64xbf16, #tpu.memory_space<vmem>>, vector<1x1024x64xbf16>
    %get3A_44 = vector.shape_cast %get3A_43 : vector<1x1024x64xbf16> to vector<1024x64xbf16>
    %get3A_45 = arith.constant 0 : index
    %get3A_46 = arith.constant 0 : index
    %get3A_47 = arith.constant 1024 : index
    %get3A_48 = vector.load %arg4[%get3A_45, %get3A_46, %get3A_47] : memref<1x1x8192xf32, #tpu.memory_space<vmem>>, vector<1x1x1024xf32>
    %get3A_49 = vector.shape_cast %get3A_48 : vector<1x1x1024xf32> to vector<1x1024xf32>
    %dot_general3A_50 = arith.constant dense<0.000000e+00> : vector<1024x1024xf32>
    %dot_general3A_51 = tpu.matmul %convert_element_type3A, %get3A_44, %dot_general3A_50 {dimension_numbers = #tpu.dot_dimension_numbers<[1], [1], [0], [0], [0, 0, 1, 0], [], []>, transpose_lhs_hint = false} : vector<1024x64xbf16>, vector<1024x64xbf16>, vector<1024x1024xf32> -> vector<1024x1024xf32>
    %sub3A_52 = vector.broadcast %broadcast_in_dim3A : vector<1024x1xf32> to vector<1024x1024xf32>
    %sub3A_53 = arith.subf %sub3A_52, %dot_general3A_51 : vector<1024x1024xf32>
    %add3A_54 = vector.broadcast %get3A_49 : vector<1x1024xf32> to vector<1024x1024xf32>
    %add3A_55 = arith.addf %sub3A_53, %add3A_54 : vector<1024x1024xf32>
    %swap3A_56 = arith.constant 0 : index
    %swap3A_57 = arith.constant 1024 : index
    %swap3A_58 = vector.load %arg8[%swap3A_56, %swap3A_57] : memref<1024x4096xf32, #tpu.memory_space<vmem>>, vector<1024x1024xf32>
    tpu.vector_store %arg8[%swap3A_56, %swap3A_57], %add3A_55 {strides = array<i32>} : memref<1024x4096xf32, #tpu.memory_space<vmem>>, vector<1024x1024xf32>,
    %reduce_min3A_59 = arith.constant dense<0x7F800000> : vector<1024xf32>
    %reduce_min3A_60 = vector.multi_reduction <minimumf>, %add3A_55, %reduce_min3A_59 [1] : vector<1024x1024xf32> to vector<1024xf32>
    %broadcast_in_dim3A_61 = vector.shape_cast %reduce_min3A_60 : vector<1024xf32> to vector<1024x1xf32>
    %min3A_62 = arith.minimumf %min3A, %broadcast_in_dim3A_61 : vector<1024x1xf32>
    %get3A_63 = arith.constant 0 : index
    %get3A_64 = arith.constant 2048 : index
    %get3A_65 = arith.constant 0 : index
    %get3A_66 = vector.load %arg3[%get3A_63, %get3A_64, %get3A_65] : memref<1x8192x64xbf16, #tpu.memory_space<vmem>>, vector<1x1024x64xbf16>
    %get3A_67 = vector.shape_cast %get3A_66 : vector<1x1024x64xbf16> to vector<1024x64xbf16>
    %get3A_68 = arith.constant 0 : index
    %get3A_69 = arith.constant 0 : index
    %get3A_70 = arith.constant 2048 : index
    %get3A_71 = vector.load %arg4[%get3A_68, %get3A_69, %get3A_70] : memref<1x1x8192xf32, #tpu.memory_space<vmem>>, vector<1x1x1024xf32>
    %get3A_72 = vector.shape_cast %get3A_71 : vector<1x1x1024xf32> to vector<1x1024xf32>
    %dot_general3A_73 = arith.constant dense<0.000000e+00> : vector<1024x1024xf32>
    %dot_general3A_74 = tpu.matmul %convert_element_type3A, %get3A_67, %dot_general3A_73 {dimension_numbers = #tpu.dot_dimension_numbers<[1], [1], [0], [0], [0, 0, 1, 0], [], []>, transpose_lhs_hint = false} : vector<1024x64xbf16>, vector<1024x64xbf16>, vector<1024x1024xf32> -> vector<1024x1024xf32>
    %sub3A_75 = vector.broadcast %broadcast_in_dim3A : vector<1024x1xf32> to vector<1024x1024xf32>
    %sub3A_76 = arith.subf %sub3A_75, %dot_general3A_74 : vector<1024x1024xf32>
    %add3A_77 = vector.broadcast %get3A_72 : vector<1x1024xf32> to vector<1024x1024xf32>
    %add3A_78 = arith.addf %sub3A_76, %add3A_77 : vector<1024x1024xf32>
    %swap3A_79 = arith.constant 0 : index
    %swap3A_80 = arith.constant 2048 : index
    %swap3A_81 = vector.load %arg8[%swap3A_79, %swap3A_80] : memref<1024x4096xf32, #tpu.memory_space<vmem>>, vector<1024x1024xf32>
    tpu.vector_store %arg8[%swap3A_79, %swap3A_80], %add3A_78 {strides = array<i32>} : memref<1024x4096xf32, #tpu.memory_space<vmem>>, vector<1024x1024xf32>,
    %reduce_min3A_82 = arith.constant dense<0x7F800000> : vector<1024xf32>
    %reduce_min3A_83 = vector.multi_reduction <minimumf>, %add3A_78, %reduce_min3A_82 [1] : vector<1024x1024xf32> to vector<1024xf32>
    %broadcast_in_dim3A_84 = vector.shape_cast %reduce_min3A_83 : vector<1024xf32> to vector<1024x1xf32>
    %min3A_85 = arith.minimumf %min3A_62, %broadcast_in_dim3A_84 : vector<1024x1xf32>
    %get3A_86 = arith.constant 0 : index
    %get3A_87 = arith.constant 3072 : index
    %get3A_88 = arith.constant 0 : index
    %get3A_89 = vector.load %arg3[%get3A_86, %get3A_87, %get3A_88] : memref<1x8192x64xbf16, #tpu.memory_space<vmem>>, vector<1x1024x64xbf16>
    %get3A_90 = vector.shape_cast %get3A_89 : vector<1x1024x64xbf16> to vector<1024x64xbf16>
    %get3A_91 = arith.constant 0 : index
    %get3A_92 = arith.constant 0 : index
    %get3A_93 = arith.constant 3072 : index
    %get3A_94 = vector.load %arg4[%get3A_91, %get3A_92, %get3A_93] : memref<1x1x8192xf32, #tpu.memory_space<vmem>>, vector<1x1x1024xf32>
    %get3A_95 = vector.shape_cast %get3A_94 : vector<1x1x1024xf32> to vector<1x1024xf32>
    %dot_general3A_96 = arith.constant dense<0.000000e+00> : vector<1024x1024xf32>
    %dot_general3A_97 = tpu.matmul %convert_element_type3A, %get3A_90, %dot_general3A_96 {dimension_numbers = #tpu.dot_dimension_numbers<[1], [1], [0], [0], [0, 0, 1, 0], [], []>, transpose_lhs_hint = false} : vector<1024x64xbf16>, vector<1024x64xbf16>, vector<1024x1024xf32> -> vector<1024x1024xf32>
    %sub3A_98 = vector.broadcast %broadcast_in_dim3A : vector<1024x1xf32> to vector<1024x1024xf32>
    %sub3A_99 = arith.subf %sub3A_98, %dot_general3A_97 : vector<1024x1024xf32>
    %add3A_100 = vector.broadcast %get3A_95 : vector<1x1024xf32> to vector<1024x1024xf32>
    %add3A_101 = arith.addf %sub3A_99, %add3A_100 : vector<1024x1024xf32>
    %swap3A_102 = arith.constant 0 : index
    %swap3A_103 = arith.constant 3072 : index
    %swap3A_104 = vector.load %arg8[%swap3A_102, %swap3A_103] : memref<1024x4096xf32, #tpu.memory_space<vmem>>, vector<1024x1024xf32>
    tpu.vector_store %arg8[%swap3A_102, %swap3A_103], %add3A_101 {strides = array<i32>} : memref<1024x4096xf32, #tpu.memory_space<vmem>>, vector<1024x1024xf32>,
    %reduce_min3A_105 = arith.constant dense<0x7F800000> : vector<1024xf32>
    %reduce_min3A_106 = vector.multi_reduction <minimumf>, %add3A_101, %reduce_min3A_105 [1] : vector<1024x1024xf32> to vector<1024xf32>
    %broadcast_in_dim3A_107 = vector.shape_cast %reduce_min3A_106 : vector<1024xf32> to vector<1024x1xf32>
    %min3A_108 = arith.minimumf %min3A_85, %broadcast_in_dim3A_107 : vector<1024x1xf32>
    %broadcast_in_dim3A_109 = arith.constant 8.192000e+03 : f32
    %broadcast_in_dim3A_110 = vector.broadcast %broadcast_in_dim3A_109 : f32 to vector<1024x1xf32>
    %get3A_111 = arith.constant 0 : index
    %get3A_112 = arith.constant 0 : index
    %get3A_113 = vector.load %arg8[%get3A_111, %get3A_112] : memref<1024x4096xf32, #tpu.memory_space<vmem>>, vector<1024x1024xf32>
    %le3A = vector.broadcast %min3A_108 : vector<1024x1xf32> to vector<1024x1024xf32>
    %le3A_114 = arith.cmpf ole, %get3A_113, %le3A : vector<1024x1024xf32>
    %jit3A = arith.constant 8.192000e+03 : f32
    %broadcast_in_dim3A_115 = vector.broadcast %jit3A : f32 to vector<1024x1024xf32>
    %select_n3A = arith.select %le3A_114, %convert_element_type3A_18, %broadcast_in_dim3A_115 : vector<1024x1024xi1>, vector<1024x1024xf32>
    %reduce_min3A_116 = arith.constant dense<0x7F800000> : vector<1024xf32>
    %reduce_min3A_117 = vector.multi_reduction <minimumf>, %select_n3A, %reduce_min3A_116 [1] : vector<1024x1024xf32> to vector<1024xf32>
    %broadcast_in_dim3A_118 = vector.shape_cast %reduce_min3A_117 : vector<1024xf32> to vector<1024x1xf32>
    %add3A_119 = arith.constant 0.000000e+00 : f32
    %add3A_120 = vector.broadcast %add3A_119 : f32 to vector<1024x1xf32>
    %add3A_121 = arith.addf %broadcast_in_dim3A_118, %add3A_120 : vector<1024x1xf32>
    %min3A_122 = arith.minimumf %broadcast_in_dim3A_110, %add3A_121 : vector<1024x1xf32>
    %get3A_123 = arith.constant 0 : index
    %get3A_124 = arith.constant 1024 : index
    %get3A_125 = vector.load %arg8[%get3A_123, %get3A_124] : memref<1024x4096xf32, #tpu.memory_space<vmem>>, vector<1024x1024xf32>
    %le3A_126 = vector.broadcast %min3A_108 : vector<1024x1xf32> to vector<1024x1024xf32>
    %le3A_127 = arith.cmpf ole, %get3A_125, %le3A_126 : vector<1024x1024xf32>
    %jit3A_128 = arith.constant 8.192000e+03 : f32
    %broadcast_in_dim3A_129 = vector.broadcast %jit3A_128 : f32 to vector<1024x1024xf32>
    %select_n3A_130 = arith.select %le3A_127, %convert_element_type3A_18, %broadcast_in_dim3A_129 : vector<1024x1024xi1>, vector<1024x1024xf32>
    %reduce_min3A_131 = arith.constant dense<0x7F800000> : vector<1024xf32>
    %reduce_min3A_132 = vector.multi_reduction <minimumf>, %select_n3A_130, %reduce_min3A_131 [1] : vector<1024x1024xf32> to vector<1024xf32>
    %broadcast_in_dim3A_133 = vector.shape_cast %reduce_min3A_132 : vector<1024xf32> to vector<1024x1xf32>
    %add3A_134 = arith.constant 1.024000e+03 : f32
    %add3A_135 = vector.broadcast %add3A_134 : f32 to vector<1024x1xf32>
    %add3A_136 = arith.addf %broadcast_in_dim3A_133, %add3A_135 : vector<1024x1xf32>
    %min3A_137 = arith.minimumf %min3A_122, %add3A_136 : vector<1024x1xf32>
    %get3A_138 = arith.constant 0 : index
    %get3A_139 = arith.constant 2048 : index
    %get3A_140 = vector.load %arg8[%get3A_138, %get3A_139] : memref<1024x4096xf32, #tpu.memory_space<vmem>>, vector<1024x1024xf32>
    %le3A_141 = vector.broadcast %min3A_108 : vector<1024x1xf32> to vector<1024x1024xf32>
    %le3A_142 = arith.cmpf ole, %get3A_140, %le3A_141 : vector<1024x1024xf32>
    %jit3A_143 = arith.constant 8.192000e+03 : f32
    %broadcast_in_dim3A_144 = vector.broadcast %jit3A_143 : f32 to vector<1024x1024xf32>
    %select_n3A_145 = arith.select %le3A_142, %convert_element_type3A_18, %broadcast_in_dim3A_144 : vector<1024x1024xi1>, vector<1024x1024xf32>
    %reduce_min3A_146 = arith.constant dense<0x7F800000> : vector<1024xf32>
    %reduce_min3A_147 = vector.multi_reduction <minimumf>, %select_n3A_145, %reduce_min3A_146 [1] : vector<1024x1024xf32> to vector<1024xf32>
    %broadcast_in_dim3A_148 = vector.shape_cast %reduce_min3A_147 : vector<1024xf32> to vector<1024x1xf32>
    %add3A_149 = arith.constant 2.048000e+03 : f32
    %add3A_150 = vector.broadcast %add3A_149 : f32 to vector<1024x1xf32>
    %add3A_151 = arith.addf %broadcast_in_dim3A_148, %add3A_150 : vector<1024x1xf32>
    %min3A_152 = arith.minimumf %min3A_137, %add3A_151 : vector<1024x1xf32>
    %get3A_153 = arith.constant 0 : index
    %get3A_154 = arith.constant 3072 : index
    %get3A_155 = vector.load %arg8[%get3A_153, %get3A_154] : memref<1024x4096xf32, #tpu.memory_space<vmem>>, vector<1024x1024xf32>
    %le3A_156 = vector.broadcast %min3A_108 : vector<1024x1xf32> to vector<1024x1024xf32>
    %le3A_157 = arith.cmpf ole, %get3A_155, %le3A_156 : vector<1024x1024xf32>
    %jit3A_158 = arith.constant 8.192000e+03 : f32
    %broadcast_in_dim3A_159 = vector.broadcast %jit3A_158 : f32 to vector<1024x1024xf32>
    %select_n3A_160 = arith.select %le3A_157, %convert_element_type3A_18, %broadcast_in_dim3A_159 : vector<1024x1024xi1>, vector<1024x1024xf32>
    %reduce_min3A_161 = arith.constant dense<0x7F800000> : vector<1024xf32>
    %reduce_min3A_162 = vector.multi_reduction <minimumf>, %select_n3A_160, %reduce_min3A_161 [1] : vector<1024x1024xf32> to vector<1024xf32>
    %broadcast_in_dim3A_163 = vector.shape_cast %reduce_min3A_162 : vector<1024xf32> to vector<1024x1xf32>
    %add3A_164 = arith.constant 3.072000e+03 : f32
    %add3A_165 = vector.broadcast %add3A_164 : f32 to vector<1024x1xf32>
    %add3A_166 = arith.addf %broadcast_in_dim3A_163, %add3A_165 : vector<1024x1xf32>
    %min3A_167 = arith.minimumf %min3A_152, %add3A_166 : vector<1024x1xf32>
    %broadcast_in_dim3A_168 = arith.constant 0x7F800000 : f32
    %broadcast_in_dim3A_169 = vector.broadcast %broadcast_in_dim3A_168 : f32 to vector<1024x1xf32>
    %get3A_170 = arith.constant 0 : index
    %get3A_171 = arith.constant 4096 : index
    %get3A_172 = arith.constant 0 : index
    %get3A_173 = vector.load %arg3[%get3A_170, %get3A_171, %get3A_172] : memref<1x8192x64xbf16, #tpu.memory_space<vmem>>, vector<1x1024x64xbf16>
    %get3A_174 = vector.shape_cast %get3A_173 : vector<1x1024x64xbf16> to vector<1024x64xbf16>
    %get3A_175 = arith.constant 0 : index
    %get3A_176 = arith.constant 0 : index
    %get3A_177 = arith.constant 4096 : index
    %get3A_178 = vector.load %arg4[%get3A_175, %get3A_176, %get3A_177] : memref<1x1x8192xf32, #tpu.memory_space<vmem>>, vector<1x1x1024xf32>
    %get3A_179 = vector.shape_cast %get3A_178 : vector<1x1x1024xf32> to vector<1x1024xf32>
    %dot_general3A_180 = arith.constant dense<0.000000e+00> : vector<1024x1024xf32>
    %dot_general3A_181 = tpu.matmul %convert_element_type3A, %get3A_174, %dot_general3A_180 {dimension_numbers = #tpu.dot_dimension_numbers<[1], [1], [0], [0], [0, 0, 1, 0], [], []>, transpose_lhs_hint = false} : vector<1024x64xbf16>, vector<1024x64xbf16>, vector<1024x1024xf32> -> vector<1024x1024xf32>
    %sub3A_182 = vector.broadcast %broadcast_in_dim3A : vector<1024x1xf32> to vector<1024x1024xf32>
    %sub3A_183 = arith.subf %sub3A_182, %dot_general3A_181 : vector<1024x1024xf32>
    %add3A_184 = vector.broadcast %get3A_179 : vector<1x1024xf32> to vector<1024x1024xf32>
    %add3A_185 = arith.addf %sub3A_183, %add3A_184 : vector<1024x1024xf32>
    %swap3A_186 = arith.constant 0 : index
    %swap3A_187 = arith.constant 0 : index
    %swap3A_188 = vector.load %arg8[%swap3A_186, %swap3A_187] : memref<1024x4096xf32, #tpu.memory_space<vmem>>, vector<1024x1024xf32>
    tpu.vector_store %arg8[%swap3A_186, %swap3A_187], %add3A_185 {strides = array<i32>} : memref<1024x4096xf32, #tpu.memory_space<vmem>>, vector<1024x1024xf32>,
    %reduce_min3A_189 = arith.constant dense<0x7F800000> : vector<1024xf32>
    %reduce_min3A_190 = vector.multi_reduction <minimumf>, %add3A_185, %reduce_min3A_189 [1] : vector<1024x1024xf32> to vector<1024xf32>
    %broadcast_in_dim3A_191 = vector.shape_cast %reduce_min3A_190 : vector<1024xf32> to vector<1024x1xf32>
    %min3A_192 = arith.minimumf %broadcast_in_dim3A_169, %broadcast_in_dim3A_191 : vector<1024x1xf32>
    %get3A_193 = arith.constant 0 : index
    %get3A_194 = arith.constant 5120 : index
    %get3A_195 = arith.constant 0 : index
    %get3A_196 = vector.load %arg3[%get3A_193, %get3A_194, %get3A_195] : memref<1x8192x64xbf16, #tpu.memory_space<vmem>>, vector<1x1024x64xbf16>
    %get3A_197 = vector.shape_cast %get3A_196 : vector<1x1024x64xbf16> to vector<1024x64xbf16>
    %get3A_198 = arith.constant 0 : index
    %get3A_199 = arith.constant 0 : index
    %get3A_200 = arith.constant 5120 : index
    %get3A_201 = vector.load %arg4[%get3A_198, %get3A_199, %get3A_200] : memref<1x1x8192xf32, #tpu.memory_space<vmem>>, vector<1x1x1024xf32>
    %get3A_202 = vector.shape_cast %get3A_201 : vector<1x1x1024xf32> to vector<1x1024xf32>
    %dot_general3A_203 = arith.constant dense<0.000000e+00> : vector<1024x1024xf32>
    %dot_general3A_204 = tpu.matmul %convert_element_type3A, %get3A_197, %dot_general3A_203 {dimension_numbers = #tpu.dot_dimension_numbers<[1], [1], [0], [0], [0, 0, 1, 0], [], []>, transpose_lhs_hint = false} : vector<1024x64xbf16>, vector<1024x64xbf16>, vector<1024x1024xf32> -> vector<1024x1024xf32>
    %sub3A_205 = vector.broadcast %broadcast_in_dim3A : vector<1024x1xf32> to vector<1024x1024xf32>
    %sub3A_206 = arith.subf %sub3A_205, %dot_general3A_204 : vector<1024x1024xf32>
    %add3A_207 = vector.broadcast %get3A_202 : vector<1x1024xf32> to vector<1024x1024xf32>
    %add3A_208 = arith.addf %sub3A_206, %add3A_207 : vector<1024x1024xf32>
    %swap3A_209 = arith.constant 0 : index
    %swap3A_210 = arith.constant 1024 : index
    %swap3A_211 = vector.load %arg8[%swap3A_209, %swap3A_210] : memref<1024x4096xf32, #tpu.memory_space<vmem>>, vector<1024x1024xf32>
    tpu.vector_store %arg8[%swap3A_209, %swap3A_210], %add3A_208 {strides = array<i32>} : memref<1024x4096xf32, #tpu.memory_space<vmem>>, vector<1024x1024xf32>,
    %reduce_min3A_212 = arith.constant dense<0x7F800000> : vector<1024xf32>
    %reduce_min3A_213 = vector.multi_reduction <minimumf>, %add3A_208, %reduce_min3A_212 [1] : vector<1024x1024xf32> to vector<1024xf32>
    %broadcast_in_dim3A_214 = vector.shape_cast %reduce_min3A_213 : vector<1024xf32> to vector<1024x1xf32>
    %min3A_215 = arith.minimumf %min3A_192, %broadcast_in_dim3A_214 : vector<1024x1xf32>
    %get3A_216 = arith.constant 0 : index
    %get3A_217 = arith.constant 6144 : index
    %get3A_218 = arith.constant 0 : index
    %get3A_219 = vector.load %arg3[%get3A_216, %get3A_217, %get3A_218] : memref<1x8192x64xbf16, #tpu.memory_space<vmem>>, vector<1x1024x64xbf16>
    %get3A_220 = vector.shape_cast %get3A_219 : vector<1x1024x64xbf16> to vector<1024x64xbf16>
    %get3A_221 = arith.constant 0 : index
    %get3A_222 = arith.constant 0 : index
    %get3A_223 = arith.constant 6144 : index
    %get3A_224 = vector.load %arg4[%get3A_221, %get3A_222, %get3A_223] : memref<1x1x8192xf32, #tpu.memory_space<vmem>>, vector<1x1x1024xf32>
    %get3A_225 = vector.shape_cast %get3A_224 : vector<1x1x1024xf32> to vector<1x1024xf32>
    %dot_general3A_226 = arith.constant dense<0.000000e+00> : vector<1024x1024xf32>
    %dot_general3A_227 = tpu.matmul %convert_element_type3A, %get3A_220, %dot_general3A_226 {dimension_numbers = #tpu.dot_dimension_numbers<[1], [1], [0], [0], [0, 0, 1, 0], [], []>, transpose_lhs_hint = false} : vector<1024x64xbf16>, vector<1024x64xbf16>, vector<1024x1024xf32> -> vector<1024x1024xf32>
    %sub3A_228 = vector.broadcast %broadcast_in_dim3A : vector<1024x1xf32> to vector<1024x1024xf32>
    %sub3A_229 = arith.subf %sub3A_228, %dot_general3A_227 : vector<1024x1024xf32>
    %add3A_230 = vector.broadcast %get3A_225 : vector<1x1024xf32> to vector<1024x1024xf32>
    %add3A_231 = arith.addf %sub3A_229, %add3A_230 : vector<1024x1024xf32>
    %swap3A_232 = arith.constant 0 : index
    %swap3A_233 = arith.constant 2048 : index
    %swap3A_234 = vector.load %arg8[%swap3A_232, %swap3A_233] : memref<1024x4096xf32, #tpu.memory_space<vmem>>, vector<1024x1024xf32>
    tpu.vector_store %arg8[%swap3A_232, %swap3A_233], %add3A_231 {strides = array<i32>} : memref<1024x4096xf32, #tpu.memory_space<vmem>>, vector<1024x1024xf32>,
    %reduce_min3A_235 = arith.constant dense<0x7F800000> : vector<1024xf32>
    %reduce_min3A_236 = vector.multi_reduction <minimumf>, %add3A_231, %reduce_min3A_235 [1] : vector<1024x1024xf32> to vector<1024xf32>
    %broadcast_in_dim3A_237 = vector.shape_cast %reduce_min3A_236 : vector<1024xf32> to vector<1024x1xf32>
    %min3A_238 = arith.minimumf %min3A_215, %broadcast_in_dim3A_237 : vector<1024x1xf32>
    %get3A_239 = arith.constant 0 : index
    %get3A_240 = arith.constant 7168 : index
    %get3A_241 = arith.constant 0 : index
    %get3A_242 = vector.load %arg3[%get3A_239, %get3A_240, %get3A_241] : memref<1x8192x64xbf16, #tpu.memory_space<vmem>>, vector<1x1024x64xbf16>
    %get3A_243 = vector.shape_cast %get3A_242 : vector<1x1024x64xbf16> to vector<1024x64xbf16>
    %get3A_244 = arith.constant 0 : index
    %get3A_245 = arith.constant 0 : index
    %get3A_246 = arith.constant 7168 : index
    %get3A_247 = vector.load %arg4[%get3A_244, %get3A_245, %get3A_246] : memref<1x1x8192xf32, #tpu.memory_space<vmem>>, vector<1x1x1024xf32>
    %get3A_248 = vector.shape_cast %get3A_247 : vector<1x1x1024xf32> to vector<1x1024xf32>
    %dot_general3A_249 = arith.constant dense<0.000000e+00> : vector<1024x1024xf32>
    %dot_general3A_250 = tpu.matmul %convert_element_type3A, %get3A_243, %dot_general3A_249 {dimension_numbers = #tpu.dot_dimension_numbers<[1], [1], [0], [0], [0, 0, 1, 0], [], []>, transpose_lhs_hint = false} : vector<1024x64xbf16>, vector<1024x64xbf16>, vector<1024x1024xf32> -> vector<1024x1024xf32>
    %sub3A_251 = vector.broadcast %broadcast_in_dim3A : vector<1024x1xf32> to vector<1024x1024xf32>
    %sub3A_252 = arith.subf %sub3A_251, %dot_general3A_250 : vector<1024x1024xf32>
    %add3A_253 = vector.broadcast %get3A_248 : vector<1x1024xf32> to vector<1024x1024xf32>
    %add3A_254 = arith.addf %sub3A_252, %add3A_253 : vector<1024x1024xf32>
    %swap3A_255 = arith.constant 0 : index
    %swap3A_256 = arith.constant 3072 : index
    %swap3A_257 = vector.load %arg8[%swap3A_255, %swap3A_256] : memref<1024x4096xf32, #tpu.memory_space<vmem>>, vector<1024x1024xf32>
    tpu.vector_store %arg8[%swap3A_255, %swap3A_256], %add3A_254 {strides = array<i32>} : memref<1024x4096xf32, #tpu.memory_space<vmem>>, vector<1024x1024xf32>,
    %reduce_min3A_258 = arith.constant dense<0x7F800000> : vector<1024xf32>
    %reduce_min3A_259 = vector.multi_reduction <minimumf>, %add3A_254, %reduce_min3A_258 [1] : vector<1024x1024xf32> to vector<1024xf32>
    %broadcast_in_dim3A_260 = vector.shape_cast %reduce_min3A_259 : vector<1024xf32> to vector<1024x1xf32>
    %min3A_261 = arith.minimumf %min3A_238, %broadcast_in_dim3A_260 : vector<1024x1xf32>
    %broadcast_in_dim3A_262 = arith.constant 8.192000e+03 : f32
    %broadcast_in_dim3A_263 = vector.broadcast %broadcast_in_dim3A_262 : f32 to vector<1024x1xf32>
    %get3A_264 = arith.constant 0 : index
    %get3A_265 = arith.constant 0 : index
    %get3A_266 = vector.load %arg8[%get3A_264, %get3A_265] : memref<1024x4096xf32, #tpu.memory_space<vmem>>, vector<1024x1024xf32>
    %le3A_267 = vector.broadcast %min3A_261 : vector<1024x1xf32> to vector<1024x1024xf32>
    %le3A_268 = arith.cmpf ole, %get3A_266, %le3A_267 : vector<1024x1024xf32>
    %jit3A_269 = arith.constant 8.192000e+03 : f32
    %broadcast_in_dim3A_270 = vector.broadcast %jit3A_269 : f32 to vector<1024x1024xf32>
    %select_n3A_271 = arith.select %le3A_268, %convert_element_type3A_18, %broadcast_in_dim3A_270 : vector<1024x1024xi1>, vector<1024x1024xf32>
    %reduce_min3A_272 = arith.constant dense<0x7F800000> : vector<1024xf32>
    %reduce_min3A_273 = vector.multi_reduction <minimumf>, %select_n3A_271, %reduce_min3A_272 [1] : vector<1024x1024xf32> to vector<1024xf32>
    %broadcast_in_dim3A_274 = vector.shape_cast %reduce_min3A_273 : vector<1024xf32> to vector<1024x1xf32>
    %add3A_275 = arith.constant 4.096000e+03 : f32
    %add3A_276 = vector.broadcast %add3A_275 : f32 to vector<1024x1xf32>
    %add3A_277 = arith.addf %broadcast_in_dim3A_274, %add3A_276 : vector<1024x1xf32>
    %min3A_278 = arith.minimumf %broadcast_in_dim3A_263, %add3A_277 : vector<1024x1xf32>
    %get3A_279 = arith.constant 0 : index
    %get3A_280 = arith.constant 1024 : index
    %get3A_281 = vector.load %arg8[%get3A_279, %get3A_280] : memref<1024x4096xf32, #tpu.memory_space<vmem>>, vector<1024x1024xf32>
    %le3A_282 = vector.broadcast %min3A_261 : vector<1024x1xf32> to vector<1024x1024xf32>
    %le3A_283 = arith.cmpf ole, %get3A_281, %le3A_282 : vector<1024x1024xf32>
    %jit3A_284 = arith.constant 8.192000e+03 : f32
    %broadcast_in_dim3A_285 = vector.broadcast %jit3A_284 : f32 to vector<1024x1024xf32>
    %select_n3A_286 = arith.select %le3A_283, %convert_element_type3A_18, %broadcast_in_dim3A_285 : vector<1024x1024xi1>, vector<1024x1024xf32>
    %reduce_min3A_287 = arith.constant dense<0x7F800000> : vector<1024xf32>
    %reduce_min3A_288 = vector.multi_reduction <minimumf>, %select_n3A_286, %reduce_min3A_287 [1] : vector<1024x1024xf32> to vector<1024xf32>
    %broadcast_in_dim3A_289 = vector.shape_cast %reduce_min3A_288 : vector<1024xf32> to vector<1024x1xf32>
    %add3A_290 = arith.constant 5.120000e+03 : f32
    %add3A_291 = vector.broadcast %add3A_290 : f32 to vector<1024x1xf32>
    %add3A_292 = arith.addf %broadcast_in_dim3A_289, %add3A_291 : vector<1024x1xf32>
    %min3A_293 = arith.minimumf %min3A_278, %add3A_292 : vector<1024x1xf32>
    %get3A_294 = arith.constant 0 : index
    %get3A_295 = arith.constant 2048 : index
    %get3A_296 = vector.load %arg8[%get3A_294, %get3A_295] : memref<1024x4096xf32, #tpu.memory_space<vmem>>, vector<1024x1024xf32>
    %le3A_297 = vector.broadcast %min3A_261 : vector<1024x1xf32> to vector<1024x1024xf32>
    %le3A_298 = arith.cmpf ole, %get3A_296, %le3A_297 : vector<1024x1024xf32>
    %jit3A_299 = arith.constant 8.192000e+03 : f32
    %broadcast_in_dim3A_300 = vector.broadcast %jit3A_299 : f32 to vector<1024x1024xf32>
    %select_n3A_301 = arith.select %le3A_298, %convert_element_type3A_18, %broadcast_in_dim3A_300 : vector<1024x1024xi1>, vector<1024x1024xf32>
    %reduce_min3A_302 = arith.constant dense<0x7F800000> : vector<1024xf32>
    %reduce_min3A_303 = vector.multi_reduction <minimumf>, %select_n3A_301, %reduce_min3A_302 [1] : vector<1024x1024xf32> to vector<1024xf32>
    %broadcast_in_dim3A_304 = vector.shape_cast %reduce_min3A_303 : vector<1024xf32> to vector<1024x1xf32>
    %add3A_305 = arith.constant 6.144000e+03 : f32
    %add3A_306 = vector.broadcast %add3A_305 : f32 to vector<1024x1xf32>
    %add3A_307 = arith.addf %broadcast_in_dim3A_304, %add3A_306 : vector<1024x1xf32>
    %min3A_308 = arith.minimumf %min3A_293, %add3A_307 : vector<1024x1xf32>
    %get3A_309 = arith.constant 0 : index
    %get3A_310 = arith.constant 3072 : index
    %get3A_311 = vector.load %arg8[%get3A_309, %get3A_310] : memref<1024x4096xf32, #tpu.memory_space<vmem>>, vector<1024x1024xf32>
    %le3A_312 = vector.broadcast %min3A_261 : vector<1024x1xf32> to vector<1024x1024xf32>
    %le3A_313 = arith.cmpf ole, %get3A_311, %le3A_312 : vector<1024x1024xf32>
    %jit3A_314 = arith.constant 8.192000e+03 : f32
    %broadcast_in_dim3A_315 = vector.broadcast %jit3A_314 : f32 to vector<1024x1024xf32>
    %select_n3A_316 = arith.select %le3A_313, %convert_element_type3A_18, %broadcast_in_dim3A_315 : vector<1024x1024xi1>, vector<1024x1024xf32>
    %reduce_min3A_317 = arith.constant dense<0x7F800000> : vector<1024xf32>
    %reduce_min3A_318 = vector.multi_reduction <minimumf>, %select_n3A_316, %reduce_min3A_317 [1] : vector<1024x1024xf32> to vector<1024xf32>
    %broadcast_in_dim3A_319 = vector.shape_cast %reduce_min3A_318 : vector<1024xf32> to vector<1024x1xf32>
    %add3A_320 = arith.constant 7.168000e+03 : f32
    %add3A_321 = vector.broadcast %add3A_320 : f32 to vector<1024x1xf32>
    %add3A_322 = arith.addf %broadcast_in_dim3A_319, %add3A_321 : vector<1024x1xf32>
    %min3A_323 = arith.minimumf %min3A_308, %add3A_322 : vector<1024x1xf32>
    %bitcast_convert_type3A = tpu.bitcast %min3A_108 : vector<1024x1xf32> -> vector<1024x1xi32>
    %add3A_324 = arith.constant 32767 : i32
    %add3A_325 = vector.broadcast %add3A_324 : i32 to vector<1024x1xi32>
    %add3A_326 = arith.addi %bitcast_convert_type3A, %add3A_325 : vector<1024x1xi32>
    %shift_right_logical3A = arith.constant 16 : i32
    %shift_right_logical3A_327 = vector.broadcast %shift_right_logical3A : i32 to vector<1024x1xi32>
    %shift_right_logical3A_328 = arith.shrui %bitcast_convert_type3A, %shift_right_logical3A_327 : vector<1024x1xi32>
    %and3A = arith.constant 1 : i32
    %and3A_329 = vector.broadcast %and3A : i32 to vector<1024x1xi32>
    %and3A_330 = arith.andi %shift_right_logical3A_328, %and3A_329 : vector<1024x1xi32>
    %add3A_331 = arith.addi %add3A_326, %and3A_330 : vector<1024x1xi32>
    %and3A_332 = arith.constant -65536 : i32
    %and3A_333 = vector.broadcast %and3A_332 : i32 to vector<1024x1xi32>
    %and3A_334 = arith.andi %add3A_331, %and3A_333 : vector<1024x1xi32>
    %bitcast_convert_type3A_335 = tpu.bitcast %and3A_334 : vector<1024x1xi32> -> vector<1024x1xf32>
    %lt3A = arith.cmpf olt, %min3A_261, %bitcast_convert_type3A_335 : vector<1024x1xf32>
    %select_n3A_336 = arith.select %lt3A, %min3A_323, %min3A_167 : vector<1024x1xi1>, vector<1024x1xf32>
    %convert_element_type3A_337 = arith.fptosi %select_n3A_336 : vector<1024x1xf32> to vector<1024x1xi32>
    %reshape3A = vector.shape_cast %convert_element_type3A_337 : vector<1024x1xi32> to vector<1x1024x1xi32>
    %swap3A_338 = arith.constant 0 : index
    %swap3A_339 = arith.constant 0 : index
    %swap3A_340 = arith.constant 0 : index
    %swap3A_341 = vector.load %arg5[%swap3A_338, %swap3A_339, %swap3A_340] : memref<1x1024x1xi32, #tpu.memory_space<vmem>>, vector<1x1024x1xi32>
    tpu.vector_store %arg5[%swap3A_338, %swap3A_339, %swap3A_340], %reshape3A {strides = array<i32>} : memref<1x1024x1xi32, #tpu.memory_space<vmem>>, vector<1x1024x1xi32>,
    return
  }
  func.func @transform_0(%arg0: i32) -> (i32, i32) {
    %c0_i32 = arith.constant 0 : i32
    %c0_i32_0 = arith.constant 0 : i32
    return %arg0, %c0_i32 : i32, i32
  }
  func.func @transform_1(%arg0: i32) -> (i32, i32) {
    %c0_i32 = arith.constant 0 : i32
    %c0_i32_0 = arith.constant 0 : i32
    return %arg0, %c0_i32 : i32, i32
  }
  func.func @transform_2(%arg0: i32) -> (i32, i32, i32) {
    %c0_i32 = arith.constant 0 : i32
    %c0_i32_0 = arith.constant 0 : i32
    %c0_i32_1 = arith.constant 0 : i32
    %c0_i32_2 = arith.constant 0 : i32
    return %c0_i32, %c0_i32_0, %c0_i32_1 : i32, i32, i32
  }
  func.func @transform_3(%arg0: i32) -> (i32, i32, i32) {
    %c0_i32 = arith.constant 0 : i32
    %c0_i32_0 = arith.constant 0 : i32
    %c0_i32_1 = arith.constant 0 : i32
    %c0_i32_2 = arith.constant 0 : i32
    return %c0_i32, %c0_i32_0, %c0_i32_1 : i32, i32, i32
  }
  func.func @transform_4(%arg0: i32) -> (i32, i32, i32) {
    %c0_i32 = arith.constant 0 : i32
    %c0_i32_0 = arith.constant 0 : i32
    %c0_i32_1 = arith.constant 0 : i32
    return %arg0, %c0_i32, %c0_i32_0 : i32, i32, i32
  }
  func.func @transform_5(%arg0: i32) -> (i32, i32) {
    %c0_i32 = arith.constant 0 : i32
    %c0_i32_0 = arith.constant 0 : i32
    return %arg0, %c0_i32 : i32, i32
  }
  func.func @transform_6(%arg0: i32) -> (i32, i32, i32) {
    %c0_i32 = arith.constant 0 : i32
    %c0_i32_0 = arith.constant 0 : i32
    %c0_i32_1 = arith.constant 0 : i32
    return %arg0, %c0_i32, %c0_i32_0 : i32, i32, i32
  }
}

module attributes {stable_mosaic.version = 14 : i64} {
  func.func @_step_kernel(%arg0: i32, %arg1: memref<1024x64xf32, #tpu.memory_space<vmem>>, %arg2: memref<1024x128xf32, #tpu.memory_space<vmem>>, %arg3: memref<1x8192x64xbf16, #tpu.memory_space<vmem>>, %arg4: memref<1x1x8192xf32, #tpu.memory_space<vmem>>, %arg5: memref<1x1024x1xi32, #tpu.memory_space<vmem>>, %arg6: memref<1024x64xf32, #tpu.memory_space<vmem>>, %arg7: memref<1x1x128xf32, #tpu.memory_space<vmem>>, %arg8: memref<1024x4096xf32, #tpu.memory_space<vmem>>) attributes {dimension_semantics = [#tpu.dimension_semantics<arbitrary>], iteration_bounds = array<i64: 32>, scalar_prefetch = 0 : i64, scratch_operands = 1 : i64, tpu.core_type = #tpu.core_type<tc>, window_params = [{transform_indices = @transform_0, window_bounds = array<i64: 1024, 64>}, {transform_indices = @transform_1, window_bounds = array<i64: 1024, 128>}, {pipeline_mode = #tpu.pipeline_mode<synchronous>, transform_indices = @transform_2, window_bounds = array<i64: 1, 8192, 64>}, {pipeline_mode = #tpu.pipeline_mode<synchronous>, transform_indices = @transform_3, window_bounds = array<i64: 1, 1, 8192>}, {transform_indices = @transform_4, window_bounds = array<i64: 1, 1024, 1>}, {transform_indices = @transform_5, window_bounds = array<i64: 1024, 64>}, {transform_indices = @transform_6, window_bounds = array<i64: 1, 1, 128>}]} {
    %get3A = arith.constant 0 : index
    %get3A_0 = arith.constant 0 : index
    %get3A_1 = vector.load %arg1[%get3A, %get3A_0] : memref<1024x64xf32, #tpu.memory_space<vmem>>, vector<1024x64xf32>
    %get3A_2 = arith.constant 0 : index
    %get3A_3 = arith.constant 0 : index
    %get3A_4 = vector.load %arg2[%get3A_2, %get3A_3] : memref<1024x128xf32, #tpu.memory_space<vmem>>, vector<1024x64xf32>
    %sub3A = arith.subf %get3A_1, %get3A_4 : vector<1024x64xf32>
    %swap3A = arith.constant 0 : index
    %swap3A_5 = arith.constant 0 : index
    %swap3A_6 = vector.load %arg6[%swap3A, %swap3A_5] : memref<1024x64xf32, #tpu.memory_space<vmem>>, vector<1024x64xf32>
    tpu.vector_store %arg6[%swap3A, %swap3A_5], %sub3A {strides = array<i32>} : memref<1024x64xf32, #tpu.memory_space<vmem>>, vector<1024x64xf32>,
    %mul3A = arith.mulf %sub3A, %sub3A : vector<1024x64xf32>
    %reduce_sum3A = arith.constant dense<0.000000e+00> : vector<1024xf32>
    %reduce_sum3A_7 = vector.multi_reduction <add>, %mul3A, %reduce_sum3A [1] : vector<1024x64xf32> to vector<1024xf32>
    %broadcast_in_dim3A = vector.shape_cast %reduce_sum3A_7 : vector<1024xf32> to vector<1024x1xf32>
    %reduce_sum3A_8 = vector.shape_cast %broadcast_in_dim3A : vector<1024x1xf32> to vector<1x1024x1xf32>
    %reduce_sum3A_9 = arith.constant dense<0.000000e+00> : vector<1xf32>
    %reduce_sum3A_10 = vector.multi_reduction <add>, %reduce_sum3A_8, %reduce_sum3A_9 [1, 2] : vector<1x1024x1xf32> to vector<1xf32>
    %reduce_sum3A_11 = vector.shape_cast %reduce_sum3A_10 : vector<1xf32> to vector<1x1x1xf32>
    %reduce_sum3A_12 = vector.extract %reduce_sum3A_11[0, 0, 0] : f32 from vector<1x1x1xf32>
    %broadcast_in_dim3A_13 = vector.broadcast %reduce_sum3A_12 : f32 to vector<1x1x128xf32>
    %swap3A_14 = arith.constant 0 : index
    %swap3A_15 = arith.constant 0 : index
    %swap3A_16 = arith.constant 0 : index
    %swap3A_17 = vector.load %arg7[%swap3A_14, %swap3A_15, %swap3A_16] : memref<1x1x128xf32, #tpu.memory_space<vmem>>, vector<1x1x128xf32>
    tpu.vector_store %arg7[%swap3A_14, %swap3A_15, %swap3A_16], %broadcast_in_dim3A_13 {strides = array<i32>} : memref<1x1x128xf32, #tpu.memory_space<vmem>>, vector<1x1x128xf32>,
    %convert_element_type3A = arith.truncf %sub3A : vector<1024x64xf32> to vector<1024x64xbf16>
    %iota3A = tpu.iota {dimensions = array<i32: 1>} : vector<1024x1024xi32>
    %convert_element_type3A_18 = arith.sitofp %iota3A : vector<1024x1024xi32> to vector<1024x1024xf32>
    %broadcast_in_dim3A_19 = arith.constant 0x7F800000 : f32
    %broadcast_in_dim3A_20 = vector.broadcast %broadcast_in_dim3A_19 : f32 to vector<1024x1xf32>
    %get3A_21 = arith.constant 0 : index
    %get3A_22 = arith.constant 0 : index
    %get3A_23 = arith.constant 0 : index
    %get3A_24 = vector.load %arg3[%get3A_21, %get3A_22, %get3A_23] : memref<1x8192x64xbf16, #tpu.memory_space<vmem>>, vector<1x1024x64xbf16>
    %get3A_25 = vector.shape_cast %get3A_24 : vector<1x1024x64xbf16> to vector<1024x64xbf16>
    %get3A_26 = arith.constant 0 : index
    %get3A_27 = arith.constant 0 : index
    %get3A_28 = arith.constant 0 : index
    %get3A_29 = vector.load %arg4[%get3A_26, %get3A_27, %get3A_28] : memref<1x1x8192xf32, #tpu.memory_space<vmem>>, vector<1x1x1024xf32>
    %get3A_30 = vector.shape_cast %get3A_29 : vector<1x1x1024xf32> to vector<1x1024xf32>
    %dot_general3A = arith.constant dense<0.000000e+00> : vector<1024x1024xf32>
    %dot_general3A_31 = tpu.matmul %convert_element_type3A, %get3A_25, %dot_general3A {dimension_numbers = #tpu.dot_dimension_numbers<[1], [1], [0], [0], [0, 0, 1, 0], [], []>, transpose_lhs_hint = false} : vector<1024x64xbf16>, vector<1024x64xbf16>, vector<1024x1024xf32> -> vector<1024x1024xf32>
    %sub3A_32 = vector.broadcast %broadcast_in_dim3A : vector<1024x1xf32> to vector<1024x1024xf32>
    %sub3A_33 = arith.subf %sub3A_32, %dot_general3A_31 : vector<1024x1024xf32>
    %add3A = vector.broadcast %get3A_30 : vector<1x1024xf32> to vector<1024x1024xf32>
    %add3A_34 = arith.addf %sub3A_33, %add3A : vector<1024x1024xf32>
    %swap3A_35 = arith.constant 0 : index
    %swap3A_36 = arith.constant 0 : index
    %swap3A_37 = vector.load %arg8[%swap3A_35, %swap3A_36] : memref<1024x4096xf32, #tpu.memory_space<vmem>>, vector<1024x1024xf32>
    tpu.vector_store %arg8[%swap3A_35, %swap3A_36], %add3A_34 {strides = array<i32>} : memref<1024x4096xf32, #tpu.memory_space<vmem>>, vector<1024x1024xf32>,
    %reduce_min3A = arith.constant dense<0x7F800000> : vector<1024xf32>
    %reduce_min3A_38 = vector.multi_reduction <minimumf>, %add3A_34, %reduce_min3A [1] : vector<1024x1024xf32> to vector<1024xf32>
    %broadcast_in_dim3A_39 = vector.shape_cast %reduce_min3A_38 : vector<1024xf32> to vector<1024x1xf32>
    %min3A = arith.minimumf %broadcast_in_dim3A_20, %broadcast_in_dim3A_39 : vector<1024x1xf32>
    %get3A_40 = arith.constant 0 : index
    %get3A_41 = arith.constant 1024 : index
    %get3A_42 = arith.constant 0 : index
    %get3A_43 = vector.load %arg3[%get3A_40, %get3A_41, %get3A_42] : memref<1x8192x64xbf16, #tpu.memory_space<vmem>>, vector<1x1024x64xbf16>
    %get3A_44 = vector.shape_cast %get3A_43 : vector<1x1024x64xbf16> to vector<1024x64xbf16>
    %get3A_45 = arith.constant 0 : index
    %get3A_46 = arith.constant 0 : index
    %get3A_47 = arith.constant 1024 : index
    %get3A_48 = vector.load %arg4[%get3A_45, %get3A_46, %get3A_47] : memref<1x1x8192xf32, #tpu.memory_space<vmem>>, vector<1x1x1024xf32>
    %get3A_49 = vector.shape_cast %get3A_48 : vector<1x1x1024xf32> to vector<1x1024xf32>
    %dot_general3A_50 = arith.constant dense<0.000000e+00> : vector<1024x1024xf32>
    %dot_general3A_51 = tpu.matmul %convert_element_type3A, %get3A_44, %dot_general3A_50 {dimension_numbers = #tpu.dot_dimension_numbers<[1], [1], [0], [0], [0, 0, 1, 0], [], []>, transpose_lhs_hint = false} : vector<1024x64xbf16>, vector<1024x64xbf16>, vector<1024x1024xf32> -> vector<1024x1024xf32>
    %sub3A_52 = vector.broadcast %broadcast_in_dim3A : vector<1024x1xf32> to vector<1024x1024xf32>
    %sub3A_53 = arith.subf %sub3A_52, %dot_general3A_51 : vector<1024x1024xf32>
    %add3A_54 = vector.broadcast %get3A_49 : vector<1x1024xf32> to vector<1024x1024xf32>
    %add3A_55 = arith.addf %sub3A_53, %add3A_54 : vector<1024x1024xf32>
    %swap3A_56 = arith.constant 0 : index
    %swap3A_57 = arith.constant 1024 : index
    %swap3A_58 = vector.load %arg8[%swap3A_56, %swap3A_57] : memref<1024x4096xf32, #tpu.memory_space<vmem>>, vector<1024x1024xf32>
    tpu.vector_store %arg8[%swap3A_56, %swap3A_57], %add3A_55 {strides = array<i32>} : memref<1024x4096xf32, #tpu.memory_space<vmem>>, vector<1024x1024xf32>,
    %reduce_min3A_59 = arith.constant dense<0x7F800000> : vector<1024xf32>
    %reduce_min3A_60 = vector.multi_reduction <minimumf>, %add3A_55, %reduce_min3A_59 [1] : vector<1024x1024xf32> to vector<1024xf32>
    %broadcast_in_dim3A_61 = vector.shape_cast %reduce_min3A_60 : vector<1024xf32> to vector<1024x1xf32>
    %min3A_62 = arith.minimumf %min3A, %broadcast_in_dim3A_61 : vector<1024x1xf32>
    %get3A_63 = arith.constant 0 : index
    %get3A_64 = arith.constant 2048 : index
    %get3A_65 = arith.constant 0 : index
    %get3A_66 = vector.load %arg3[%get3A_63, %get3A_64, %get3A_65] : memref<1x8192x64xbf16, #tpu.memory_space<vmem>>, vector<1x1024x64xbf16>
    %get3A_67 = vector.shape_cast %get3A_66 : vector<1x1024x64xbf16> to vector<1024x64xbf16>
    %get3A_68 = arith.constant 0 : index
    %get3A_69 = arith.constant 0 : index
    %get3A_70 = arith.constant 2048 : index
    %get3A_71 = vector.load %arg4[%get3A_68, %get3A_69, %get3A_70] : memref<1x1x8192xf32, #tpu.memory_space<vmem>>, vector<1x1x1024xf32>
    %get3A_72 = vector.shape_cast %get3A_71 : vector<1x1x1024xf32> to vector<1x1024xf32>
    %dot_general3A_73 = arith.constant dense<0.000000e+00> : vector<1024x1024xf32>
    %dot_general3A_74 = tpu.matmul %convert_element_type3A, %get3A_67, %dot_general3A_73 {dimension_numbers = #tpu.dot_dimension_numbers<[1], [1], [0], [0], [0, 0, 1, 0], [], []>, transpose_lhs_hint = false} : vector<1024x64xbf16>, vector<1024x64xbf16>, vector<1024x1024xf32> -> vector<1024x1024xf32>
    %sub3A_75 = vector.broadcast %broadcast_in_dim3A : vector<1024x1xf32> to vector<1024x1024xf32>
    %sub3A_76 = arith.subf %sub3A_75, %dot_general3A_74 : vector<1024x1024xf32>
    %add3A_77 = vector.broadcast %get3A_72 : vector<1x1024xf32> to vector<1024x1024xf32>
    %add3A_78 = arith.addf %sub3A_76, %add3A_77 : vector<1024x1024xf32>
    %swap3A_79 = arith.constant 0 : index
    %swap3A_80 = arith.constant 2048 : index
    %swap3A_81 = vector.load %arg8[%swap3A_79, %swap3A_80] : memref<1024x4096xf32, #tpu.memory_space<vmem>>, vector<1024x1024xf32>
    tpu.vector_store %arg8[%swap3A_79, %swap3A_80], %add3A_78 {strides = array<i32>} : memref<1024x4096xf32, #tpu.memory_space<vmem>>, vector<1024x1024xf32>,
    %reduce_min3A_82 = arith.constant dense<0x7F800000> : vector<1024xf32>
    %reduce_min3A_83 = vector.multi_reduction <minimumf>, %add3A_78, %reduce_min3A_82 [1] : vector<1024x1024xf32> to vector<1024xf32>
    %broadcast_in_dim3A_84 = vector.shape_cast %reduce_min3A_83 : vector<1024xf32> to vector<1024x1xf32>
    %min3A_85 = arith.minimumf %min3A_62, %broadcast_in_dim3A_84 : vector<1024x1xf32>
    %get3A_86 = arith.constant 0 : index
    %get3A_87 = arith.constant 3072 : index
    %get3A_88 = arith.constant 0 : index
    %get3A_89 = vector.load %arg3[%get3A_86, %get3A_87, %get3A_88] : memref<1x8192x64xbf16, #tpu.memory_space<vmem>>, vector<1x1024x64xbf16>
    %get3A_90 = vector.shape_cast %get3A_89 : vector<1x1024x64xbf16> to vector<1024x64xbf16>
    %get3A_91 = arith.constant 0 : index
    %get3A_92 = arith.constant 0 : index
    %get3A_93 = arith.constant 3072 : index
    %get3A_94 = vector.load %arg4[%get3A_91, %get3A_92, %get3A_93] : memref<1x1x8192xf32, #tpu.memory_space<vmem>>, vector<1x1x1024xf32>
    %get3A_95 = vector.shape_cast %get3A_94 : vector<1x1x1024xf32> to vector<1x1024xf32>
    %dot_general3A_96 = arith.constant dense<0.000000e+00> : vector<1024x1024xf32>
    %dot_general3A_97 = tpu.matmul %convert_element_type3A, %get3A_90, %dot_general3A_96 {dimension_numbers = #tpu.dot_dimension_numbers<[1], [1], [0], [0], [0, 0, 1, 0], [], []>, transpose_lhs_hint = false} : vector<1024x64xbf16>, vector<1024x64xbf16>, vector<1024x1024xf32> -> vector<1024x1024xf32>
    %sub3A_98 = vector.broadcast %broadcast_in_dim3A : vector<1024x1xf32> to vector<1024x1024xf32>
    %sub3A_99 = arith.subf %sub3A_98, %dot_general3A_97 : vector<1024x1024xf32>
    %add3A_100 = vector.broadcast %get3A_95 : vector<1x1024xf32> to vector<1024x1024xf32>
    %add3A_101 = arith.addf %sub3A_99, %add3A_100 : vector<1024x1024xf32>
    %swap3A_102 = arith.constant 0 : index
    %swap3A_103 = arith.constant 3072 : index
    %swap3A_104 = vector.load %arg8[%swap3A_102, %swap3A_103] : memref<1024x4096xf32, #tpu.memory_space<vmem>>, vector<1024x1024xf32>
    tpu.vector_store %arg8[%swap3A_102, %swap3A_103], %add3A_101 {strides = array<i32>} : memref<1024x4096xf32, #tpu.memory_space<vmem>>, vector<1024x1024xf32>,
    %reduce_min3A_105 = arith.constant dense<0x7F800000> : vector<1024xf32>
    %reduce_min3A_106 = vector.multi_reduction <minimumf>, %add3A_101, %reduce_min3A_105 [1] : vector<1024x1024xf32> to vector<1024xf32>
    %broadcast_in_dim3A_107 = vector.shape_cast %reduce_min3A_106 : vector<1024xf32> to vector<1024x1xf32>
    %min3A_108 = arith.minimumf %min3A_85, %broadcast_in_dim3A_107 : vector<1024x1xf32>
    %broadcast_in_dim3A_109 = arith.constant 8.192000e+03 : f32
    %broadcast_in_dim3A_110 = vector.broadcast %broadcast_in_dim3A_109 : f32 to vector<1024x1xf32>
    %get3A_111 = arith.constant 0 : index
    %get3A_112 = arith.constant 0 : index
    %get3A_113 = vector.load %arg8[%get3A_111, %get3A_112] : memref<1024x4096xf32, #tpu.memory_space<vmem>>, vector<1024x1024xf32>
    %le3A = vector.broadcast %min3A_108 : vector<1024x1xf32> to vector<1024x1024xf32>
    %le3A_114 = arith.cmpf ole, %get3A_113, %le3A : vector<1024x1024xf32>
    %jit3A = arith.constant 8.192000e+03 : f32
    %broadcast_in_dim3A_115 = vector.broadcast %jit3A : f32 to vector<1024x1024xf32>
    %select_n3A = arith.select %le3A_114, %convert_element_type3A_18, %broadcast_in_dim3A_115 : vector<1024x1024xi1>, vector<1024x1024xf32>
    %reduce_min3A_116 = arith.constant dense<0x7F800000> : vector<1024xf32>
    %reduce_min3A_117 = vector.multi_reduction <minimumf>, %select_n3A, %reduce_min3A_116 [1] : vector<1024x1024xf32> to vector<1024xf32>
    %broadcast_in_dim3A_118 = vector.shape_cast %reduce_min3A_117 : vector<1024xf32> to vector<1024x1xf32>
    %add3A_119 = arith.constant 0.000000e+00 : f32
    %add3A_120 = vector.broadcast %add3A_119 : f32 to vector<1024x1xf32>
    %add3A_121 = arith.addf %broadcast_in_dim3A_118, %add3A_120 : vector<1024x1xf32>
    %min3A_122 = arith.minimumf %broadcast_in_dim3A_110, %add3A_121 : vector<1024x1xf32>
    %get3A_123 = arith.constant 0 : index
    %get3A_124 = arith.constant 1024 : index
    %get3A_125 = vector.load %arg8[%get3A_123, %get3A_124] : memref<1024x4096xf32, #tpu.memory_space<vmem>>, vector<1024x1024xf32>
    %le3A_126 = vector.broadcast %min3A_108 : vector<1024x1xf32> to vector<1024x1024xf32>
    %le3A_127 = arith.cmpf ole, %get3A_125, %le3A_126 : vector<1024x1024xf32>
    %jit3A_128 = arith.constant 8.192000e+03 : f32
    %broadcast_in_dim3A_129 = vector.broadcast %jit3A_128 : f32 to vector<1024x1024xf32>
    %select_n3A_130 = arith.select %le3A_127, %convert_element_type3A_18, %broadcast_in_dim3A_129 : vector<1024x1024xi1>, vector<1024x1024xf32>
    %reduce_min3A_131 = arith.constant dense<0x7F800000> : vector<1024xf32>
    %reduce_min3A_132 = vector.multi_reduction <minimumf>, %select_n3A_130, %reduce_min3A_131 [1] : vector<1024x1024xf32> to vector<1024xf32>
    %broadcast_in_dim3A_133 = vector.shape_cast %reduce_min3A_132 : vector<1024xf32> to vector<1024x1xf32>
    %add3A_134 = arith.constant 1.024000e+03 : f32
    %add3A_135 = vector.broadcast %add3A_134 : f32 to vector<1024x1xf32>
    %add3A_136 = arith.addf %broadcast_in_dim3A_133, %add3A_135 : vector<1024x1xf32>
    %min3A_137 = arith.minimumf %min3A_122, %add3A_136 : vector<1024x1xf32>
    %get3A_138 = arith.constant 0 : index
    %get3A_139 = arith.constant 2048 : index
    %get3A_140 = vector.load %arg8[%get3A_138, %get3A_139] : memref<1024x4096xf32, #tpu.memory_space<vmem>>, vector<1024x1024xf32>
    %le3A_141 = vector.broadcast %min3A_108 : vector<1024x1xf32> to vector<1024x1024xf32>
    %le3A_142 = arith.cmpf ole, %get3A_140, %le3A_141 : vector<1024x1024xf32>
    %jit3A_143 = arith.constant 8.192000e+03 : f32
    %broadcast_in_dim3A_144 = vector.broadcast %jit3A_143 : f32 to vector<1024x1024xf32>
    %select_n3A_145 = arith.select %le3A_142, %convert_element_type3A_18, %broadcast_in_dim3A_144 : vector<1024x1024xi1>, vector<1024x1024xf32>
    %reduce_min3A_146 = arith.constant dense<0x7F800000> : vector<1024xf32>
    %reduce_min3A_147 = vector.multi_reduction <minimumf>, %select_n3A_145, %reduce_min3A_146 [1] : vector<1024x1024xf32> to vector<1024xf32>
    %broadcast_in_dim3A_148 = vector.shape_cast %reduce_min3A_147 : vector<1024xf32> to vector<1024x1xf32>
    %add3A_149 = arith.constant 2.048000e+03 : f32
    %add3A_150 = vector.broadcast %add3A_149 : f32 to vector<1024x1xf32>
    %add3A_151 = arith.addf %broadcast_in_dim3A_148, %add3A_150 : vector<1024x1xf32>
    %min3A_152 = arith.minimumf %min3A_137, %add3A_151 : vector<1024x1xf32>
    %get3A_153 = arith.constant 0 : index
    %get3A_154 = arith.constant 3072 : index
    %get3A_155 = vector.load %arg8[%get3A_153, %get3A_154] : memref<1024x4096xf32, #tpu.memory_space<vmem>>, vector<1024x1024xf32>
    %le3A_156 = vector.broadcast %min3A_108 : vector<1024x1xf32> to vector<1024x1024xf32>
    %le3A_157 = arith.cmpf ole, %get3A_155, %le3A_156 : vector<1024x1024xf32>
    %jit3A_158 = arith.constant 8.192000e+03 : f32
    %broadcast_in_dim3A_159 = vector.broadcast %jit3A_158 : f32 to vector<1024x1024xf32>
    %select_n3A_160 = arith.select %le3A_157, %convert_element_type3A_18, %broadcast_in_dim3A_159 : vector<1024x1024xi1>, vector<1024x1024xf32>
    %reduce_min3A_161 = arith.constant dense<0x7F800000> : vector<1024xf32>
    %reduce_min3A_162 = vector.multi_reduction <minimumf>, %select_n3A_160, %reduce_min3A_161 [1] : vector<1024x1024xf32> to vector<1024xf32>
    %broadcast_in_dim3A_163 = vector.shape_cast %reduce_min3A_162 : vector<1024xf32> to vector<1024x1xf32>
    %add3A_164 = arith.constant 3.072000e+03 : f32
    %add3A_165 = vector.broadcast %add3A_164 : f32 to vector<1024x1xf32>
    %add3A_166 = arith.addf %broadcast_in_dim3A_163, %add3A_165 : vector<1024x1xf32>
    %min3A_167 = arith.minimumf %min3A_152, %add3A_166 : vector<1024x1xf32>
    %broadcast_in_dim3A_168 = arith.constant 0x7F800000 : f32
    %broadcast_in_dim3A_169 = vector.broadcast %broadcast_in_dim3A_168 : f32 to vector<1024x1xf32>
    %get3A_170 = arith.constant 0 : index
    %get3A_171 = arith.constant 4096 : index
    %get3A_172 = arith.constant 0 : index
    %get3A_173 = vector.load %arg3[%get3A_170, %get3A_171, %get3A_172] : memref<1x8192x64xbf16, #tpu.memory_space<vmem>>, vector<1x1024x64xbf16>
    %get3A_174 = vector.shape_cast %get3A_173 : vector<1x1024x64xbf16> to vector<1024x64xbf16>
    %get3A_175 = arith.constant 0 : index
    %get3A_176 = arith.constant 0 : index
    %get3A_177 = arith.constant 4096 : index
    %get3A_178 = vector.load %arg4[%get3A_175, %get3A_176, %get3A_177] : memref<1x1x8192xf32, #tpu.memory_space<vmem>>, vector<1x1x1024xf32>
    %get3A_179 = vector.shape_cast %get3A_178 : vector<1x1x1024xf32> to vector<1x1024xf32>
    %dot_general3A_180 = arith.constant dense<0.000000e+00> : vector<1024x1024xf32>
    %dot_general3A_181 = tpu.matmul %convert_element_type3A, %get3A_174, %dot_general3A_180 {dimension_numbers = #tpu.dot_dimension_numbers<[1], [1], [0], [0], [0, 0, 1, 0], [], []>, transpose_lhs_hint = false} : vector<1024x64xbf16>, vector<1024x64xbf16>, vector<1024x1024xf32> -> vector<1024x1024xf32>
    %sub3A_182 = vector.broadcast %broadcast_in_dim3A : vector<1024x1xf32> to vector<1024x1024xf32>
    %sub3A_183 = arith.subf %sub3A_182, %dot_general3A_181 : vector<1024x1024xf32>
    %add3A_184 = vector.broadcast %get3A_179 : vector<1x1024xf32> to vector<1024x1024xf32>
    %add3A_185 = arith.addf %sub3A_183, %add3A_184 : vector<1024x1024xf32>
    %swap3A_186 = arith.constant 0 : index
    %swap3A_187 = arith.constant 0 : index
    %swap3A_188 = vector.load %arg8[%swap3A_186, %swap3A_187] : memref<1024x4096xf32, #tpu.memory_space<vmem>>, vector<1024x1024xf32>
    tpu.vector_store %arg8[%swap3A_186, %swap3A_187], %add3A_185 {strides = array<i32>} : memref<1024x4096xf32, #tpu.memory_space<vmem>>, vector<1024x1024xf32>,
    %reduce_min3A_189 = arith.constant dense<0x7F800000> : vector<1024xf32>
    %reduce_min3A_190 = vector.multi_reduction <minimumf>, %add3A_185, %reduce_min3A_189 [1] : vector<1024x1024xf32> to vector<1024xf32>
    %broadcast_in_dim3A_191 = vector.shape_cast %reduce_min3A_190 : vector<1024xf32> to vector<1024x1xf32>
    %min3A_192 = arith.minimumf %broadcast_in_dim3A_169, %broadcast_in_dim3A_191 : vector<1024x1xf32>
    %get3A_193 = arith.constant 0 : index
    %get3A_194 = arith.constant 5120 : index
    %get3A_195 = arith.constant 0 : index
    %get3A_196 = vector.load %arg3[%get3A_193, %get3A_194, %get3A_195] : memref<1x8192x64xbf16, #tpu.memory_space<vmem>>, vector<1x1024x64xbf16>
    %get3A_197 = vector.shape_cast %get3A_196 : vector<1x1024x64xbf16> to vector<1024x64xbf16>
    %get3A_198 = arith.constant 0 : index
    %get3A_199 = arith.constant 0 : index
    %get3A_200 = arith.constant 5120 : index
    %get3A_201 = vector.load %arg4[%get3A_198, %get3A_199, %get3A_200] : memref<1x1x8192xf32, #tpu.memory_space<vmem>>, vector<1x1x1024xf32>
    %get3A_202 = vector.shape_cast %get3A_201 : vector<1x1x1024xf32> to vector<1x1024xf32>
    %dot_general3A_203 = arith.constant dense<0.000000e+00> : vector<1024x1024xf32>
    %dot_general3A_204 = tpu.matmul %convert_element_type3A, %get3A_197, %dot_general3A_203 {dimension_numbers = #tpu.dot_dimension_numbers<[1], [1], [0], [0], [0, 0, 1, 0], [], []>, transpose_lhs_hint = false} : vector<1024x64xbf16>, vector<1024x64xbf16>, vector<1024x1024xf32> -> vector<1024x1024xf32>
    %sub3A_205 = vector.broadcast %broadcast_in_dim3A : vector<1024x1xf32> to vector<1024x1024xf32>
    %sub3A_206 = arith.subf %sub3A_205, %dot_general3A_204 : vector<1024x1024xf32>
    %add3A_207 = vector.broadcast %get3A_202 : vector<1x1024xf32> to vector<1024x1024xf32>
    %add3A_208 = arith.addf %sub3A_206, %add3A_207 : vector<1024x1024xf32>
    %swap3A_209 = arith.constant 0 : index
    %swap3A_210 = arith.constant 1024 : index
    %swap3A_211 = vector.load %arg8[%swap3A_209, %swap3A_210] : memref<1024x4096xf32, #tpu.memory_space<vmem>>, vector<1024x1024xf32>
    tpu.vector_store %arg8[%swap3A_209, %swap3A_210], %add3A_208 {strides = array<i32>} : memref<1024x4096xf32, #tpu.memory_space<vmem>>, vector<1024x1024xf32>,
    %reduce_min3A_212 = arith.constant dense<0x7F800000> : vector<1024xf32>
    %reduce_min3A_213 = vector.multi_reduction <minimumf>, %add3A_208, %reduce_min3A_212 [1] : vector<1024x1024xf32> to vector<1024xf32>
    %broadcast_in_dim3A_214 = vector.shape_cast %reduce_min3A_213 : vector<1024xf32> to vector<1024x1xf32>
    %min3A_215 = arith.minimumf %min3A_192, %broadcast_in_dim3A_214 : vector<1024x1xf32>
    %get3A_216 = arith.constant 0 : index
    %get3A_217 = arith.constant 6144 : index
    %get3A_218 = arith.constant 0 : index
    %get3A_219 = vector.load %arg3[%get3A_216, %get3A_217, %get3A_218] : memref<1x8192x64xbf16, #tpu.memory_space<vmem>>, vector<1x1024x64xbf16>
    %get3A_220 = vector.shape_cast %get3A_219 : vector<1x1024x64xbf16> to vector<1024x64xbf16>
    %get3A_221 = arith.constant 0 : index
    %get3A_222 = arith.constant 0 : index
    %get3A_223 = arith.constant 6144 : index
    %get3A_224 = vector.load %arg4[%get3A_221, %get3A_222, %get3A_223] : memref<1x1x8192xf32, #tpu.memory_space<vmem>>, vector<1x1x1024xf32>
    %get3A_225 = vector.shape_cast %get3A_224 : vector<1x1x1024xf32> to vector<1x1024xf32>
    %dot_general3A_226 = arith.constant dense<0.000000e+00> : vector<1024x1024xf32>
    %dot_general3A_227 = tpu.matmul %convert_element_type3A, %get3A_220, %dot_general3A_226 {dimension_numbers = #tpu.dot_dimension_numbers<[1], [1], [0], [0], [0, 0, 1, 0], [], []>, transpose_lhs_hint = false} : vector<1024x64xbf16>, vector<1024x64xbf16>, vector<1024x1024xf32> -> vector<1024x1024xf32>
    %sub3A_228 = vector.broadcast %broadcast_in_dim3A : vector<1024x1xf32> to vector<1024x1024xf32>
    %sub3A_229 = arith.subf %sub3A_228, %dot_general3A_227 : vector<1024x1024xf32>
    %add3A_230 = vector.broadcast %get3A_225 : vector<1x1024xf32> to vector<1024x1024xf32>
    %add3A_231 = arith.addf %sub3A_229, %add3A_230 : vector<1024x1024xf32>
    %swap3A_232 = arith.constant 0 : index
    %swap3A_233 = arith.constant 2048 : index
    %swap3A_234 = vector.load %arg8[%swap3A_232, %swap3A_233] : memref<1024x4096xf32, #tpu.memory_space<vmem>>, vector<1024x1024xf32>
    tpu.vector_store %arg8[%swap3A_232, %swap3A_233], %add3A_231 {strides = array<i32>} : memref<1024x4096xf32, #tpu.memory_space<vmem>>, vector<1024x1024xf32>,
    %reduce_min3A_235 = arith.constant dense<0x7F800000> : vector<1024xf32>
    %reduce_min3A_236 = vector.multi_reduction <minimumf>, %add3A_231, %reduce_min3A_235 [1] : vector<1024x1024xf32> to vector<1024xf32>
    %broadcast_in_dim3A_237 = vector.shape_cast %reduce_min3A_236 : vector<1024xf32> to vector<1024x1xf32>
    %min3A_238 = arith.minimumf %min3A_215, %broadcast_in_dim3A_237 : vector<1024x1xf32>
    %get3A_239 = arith.constant 0 : index
    %get3A_240 = arith.constant 7168 : index
    %get3A_241 = arith.constant 0 : index
    %get3A_242 = vector.load %arg3[%get3A_239, %get3A_240, %get3A_241] : memref<1x8192x64xbf16, #tpu.memory_space<vmem>>, vector<1x1024x64xbf16>
    %get3A_243 = vector.shape_cast %get3A_242 : vector<1x1024x64xbf16> to vector<1024x64xbf16>
    %get3A_244 = arith.constant 0 : index
    %get3A_245 = arith.constant 0 : index
    %get3A_246 = arith.constant 7168 : index
    %get3A_247 = vector.load %arg4[%get3A_244, %get3A_245, %get3A_246] : memref<1x1x8192xf32, #tpu.memory_space<vmem>>, vector<1x1x1024xf32>
    %get3A_248 = vector.shape_cast %get3A_247 : vector<1x1x1024xf32> to vector<1x1024xf32>
    %dot_general3A_249 = arith.constant dense<0.000000e+00> : vector<1024x1024xf32>
    %dot_general3A_250 = tpu.matmul %convert_element_type3A, %get3A_243, %dot_general3A_249 {dimension_numbers = #tpu.dot_dimension_numbers<[1], [1], [0], [0], [0, 0, 1, 0], [], []>, transpose_lhs_hint = false} : vector<1024x64xbf16>, vector<1024x64xbf16>, vector<1024x1024xf32> -> vector<1024x1024xf32>
    %sub3A_251 = vector.broadcast %broadcast_in_dim3A : vector<1024x1xf32> to vector<1024x1024xf32>
    %sub3A_252 = arith.subf %sub3A_251, %dot_general3A_250 : vector<1024x1024xf32>
    %add3A_253 = vector.broadcast %get3A_248 : vector<1x1024xf32> to vector<1024x1024xf32>
    %add3A_254 = arith.addf %sub3A_252, %add3A_253 : vector<1024x1024xf32>
    %swap3A_255 = arith.constant 0 : index
    %swap3A_256 = arith.constant 3072 : index
    %swap3A_257 = vector.load %arg8[%swap3A_255, %swap3A_256] : memref<1024x4096xf32, #tpu.memory_space<vmem>>, vector<1024x1024xf32>
    tpu.vector_store %arg8[%swap3A_255, %swap3A_256], %add3A_254 {strides = array<i32>} : memref<1024x4096xf32, #tpu.memory_space<vmem>>, vector<1024x1024xf32>,
    %reduce_min3A_258 = arith.constant dense<0x7F800000> : vector<1024xf32>
    %reduce_min3A_259 = vector.multi_reduction <minimumf>, %add3A_254, %reduce_min3A_258 [1] : vector<1024x1024xf32> to vector<1024xf32>
    %broadcast_in_dim3A_260 = vector.shape_cast %reduce_min3A_259 : vector<1024xf32> to vector<1024x1xf32>
    %min3A_261 = arith.minimumf %min3A_238, %broadcast_in_dim3A_260 : vector<1024x1xf32>
    %broadcast_in_dim3A_262 = arith.constant 8.192000e+03 : f32
    %broadcast_in_dim3A_263 = vector.broadcast %broadcast_in_dim3A_262 : f32 to vector<1024x1xf32>
    %get3A_264 = arith.constant 0 : index
    %get3A_265 = arith.constant 0 : index
    %get3A_266 = vector.load %arg8[%get3A_264, %get3A_265] : memref<1024x4096xf32, #tpu.memory_space<vmem>>, vector<1024x1024xf32>
    %le3A_267 = vector.broadcast %min3A_261 : vector<1024x1xf32> to vector<1024x1024xf32>
    %le3A_268 = arith.cmpf ole, %get3A_266, %le3A_267 : vector<1024x1024xf32>
    %jit3A_269 = arith.constant 8.192000e+03 : f32
    %broadcast_in_dim3A_270 = vector.broadcast %jit3A_269 : f32 to vector<1024x1024xf32>
    %select_n3A_271 = arith.select %le3A_268, %convert_element_type3A_18, %broadcast_in_dim3A_270 : vector<1024x1024xi1>, vector<1024x1024xf32>
    %reduce_min3A_272 = arith.constant dense<0x7F800000> : vector<1024xf32>
    %reduce_min3A_273 = vector.multi_reduction <minimumf>, %select_n3A_271, %reduce_min3A_272 [1] : vector<1024x1024xf32> to vector<1024xf32>
    %broadcast_in_dim3A_274 = vector.shape_cast %reduce_min3A_273 : vector<1024xf32> to vector<1024x1xf32>
    %add3A_275 = arith.constant 4.096000e+03 : f32
    %add3A_276 = vector.broadcast %add3A_275 : f32 to vector<1024x1xf32>
    %add3A_277 = arith.addf %broadcast_in_dim3A_274, %add3A_276 : vector<1024x1xf32>
    %min3A_278 = arith.minimumf %broadcast_in_dim3A_263, %add3A_277 : vector<1024x1xf32>
    %get3A_279 = arith.constant 0 : index
    %get3A_280 = arith.constant 1024 : index
    %get3A_281 = vector.load %arg8[%get3A_279, %get3A_280] : memref<1024x4096xf32, #tpu.memory_space<vmem>>, vector<1024x1024xf32>
    %le3A_282 = vector.broadcast %min3A_261 : vector<1024x1xf32> to vector<1024x1024xf32>
    %le3A_283 = arith.cmpf ole, %get3A_281, %le3A_282 : vector<1024x1024xf32>
    %jit3A_284 = arith.constant 8.192000e+03 : f32
    %broadcast_in_dim3A_285 = vector.broadcast %jit3A_284 : f32 to vector<1024x1024xf32>
    %select_n3A_286 = arith.select %le3A_283, %convert_element_type3A_18, %broadcast_in_dim3A_285 : vector<1024x1024xi1>, vector<1024x1024xf32>
    %reduce_min3A_287 = arith.constant dense<0x7F800000> : vector<1024xf32>
    %reduce_min3A_288 = vector.multi_reduction <minimumf>, %select_n3A_286, %reduce_min3A_287 [1] : vector<1024x1024xf32> to vector<1024xf32>
    %broadcast_in_dim3A_289 = vector.shape_cast %reduce_min3A_288 : vector<1024xf32> to vector<1024x1xf32>
    %add3A_290 = arith.constant 5.120000e+03 : f32
    %add3A_291 = vector.broadcast %add3A_290 : f32 to vector<1024x1xf32>
    %add3A_292 = arith.addf %broadcast_in_dim3A_289, %add3A_291 : vector<1024x1xf32>
    %min3A_293 = arith.minimumf %min3A_278, %add3A_292 : vector<1024x1xf32>
    %get3A_294 = arith.constant 0 : index
    %get3A_295 = arith.constant 2048 : index
    %get3A_296 = vector.load %arg8[%get3A_294, %get3A_295] : memref<1024x4096xf32, #tpu.memory_space<vmem>>, vector<1024x1024xf32>
    %le3A_297 = vector.broadcast %min3A_261 : vector<1024x1xf32> to vector<1024x1024xf32>
    %le3A_298 = arith.cmpf ole, %get3A_296, %le3A_297 : vector<1024x1024xf32>
    %jit3A_299 = arith.constant 8.192000e+03 : f32
    %broadcast_in_dim3A_300 = vector.broadcast %jit3A_299 : f32 to vector<1024x1024xf32>
    %select_n3A_301 = arith.select %le3A_298, %convert_element_type3A_18, %broadcast_in_dim3A_300 : vector<1024x1024xi1>, vector<1024x1024xf32>
    %reduce_min3A_302 = arith.constant dense<0x7F800000> : vector<1024xf32>
    %reduce_min3A_303 = vector.multi_reduction <minimumf>, %select_n3A_301, %reduce_min3A_302 [1] : vector<1024x1024xf32> to vector<1024xf32>
    %broadcast_in_dim3A_304 = vector.shape_cast %reduce_min3A_303 : vector<1024xf32> to vector<1024x1xf32>
    %add3A_305 = arith.constant 6.144000e+03 : f32
    %add3A_306 = vector.broadcast %add3A_305 : f32 to vector<1024x1xf32>
    %add3A_307 = arith.addf %broadcast_in_dim3A_304, %add3A_306 : vector<1024x1xf32>
    %min3A_308 = arith.minimumf %min3A_293, %add3A_307 : vector<1024x1xf32>
    %get3A_309 = arith.constant 0 : index
    %get3A_310 = arith.constant 3072 : index
    %get3A_311 = vector.load %arg8[%get3A_309, %get3A_310] : memref<1024x4096xf32, #tpu.memory_space<vmem>>, vector<1024x1024xf32>
    %le3A_312 = vector.broadcast %min3A_261 : vector<1024x1xf32> to vector<1024x1024xf32>
    %le3A_313 = arith.cmpf ole, %get3A_311, %le3A_312 : vector<1024x1024xf32>
    %jit3A_314 = arith.constant 8.192000e+03 : f32
    %broadcast_in_dim3A_315 = vector.broadcast %jit3A_314 : f32 to vector<1024x1024xf32>
    %select_n3A_316 = arith.select %le3A_313, %convert_element_type3A_18, %broadcast_in_dim3A_315 : vector<1024x1024xi1>, vector<1024x1024xf32>
    %reduce_min3A_317 = arith.constant dense<0x7F800000> : vector<1024xf32>
    %reduce_min3A_318 = vector.multi_reduction <minimumf>, %select_n3A_316, %reduce_min3A_317 [1] : vector<1024x1024xf32> to vector<1024xf32>
    %broadcast_in_dim3A_319 = vector.shape_cast %reduce_min3A_318 : vector<1024xf32> to vector<1024x1xf32>
    %add3A_320 = arith.constant 7.168000e+03 : f32
    %add3A_321 = vector.broadcast %add3A_320 : f32 to vector<1024x1xf32>
    %add3A_322 = arith.addf %broadcast_in_dim3A_319, %add3A_321 : vector<1024x1xf32>
    %min3A_323 = arith.minimumf %min3A_308, %add3A_322 : vector<1024x1xf32>
    %bitcast_convert_type3A = tpu.bitcast %min3A_108 : vector<1024x1xf32> -> vector<1024x1xi32>
    %add3A_324 = arith.constant 32767 : i32
    %add3A_325 = vector.broadcast %add3A_324 : i32 to vector<1024x1xi32>
    %add3A_326 = arith.addi %bitcast_convert_type3A, %add3A_325 : vector<1024x1xi32>
    %shift_right_logical3A = arith.constant 16 : i32
    %shift_right_logical3A_327 = vector.broadcast %shift_right_logical3A : i32 to vector<1024x1xi32>
    %shift_right_logical3A_328 = arith.shrui %bitcast_convert_type3A, %shift_right_logical3A_327 : vector<1024x1xi32>
    %and3A = arith.constant 1 : i32
    %and3A_329 = vector.broadcast %and3A : i32 to vector<1024x1xi32>
    %and3A_330 = arith.andi %shift_right_logical3A_328, %and3A_329 : vector<1024x1xi32>
    %add3A_331 = arith.addi %add3A_326, %and3A_330 : vector<1024x1xi32>
    %and3A_332 = arith.constant -65536 : i32
    %and3A_333 = vector.broadcast %and3A_332 : i32 to vector<1024x1xi32>
    %and3A_334 = arith.andi %add3A_331, %and3A_333 : vector<1024x1xi32>
    %bitcast_convert_type3A_335 = tpu.bitcast %and3A_334 : vector<1024x1xi32> -> vector<1024x1xf32>
    %lt3A = arith.cmpf olt, %min3A_261, %bitcast_convert_type3A_335 : vector<1024x1xf32>
    %select_n3A_336 = arith.select %lt3A, %min3A_323, %min3A_167 : vector<1024x1xi1>, vector<1024x1xf32>
    %convert_element_type3A_337 = arith.fptosi %select_n3A_336 : vector<1024x1xf32> to vector<1024x1xi32>
    %reshape3A = vector.shape_cast %convert_element_type3A_337 : vector<1024x1xi32> to vector<1x1024x1xi32>
    %swap3A_338 = arith.constant 0 : index
    %swap3A_339 = arith.constant 0 : index
    %swap3A_340 = arith.constant 0 : index
    %swap3A_341 = vector.load %arg5[%swap3A_338, %swap3A_339, %swap3A_340] : memref<1x1024x1xi32, #tpu.memory_space<vmem>>, vector<1x1024x1xi32>
    tpu.vector_store %arg5[%swap3A_338, %swap3A_339, %swap3A_340], %reshape3A {strides = array<i32>} : memref<1x1024x1xi32, #tpu.memory_space<vmem>>, vector<1x1024x1xi32>,
    return
  }
  func.func @transform_0(%arg0: i32) -> (i32, i32) {
    %c0_i32 = arith.constant 0 : i32
    %c0_i32_0 = arith.constant 0 : i32
    return %arg0, %c0_i32 : i32, i32
  }
  func.func @transform_1(%arg0: i32) -> (i32, i32) {
    %c0_i32 = arith.constant 0 : i32
    %c0_i32_0 = arith.constant 0 : i32
    return %arg0, %c0_i32 : i32, i32
  }
  func.func @transform_2(%arg0: i32) -> (i32, i32, i32) {
    %c0_i32 = arith.constant 0 : i32
    %c0_i32_0 = arith.constant 0 : i32
    %c0_i32_1 = arith.constant 0 : i32
    %c0_i32_2 = arith.constant 0 : i32
    return %c0_i32, %c0_i32_0, %c0_i32_1 : i32, i32, i32
  }
  func.func @transform_3(%arg0: i32) -> (i32, i32, i32) {
    %c0_i32 = arith.constant 0 : i32
    %c0_i32_0 = arith.constant 0 : i32
    %c0_i32_1 = arith.constant 0 : i32
    %c0_i32_2 = arith.constant 0 : i32
    return %c0_i32, %c0_i32_0, %c0_i32_1 : i32, i32, i32
  }
  func.func @transform_4(%arg0: i32) -> (i32, i32, i32) {
    %c0_i32 = arith.constant 0 : i32
    %c0_i32_0 = arith.constant 0 : i32
    %c0_i32_1 = arith.constant 0 : i32
    return %arg0, %c0_i32, %c0_i32_0 : i32, i32, i32
  }
  func.func @transform_5(%arg0: i32) -> (i32, i32) {
    %c0_i32 = arith.constant 0 : i32
    %c0_i32_0 = arith.constant 0 : i32
    return %arg0, %c0_i32 : i32, i32
  }
  func.func @transform_6(%arg0: i32) -> (i32, i32, i32) {
    %c0_i32 = arith.constant 0 : i32
    %c0_i32_0 = arith.constant 0 : i32
    %c0_i32_1 = arith.constant 0 : i32
    return %arg0, %c0_i32, %c0_i32_0 : i32, i32, i32
  }
}

module attributes {stable_mosaic.version = 14 : i64} {
  func.func @_final_kernel(%arg0: i32, %arg1: memref<1024x64xf32, #tpu.memory_space<vmem>>, %arg2: memref<1024x64xf32, #tpu.memory_space<vmem>>, %arg3: memref<1024x128xf32, #tpu.memory_space<vmem>>, %arg4: memref<1024x64xf32, #tpu.memory_space<vmem>>, %arg5: memref<1x1x128xf32, #tpu.memory_space<vmem>>) attributes {dimension_semantics = [#tpu.dimension_semantics<arbitrary>], iteration_bounds = array<i64: 32>, scalar_prefetch = 0 : i64, scratch_operands = 0 : i64, tpu.core_type = #tpu.core_type<tc>, window_params = [{transform_indices = @transform_0, window_bounds = array<i64: 1024, 64>}, {transform_indices = @transform_1, window_bounds = array<i64: 1024, 64>}, {transform_indices = @transform_2, window_bounds = array<i64: 1024, 128>}, {transform_indices = @transform_3, window_bounds = array<i64: 1024, 64>}, {transform_indices = @transform_4, window_bounds = array<i64: 1, 1, 128>}]} {
    %get3A = arith.constant 0 : index
    %get3A_0 = arith.constant 0 : index
    %get3A_1 = vector.load %arg2[%get3A, %get3A_0] : memref<1024x64xf32, #tpu.memory_space<vmem>>, vector<1024x64xf32>
    %get3A_2 = arith.constant 0 : index
    %get3A_3 = arith.constant 0 : index
    %get3A_4 = vector.load %arg3[%get3A_2, %get3A_3] : memref<1024x128xf32, #tpu.memory_space<vmem>>, vector<1024x64xf32>
    %sub3A = arith.subf %get3A_1, %get3A_4 : vector<1024x64xf32>
    %mul3A = arith.mulf %sub3A, %sub3A : vector<1024x64xf32>
    %reduce_sum3A = vector.shape_cast %mul3A : vector<1024x64xf32> to vector<1x1024x64xf32>
    %reduce_sum3A_5 = arith.constant dense<0.000000e+00> : vector<1xf32>
    %reduce_sum3A_6 = vector.multi_reduction <add>, %reduce_sum3A, %reduce_sum3A_5 [1, 2] : vector<1x1024x64xf32> to vector<1xf32>
    %reduce_sum3A_7 = vector.shape_cast %reduce_sum3A_6 : vector<1xf32> to vector<1x1x1xf32>
    %reduce_sum3A_8 = vector.extract %reduce_sum3A_7[0, 0, 0] : f32 from vector<1x1x1xf32>
    %broadcast_in_dim3A = vector.broadcast %reduce_sum3A_8 : f32 to vector<1x1x128xf32>
    %swap3A = arith.constant 0 : index
    %swap3A_9 = arith.constant 0 : index
    %swap3A_10 = arith.constant 0 : index
    %swap3A_11 = vector.load %arg5[%swap3A, %swap3A_9, %swap3A_10] : memref<1x1x128xf32, #tpu.memory_space<vmem>>, vector<1x1x128xf32>
    tpu.vector_store %arg5[%swap3A, %swap3A_9, %swap3A_10], %broadcast_in_dim3A {strides = array<i32>} : memref<1x1x128xf32, #tpu.memory_space<vmem>>, vector<1x1x128xf32>,
    %get3A_12 = arith.constant 0 : index
    %get3A_13 = arith.constant 0 : index
    %get3A_14 = vector.load %arg1[%get3A_12, %get3A_13] : memref<1024x64xf32, #tpu.memory_space<vmem>>, vector<1024x64xf32>
    %sub3A_15 = arith.subf %get3A_14, %sub3A : vector<1024x64xf32>
    %swap3A_16 = arith.constant 0 : index
    %swap3A_17 = arith.constant 0 : index
    %swap3A_18 = vector.load %arg4[%swap3A_16, %swap3A_17] : memref<1024x64xf32, #tpu.memory_space<vmem>>, vector<1024x64xf32>
    tpu.vector_store %arg4[%swap3A_16, %swap3A_17], %sub3A_15 {strides = array<i32>} : memref<1024x64xf32, #tpu.memory_space<vmem>>, vector<1024x64xf32>,
    return
  }
  func.func @transform_0(%arg0: i32) -> (i32, i32) {
    %c0_i32 = arith.constant 0 : i32
    %c0_i32_0 = arith.constant 0 : i32
    return %arg0, %c0_i32 : i32, i32
  }
  func.func @transform_1(%arg0: i32) -> (i32, i32) {
    %c0_i32 = arith.constant 0 : i32
    %c0_i32_0 = arith.constant 0 : i32
    return %arg0, %c0_i32 : i32, i32
  }
  func.func @transform_2(%arg0: i32) -> (i32, i32) {
    %c0_i32 = arith.constant 0 : i32
    %c0_i32_0 = arith.constant 0 : i32
    return %arg0, %c0_i32 : i32, i32
  }
  func.func @transform_3(%arg0: i32) -> (i32, i32) {
    %c0_i32 = arith.constant 0 : i32
    %c0_i32_0 = arith.constant 0 : i32
    return %arg0, %c0_i32 : i32, i32
  }
  func.func @transform_4(%arg0: i32) -> (i32, i32, i32) {
    %c0_i32 = arith.constant 0 : i32
    %c0_i32_0 = arith.constant 0 : i32
    %c0_i32_1 = arith.constant 0 : i32
    return %arg0, %c0_i32, %c0_i32_0 : i32, i32, i32
  }
}

</mosaic_0001>

<sc_bundles>
// kernel: kernel.19.cloned.1.call-start
scs
__scs_entry_jumppad:
0x0: {  	(pc) =	sbr.rel $0x88, $3  }
0x1: {  	(tag) =	ssettag $0x0;
	lr =	simm.s32 $0x1  }
0x2: {  	[smem:$0x3F9F] =	sst lr;
	_ =	strace $0xD0000000  }
0x3: {  	_ = 	snop  }
0x4: {  	_ = 	snop  }
0x5: {  	_ = 	snop  }
0x6: {  	_ = 	snop  }
0x7: {  	_ = 	snop  }
__scs_overlays_trampoline_lowered:
0x8: {  	[smem:$0x3FAE] =	sst s0  }
0x9: {  	[smem:$0x3FAF] =	sst s1  }
0xa: {  	[smem:$0x3FB0] =	sst s2  }
0xb: {  	[smem:$0x3FB1] =	sst s3  }
0xc: {  	[smem:$0x3FB2] =	sst s4  }
0xd: {  	[smem:$0x3FB3] =	sst s5  }
0xe: {  	[smem:$0x3FB4] =	sst s6  }
0xf: {  	[smem:$0x3FB5] =	sst s7  }
0x10: {  	[smem:$0x3FB6] =	sst s8  }
0x11: {  	[smem:$0x3FB7] =	sst s9;
	s0 =	simm.s32 @!p0 $0x0  }
0x12: {  	s1 =	sld [smem:$0x3F9D];
	s0 =	simm.s32 @p0 $0x1  }
0x13: {  	[smem:$0x3FB8] =	sst s0;
	s0 =	simm.s32 @!p1 $0x0  }
0x14: {  	s2 =	sld [smem:$0x3F9C];
	s0 =	simm.s32 @p1 $0x1  }
0x15: {  	[smem:$0x3FB9] =	sst s0;
	s0 =	simm.s32 @!p2 $0x0  }
0x16: {  	s3 =	sld [smem:$0x3FDB];
	s0 =	simm.s32 @p2 $0x1  }
0x17: {  	s4 =	simm.s32 $0x1BF5;
	[smem:$0x3FBB] =	sst s0  }
0x18: {  	s0 =	sld [smem:$0x3F9E];
	_ =	swait.ge [sflag:s4], $0x0  }
0x19: {  	s7 =	sld [smem:$0x3F9F]  }
0x1a: {  	s8 =	sadd.s32 $0xFFFFE003, lr  }
0x1b: {  	s9 =	sadd.s32 $0xFFFFFEF7, lr;
	s5 =	simm.s32 $0xFFFFFFFF;
	p2 =	slt.u32 s8, $0xFFFFF086  }
0x1c: {  	p1 =	slt.u32 s9, $0xF7A;
	s5 =	simm.s32 @!p2 $0x0  }
0x1d: {  	s5 =	simm.s32 @p1 $0x1;
	p0 =	seq.s32 s7, s2  }
0x1e: {  	s7 =	smul.u32 @!p0 $0xF7A, s2;
	p2 =	seq.s32 @!p0 s5, $0x0  }
0x1f: {  	s9 =	smul.u32 $0xF7A, s1;
	s8 =	simm.s32 @!p0 $0x1BF5;
	p2 =	por !p2, p0  }
0x20: {  	[sflag:s8] =	ssyncset.s32 @!p0 $0xFFFFF086;
	s6 =	sadd.s32 @!p0 s3, s7;
	s7 =	simm.s32 @!p0 $0x108  }
0x21: {  	s3 =	sadd.s32 s3, s9;
	s6 =	sadd.s32 @!p0 $0x88, s6;
	s7 =	simm.s32 @p2 $0x1082  }
0x22: {  	[simem:s7], [sflag:s8] =	dma.local @!p0 [hbm:s6], $0xF7A  }
0x23: {  	s9 =	sor.u32 $0xD0000000, s2;
	s6 =	simm.s32 $0x108;
	_ =	swait.ge @!p0 [sflag:s8], $0x0  }
0x24: {  	s3 =	sadd.s32 $0x88, s3;
	s6 =	simm.s32 @!p1 $0x1082;
	[sflag:s4] =	ssyncset.s32 $0xFFFFF086  }
0x25: {  	[simem:s6], [sflag:s4] =	dma.local [hbm:s3], $0xF7A  }
0x26: {  	[smem:$0x3F9F] =	sst s1;
	(tag) =	ssettag s2;
	_ =	strace s9  }
0x27: {  	s1 =	sld [smem:$0x3FAF]  }
0x28: {  	s2 =	sld [smem:$0x3FB0]  }
0x29: {  	s4 =	sld [smem:$0x3FB2]  }
0x2a: {  	p0 =	seq.s32 s5, $0x0;
	s5 =	sld [smem:$0x3FB3]  }
0x2b: {  	s6 =	sld [smem:$0x3FB4]  }
0x2c: {  	s7 =	sld [smem:$0x3FB5]  }
0x2d: {  	s3 =	simm.s32 $0x108;
	s8 =	sld [smem:$0x3FB6]  }
0x2e: {  	s3 =	simm.s32 @!p0 $0x1082;
	s9 =	sld [smem:$0x3FB7]  }
0x2f: {  	lr =	sadd.s32 s0, s3;
	s0 =	sld [smem:$0x3FAE]  }
0x30: {  	s3 =	sld [smem:$0x3FB1]  }
0x31: {  	[smem:$0x3FBA] =	sst s10  }
0x32: {  	s10 =	sld [smem:$0x3FB8];
	_ =	sdelay $0x3  }
0x33: {  	p0 =	seq.s32 s10, $0x1;
	s10 =	sld [smem:$0x3FBA];
	_ =	sdelay $0x3  }
0x34: {  	[smem:$0x3FBA] =	sst s10  }
0x35: {  	s10 =	sld [smem:$0x3FB9];
	_ =	sdelay $0x3  }
0x36: {  	p1 =	seq.s32 s10, $0x1;
	s10 =	sld [smem:$0x3FBA];
	_ =	sdelay $0x3  }
0x37: {  	[smem:$0x3FBA] =	sst s10  }
0x38: {  	s10 =	sld [smem:$0x3FBB]  }
0x39: {  	_ = 	snop;
	(pc) =	sbr.ind lr, $3  }
0x3a: {  	_ = 	snop  }
0x3b: {  	_ = 	snop  }
0x3c: {  	p2 =	seq.s32 s10, $0x1;
	s10 =	sld [smem:$0x3FBA]  }
0x3d: {  	_ =	shalt  }
0x3e: {  	_ =	shalt  }
0x3f: {  	_ =	shalt  }
0x40: {  	_ =	shalt  }
0x41: {  	_ =	shalt  }
0x42: {  	_ =	shalt  }
0x43: {  	_ =	shalt  }
0x44: {  	_ =	shalt  }
0x45: {  	_ =	shalt  }
0x46: {  	_ =	shalt  }
0x47: {  	_ =	shalt  }
0x48: {  	_ =	shalt  }
0x49: {  	_ =	shalt  }
0x4a: {  	_ =	shalt  }
0x4b: {  	_ =	shalt  }
0x4c: {  	_ =	shalt  }
0x4d: {  	_ =	shalt  }
0x4e: {  	_ =	shalt  }
0x4f: {  	_ =	shalt  }
0x50: {  	_ =	shalt  }
0x51: {  	_ =	shalt  }
0x52: {  	_ =	shalt  }
0x53: {  	_ =	shalt  }
0x54: {  	_ =	shalt  }
0x55: {  	_ =	shalt  }
0x56: {  	_ =	shalt  }
0x57: {  	_ =	shalt  }
0x58: {  	_ =	shalt  }
0x59: {  	_ =	shalt  }
0x5a: {  	_ =	shalt  }
0x5b: {  	_ =	shalt  }
0x5c: {  	_ =	shalt  }
0x5d: {  	_ =	shalt  }
0x5e: {  	_ =	shalt  }
0x5f: {  	_ =	shalt  }
0x60: {  	_ =	shalt  }
0x61: {  	_ =	shalt  }
0x62: {  	_ =	shalt  }
0x63: {  	_ =	shalt  }
0x64: {  	_ =	shalt  }
0x65: {  	_ =	shalt  }
0x66: {  	_ =	shalt  }
0x67: {  	_ =	shalt  }
0x68: {  	_ =	shalt  }
0x69: {  	_ =	shalt  }
0x6a: {  	_ =	shalt  }
0x6b: {  	_ =	shalt  }
0x6c: {  	_ =	shalt  }
0x6d: {  	_ =	shalt  }
0x6e: {  	_ =	shalt  }
0x6f: {  	_ =	shalt  }
0x70: {  	_ =	shalt  }
0x71: {  	_ =	shalt  }
0x72: {  	_ =	shalt  }
0x73: {  	_ =	shalt  }
0x74: {  	_ =	shalt  }
0x75: {  	_ =	shalt  }
0x76: {  	_ =	shalt  }
0x77: {  	_ =	shalt  }
0x78: {  	_ =	shalt  }
0x79: {  	_ =	shalt  }
0x7a: {  	_ =	shalt  }
0x7b: {  	_ =	shalt  }
0x7c: {  	_ =	shalt  }
0x7d: {  	_ =	shalt  }
0x7e: {  	_ =	shalt  }
0x7f: {  	_ =	shalt  }
0x80: {  	_ =	shalt  }
0x81: {  	_ =	shalt  }
0x82: {  	_ =	shalt  }
0x83: {  	_ =	shalt  }
0x84: {  	_ =	shalt  }
0x85: {  	_ =	shalt  }
0x86: {  	_ =	shalt  }
0x87: {  	_ =	shalt  }
.Lfunc_end0:
.L_simem_size_0:
called_computation_lowered:
.L_overlay_start_0:
0x88: {  	s2 =	sld [smem:$0x3FD9]  }
0x89: {  	s3 =	sld [smem:$0x3FFE];
	_ =	sdelay $0x1  }
0x8a: {  	s1 =	srdreg.scid  }
0x8b: {  	s0 =	sand.u32 $0x1, s1  }
0x8c: {  	s14 =	sshll.u32 s0, $0xA;
	s2 =	sadd.s32 s3, s2  }
0x8d: {  	s2 =	sadd.s32 s2, s14  }
0x8e: {  	[smem:$0x3FC6] =	sst s2  }
0x8f: {  	_ = 	snop  }
0x90: {  	s2 =	sld [smem:$0x3FD0];
	_ =	sdelay $0x2  }
0x91: {  	s15 =	simm.s32 $0xA;
	s4 =	simm.s32 $0x10  }
0x92: {  	[smem:s4], [sflag:s15] =	dma.local [hbm:s2], $0x1  }
0x93: {  	_ =	swait.eq [sflag:s15], $0x1  }
0x94: {  	[sflag:s15] =	ssyncset.done $0x0  }
0x95: {  	[sflag:s15] =	ssyncadd.s32 $0xFFFFFFFF  }
0x96: {  	s16 =	sld [smem:$0x11];
	(tm) =	ssettm $0x1  }
0x97: {  	s17 =	sld [smem:$0x3FFB];
	_ =	sdelay $0x3  }
0x98: {  	_ =	strace s17  }
0x99: {  	s3 =	sld [smem:$0x3FFC];
	_ =	sdelay $0x3  }
0x9a: {  	_ =	strace s3  }
0x9b: {  	s3 =	sld [smem:$0x3FFD];
	_ =	sdelay $0x3  }
0x9c: {  	_ =	strace s3  }
0x9d: {  	_ =	strace $0x8FFFFFFF  }
0x9e: {  	s18 =	sld [smem:$0x3FDB];
	_ =	sdelay $0x1  }
0x9f: {  	s19 =	simm.s32 $_scs_section_size  }
0xa0: {  	s5 =	simm.s32 $_size__tile_overlayer_lowered;
	s6 =	simm.s32 $_tile_overlayer_lowered  }
0xa1: {  	s22 =	simm.s32 $0x1BFF;
	s21 =	sshll.u32 s6, $0x1;
	s3 =	sadd.s32 s19, s18  }
0xa2: {  	s7 =	simm.s32 $0x0;
	s20 =	sshll.u32 s5, $0x1;
	s5 =	sadd.s32 s21, s3  }
0xa3: {  	[timem:s7], [sflag:s22] =	dma.local [hbm:s5], s20  }
0xa4: {  	_ =	swait.ge [sflag:s22], s20  }
0xa5: {  	s4 =	ssub.s32 $0x0, s20;
	[sflag:s22] =	ssyncset.done $0x0  }
0xa6: {  	[sflag:s22] =	ssyncadd.s32 s4;
	_ =	sdelay $0x1  }
0xa7: {  	s23 =	simm.s32 $0x1B8B  }
0xa8: {  	_ =	swait.ge [sflag:s23], $0x1  }
0xa9: {  	[sflag:s23] =	ssyncset.done $0x0  }
0xaa: {  	s25 =	simm.s32 $0x1B8E;
	s24 =	sld [smem:$0x3FFE];
	[sflag:s23] =	ssyncadd.s32 $0xFFFFFFFF  }
0xab: {  	s26 =	simm.s32 $execute0_lowered;
	[smem:$0x3FD2] =	sst s25  }
0xac: {  	s5 =	sshll.u32 s26, $0x1;
	_ =	strace $0x80000046;
	[dreg:$0x1] =	wrdreg $0xFFFFFFFF  }
0xad: {  	s28 =	simm.s32 $_size_execute0_lowered;
	s3 =	sadd.s32 s3, s5;
	[dreg:$0x0] =	wrdreg $0x0  }
0xae: {  	s5 =	sshll.u32 s28, $0x1;
	[dreg:$0x2] =	wrdreg s3  }
0xaf: {  	[dreg:$0x3] =	wrdreg s5  }
0xb0: {  	[dreg:$0x4] =	wrdreg $0xC0  }
0xb1: {  	_ =	task [dreg:s7], $0x5FFFF  }
0xb2: {  	[dreg:$0x1] =	wrdreg $0xFFFFFFFF  }
0xb3: {  	[dreg:$0x0] =	wrdreg $0x60  }
0xb4: {  	[dreg:$0x2] =	wrdreg s24  }
0xb5: {  	[dreg:$0x3] =	wrdreg s16  }
0xb6: {  	[dreg:$0x4] =	wrdreg $0x9  }
0xb7: {  	_ =	task.clear_ibuf [dreg:s7], $0x5FFFF;
	_ =	strace $0x90000046  }
0xb8: {  	s29 =	simm.s32 $0x9;
	_ =	strace $0x80000048  }
0xb9: {  	_ =	swait.ge [sflag:s29], $0x1  }
0xba: {  	[sflag:s29] =	ssyncadd.s32 $0xFFFFFFFF  }
0xbb: {  	_ =	strace $0x90000048  }
0xbc: {  	_ =	sfence  }
0xbd: {  	s30 =	sld [smem:$0x0];
	_ =	sdelay $0x2  }
0xbe: {  	s31 =	sshll.u32 s1, $0xD;
	s1 =	sshrl.u32 s1, $0x2  }
0xbf: {  	s3 =	sand.u32 $0x4000, s31;
	s1 =	sadd.s32 s1, s30  }
0xc0: {  	s0 =	sor.u32 s3, s0;
	s1 =	sshll.u32 s1, $0x11  }
0xc1: {  	s0 =	sor.u32 s1, s0  }
0xc2: {  	s0 =	sadd.s32 $0x8F2B, s0  }
0xc3: {  	[sflag:s0] =	ssyncadd.remote.s32 $0x1  }
0xc4: {  	_ =	sfence.sel $0xFFFF  }
0xc5: {  	[dreg:$0x0] =	wrdreg $0xFFFFFFFF;
	(pc) =	sbr.abs _section_cstart, $3  }
0xc6: {  	[dreg:$0x1] =	wrdreg $0xFFFFFFFF  }
0xc7: {  	_ =	task.clear_ibuf [dreg:s7], $0x2FFFF;
	_ =	strace $0x9FFFFFFF  }
0xc8: {  	(tm) =	ssettm $0x7FFFFFFF  }
0xc9: {  	_ =	shalt  }
tec
execute0_lowered:
.L_overlay_start_1:
0x0: {  	(tag) =	ssettag $0x1  }
0x1: {  	s1 =	srdreg.scid  }
0x2: {  	s8 =	rddreg [dreg:$0x0];
	s0 =	stileid.u32;
	s14 =	sand.u32 $0x1, s1  }
0x3: {  	s13 =	rddreg [dreg:$0x1];
	s3 =	sshll.u32 s0, $0xB;
	s4 =	sshll.u32 s14, $0xA  }
0x4: {  	s2 =	simm.s32 $0x0;
	s1 =	rddreg [dreg:$0x2];
	s15 =	sor.u32 s4, s3  }
0x5: {  	[smem:$0x7FF] =	sst s2;
	s3 =	sshrl.u32 s15, $0x3  }
0x6: {  	_ =	strace $0x80000047;
	s4 =	sadd.s32 s13, s3;
	s3 =	simm.s32 $0x2  }
0x7: {  	[tilespmem:s2], [sflag:$0x2] =	stream.linear.gather [hbm4b:s4+s2], $0x100, $0x38;
	[tilespmem:$0x8100] =	vst v63  }
0x8: {  	_ =	swait.ge [sflag:s3], $0x100  }
0x9: {  	s6 =	simm.s32 $0x100;
	[sflag:s3] =	ssyncset.done $0x0  }
0xa: {  	s7 =	simm.s32 $0x1;
	s5 =	sadd.s32 $0x2400, s8;
	[sflag:s3] =	ssyncadd.s32 $0xFFFFFF00  }
0xb: {  	[tilespmem:s6], [sflag:$0x1] =	stream.indirect.gather [hbm4b:s5+s6], $0x80, s2, s6, $0xb8;
	[tilespmem:$0x8100] =	vst v63  }
0xc: {  	_ =	swait.ge [sflag:s7], $0x8000  }
0xd: {  	s16 =	sadd.s32 $0x222400, s8;
	s28 =	sshll.u32 s15, $0x4;
	[sflag:s7] =	ssyncset.done $0x0  }
0xe: {  	s8 =	sadd.s32 s16, s28;
	[sflag:s7] =	ssyncadd.s32 $0xFFFF8000  }
0xf: {  	[hbm4b:s8+s2] =	stream.linear.scatter [tilespmem:s6], [sflag:$0x2], $0x8000, $0x38;
	[tilespmem:$0x8100] =	vst v63  }
0x10: {  	s10 =	sor.u32 $0x100, s15;
	_ =	swait.ge [sflag:s3], $0x8000  }
0x11: {  	s9 =	sshrl.u32 s10, $0x3;
	[sflag:s3] =	ssyncset.done $0x0  }
0x12: {  	s9 =	sadd.s32 s13, s9;
	[sflag:s3] =	ssyncadd.s32 $0xFFFF8000  }
0x13: {  	[tilespmem:s2], [sflag:$0x2] =	stream.linear.gather [hbm4b:s9+s2], $0x100, $0x38;
	[tilespmem:$0x8100] =	vst v63  }
0x14: {  	_ =	swait.ge [sflag:s3], $0x100  }
0x15: {  	[sflag:s3] =	ssyncset.done $0x0  }
0x16: {  	[sflag:s3] =	ssyncadd.s32 $0xFFFFFF00  }
0x17: {  	[tilespmem:s6], [sflag:$0x1] =	stream.indirect.gather [hbm4b:s5+s6], $0x80, s2, s6, $0xb8;
	[tilespmem:$0x8100] =	vst v63  }
0x18: {  	_ =	swait.ge [sflag:s7], $0x8000  }
0x19: {  	s10 =	sshll.u32 s10, $0x4;
	[sflag:s7] =	ssyncset.done $0x0  }
0x1a: {  	s10 =	sadd.s32 s16, s10;
	[sflag:s7] =	ssyncadd.s32 $0xFFFF8000  }
0x1b: {  	[hbm4b:s10+s2] =	stream.linear.scatter [tilespmem:s6], [sflag:$0x2], $0x8000, $0x38;
	[tilespmem:$0x8100] =	vst v63  }
0x1c: {  	s12 =	sor.u32 $0x200, s15;
	_ =	swait.ge [sflag:s3], $0x8000  }
0x1d: {  	s11 =	sshrl.u32 s12, $0x3;
	[sflag:s3] =	ssyncset.done $0x0  }
0x1e: {  	s11 =	sadd.s32 s13, s11;
	[sflag:s3] =	ssyncadd.s32 $0xFFFF8000  }
0x1f: {  	[tilespmem:s2], [sflag:$0x2] =	stream.linear.gather [hbm4b:s11+s2], $0x100, $0x38;
	[tilespmem:$0x8100] =	vst v63  }
0x20: {  	_ =	swait.ge [sflag:s3], $0x100  }
0x21: {  	[sflag:s3] =	ssyncset.done $0x0  }
0x22: {  	[sflag:s3] =	ssyncadd.s32 $0xFFFFFF00  }
0x23: {  	[tilespmem:s6], [sflag:$0x1] =	stream.indirect.gather [hbm4b:s5+s6], $0x80, s2, s6, $0xb8;
	[tilespmem:$0x8100] =	vst v63  }
0x24: {  	_ =	swait.ge [sflag:s7], $0x8000  }
0x25: {  	s12 =	sshll.u32 s12, $0x4;
	[sflag:s7] =	ssyncset.done $0x0  }
0x26: {  	s12 =	sadd.s32 s16, s12;
	[sflag:s7] =	ssyncadd.s32 $0xFFFF8000  }
0x27: {  	[hbm4b:s12+s2] =	stream.linear.scatter [tilespmem:s6], [sflag:$0x2], $0x8000, $0x38;
	[tilespmem:$0x8100] =	vst v63  }
0x28: {  	s15 =	sor.u32 $0x300, s15;
	_ =	swait.ge [sflag:s3], $0x8000  }
0x29: {  	s17 =	sshrl.u32 s15, $0x3;
	[sflag:s3] =	ssyncset.done $0x0  }
0x2a: {  	s14 =	ssub.s32 $0x2, s14;
	s13 =	sadd.s32 s13, s17;
	[sflag:s3] =	ssyncadd.s32 $0xFFFF8000  }
0x2b: {  	[tilespmem:s2], [sflag:$0x2] =	stream.linear.gather [hbm4b:s13+s2], $0x100, $0x38;
	[tilespmem:$0x8100] =	vst v63  }
0x2c: {  	s29 =	sshrl.u32 s14, $0x1;
	_ =	swait.ge [sflag:s3], $0x100  }
0x2d: {  	s17 =	ssub.s32 s14, s29;
	[sflag:s3] =	ssyncset.done $0x0  }
0x2e: {  	s31 =	smax.u32 s17, $0x1;
	[sflag:s3] =	ssyncadd.s32 $0xFFFFFF00  }
0x2f: {  	[tilespmem:s6], [sflag:$0x1] =	stream.indirect.gather [hbm4b:s5+s6], $0x80, s2, s6, $0xb8;
	[tilespmem:$0x8100] =	vst v63  }
0x30: {  	p0 =	sne.s32 s31, $0x1;
	_ =	swait.ge [sflag:s7], $0x8000  }
.Ltmp0:
0x31: {  	s30 =	sshll.u32 s15, $0x4;
	[sflag:s7] =	ssyncset.done $0x0;
	(pc) =	sbr.rel @!p0 .LBB2_2-.Ltmp0, $4  }
0x32: {  	s14 =	sadd.s32 s16, s30;
	[sflag:s7] =	ssyncadd.s32 $0xFFFF8000  }
0x33: {  	[hbm4b:s14+s2] =	stream.linear.scatter [tilespmem:s6], [sflag:$0x2], $0x8000, $0x38;
	[tilespmem:$0x8100] =	vst v63  }
0x34: {  	_ =	swait.ge [sflag:s3], $0x8000  }
0x35: {  	s15 =	sadd.s32 $0xFFFFFFFF, s31;
	[sflag:s3] =	ssyncset.done $0x0  }
.LBB2_1:
0x36: {  	p0 =	sne.s32 s15, $0x1;
	s15 =	sadd.s32 $0xFFFFFFFF, s15;
	[sflag:s3] =	ssyncadd.s32 $0xFFFF8000  }
0x37: {  	[tilespmem:s2], [sflag:$0x2] =	stream.linear.gather [hbm4b:s4+s2], $0x100, $0x38;
	[tilespmem:$0x8100] =	vst v63  }
0x38: {  	_ =	swait.ge [sflag:s3], $0x100  }
0x39: {  	[sflag:s3] =	ssyncset.done $0x0  }
0x3a: {  	[sflag:s3] =	ssyncadd.s32 $0xFFFFFF00  }
0x3b: {  	[tilespmem:s6], [sflag:$0x1] =	stream.indirect.gather [hbm4b:s5+s6], $0x80, s2, s6, $0xb8;
	[tilespmem:$0x8100] =	vst v63  }
0x3c: {  	_ =	swait.ge [sflag:s7], $0x8000  }
0x3d: {  	[sflag:s7] =	ssyncset.done $0x0  }
0x3e: {  	[sflag:s7] =	ssyncadd.s32 $0xFFFF8000  }
0x3f: {  	[hbm4b:s8+s2] =	stream.linear.scatter [tilespmem:s6], [sflag:$0x2], $0x8000, $0x38;
	[tilespmem:$0x8100] =	vst v63  }
0x40: {  	_ =	swait.ge [sflag:s3], $0x8000  }
0x41: {  	[sflag:s3] =	ssyncset.done $0x0  }
0x42: {  	[sflag:s3] =	ssyncadd.s32 $0xFFFF8000  }
0x43: {  	[tilespmem:s2], [sflag:$0x2] =	stream.linear.gather [hbm4b:s9+s2], $0x100, $0x38;
	[tilespmem:$0x8100] =	vst v63  }
0x44: {  	_ =	swait.ge [sflag:s3], $0x100  }
0x45: {  	[sflag:s3] =	ssyncset.done $0x0  }
0x46: {  	[sflag:s3] =	ssyncadd.s32 $0xFFFFFF00  }
0x47: {  	[tilespmem:s6], [sflag:$0x1] =	stream.indirect.gather [hbm4b:s5+s6], $0x80, s2, s6, $0xb8;
	[tilespmem:$0x8100] =	vst v63  }
0x48: {  	_ =	swait.ge [sflag:s7], $0x8000  }
0x49: {  	[sflag:s7] =	ssyncset.done $0x0  }
0x4a: {  	[sflag:s7] =	ssyncadd.s32 $0xFFFF8000  }
0x4b: {  	[hbm4b:s10+s2] =	stream.linear.scatter [tilespmem:s6], [sflag:$0x2], $0x8000, $0x38;
	[tilespmem:$0x8100] =	vst v63  }
0x4c: {  	_ =	swait.ge [sflag:s3], $0x8000  }
0x4d: {  	[sflag:s3] =	ssyncset.done $0x0  }
0x4e: {  	[sflag:s3] =	ssyncadd.s32 $0xFFFF8000  }
0x4f: {  	[tilespmem:s2], [sflag:$0x2] =	stream.linear.gather [hbm4b:s11+s2], $0x100, $0x38;
	[tilespmem:$0x8100] =	vst v63  }
0x50: {  	_ =	swait.ge [sflag:s3], $0x100  }
0x51: {  	[sflag:s3] =	ssyncset.done $0x0  }
0x52: {  	[sflag:s3] =	ssyncadd.s32 $0xFFFFFF00  }
0x53: {  	[tilespmem:s6], [sflag:$0x1] =	stream.indirect.gather [hbm4b:s5+s6], $0x80, s2, s6, $0xb8;
	[tilespmem:$0x8100] =	vst v63  }
0x54: {  	_ =	swait.ge [sflag:s7], $0x8000  }
0x55: {  	[sflag:s7] =	ssyncset.done $0x0  }
0x56: {  	[sflag:s7] =	ssyncadd.s32 $0xFFFF8000  }
0x57: {  	[hbm4b:s12+s2] =	stream.linear.scatter [tilespmem:s6], [sflag:$0x2], $0x8000, $0x38;
	[tilespmem:$0x8100] =	vst v63  }
0x58: {  	_ =	swait.ge [sflag:s3], $0x8000  }
0x59: {  	[sflag:s3] =	ssyncset.done $0x0  }
0x5a: {  	[sflag:s3] =	ssyncadd.s32 $0xFFFF8000  }
0x5b: {  	[tilespmem:s2], [sflag:$0x2] =	stream.linear.gather [hbm4b:s13+s2], $0x100, $0x38;
	[tilespmem:$0x8100] =	vst v63  }
0x5c: {  	_ =	swait.ge [sflag:s3], $0x100  }
0x5d: {  	[sflag:s3] =	ssyncset.done $0x0  }
0x5e: {  	[sflag:s3] =	ssyncadd.s32 $0xFFFFFF00  }
0x5f: {  	[tilespmem:s6], [sflag:$0x1] =	stream.indirect.gather [hbm4b:s5+s6], $0x80, s2, s6, $0xb8;
	[tilespmem:$0x8100] =	vst v63  }
0x60: {  	_ =	swait.ge [sflag:s7], $0x8000  }
.Ltmp1:
0x61: {  	[sflag:s7] =	ssyncset.done $0x0;
	(pc) =	sbr.rel @p0 .LBB2_1-.Ltmp1, $4  }
0x62: {  	[sflag:s7] =	ssyncadd.s32 $0xFFFF8000  }
0x63: {  	[hbm4b:s14+s2] =	stream.linear.scatter [tilespmem:s6], [sflag:$0x2], $0x8000, $0x38;
	[tilespmem:$0x8100] =	vst v63  }
0x64: {  	_ =	swait.ge [sflag:s3], $0x8000  }
0x65: {  	[sflag:s3] =	ssyncset.done $0x0  }
.LBB2_2:
0x66: {  	[sflag:s3] =	ssyncadd.s32 $0xFFFF8000  }
0x67: {  	_ =	sfence.sel $0x180000  }
0x68: {  	[bflag:$0x0] =	sbarrier.arrive $0xFFFF  }
0x69: {  	p0 =	sne.s32 s0, $0x0;
	_ =	strace $0x90000047  }
0x6a: {  	s0 =	sadd.s32 @!p0 $0x100000, s1;
	[bflag:$0x2] =	sbarrier.arrive $0xFFFF  }
0x6b: {  	[sflag:s0] =	ssyncadd.tile.s32 @!p0 $0x1;
	_ =	shalt  }
.Lfunc_end2:
_tile_overlayer_lowered:
.L_overlay_start_2:
0x6c: {  	(tag) =	ssettag $0x2  }
0x6d: {  	s0 =	rddreg [dreg:$0x0];
	s2 =	stileid.u32  }
0x6e: {  	s1 =	rddreg [dreg:$0x1];
	p0 =	sne.s32 s2, $0x0  }
0x6f: {  	s3 =	rddreg [dreg:$0x2];
	[bflag:$0x3] =	sbarrier.arrive $0xFFFF;
	s2 =	simm.s32 @!p0 $0x1C02  }
0x70: {  	[timem:s3], [sflag:s2] =	dma.local @!p0 [hbm:s0], s1  }
0x71: {  	s0 =	simm.s32 @!p0 $0x2  }
0x72: {  	_ =	swait.ge @!p0 [sflag:s0], s1  }
0x73: {  	s1 =	ssub.s32 @!p0 $0x0, s1;
	[sflag:s0] =	ssyncset.done @!p0 $0x0  }
0x74: {  	[sflag:s0] =	ssyncadd.s32 @!p0 s1  }
0x75: {  	[bflag:$0x3] =	sbarrier.arrive $0xFFFF  }
0x76: {  	_ =	shalt  }

// kernel: kernel.22.cloned.1.call-start
scs
__scs_entry_jumppad:
0x0: {  	(pc) =	sbr.rel $0x88, $3  }
0x1: {  	(tag) =	ssettag $0x0;
	lr =	simm.s32 $0x1  }
0x2: {  	[smem:$0x3F9F] =	sst lr;
	_ =	strace $0xD0000000  }
0x3: {  	_ = 	snop  }
0x4: {  	_ = 	snop  }
0x5: {  	_ = 	snop  }
0x6: {  	_ = 	snop  }
0x7: {  	_ = 	snop  }
__scs_overlays_trampoline_lowered:
0x8: {  	[smem:$0x3FAE] =	sst s0  }
0x9: {  	[smem:$0x3FAF] =	sst s1  }
0xa: {  	[smem:$0x3FB0] =	sst s2  }
0xb: {  	[smem:$0x3FB1] =	sst s3  }
0xc: {  	[smem:$0x3FB2] =	sst s4  }
0xd: {  	[smem:$0x3FB3] =	sst s5  }
0xe: {  	[smem:$0x3FB4] =	sst s6  }
0xf: {  	[smem:$0x3FB5] =	sst s7  }
0x10: {  	[smem:$0x3FB6] =	sst s8  }
0x11: {  	[smem:$0x3FB7] =	sst s9;
	s0 =	simm.s32 @!p0 $0x0  }
0x12: {  	s1 =	sld [smem:$0x3F9D];
	s0 =	simm.s32 @p0 $0x1  }
0x13: {  	[smem:$0x3FB8] =	sst s0;
	s0 =	simm.s32 @!p1 $0x0  }
0x14: {  	s2 =	sld [smem:$0x3F9C];
	s0 =	simm.s32 @p1 $0x1  }
0x15: {  	[smem:$0x3FB9] =	sst s0;
	s0 =	simm.s32 @!p2 $0x0  }
0x16: {  	s3 =	sld [smem:$0x3FDB];
	s0 =	simm.s32 @p2 $0x1  }
0x17: {  	s4 =	simm.s32 $0x1BF5;
	[smem:$0x3FBB] =	sst s0  }
0x18: {  	s0 =	sld [smem:$0x3F9E];
	_ =	swait.ge [sflag:s4], $0x0  }
0x19: {  	s7 =	sld [smem:$0x3F9F]  }
0x1a: {  	s8 =	sadd.s32 $0xFFFFE003, lr  }
0x1b: {  	s9 =	sadd.s32 $0xFFFFFEF7, lr;
	s5 =	simm.s32 $0xFFFFFFFF;
	p2 =	slt.u32 s8, $0xFFFFF086  }
0x1c: {  	p1 =	slt.u32 s9, $0xF7A;
	s5 =	simm.s32 @!p2 $0x0  }
0x1d: {  	s5 =	simm.s32 @p1 $0x1;
	p0 =	seq.s32 s7, s2  }
0x1e: {  	s7 =	smul.u32 @!p0 $0xF7A, s2;
	p2 =	seq.s32 @!p0 s5, $0x0  }
0x1f: {  	s9 =	smul.u32 $0xF7A, s1;
	s8 =	simm.s32 @!p0 $0x1BF5;
	p2 =	por !p2, p0  }
0x20: {  	[sflag:s8] =	ssyncset.s32 @!p0 $0xFFFFF086;
	s6 =	sadd.s32 @!p0 s3, s7;
	s7 =	simm.s32 @!p0 $0x108  }
0x21: {  	s3 =	sadd.s32 s3, s9;
	s6 =	sadd.s32 @!p0 $0x88, s6;
	s7 =	simm.s32 @p2 $0x1082  }
0x22: {  	[simem:s7], [sflag:s8] =	dma.local @!p0 [hbm:s6], $0xF7A  }
0x23: {  	s9 =	sor.u32 $0xD0000000, s2;
	s6 =	simm.s32 $0x108;
	_ =	swait.ge @!p0 [sflag:s8], $0x0  }
0x24: {  	s3 =	sadd.s32 $0x88, s3;
	s6 =	simm.s32 @!p1 $0x1082;
	[sflag:s4] =	ssyncset.s32 $0xFFFFF086  }
0x25: {  	[simem:s6], [sflag:s4] =	dma.local [hbm:s3], $0xF7A  }
0x26: {  	[smem:$0x3F9F] =	sst s1;
	(tag) =	ssettag s2;
	_ =	strace s9  }
0x27: {  	s1 =	sld [smem:$0x3FAF]  }
0x28: {  	s2 =	sld [smem:$0x3FB0]  }
0x29: {  	s4 =	sld [smem:$0x3FB2]  }
0x2a: {  	p0 =	seq.s32 s5, $0x0;
	s5 =	sld [smem:$0x3FB3]  }
0x2b: {  	s6 =	sld [smem:$0x3FB4]  }
0x2c: {  	s7 =	sld [smem:$0x3FB5]  }
0x2d: {  	s3 =	simm.s32 $0x108;
	s8 =	sld [smem:$0x3FB6]  }
0x2e: {  	s3 =	simm.s32 @!p0 $0x1082;
	s9 =	sld [smem:$0x3FB7]  }
0x2f: {  	lr =	sadd.s32 s0, s3;
	s0 =	sld [smem:$0x3FAE]  }
0x30: {  	s3 =	sld [smem:$0x3FB1]  }
0x31: {  	[smem:$0x3FBA] =	sst s10  }
0x32: {  	s10 =	sld [smem:$0x3FB8];
	_ =	sdelay $0x3  }
0x33: {  	p0 =	seq.s32 s10, $0x1;
	s10 =	sld [smem:$0x3FBA];
	_ =	sdelay $0x3  }
0x34: {  	[smem:$0x3FBA] =	sst s10  }
0x35: {  	s10 =	sld [smem:$0x3FB9];
	_ =	sdelay $0x3  }
0x36: {  	p1 =	seq.s32 s10, $0x1;
	s10 =	sld [smem:$0x3FBA];
	_ =	sdelay $0x3  }
0x37: {  	[smem:$0x3FBA] =	sst s10  }
0x38: {  	s10 =	sld [smem:$0x3FBB]  }
0x39: {  	_ = 	snop;
	(pc) =	sbr.ind lr, $3  }
0x3a: {  	_ = 	snop  }
0x3b: {  	_ = 	snop  }
0x3c: {  	p2 =	seq.s32 s10, $0x1;
	s10 =	sld [smem:$0x3FBA]  }
0x3d: {  	_ =	shalt  }
0x3e: {  	_ =	shalt  }
0x3f: {  	_ =	shalt  }
0x40: {  	_ =	shalt  }
0x41: {  	_ =	shalt  }
0x42: {  	_ =	shalt  }
0x43: {  	_ =	shalt  }
0x44: {  	_ =	shalt  }
0x45: {  	_ =	shalt  }
0x46: {  	_ =	shalt  }
0x47: {  	_ =	shalt  }
0x48: {  	_ =	shalt  }
0x49: {  	_ =	shalt  }
0x4a: {  	_ =	shalt  }
0x4b: {  	_ =	shalt  }
0x4c: {  	_ =	shalt  }
0x4d: {  	_ =	shalt  }
0x4e: {  	_ =	shalt  }
0x4f: {  	_ =	shalt  }
0x50: {  	_ =	shalt  }
0x51: {  	_ =	shalt  }
0x52: {  	_ =	shalt  }
0x53: {  	_ =	shalt  }
0x54: {  	_ =	shalt  }
0x55: {  	_ =	shalt  }
0x56: {  	_ =	shalt  }
0x57: {  	_ =	shalt  }
0x58: {  	_ =	shalt  }
0x59: {  	_ =	shalt  }
0x5a: {  	_ =	shalt  }
0x5b: {  	_ =	shalt  }
0x5c: {  	_ =	shalt  }
0x5d: {  	_ =	shalt  }
0x5e: {  	_ =	shalt  }
0x5f: {  	_ =	shalt  }
0x60: {  	_ =	shalt  }
0x61: {  	_ =	shalt  }
0x62: {  	_ =	shalt  }
0x63: {  	_ =	shalt  }
0x64: {  	_ =	shalt  }
0x65: {  	_ =	shalt  }
0x66: {  	_ =	shalt  }
0x67: {  	_ =	shalt  }
0x68: {  	_ =	shalt  }
0x69: {  	_ =	shalt  }
0x6a: {  	_ =	shalt  }
0x6b: {  	_ =	shalt  }
0x6c: {  	_ =	shalt  }
0x6d: {  	_ =	shalt  }
0x6e: {  	_ =	shalt  }
0x6f: {  	_ =	shalt  }
0x70: {  	_ =	shalt  }
0x71: {  	_ =	shalt  }
0x72: {  	_ =	shalt  }
0x73: {  	_ =	shalt  }
0x74: {  	_ =	shalt  }
0x75: {  	_ =	shalt  }
0x76: {  	_ =	shalt  }
0x77: {  	_ =	shalt  }
0x78: {  	_ =	shalt  }
0x79: {  	_ =	shalt  }
0x7a: {  	_ =	shalt  }
0x7b: {  	_ =	shalt  }
0x7c: {  	_ =	shalt  }
0x7d: {  	_ =	shalt  }
0x7e: {  	_ =	shalt  }
0x7f: {  	_ =	shalt  }
0x80: {  	_ =	shalt  }
0x81: {  	_ =	shalt  }
0x82: {  	_ =	shalt  }
0x83: {  	_ =	shalt  }
0x84: {  	_ =	shalt  }
0x85: {  	_ =	shalt  }
0x86: {  	_ =	shalt  }
0x87: {  	_ =	shalt  }
.Lfunc_end0:
.L_simem_size_0:
called_computation.1_lowered:
.L_overlay_start_0:
0x88: {  	s2 =	sld [smem:$0x3FD9]  }
0x89: {  	s3 =	sld [smem:$0x3FFE];
	_ =	sdelay $0x1  }
0x8a: {  	s1 =	srdreg.scid  }
0x8b: {  	s0 =	sand.u32 $0x1, s1  }
0x8c: {  	s14 =	sshll.u32 s0, $0xA;
	s2 =	sadd.s32 s3, s2  }
0x8d: {  	s2 =	sadd.s32 s2, s14  }
0x8e: {  	[smem:$0x3FC6] =	sst s2  }
0x8f: {  	_ = 	snop  }
0x90: {  	s2 =	sld [smem:$0x3FD0];
	_ =	sdelay $0x2  }
0x91: {  	s15 =	simm.s32 $0xA;
	s4 =	simm.s32 $0x10  }
0x92: {  	[smem:s4], [sflag:s15] =	dma.local [hbm:s2], $0x1  }
0x93: {  	_ =	swait.eq [sflag:s15], $0x1  }
0x94: {  	[sflag:s15] =	ssyncset.done $0x0  }
0x95: {  	[sflag:s15] =	ssyncadd.s32 $0xFFFFFFFF  }
0x96: {  	s16 =	sld [smem:$0x11];
	(tm) =	ssettm $0x1  }
0x97: {  	s17 =	sld [smem:$0x3FFB];
	_ =	sdelay $0x3  }
0x98: {  	_ =	strace s17  }
0x99: {  	s3 =	sld [smem:$0x3FFC];
	_ =	sdelay $0x3  }
0x9a: {  	_ =	strace s3  }
0x9b: {  	s3 =	sld [smem:$0x3FFD];
	_ =	sdelay $0x3  }
0x9c: {  	_ =	strace s3  }
0x9d: {  	_ =	strace $0x8FFFFFFF  }
0x9e: {  	s18 =	sld [smem:$0x3FDB];
	_ =	sdelay $0x1  }
0x9f: {  	s19 =	simm.s32 $_scs_section_size  }
0xa0: {  	s5 =	simm.s32 $_size__tile_overlayer_lowered;
	s6 =	simm.s32 $_tile_overlayer_lowered  }
0xa1: {  	s22 =	simm.s32 $0x1BFF;
	s21 =	sshll.u32 s6, $0x1;
	s3 =	sadd.s32 s19, s18  }
0xa2: {  	s7 =	simm.s32 $0x0;
	s20 =	sshll.u32 s5, $0x1;
	s5 =	sadd.s32 s21, s3  }
0xa3: {  	[timem:s7], [sflag:s22] =	dma.local [hbm:s5], s20  }
0xa4: {  	_ =	swait.ge [sflag:s22], s20  }
0xa5: {  	s4 =	ssub.s32 $0x0, s20;
	[sflag:s22] =	ssyncset.done $0x0  }
0xa6: {  	[sflag:s22] =	ssyncadd.s32 s4;
	_ =	sdelay $0x1  }
0xa7: {  	s23 =	simm.s32 $0x1B8B  }
0xa8: {  	_ =	swait.ge [sflag:s23], $0x1  }
0xa9: {  	[sflag:s23] =	ssyncset.done $0x0  }
0xaa: {  	s25 =	simm.s32 $0x1B8E;
	s24 =	sld [smem:$0x3FFE];
	[sflag:s23] =	ssyncadd.s32 $0xFFFFFFFF  }
0xab: {  	s26 =	simm.s32 $execute0_lowered;
	[smem:$0x3FD2] =	sst s25  }
0xac: {  	s5 =	sshll.u32 s26, $0x1;
	_ =	strace $0x80000049;
	[dreg:$0x1] =	wrdreg $0xFFFFFFFF  }
0xad: {  	s28 =	simm.s32 $_size_execute0_lowered;
	s3 =	sadd.s32 s3, s5;
	[dreg:$0x0] =	wrdreg $0x0  }
0xae: {  	s5 =	sshll.u32 s28, $0x1;
	[dreg:$0x2] =	wrdreg s3  }
0xaf: {  	[dreg:$0x3] =	wrdreg s5  }
0xb0: {  	[dreg:$0x4] =	wrdreg $0xC0  }
0xb1: {  	_ =	task [dreg:s7], $0x5FFFF  }
0xb2: {  	[dreg:$0x1] =	wrdreg $0xFFFFFFFF  }
0xb3: {  	[dreg:$0x0] =	wrdreg $0x60  }
0xb4: {  	[dreg:$0x2] =	wrdreg s24  }
0xb5: {  	[dreg:$0x3] =	wrdreg s16  }
0xb6: {  	[dreg:$0x4] =	wrdreg $0x9  }
0xb7: {  	_ =	task.clear_ibuf [dreg:s7], $0x5FFFF;
	_ =	strace $0x90000049  }
0xb8: {  	s29 =	simm.s32 $0x9;
	_ =	strace $0x8000004B  }
0xb9: {  	_ =	swait.ge [sflag:s29], $0x1  }
0xba: {  	[sflag:s29] =	ssyncadd.s32 $0xFFFFFFFF  }
0xbb: {  	_ =	strace $0x9000004B  }
0xbc: {  	_ =	sfence  }
0xbd: {  	s30 =	sld [smem:$0x0];
	_ =	sdelay $0x2  }
0xbe: {  	s31 =	sshll.u32 s1, $0xD;
	s1 =	sshrl.u32 s1, $0x2  }
0xbf: {  	s3 =	sand.u32 $0x4000, s31;
	s1 =	sadd.s32 s1, s30  }
0xc0: {  	s0 =	sor.u32 s3, s0;
	s1 =	sshll.u32 s1, $0x11  }
0xc1: {  	s0 =	sor.u32 s1, s0  }
0xc2: {  	s0 =	sadd.s32 $0x8F2B, s0  }
0xc3: {  	[sflag:s0] =	ssyncadd.remote.s32 $0x1  }
0xc4: {  	_ =	sfence.sel $0xFFFF  }
0xc5: {  	[dreg:$0x0] =	wrdreg $0xFFFFFFFF;
	(pc) =	sbr.abs _section_cstart, $3  }
0xc6: {  	[dreg:$0x1] =	wrdreg $0xFFFFFFFF  }
0xc7: {  	_ =	task.clear_ibuf [dreg:s7], $0x2FFFF;
	_ =	strace $0x9FFFFFFF  }
0xc8: {  	(tm) =	ssettm $0x7FFFFFFF  }
0xc9: {  	_ =	shalt  }
tec
execute0_lowered:
.L_overlay_start_1:
0x0: {  	(tag) =	ssettag $0x1  }
0x1: {  	s1 =	srdreg.scid  }
0x2: {  	s8 =	rddreg [dreg:$0x0];
	s0 =	stileid.u32;
	s14 =	sand.u32 $0x1, s1  }
0x3: {  	s13 =	rddreg [dreg:$0x1];
	s3 =	sshll.u32 s0, $0xB;
	s4 =	sshll.u32 s14, $0xA  }
0x4: {  	s2 =	simm.s32 $0x0;
	s1 =	rddreg [dreg:$0x2];
	s15 =	sor.u32 s4, s3  }
0x5: {  	[smem:$0x7FF] =	sst s2;
	s3 =	sshrl.u32 s15, $0x3  }
0x6: {  	_ =	strace $0x8000004A;
	s4 =	sadd.s32 s13, s3;
	s3 =	simm.s32 $0x2  }
0x7: {  	[tilespmem:s2], [sflag:$0x2] =	stream.linear.gather [hbm4b:s4+s2], $0x100, $0x38;
	[tilespmem:$0x8100] =	vst v63  }
0x8: {  	_ =	swait.ge [sflag:s3], $0x100  }
0x9: {  	s6 =	simm.s32 $0x100;
	[sflag:s3] =	ssyncset.done $0x0  }
0xa: {  	s7 =	simm.s32 $0x1;
	s5 =	sadd.s32 $0x22400, s8;
	[sflag:s3] =	ssyncadd.s32 $0xFFFFFF00  }
0xb: {  	[tilespmem:s6], [sflag:$0x1] =	stream.indirect.gather [hbm4b:s5+s6], $0x80, s2, s6, $0xb8;
	[tilespmem:$0x8100] =	vst v63  }
0xc: {  	_ =	swait.ge [sflag:s7], $0x8000  }
0xd: {  	s16 =	sadd.s32 $0x222400, s8;
	s28 =	sshll.u32 s15, $0x4;
	[sflag:s7] =	ssyncset.done $0x0  }
0xe: {  	s8 =	sadd.s32 s16, s28;
	[sflag:s7] =	ssyncadd.s32 $0xFFFF8000  }
0xf: {  	[hbm4b:s8+s2] =	stream.linear.scatter [tilespmem:s6], [sflag:$0x2], $0x8000, $0x38;
	[tilespmem:$0x8100] =	vst v63  }
0x10: {  	s10 =	sor.u32 $0x100, s15;
	_ =	swait.ge [sflag:s3], $0x8000  }
0x11: {  	s9 =	sshrl.u32 s10, $0x3;
	[sflag:s3] =	ssyncset.done $0x0  }
0x12: {  	s9 =	sadd.s32 s13, s9;
	[sflag:s3] =	ssyncadd.s32 $0xFFFF8000  }
0x13: {  	[tilespmem:s2], [sflag:$0x2] =	stream.linear.gather [hbm4b:s9+s2], $0x100, $0x38;
	[tilespmem:$0x8100] =	vst v63  }
0x14: {  	_ =	swait.ge [sflag:s3], $0x100  }
0x15: {  	[sflag:s3] =	ssyncset.done $0x0  }
0x16: {  	[sflag:s3] =	ssyncadd.s32 $0xFFFFFF00  }
0x17: {  	[tilespmem:s6], [sflag:$0x1] =	stream.indirect.gather [hbm4b:s5+s6], $0x80, s2, s6, $0xb8;
	[tilespmem:$0x8100] =	vst v63  }
0x18: {  	_ =	swait.ge [sflag:s7], $0x8000  }
0x19: {  	s10 =	sshll.u32 s10, $0x4;
	[sflag:s7] =	ssyncset.done $0x0  }
0x1a: {  	s10 =	sadd.s32 s16, s10;
	[sflag:s7] =	ssyncadd.s32 $0xFFFF8000  }
0x1b: {  	[hbm4b:s10+s2] =	stream.linear.scatter [tilespmem:s6], [sflag:$0x2], $0x8000, $0x38;
	[tilespmem:$0x8100] =	vst v63  }
0x1c: {  	s12 =	sor.u32 $0x200, s15;
	_ =	swait.ge [sflag:s3], $0x8000  }
0x1d: {  	s11 =	sshrl.u32 s12, $0x3;
	[sflag:s3] =	ssyncset.done $0x0  }
0x1e: {  	s11 =	sadd.s32 s13, s11;
	[sflag:s3] =	ssyncadd.s32 $0xFFFF8000  }
0x1f: {  	[tilespmem:s2], [sflag:$0x2] =	stream.linear.gather [hbm4b:s11+s2], $0x100, $0x38;
	[tilespmem:$0x8100] =	vst v63  }
0x20: {  	_ =	swait.ge [sflag:s3], $0x100  }
0x21: {  	[sflag:s3] =	ssyncset.done $0x0  }
0x22: {  	[sflag:s3] =	ssyncadd.s32 $0xFFFFFF00  }
0x23: {  	[tilespmem:s6], [sflag:$0x1] =	stream.indirect.gather [hbm4b:s5+s6], $0x80, s2, s6, $0xb8;
	[tilespmem:$0x8100] =	vst v63  }
0x24: {  	_ =	swait.ge [sflag:s7], $0x8000  }
0x25: {  	s12 =	sshll.u32 s12, $0x4;
	[sflag:s7] =	ssyncset.done $0x0  }
0x26: {  	s12 =	sadd.s32 s16, s12;
	[sflag:s7] =	ssyncadd.s32 $0xFFFF8000  }
0x27: {  	[hbm4b:s12+s2] =	stream.linear.scatter [tilespmem:s6], [sflag:$0x2], $0x8000, $0x38;
	[tilespmem:$0x8100] =	vst v63  }
0x28: {  	s15 =	sor.u32 $0x300, s15;
	_ =	swait.ge [sflag:s3], $0x8000  }
0x29: {  	s17 =	sshrl.u32 s15, $0x3;
	[sflag:s3] =	ssyncset.done $0x0  }
0x2a: {  	s14 =	ssub.s32 $0x2, s14;
	s13 =	sadd.s32 s13, s17;
	[sflag:s3] =	ssyncadd.s32 $0xFFFF8000  }
0x2b: {  	[tilespmem:s2], [sflag:$0x2] =	stream.linear.gather [hbm4b:s13+s2], $0x100, $0x38;
	[tilespmem:$0x8100] =	vst v63  }
0x2c: {  	s29 =	sshrl.u32 s14, $0x1;
	_ =	swait.ge [sflag:s3], $0x100  }
0x2d: {  	s17 =	ssub.s32 s14, s29;
	[sflag:s3] =	ssyncset.done $0x0  }
0x2e: {  	s31 =	smax.u32 s17, $0x1;
	[sflag:s3] =	ssyncadd.s32 $0xFFFFFF00  }
0x2f: {  	[tilespmem:s6], [sflag:$0x1] =	stream.indirect.gather [hbm4b:s5+s6], $0x80, s2, s6, $0xb8;
	[tilespmem:$0x8100] =	vst v63  }
0x30: {  	p0 =	sne.s32 s31, $0x1;
	_ =	swait.ge [sflag:s7], $0x8000  }
.Ltmp0:
0x31: {  	s30 =	sshll.u32 s15, $0x4;
	[sflag:s7] =	ssyncset.done $0x0;
	(pc) =	sbr.rel @!p0 .LBB2_2-.Ltmp0, $4  }
0x32: {  	s14 =	sadd.s32 s16, s30;
	[sflag:s7] =	ssyncadd.s32 $0xFFFF8000  }
0x33: {  	[hbm4b:s14+s2] =	stream.linear.scatter [tilespmem:s6], [sflag:$0x2], $0x8000, $0x38;
	[tilespmem:$0x8100] =	vst v63  }
0x34: {  	_ =	swait.ge [sflag:s3], $0x8000  }
0x35: {  	s15 =	sadd.s32 $0xFFFFFFFF, s31;
	[sflag:s3] =	ssyncset.done $0x0  }
.LBB2_1:
0x36: {  	p0 =	sne.s32 s15, $0x1;
	s15 =	sadd.s32 $0xFFFFFFFF, s15;
	[sflag:s3] =	ssyncadd.s32 $0xFFFF8000  }
0x37: {  	[tilespmem:s2], [sflag:$0x2] =	stream.linear.gather [hbm4b:s4+s2], $0x100, $0x38;
	[tilespmem:$0x8100] =	vst v63  }
0x38: {  	_ =	swait.ge [sflag:s3], $0x100  }
0x39: {  	[sflag:s3] =	ssyncset.done $0x0  }
0x3a: {  	[sflag:s3] =	ssyncadd.s32 $0xFFFFFF00  }
0x3b: {  	[tilespmem:s6], [sflag:$0x1] =	stream.indirect.gather [hbm4b:s5+s6], $0x80, s2, s6, $0xb8;
	[tilespmem:$0x8100] =	vst v63  }
0x3c: {  	_ =	swait.ge [sflag:s7], $0x8000  }
0x3d: {  	[sflag:s7] =	ssyncset.done $0x0  }
0x3e: {  	[sflag:s7] =	ssyncadd.s32 $0xFFFF8000  }
0x3f: {  	[hbm4b:s8+s2] =	stream.linear.scatter [tilespmem:s6], [sflag:$0x2], $0x8000, $0x38;
	[tilespmem:$0x8100] =	vst v63  }
0x40: {  	_ =	swait.ge [sflag:s3], $0x8000  }
0x41: {  	[sflag:s3] =	ssyncset.done $0x0  }
0x42: {  	[sflag:s3] =	ssyncadd.s32 $0xFFFF8000  }
0x43: {  	[tilespmem:s2], [sflag:$0x2] =	stream.linear.gather [hbm4b:s9+s2], $0x100, $0x38;
	[tilespmem:$0x8100] =	vst v63  }
0x44: {  	_ =	swait.ge [sflag:s3], $0x100  }
0x45: {  	[sflag:s3] =	ssyncset.done $0x0  }
0x46: {  	[sflag:s3] =	ssyncadd.s32 $0xFFFFFF00  }
0x47: {  	[tilespmem:s6], [sflag:$0x1] =	stream.indirect.gather [hbm4b:s5+s6], $0x80, s2, s6, $0xb8;
	[tilespmem:$0x8100] =	vst v63  }
0x48: {  	_ =	swait.ge [sflag:s7], $0x8000  }
0x49: {  	[sflag:s7] =	ssyncset.done $0x0  }
0x4a: {  	[sflag:s7] =	ssyncadd.s32 $0xFFFF8000  }
0x4b: {  	[hbm4b:s10+s2] =	stream.linear.scatter [tilespmem:s6], [sflag:$0x2], $0x8000, $0x38;
	[tilespmem:$0x8100] =	vst v63  }
0x4c: {  	_ =	swait.ge [sflag:s3], $0x8000  }
0x4d: {  	[sflag:s3] =	ssyncset.done $0x0  }
0x4e: {  	[sflag:s3] =	ssyncadd.s32 $0xFFFF8000  }
0x4f: {  	[tilespmem:s2], [sflag:$0x2] =	stream.linear.gather [hbm4b:s11+s2], $0x100, $0x38;
	[tilespmem:$0x8100] =	vst v63  }
0x50: {  	_ =	swait.ge [sflag:s3], $0x100  }
0x51: {  	[sflag:s3] =	ssyncset.done $0x0  }
0x52: {  	[sflag:s3] =	ssyncadd.s32 $0xFFFFFF00  }
0x53: {  	[tilespmem:s6], [sflag:$0x1] =	stream.indirect.gather [hbm4b:s5+s6], $0x80, s2, s6, $0xb8;
	[tilespmem:$0x8100] =	vst v63  }
0x54: {  	_ =	swait.ge [sflag:s7], $0x8000  }
0x55: {  	[sflag:s7] =	ssyncset.done $0x0  }
0x56: {  	[sflag:s7] =	ssyncadd.s32 $0xFFFF8000  }
0x57: {  	[hbm4b:s12+s2] =	stream.linear.scatter [tilespmem:s6], [sflag:$0x2], $0x8000, $0x38;
	[tilespmem:$0x8100] =	vst v63  }
0x58: {  	_ =	swait.ge [sflag:s3], $0x8000  }
0x59: {  	[sflag:s3] =	ssyncset.done $0x0  }
0x5a: {  	[sflag:s3] =	ssyncadd.s32 $0xFFFF8000  }
0x5b: {  	[tilespmem:s2], [sflag:$0x2] =	stream.linear.gather [hbm4b:s13+s2], $0x100, $0x38;
	[tilespmem:$0x8100] =	vst v63  }
0x5c: {  	_ =	swait.ge [sflag:s3], $0x100  }
0x5d: {  	[sflag:s3] =	ssyncset.done $0x0  }
0x5e: {  	[sflag:s3] =	ssyncadd.s32 $0xFFFFFF00  }
0x5f: {  	[tilespmem:s6], [sflag:$0x1] =	stream.indirect.gather [hbm4b:s5+s6], $0x80, s2, s6, $0xb8;
	[tilespmem:$0x8100] =	vst v63  }
0x60: {  	_ =	swait.ge [sflag:s7], $0x8000  }
.Ltmp1:
0x61: {  	[sflag:s7] =	ssyncset.done $0x0;
	(pc) =	sbr.rel @p0 .LBB2_1-.Ltmp1, $4  }
0x62: {  	[sflag:s7] =	ssyncadd.s32 $0xFFFF8000  }
0x63: {  	[hbm4b:s14+s2] =	stream.linear.scatter [tilespmem:s6], [sflag:$0x2], $0x8000, $0x38;
	[tilespmem:$0x8100] =	vst v63  }
0x64: {  	_ =	swait.ge [sflag:s3], $0x8000  }
0x65: {  	[sflag:s3] =	ssyncset.done $0x0  }
.LBB2_2:
0x66: {  	[sflag:s3] =	ssyncadd.s32 $0xFFFF8000  }
0x67: {  	_ =	sfence.sel $0x180000  }
0x68: {  	[bflag:$0x0] =	sbarrier.arrive $0xFFFF  }
0x69: {  	p0 =	sne.s32 s0, $0x0;
	_ =	strace $0x9000004A  }
0x6a: {  	s0 =	sadd.s32 @!p0 $0x100000, s1;
	[bflag:$0x2] =	sbarrier.arrive $0xFFFF  }
0x6b: {  	[sflag:s0] =	ssyncadd.tile.s32 @!p0 $0x1;
	_ =	shalt  }
.Lfunc_end2:
_tile_overlayer_lowered:
.L_overlay_start_2:
0x6c: {  	(tag) =	ssettag $0x2  }
0x6d: {  	s0 =	rddreg [dreg:$0x0];
	s2 =	stileid.u32  }
0x6e: {  	s1 =	rddreg [dreg:$0x1];
	p0 =	sne.s32 s2, $0x0  }
0x6f: {  	s3 =	rddreg [dreg:$0x2];
	[bflag:$0x3] =	sbarrier.arrive $0xFFFF;
	s2 =	simm.s32 @!p0 $0x1C02  }
0x70: {  	[timem:s3], [sflag:s2] =	dma.local @!p0 [hbm:s0], s1  }
0x71: {  	s0 =	simm.s32 @!p0 $0x2  }
0x72: {  	_ =	swait.ge @!p0 [sflag:s0], s1  }
0x73: {  	s1 =	ssub.s32 @!p0 $0x0, s1;
	[sflag:s0] =	ssyncset.done @!p0 $0x0  }
0x74: {  	[sflag:s0] =	ssyncadd.s32 @!p0 s1  }
0x75: {  	[bflag:$0x3] =	sbarrier.arrive $0xFFFF  }
0x76: {  	_ =	shalt  }

// kernel: kernel.25.cloned.1.call-start
scs
__scs_entry_jumppad:
0x0: {  	(pc) =	sbr.rel $0x88, $3  }
0x1: {  	(tag) =	ssettag $0x0;
	lr =	simm.s32 $0x1  }
0x2: {  	[smem:$0x3F9F] =	sst lr;
	_ =	strace $0xD0000000  }
0x3: {  	_ = 	snop  }
0x4: {  	_ = 	snop  }
0x5: {  	_ = 	snop  }
0x6: {  	_ = 	snop  }
0x7: {  	_ = 	snop  }
__scs_overlays_trampoline_lowered:
0x8: {  	[smem:$0x3FAE] =	sst s0  }
0x9: {  	[smem:$0x3FAF] =	sst s1  }
0xa: {  	[smem:$0x3FB0] =	sst s2  }
0xb: {  	[smem:$0x3FB1] =	sst s3  }
0xc: {  	[smem:$0x3FB2] =	sst s4  }
0xd: {  	[smem:$0x3FB3] =	sst s5  }
0xe: {  	[smem:$0x3FB4] =	sst s6  }
0xf: {  	[smem:$0x3FB5] =	sst s7  }
0x10: {  	[smem:$0x3FB6] =	sst s8  }
0x11: {  	[smem:$0x3FB7] =	sst s9;
	s0 =	simm.s32 @!p0 $0x0  }
0x12: {  	s1 =	sld [smem:$0x3F9D];
	s0 =	simm.s32 @p0 $0x1  }
0x13: {  	[smem:$0x3FB8] =	sst s0;
	s0 =	simm.s32 @!p1 $0x0  }
0x14: {  	s2 =	sld [smem:$0x3F9C];
	s0 =	simm.s32 @p1 $0x1  }
0x15: {  	[smem:$0x3FB9] =	sst s0;
	s0 =	simm.s32 @!p2 $0x0  }
0x16: {  	s3 =	sld [smem:$0x3FDB];
	s0 =	simm.s32 @p2 $0x1  }
0x17: {  	s4 =	simm.s32 $0x1BF5;
	[smem:$0x3FBB] =	sst s0  }
0x18: {  	s0 =	sld [smem:$0x3F9E];
	_ =	swait.ge [sflag:s4], $0x0  }
0x19: {  	s7 =	sld [smem:$0x3F9F]  }
0x1a: {  	s8 =	sadd.s32 $0xFFFFE003, lr  }
0x1b: {  	s9 =	sadd.s32 $0xFFFFFEF7, lr;
	s5 =	simm.s32 $0xFFFFFFFF;
	p2 =	slt.u32 s8, $0xFFFFF086  }
0x1c: {  	p1 =	slt.u32 s9, $0xF7A;
	s5 =	simm.s32 @!p2 $0x0  }
0x1d: {  	s5 =	simm.s32 @p1 $0x1;
	p0 =	seq.s32 s7, s2  }
0x1e: {  	s7 =	smul.u32 @!p0 $0xF7A, s2;
	p2 =	seq.s32 @!p0 s5, $0x0  }
0x1f: {  	s9 =	smul.u32 $0xF7A, s1;
	s8 =	simm.s32 @!p0 $0x1BF5;
	p2 =	por !p2, p0  }
0x20: {  	[sflag:s8] =	ssyncset.s32 @!p0 $0xFFFFF086;
	s6 =	sadd.s32 @!p0 s3, s7;
	s7 =	simm.s32 @!p0 $0x108  }
0x21: {  	s3 =	sadd.s32 s3, s9;
	s6 =	sadd.s32 @!p0 $0x88, s6;
	s7 =	simm.s32 @p2 $0x1082  }
0x22: {  	[simem:s7], [sflag:s8] =	dma.local @!p0 [hbm:s6], $0xF7A  }
0x23: {  	s9 =	sor.u32 $0xD0000000, s2;
	s6 =	simm.s32 $0x108;
	_ =	swait.ge @!p0 [sflag:s8], $0x0  }
0x24: {  	s3 =	sadd.s32 $0x88, s3;
	s6 =	simm.s32 @!p1 $0x1082;
	[sflag:s4] =	ssyncset.s32 $0xFFFFF086  }
0x25: {  	[simem:s6], [sflag:s4] =	dma.local [hbm:s3], $0xF7A  }
0x26: {  	[smem:$0x3F9F] =	sst s1;
	(tag) =	ssettag s2;
	_ =	strace s9  }
0x27: {  	s1 =	sld [smem:$0x3FAF]  }
0x28: {  	s2 =	sld [smem:$0x3FB0]  }
0x29: {  	s4 =	sld [smem:$0x3FB2]  }
0x2a: {  	p0 =	seq.s32 s5, $0x0;
	s5 =	sld [smem:$0x3FB3]  }
0x2b: {  	s6 =	sld [smem:$0x3FB4]  }
0x2c: {  	s7 =	sld [smem:$0x3FB5]  }
0x2d: {  	s3 =	simm.s32 $0x108;
	s8 =	sld [smem:$0x3FB6]  }
0x2e: {  	s3 =	simm.s32 @!p0 $0x1082;
	s9 =	sld [smem:$0x3FB7]  }
0x2f: {  	lr =	sadd.s32 s0, s3;
	s0 =	sld [smem:$0x3FAE]  }
0x30: {  	s3 =	sld [smem:$0x3FB1]  }
0x31: {  	[smem:$0x3FBA] =	sst s10  }
0x32: {  	s10 =	sld [smem:$0x3FB8];
	_ =	sdelay $0x3  }
0x33: {  	p0 =	seq.s32 s10, $0x1;
	s10 =	sld [smem:$0x3FBA];
	_ =	sdelay $0x3  }
0x34: {  	[smem:$0x3FBA] =	sst s10  }
0x35: {  	s10 =	sld [smem:$0x3FB9];
	_ =	sdelay $0x3  }
0x36: {  	p1 =	seq.s32 s10, $0x1;
	s10 =	sld [smem:$0x3FBA];
	_ =	sdelay $0x3  }
0x37: {  	[smem:$0x3FBA] =	sst s10  }
0x38: {  	s10 =	sld [smem:$0x3FBB]  }
0x39: {  	_ = 	snop;
	(pc) =	sbr.ind lr, $3  }
0x3a: {  	_ = 	snop  }
0x3b: {  	_ = 	snop  }
0x3c: {  	p2 =	seq.s32 s10, $0x1;
	s10 =	sld [smem:$0x3FBA]  }
0x3d: {  	_ =	shalt  }
0x3e: {  	_ =	shalt  }
0x3f: {  	_ =	shalt  }
0x40: {  	_ =	shalt  }
0x41: {  	_ =	shalt  }
0x42: {  	_ =	shalt  }
0x43: {  	_ =	shalt  }
0x44: {  	_ =	shalt  }
0x45: {  	_ =	shalt  }
0x46: {  	_ =	shalt  }
0x47: {  	_ =	shalt  }
0x48: {  	_ =	shalt  }
0x49: {  	_ =	shalt  }
0x4a: {  	_ =	shalt  }
0x4b: {  	_ =	shalt  }
0x4c: {  	_ =	shalt  }
0x4d: {  	_ =	shalt  }
0x4e: {  	_ =	shalt  }
0x4f: {  	_ =	shalt  }
0x50: {  	_ =	shalt  }
0x51: {  	_ =	shalt  }
0x52: {  	_ =	shalt  }
0x53: {  	_ =	shalt  }
0x54: {  	_ =	shalt  }
0x55: {  	_ =	shalt  }
0x56: {  	_ =	shalt  }
0x57: {  	_ =	shalt  }
0x58: {  	_ =	shalt  }
0x59: {  	_ =	shalt  }
0x5a: {  	_ =	shalt  }
0x5b: {  	_ =	shalt  }
0x5c: {  	_ =	shalt  }
0x5d: {  	_ =	shalt  }
0x5e: {  	_ =	shalt  }
0x5f: {  	_ =	shalt  }
0x60: {  	_ =	shalt  }
0x61: {  	_ =	shalt  }
0x62: {  	_ =	shalt  }
0x63: {  	_ =	shalt  }
0x64: {  	_ =	shalt  }
0x65: {  	_ =	shalt  }
0x66: {  	_ =	shalt  }
0x67: {  	_ =	shalt  }
0x68: {  	_ =	shalt  }
0x69: {  	_ =	shalt  }
0x6a: {  	_ =	shalt  }
0x6b: {  	_ =	shalt  }
0x6c: {  	_ =	shalt  }
0x6d: {  	_ =	shalt  }
0x6e: {  	_ =	shalt  }
0x6f: {  	_ =	shalt  }
0x70: {  	_ =	shalt  }
0x71: {  	_ =	shalt  }
0x72: {  	_ =	shalt  }
0x73: {  	_ =	shalt  }
0x74: {  	_ =	shalt  }
0x75: {  	_ =	shalt  }
0x76: {  	_ =	shalt  }
0x77: {  	_ =	shalt  }
0x78: {  	_ =	shalt  }
0x79: {  	_ =	shalt  }
0x7a: {  	_ =	shalt  }
0x7b: {  	_ =	shalt  }
0x7c: {  	_ =	shalt  }
0x7d: {  	_ =	shalt  }
0x7e: {  	_ =	shalt  }
0x7f: {  	_ =	shalt  }
0x80: {  	_ =	shalt  }
0x81: {  	_ =	shalt  }
0x82: {  	_ =	shalt  }
0x83: {  	_ =	shalt  }
0x84: {  	_ =	shalt  }
0x85: {  	_ =	shalt  }
0x86: {  	_ =	shalt  }
0x87: {  	_ =	shalt  }
.Lfunc_end0:
.L_simem_size_0:
called_computation.2_lowered:
.L_overlay_start_0:
0x88: {  	s2 =	sld [smem:$0x3FD9]  }
0x89: {  	s3 =	sld [smem:$0x3FFE];
	_ =	sdelay $0x1  }
0x8a: {  	s1 =	srdreg.scid  }
0x8b: {  	s0 =	sand.u32 $0x1, s1  }
0x8c: {  	s14 =	sshll.u32 s0, $0xA;
	s2 =	sadd.s32 s3, s2  }
0x8d: {  	s2 =	sadd.s32 s2, s14  }
0x8e: {  	[smem:$0x3FC6] =	sst s2  }
0x8f: {  	_ = 	snop  }
0x90: {  	s2 =	sld [smem:$0x3FD0];
	_ =	sdelay $0x2  }
0x91: {  	s15 =	simm.s32 $0xA;
	s4 =	simm.s32 $0x10  }
0x92: {  	[smem:s4], [sflag:s15] =	dma.local [hbm:s2], $0x1  }
0x93: {  	_ =	swait.eq [sflag:s15], $0x1  }
0x94: {  	[sflag:s15] =	ssyncset.done $0x0  }
0x95: {  	[sflag:s15] =	ssyncadd.s32 $0xFFFFFFFF  }
0x96: {  	s16 =	sld [smem:$0x11];
	(tm) =	ssettm $0x1  }
0x97: {  	s17 =	sld [smem:$0x3FFB];
	_ =	sdelay $0x3  }
0x98: {  	_ =	strace s17  }
0x99: {  	s3 =	sld [smem:$0x3FFC];
	_ =	sdelay $0x3  }
0x9a: {  	_ =	strace s3  }
0x9b: {  	s3 =	sld [smem:$0x3FFD];
	_ =	sdelay $0x3  }
0x9c: {  	_ =	strace s3  }
0x9d: {  	_ =	strace $0x8FFFFFFF  }
0x9e: {  	s18 =	sld [smem:$0x3FDB];
	_ =	sdelay $0x1  }
0x9f: {  	s19 =	simm.s32 $_scs_section_size  }
0xa0: {  	s5 =	simm.s32 $_size__tile_overlayer_lowered;
	s6 =	simm.s32 $_tile_overlayer_lowered  }
0xa1: {  	s22 =	simm.s32 $0x1BFF;
	s21 =	sshll.u32 s6, $0x1;
	s3 =	sadd.s32 s19, s18  }
0xa2: {  	s7 =	simm.s32 $0x0;
	s20 =	sshll.u32 s5, $0x1;
	s5 =	sadd.s32 s21, s3  }
0xa3: {  	[timem:s7], [sflag:s22] =	dma.local [hbm:s5], s20  }
0xa4: {  	_ =	swait.ge [sflag:s22], s20  }
0xa5: {  	s4 =	ssub.s32 $0x0, s20;
	[sflag:s22] =	ssyncset.done $0x0  }
0xa6: {  	[sflag:s22] =	ssyncadd.s32 s4;
	_ =	sdelay $0x1  }
0xa7: {  	s23 =	simm.s32 $0x1B8B  }
0xa8: {  	_ =	swait.ge [sflag:s23], $0x1  }
0xa9: {  	[sflag:s23] =	ssyncset.done $0x0  }
0xaa: {  	s25 =	simm.s32 $0x1B8E;
	s24 =	sld [smem:$0x3FFE];
	[sflag:s23] =	ssyncadd.s32 $0xFFFFFFFF  }
0xab: {  	s26 =	simm.s32 $execute0_lowered;
	[smem:$0x3FD2] =	sst s25  }
0xac: {  	s5 =	sshll.u32 s26, $0x1;
	_ =	strace $0x8000004C;
	[dreg:$0x1] =	wrdreg $0xFFFFFFFF  }
0xad: {  	s28 =	simm.s32 $_size_execute0_lowered;
	s3 =	sadd.s32 s3, s5;
	[dreg:$0x0] =	wrdreg $0x0  }
0xae: {  	s5 =	sshll.u32 s28, $0x1;
	[dreg:$0x2] =	wrdreg s3  }
0xaf: {  	[dreg:$0x3] =	wrdreg s5  }
0xb0: {  	[dreg:$0x4] =	wrdreg $0xC0  }
0xb1: {  	_ =	task [dreg:s7], $0x5FFFF  }
0xb2: {  	[dreg:$0x1] =	wrdreg $0xFFFFFFFF  }
0xb3: {  	[dreg:$0x0] =	wrdreg $0x60  }
0xb4: {  	[dreg:$0x2] =	wrdreg s24  }
0xb5: {  	[dreg:$0x3] =	wrdreg s16  }
0xb6: {  	[dreg:$0x4] =	wrdreg $0x9  }
0xb7: {  	_ =	task.clear_ibuf [dreg:s7], $0x5FFFF;
	_ =	strace $0x9000004C  }
0xb8: {  	s29 =	simm.s32 $0x9;
	_ =	strace $0x8000004E  }
0xb9: {  	_ =	swait.ge [sflag:s29], $0x1  }
0xba: {  	[sflag:s29] =	ssyncadd.s32 $0xFFFFFFFF  }
0xbb: {  	_ =	strace $0x9000004E  }
0xbc: {  	_ =	sfence  }
0xbd: {  	s30 =	sld [smem:$0x0];
	_ =	sdelay $0x2  }
0xbe: {  	s31 =	sshll.u32 s1, $0xD;
	s1 =	sshrl.u32 s1, $0x2  }
0xbf: {  	s3 =	sand.u32 $0x4000, s31;
	s1 =	sadd.s32 s1, s30  }
0xc0: {  	s0 =	sor.u32 s3, s0;
	s1 =	sshll.u32 s1, $0x11  }
0xc1: {  	s0 =	sor.u32 s1, s0  }
0xc2: {  	s0 =	sadd.s32 $0x8F2B, s0  }
0xc3: {  	[sflag:s0] =	ssyncadd.remote.s32 $0x1  }
0xc4: {  	_ =	sfence.sel $0xFFFF  }
0xc5: {  	[dreg:$0x0] =	wrdreg $0xFFFFFFFF;
	(pc) =	sbr.abs _section_cstart, $3  }
0xc6: {  	[dreg:$0x1] =	wrdreg $0xFFFFFFFF  }
0xc7: {  	_ =	task.clear_ibuf [dreg:s7], $0x2FFFF;
	_ =	strace $0x9FFFFFFF  }
0xc8: {  	(tm) =	ssettm $0x7FFFFFFF  }
0xc9: {  	_ =	shalt  }
tec
execute0_lowered:
.L_overlay_start_1:
0x0: {  	(tag) =	ssettag $0x1  }
0x1: {  	s1 =	srdreg.scid  }
0x2: {  	s8 =	rddreg [dreg:$0x0];
	s0 =	stileid.u32;
	s14 =	sand.u32 $0x1, s1  }
0x3: {  	s13 =	rddreg [dreg:$0x1];
	s3 =	sshll.u32 s0, $0xB;
	s4 =	sshll.u32 s14, $0xA  }
0x4: {  	s2 =	simm.s32 $0x0;
	s1 =	rddreg [dreg:$0x2];
	s15 =	sor.u32 s4, s3  }
0x5: {  	[smem:$0x7FF] =	sst s2;
	s3 =	sshrl.u32 s15, $0x3  }
0x6: {  	_ =	strace $0x8000004D;
	s4 =	sadd.s32 s13, s3;
	s3 =	simm.s32 $0x2  }
0x7: {  	[tilespmem:s2], [sflag:$0x2] =	stream.linear.gather [hbm4b:s4+s2], $0x100, $0x38;
	[tilespmem:$0x8100] =	vst v63  }
0x8: {  	_ =	swait.ge [sflag:s3], $0x100  }
0x9: {  	s6 =	simm.s32 $0x100;
	[sflag:s3] =	ssyncset.done $0x0  }
0xa: {  	s7 =	simm.s32 $0x1;
	s5 =	sadd.s32 $0x42400, s8;
	[sflag:s3] =	ssyncadd.s32 $0xFFFFFF00  }
0xb: {  	[tilespmem:s6], [sflag:$0x1] =	stream.indirect.gather [hbm4b:s5+s6], $0x80, s2, s6, $0xb8;
	[tilespmem:$0x8100] =	vst v63  }
0xc: {  	_ =	swait.ge [sflag:s7], $0x8000  }
0xd: {  	s16 =	sadd.s32 $0x222400, s8;
	s28 =	sshll.u32 s15, $0x4;
	[sflag:s7] =	ssyncset.done $0x0  }
0xe: {  	s8 =	sadd.s32 s16, s28;
	[sflag:s7] =	ssyncadd.s32 $0xFFFF8000  }
0xf: {  	[hbm4b:s8+s2] =	stream.linear.scatter [tilespmem:s6], [sflag:$0x2], $0x8000, $0x38;
	[tilespmem:$0x8100] =	vst v63  }
0x10: {  	s10 =	sor.u32 $0x100, s15;
	_ =	swait.ge [sflag:s3], $0x8000  }
0x11: {  	s9 =	sshrl.u32 s10, $0x3;
	[sflag:s3] =	ssyncset.done $0x0  }
0x12: {  	s9 =	sadd.s32 s13, s9;
	[sflag:s3] =	ssyncadd.s32 $0xFFFF8000  }
0x13: {  	[tilespmem:s2], [sflag:$0x2] =	stream.linear.gather [hbm4b:s9+s2], $0x100, $0x38;
	[tilespmem:$0x8100] =	vst v63  }
0x14: {  	_ =	swait.ge [sflag:s3], $0x100  }
0x15: {  	[sflag:s3] =	ssyncset.done $0x0  }
0x16: {  	[sflag:s3] =	ssyncadd.s32 $0xFFFFFF00  }
0x17: {  	[tilespmem:s6], [sflag:$0x1] =	stream.indirect.gather [hbm4b:s5+s6], $0x80, s2, s6, $0xb8;
	[tilespmem:$0x8100] =	vst v63  }
0x18: {  	_ =	swait.ge [sflag:s7], $0x8000  }
0x19: {  	s10 =	sshll.u32 s10, $0x4;
	[sflag:s7] =	ssyncset.done $0x0  }
0x1a: {  	s10 =	sadd.s32 s16, s10;
	[sflag:s7] =	ssyncadd.s32 $0xFFFF8000  }
0x1b: {  	[hbm4b:s10+s2] =	stream.linear.scatter [tilespmem:s6], [sflag:$0x2], $0x8000, $0x38;
	[tilespmem:$0x8100] =	vst v63  }
0x1c: {  	s12 =	sor.u32 $0x200, s15;
	_ =	swait.ge [sflag:s3], $0x8000  }
0x1d: {  	s11 =	sshrl.u32 s12, $0x3;
	[sflag:s3] =	ssyncset.done $0x0  }
0x1e: {  	s11 =	sadd.s32 s13, s11;
	[sflag:s3] =	ssyncadd.s32 $0xFFFF8000  }
0x1f: {  	[tilespmem:s2], [sflag:$0x2] =	stream.linear.gather [hbm4b:s11+s2], $0x100, $0x38;
	[tilespmem:$0x8100] =	vst v63  }
0x20: {  	_ =	swait.ge [sflag:s3], $0x100  }
0x21: {  	[sflag:s3] =	ssyncset.done $0x0  }
0x22: {  	[sflag:s3] =	ssyncadd.s32 $0xFFFFFF00  }
0x23: {  	[tilespmem:s6], [sflag:$0x1] =	stream.indirect.gather [hbm4b:s5+s6], $0x80, s2, s6, $0xb8;
	[tilespmem:$0x8100] =	vst v63  }
0x24: {  	_ =	swait.ge [sflag:s7], $0x8000  }
0x25: {  	s12 =	sshll.u32 s12, $0x4;
	[sflag:s7] =	ssyncset.done $0x0  }
0x26: {  	s12 =	sadd.s32 s16, s12;
	[sflag:s7] =	ssyncadd.s32 $0xFFFF8000  }
0x27: {  	[hbm4b:s12+s2] =	stream.linear.scatter [tilespmem:s6], [sflag:$0x2], $0x8000, $0x38;
	[tilespmem:$0x8100] =	vst v63  }
0x28: {  	s15 =	sor.u32 $0x300, s15;
	_ =	swait.ge [sflag:s3], $0x8000  }
0x29: {  	s17 =	sshrl.u32 s15, $0x3;
	[sflag:s3] =	ssyncset.done $0x0  }
0x2a: {  	s14 =	ssub.s32 $0x2, s14;
	s13 =	sadd.s32 s13, s17;
	[sflag:s3] =	ssyncadd.s32 $0xFFFF8000  }
0x2b: {  	[tilespmem:s2], [sflag:$0x2] =	stream.linear.gather [hbm4b:s13+s2], $0x100, $0x38;
	[tilespmem:$0x8100] =	vst v63  }
0x2c: {  	s29 =	sshrl.u32 s14, $0x1;
	_ =	swait.ge [sflag:s3], $0x100  }
0x2d: {  	s17 =	ssub.s32 s14, s29;
	[sflag:s3] =	ssyncset.done $0x0  }
0x2e: {  	s31 =	smax.u32 s17, $0x1;
	[sflag:s3] =	ssyncadd.s32 $0xFFFFFF00  }
0x2f: {  	[tilespmem:s6], [sflag:$0x1] =	stream.indirect.gather [hbm4b:s5+s6], $0x80, s2, s6, $0xb8;
	[tilespmem:$0x8100] =	vst v63  }
0x30: {  	p0 =	sne.s32 s31, $0x1;
	_ =	swait.ge [sflag:s7], $0x8000  }
.Ltmp0:
0x31: {  	s30 =	sshll.u32 s15, $0x4;
	[sflag:s7] =	ssyncset.done $0x0;
	(pc) =	sbr.rel @!p0 .LBB2_2-.Ltmp0, $4  }
0x32: {  	s14 =	sadd.s32 s16, s30;
	[sflag:s7] =	ssyncadd.s32 $0xFFFF8000  }
0x33: {  	[hbm4b:s14+s2] =	stream.linear.scatter [tilespmem:s6], [sflag:$0x2], $0x8000, $0x38;
	[tilespmem:$0x8100] =	vst v63  }
0x34: {  	_ =	swait.ge [sflag:s3], $0x8000  }
0x35: {  	s15 =	sadd.s32 $0xFFFFFFFF, s31;
	[sflag:s3] =	ssyncset.done $0x0  }
.LBB2_1:
0x36: {  	p0 =	sne.s32 s15, $0x1;
	s15 =	sadd.s32 $0xFFFFFFFF, s15;
	[sflag:s3] =	ssyncadd.s32 $0xFFFF8000  }
0x37: {  	[tilespmem:s2], [sflag:$0x2] =	stream.linear.gather [hbm4b:s4+s2], $0x100, $0x38;
	[tilespmem:$0x8100] =	vst v63  }
0x38: {  	_ =	swait.ge [sflag:s3], $0x100  }
0x39: {  	[sflag:s3] =	ssyncset.done $0x0  }
0x3a: {  	[sflag:s3] =	ssyncadd.s32 $0xFFFFFF00  }
0x3b: {  	[tilespmem:s6], [sflag:$0x1] =	stream.indirect.gather [hbm4b:s5+s6], $0x80, s2, s6, $0xb8;
	[tilespmem:$0x8100] =	vst v63  }
0x3c: {  	_ =	swait.ge [sflag:s7], $0x8000  }
0x3d: {  	[sflag:s7] =	ssyncset.done $0x0  }
0x3e: {  	[sflag:s7] =	ssyncadd.s32 $0xFFFF8000  }
0x3f: {  	[hbm4b:s8+s2] =	stream.linear.scatter [tilespmem:s6], [sflag:$0x2], $0x8000, $0x38;
	[tilespmem:$0x8100] =	vst v63  }
0x40: {  	_ =	swait.ge [sflag:s3], $0x8000  }
0x41: {  	[sflag:s3] =	ssyncset.done $0x0  }
0x42: {  	[sflag:s3] =	ssyncadd.s32 $0xFFFF8000  }
0x43: {  	[tilespmem:s2], [sflag:$0x2] =	stream.linear.gather [hbm4b:s9+s2], $0x100, $0x38;
	[tilespmem:$0x8100] =	vst v63  }
0x44: {  	_ =	swait.ge [sflag:s3], $0x100  }
0x45: {  	[sflag:s3] =	ssyncset.done $0x0  }
0x46: {  	[sflag:s3] =	ssyncadd.s32 $0xFFFFFF00  }
0x47: {  	[tilespmem:s6], [sflag:$0x1] =	stream.indirect.gather [hbm4b:s5+s6], $0x80, s2, s6, $0xb8;
	[tilespmem:$0x8100] =	vst v63  }
0x48: {  	_ =	swait.ge [sflag:s7], $0x8000  }
0x49: {  	[sflag:s7] =	ssyncset.done $0x0  }
0x4a: {  	[sflag:s7] =	ssyncadd.s32 $0xFFFF8000  }
0x4b: {  	[hbm4b:s10+s2] =	stream.linear.scatter [tilespmem:s6], [sflag:$0x2], $0x8000, $0x38;
	[tilespmem:$0x8100] =	vst v63  }
0x4c: {  	_ =	swait.ge [sflag:s3], $0x8000  }
0x4d: {  	[sflag:s3] =	ssyncset.done $0x0  }
0x4e: {  	[sflag:s3] =	ssyncadd.s32 $0xFFFF8000  }
0x4f: {  	[tilespmem:s2], [sflag:$0x2] =	stream.linear.gather [hbm4b:s11+s2], $0x100, $0x38;
	[tilespmem:$0x8100] =	vst v63  }
0x50: {  	_ =	swait.ge [sflag:s3], $0x100  }
0x51: {  	[sflag:s3] =	ssyncset.done $0x0  }
0x52: {  	[sflag:s3] =	ssyncadd.s32 $0xFFFFFF00  }
0x53: {  	[tilespmem:s6], [sflag:$0x1] =	stream.indirect.gather [hbm4b:s5+s6], $0x80, s2, s6, $0xb8;
	[tilespmem:$0x8100] =	vst v63  }
0x54: {  	_ =	swait.ge [sflag:s7], $0x8000  }
0x55: {  	[sflag:s7] =	ssyncset.done $0x0  }
0x56: {  	[sflag:s7] =	ssyncadd.s32 $0xFFFF8000  }
0x57: {  	[hbm4b:s12+s2] =	stream.linear.scatter [tilespmem:s6], [sflag:$0x2], $0x8000, $0x38;
	[tilespmem:$0x8100] =	vst v63  }
0x58: {  	_ =	swait.ge [sflag:s3], $0x8000  }
0x59: {  	[sflag:s3] =	ssyncset.done $0x0  }
0x5a: {  	[sflag:s3] =	ssyncadd.s32 $0xFFFF8000  }
0x5b: {  	[tilespmem:s2], [sflag:$0x2] =	stream.linear.gather [hbm4b:s13+s2], $0x100, $0x38;
	[tilespmem:$0x8100] =	vst v63  }
0x5c: {  	_ =	swait.ge [sflag:s3], $0x100  }
0x5d: {  	[sflag:s3] =	ssyncset.done $0x0  }
0x5e: {  	[sflag:s3] =	ssyncadd.s32 $0xFFFFFF00  }
0x5f: {  	[tilespmem:s6], [sflag:$0x1] =	stream.indirect.gather [hbm4b:s5+s6], $0x80, s2, s6, $0xb8;
	[tilespmem:$0x8100] =	vst v63  }
0x60: {  	_ =	swait.ge [sflag:s7], $0x8000  }
.Ltmp1:
0x61: {  	[sflag:s7] =	ssyncset.done $0x0;
	(pc) =	sbr.rel @p0 .LBB2_1-.Ltmp1, $4  }
0x62: {  	[sflag:s7] =	ssyncadd.s32 $0xFFFF8000  }
0x63: {  	[hbm4b:s14+s2] =	stream.linear.scatter [tilespmem:s6], [sflag:$0x2], $0x8000, $0x38;
	[tilespmem:$0x8100] =	vst v63  }
0x64: {  	_ =	swait.ge [sflag:s3], $0x8000  }
0x65: {  	[sflag:s3] =	ssyncset.done $0x0  }
.LBB2_2:
0x66: {  	[sflag:s3] =	ssyncadd.s32 $0xFFFF8000  }
0x67: {  	_ =	sfence.sel $0x180000  }
0x68: {  	[bflag:$0x0] =	sbarrier.arrive $0xFFFF  }
0x69: {  	p0 =	sne.s32 s0, $0x0;
	_ =	strace $0x9000004D  }
0x6a: {  	s0 =	sadd.s32 @!p0 $0x100000, s1;
	[bflag:$0x2] =	sbarrier.arrive $0xFFFF  }
0x6b: {  	[sflag:s0] =	ssyncadd.tile.s32 @!p0 $0x1;
	_ =	shalt  }
.Lfunc_end2:
_tile_overlayer_lowered:
.L_overlay_start_2:
0x6c: {  	(tag) =	ssettag $0x2  }
0x6d: {  	s0 =	rddreg [dreg:$0x0];
	s2 =	stileid.u32  }
0x6e: {  	s1 =	rddreg [dreg:$0x1];
	p0 =	sne.s32 s2, $0x0  }
0x6f: {  	s3 =	rddreg [dreg:$0x2];
	[bflag:$0x3] =	sbarrier.arrive $0xFFFF;
	s2 =	simm.s32 @!p0 $0x1C02  }
0x70: {  	[timem:s3], [sflag:s2] =	dma.local @!p0 [hbm:s0], s1  }
0x71: {  	s0 =	simm.s32 @!p0 $0x2  }
0x72: {  	_ =	swait.ge @!p0 [sflag:s0], s1  }
0x73: {  	s1 =	ssub.s32 @!p0 $0x0, s1;
	[sflag:s0] =	ssyncset.done @!p0 $0x0  }
0x74: {  	[sflag:s0] =	ssyncadd.s32 @!p0 s1  }
0x75: {  	[bflag:$0x3] =	sbarrier.arrive $0xFFFF  }
0x76: {  	_ =	shalt  }

// kernel: kernel.28.cloned.1.call-start
scs
__scs_entry_jumppad:
0x0: {  	(pc) =	sbr.rel $0x88, $3  }
0x1: {  	(tag) =	ssettag $0x0;
	lr =	simm.s32 $0x1  }
0x2: {  	[smem:$0x3F9F] =	sst lr;
	_ =	strace $0xD0000000  }
0x3: {  	_ = 	snop  }
0x4: {  	_ = 	snop  }
0x5: {  	_ = 	snop  }
0x6: {  	_ = 	snop  }
0x7: {  	_ = 	snop  }
__scs_overlays_trampoline_lowered:
0x8: {  	[smem:$0x3FAE] =	sst s0  }
0x9: {  	[smem:$0x3FAF] =	sst s1  }
0xa: {  	[smem:$0x3FB0] =	sst s2  }
0xb: {  	[smem:$0x3FB1] =	sst s3  }
0xc: {  	[smem:$0x3FB2] =	sst s4  }
0xd: {  	[smem:$0x3FB3] =	sst s5  }
0xe: {  	[smem:$0x3FB4] =	sst s6  }
0xf: {  	[smem:$0x3FB5] =	sst s7  }
0x10: {  	[smem:$0x3FB6] =	sst s8  }
0x11: {  	[smem:$0x3FB7] =	sst s9;
	s0 =	simm.s32 @!p0 $0x0  }
0x12: {  	s1 =	sld [smem:$0x3F9D];
	s0 =	simm.s32 @p0 $0x1  }
0x13: {  	[smem:$0x3FB8] =	sst s0;
	s0 =	simm.s32 @!p1 $0x0  }
0x14: {  	s2 =	sld [smem:$0x3F9C];
	s0 =	simm.s32 @p1 $0x1  }
0x15: {  	[smem:$0x3FB9] =	sst s0;
	s0 =	simm.s32 @!p2 $0x0  }
0x16: {  	s3 =	sld [smem:$0x3FDB];
	s0 =	simm.s32 @p2 $0x1  }
0x17: {  	s4 =	simm.s32 $0x1BF5;
	[smem:$0x3FBB] =	sst s0  }
0x18: {  	s0 =	sld [smem:$0x3F9E];
	_ =	swait.ge [sflag:s4], $0x0  }
0x19: {  	s7 =	sld [smem:$0x3F9F]  }
0x1a: {  	s8 =	sadd.s32 $0xFFFFE003, lr  }
0x1b: {  	s9 =	sadd.s32 $0xFFFFFEF7, lr;
	s5 =	simm.s32 $0xFFFFFFFF;
	p2 =	slt.u32 s8, $0xFFFFF086  }
0x1c: {  	p1 =	slt.u32 s9, $0xF7A;
	s5 =	simm.s32 @!p2 $0x0  }
0x1d: {  	s5 =	simm.s32 @p1 $0x1;
	p0 =	seq.s32 s7, s2  }
0x1e: {  	s7 =	smul.u32 @!p0 $0xF7A, s2;
	p2 =	seq.s32 @!p0 s5, $0x0  }
0x1f: {  	s9 =	smul.u32 $0xF7A, s1;
	s8 =	simm.s32 @!p0 $0x1BF5;
	p2 =	por !p2, p0  }
0x20: {  	[sflag:s8] =	ssyncset.s32 @!p0 $0xFFFFF086;
	s6 =	sadd.s32 @!p0 s3, s7;
	s7 =	simm.s32 @!p0 $0x108  }
0x21: {  	s3 =	sadd.s32 s3, s9;
	s6 =	sadd.s32 @!p0 $0x88, s6;
	s7 =	simm.s32 @p2 $0x1082  }
0x22: {  	[simem:s7], [sflag:s8] =	dma.local @!p0 [hbm:s6], $0xF7A  }
0x23: {  	s9 =	sor.u32 $0xD0000000, s2;
	s6 =	simm.s32 $0x108;
	_ =	swait.ge @!p0 [sflag:s8], $0x0  }
0x24: {  	s3 =	sadd.s32 $0x88, s3;
	s6 =	simm.s32 @!p1 $0x1082;
	[sflag:s4] =	ssyncset.s32 $0xFFFFF086  }
0x25: {  	[simem:s6], [sflag:s4] =	dma.local [hbm:s3], $0xF7A  }
0x26: {  	[smem:$0x3F9F] =	sst s1;
	(tag) =	ssettag s2;
	_ =	strace s9  }
0x27: {  	s1 =	sld [smem:$0x3FAF]  }
0x28: {  	s2 =	sld [smem:$0x3FB0]  }
0x29: {  	s4 =	sld [smem:$0x3FB2]  }
0x2a: {  	p0 =	seq.s32 s5, $0x0;
	s5 =	sld [smem:$0x3FB3]  }
0x2b: {  	s6 =	sld [smem:$0x3FB4]  }
0x2c: {  	s7 =	sld [smem:$0x3FB5]  }
0x2d: {  	s3 =	simm.s32 $0x108;
	s8 =	sld [smem:$0x3FB6]  }
0x2e: {  	s3 =	simm.s32 @!p0 $0x1082;
	s9 =	sld [smem:$0x3FB7]  }
0x2f: {  	lr =	sadd.s32 s0, s3;
	s0 =	sld [smem:$0x3FAE]  }
0x30: {  	s3 =	sld [smem:$0x3FB1]  }
0x31: {  	[smem:$0x3FBA] =	sst s10  }
0x32: {  	s10 =	sld [smem:$0x3FB8];
	_ =	sdelay $0x3  }
0x33: {  	p0 =	seq.s32 s10, $0x1;
	s10 =	sld [smem:$0x3FBA];
	_ =	sdelay $0x3  }
0x34: {  	[smem:$0x3FBA] =	sst s10  }
0x35: {  	s10 =	sld [smem:$0x3FB9];
	_ =	sdelay $0x3  }
0x36: {  	p1 =	seq.s32 s10, $0x1;
	s10 =	sld [smem:$0x3FBA];
	_ =	sdelay $0x3  }
0x37: {  	[smem:$0x3FBA] =	sst s10  }
0x38: {  	s10 =	sld [smem:$0x3FBB]  }
0x39: {  	_ = 	snop;
	(pc) =	sbr.ind lr, $3  }
0x3a: {  	_ = 	snop  }
0x3b: {  	_ = 	snop  }
0x3c: {  	p2 =	seq.s32 s10, $0x1;
	s10 =	sld [smem:$0x3FBA]  }
0x3d: {  	_ =	shalt  }
0x3e: {  	_ =	shalt  }
0x3f: {  	_ =	shalt  }
0x40: {  	_ =	shalt  }
0x41: {  	_ =	shalt  }
0x42: {  	_ =	shalt  }
0x43: {  	_ =	shalt  }
0x44: {  	_ =	shalt  }
0x45: {  	_ =	shalt  }
0x46: {  	_ =	shalt  }
0x47: {  	_ =	shalt  }
0x48: {  	_ =	shalt  }
0x49: {  	_ =	shalt  }
0x4a: {  	_ =	shalt  }
0x4b: {  	_ =	shalt  }
0x4c: {  	_ =	shalt  }
0x4d: {  	_ =	shalt  }
0x4e: {  	_ =	shalt  }
0x4f: {  	_ =	shalt  }
0x50: {  	_ =	shalt  }
0x51: {  	_ =	shalt  }
0x52: {  	_ =	shalt  }
0x53: {  	_ =	shalt  }
0x54: {  	_ =	shalt  }
0x55: {  	_ =	shalt  }
0x56: {  	_ =	shalt  }
0x57: {  	_ =	shalt  }
0x58: {  	_ =	shalt  }
0x59: {  	_ =	shalt  }
0x5a: {  	_ =	shalt  }
0x5b: {  	_ =	shalt  }
0x5c: {  	_ =	shalt  }
0x5d: {  	_ =	shalt  }
0x5e: {  	_ =	shalt  }
0x5f: {  	_ =	shalt  }
0x60: {  	_ =	shalt  }
0x61: {  	_ =	shalt  }
0x62: {  	_ =	shalt  }
0x63: {  	_ =	shalt  }
0x64: {  	_ =	shalt  }
0x65: {  	_ =	shalt  }
0x66: {  	_ =	shalt  }
0x67: {  	_ =	shalt  }
0x68: {  	_ =	shalt  }
0x69: {  	_ =	shalt  }
0x6a: {  	_ =	shalt  }
0x6b: {  	_ =	shalt  }
0x6c: {  	_ =	shalt  }
0x6d: {  	_ =	shalt  }
0x6e: {  	_ =	shalt  }
0x6f: {  	_ =	shalt  }
0x70: {  	_ =	shalt  }
0x71: {  	_ =	shalt  }
0x72: {  	_ =	shalt  }
0x73: {  	_ =	shalt  }
0x74: {  	_ =	shalt  }
0x75: {  	_ =	shalt  }
0x76: {  	_ =	shalt  }
0x77: {  	_ =	shalt  }
0x78: {  	_ =	shalt  }
0x79: {  	_ =	shalt  }
0x7a: {  	_ =	shalt  }
0x7b: {  	_ =	shalt  }
0x7c: {  	_ =	shalt  }
0x7d: {  	_ =	shalt  }
0x7e: {  	_ =	shalt  }
0x7f: {  	_ =	shalt  }
0x80: {  	_ =	shalt  }
0x81: {  	_ =	shalt  }
0x82: {  	_ =	shalt  }
0x83: {  	_ =	shalt  }
0x84: {  	_ =	shalt  }
0x85: {  	_ =	shalt  }
0x86: {  	_ =	shalt  }
0x87: {  	_ =	shalt  }
.Lfunc_end0:
.L_simem_size_0:
called_computation.3_lowered:
.L_overlay_start_0:
0x88: {  	s2 =	sld [smem:$0x3FD9]  }
0x89: {  	s3 =	sld [smem:$0x3FFE];
	_ =	sdelay $0x1  }
0x8a: {  	s1 =	srdreg.scid  }
0x8b: {  	s0 =	sand.u32 $0x1, s1  }
0x8c: {  	s14 =	sshll.u32 s0, $0xA;
	s2 =	sadd.s32 s3, s2  }
0x8d: {  	s2 =	sadd.s32 s2, s14  }
0x8e: {  	[smem:$0x3FC6] =	sst s2  }
0x8f: {  	_ = 	snop  }
0x90: {  	s2 =	sld [smem:$0x3FD0];
	_ =	sdelay $0x2  }
0x91: {  	s15 =	simm.s32 $0xA;
	s4 =	simm.s32 $0x10  }
0x92: {  	[smem:s4], [sflag:s15] =	dma.local [hbm:s2], $0x1  }
0x93: {  	_ =	swait.eq [sflag:s15], $0x1  }
0x94: {  	[sflag:s15] =	ssyncset.done $0x0  }
0x95: {  	[sflag:s15] =	ssyncadd.s32 $0xFFFFFFFF  }
0x96: {  	s16 =	sld [smem:$0x11];
	(tm) =	ssettm $0x1  }
0x97: {  	s17 =	sld [smem:$0x3FFB];
	_ =	sdelay $0x3  }
0x98: {  	_ =	strace s17  }
0x99: {  	s3 =	sld [smem:$0x3FFC];
	_ =	sdelay $0x3  }
0x9a: {  	_ =	strace s3  }
0x9b: {  	s3 =	sld [smem:$0x3FFD];
	_ =	sdelay $0x3  }
0x9c: {  	_ =	strace s3  }
0x9d: {  	_ =	strace $0x8FFFFFFF  }
0x9e: {  	s18 =	sld [smem:$0x3FDB];
	_ =	sdelay $0x1  }
0x9f: {  	s19 =	simm.s32 $_scs_section_size  }
0xa0: {  	s5 =	simm.s32 $_size__tile_overlayer_lowered;
	s6 =	simm.s32 $_tile_overlayer_lowered  }
0xa1: {  	s22 =	simm.s32 $0x1BFF;
	s21 =	sshll.u32 s6, $0x1;
	s3 =	sadd.s32 s19, s18  }
0xa2: {  	s7 =	simm.s32 $0x0;
	s20 =	sshll.u32 s5, $0x1;
	s5 =	sadd.s32 s21, s3  }
0xa3: {  	[timem:s7], [sflag:s22] =	dma.local [hbm:s5], s20  }
0xa4: {  	_ =	swait.ge [sflag:s22], s20  }
0xa5: {  	s4 =	ssub.s32 $0x0, s20;
	[sflag:s22] =	ssyncset.done $0x0  }
0xa6: {  	[sflag:s22] =	ssyncadd.s32 s4;
	_ =	sdelay $0x1  }
0xa7: {  	s23 =	simm.s32 $0x1B8B  }
0xa8: {  	_ =	swait.ge [sflag:s23], $0x1  }
0xa9: {  	[sflag:s23] =	ssyncset.done $0x0  }
0xaa: {  	s25 =	simm.s32 $0x1B8E;
	s24 =	sld [smem:$0x3FFE];
	[sflag:s23] =	ssyncadd.s32 $0xFFFFFFFF  }
0xab: {  	s26 =	simm.s32 $execute0_lowered;
	[smem:$0x3FD2] =	sst s25  }
0xac: {  	s5 =	sshll.u32 s26, $0x1;
	_ =	strace $0x8000004F;
	[dreg:$0x1] =	wrdreg $0xFFFFFFFF  }
0xad: {  	s28 =	simm.s32 $_size_execute0_lowered;
	s3 =	sadd.s32 s3, s5;
	[dreg:$0x0] =	wrdreg $0x0  }
0xae: {  	s5 =	sshll.u32 s28, $0x1;
	[dreg:$0x2] =	wrdreg s3  }
0xaf: {  	[dreg:$0x3] =	wrdreg s5  }
0xb0: {  	[dreg:$0x4] =	wrdreg $0xC0  }
0xb1: {  	_ =	task [dreg:s7], $0x5FFFF  }
0xb2: {  	[dreg:$0x1] =	wrdreg $0xFFFFFFFF  }
0xb3: {  	[dreg:$0x0] =	wrdreg $0x60  }
0xb4: {  	[dreg:$0x2] =	wrdreg s24  }
0xb5: {  	[dreg:$0x3] =	wrdreg s16  }
0xb6: {  	[dreg:$0x4] =	wrdreg $0x9  }
0xb7: {  	_ =	task.clear_ibuf [dreg:s7], $0x5FFFF;
	_ =	strace $0x9000004F  }
0xb8: {  	s29 =	simm.s32 $0x9;
	_ =	strace $0x80000051  }
0xb9: {  	_ =	swait.ge [sflag:s29], $0x1  }
0xba: {  	[sflag:s29] =	ssyncadd.s32 $0xFFFFFFFF  }
0xbb: {  	_ =	strace $0x90000051  }
0xbc: {  	_ =	sfence  }
0xbd: {  	s30 =	sld [smem:$0x0];
	_ =	sdelay $0x2  }
0xbe: {  	s31 =	sshll.u32 s1, $0xD;
	s1 =	sshrl.u32 s1, $0x2  }
0xbf: {  	s3 =	sand.u32 $0x4000, s31;
	s1 =	sadd.s32 s1, s30  }
0xc0: {  	s0 =	sor.u32 s3, s0;
	s1 =	sshll.u32 s1, $0x11  }
0xc1: {  	s0 =	sor.u32 s1, s0  }
0xc2: {  	s0 =	sadd.s32 $0x8F2B, s0  }
0xc3: {  	[sflag:s0] =	ssyncadd.remote.s32 $0x1  }
0xc4: {  	_ =	sfence.sel $0xFFFF  }
0xc5: {  	[dreg:$0x0] =	wrdreg $0xFFFFFFFF;
	(pc) =	sbr.abs _section_cstart, $3  }
0xc6: {  	[dreg:$0x1] =	wrdreg $0xFFFFFFFF  }
0xc7: {  	_ =	task.clear_ibuf [dreg:s7], $0x2FFFF;
	_ =	strace $0x9FFFFFFF  }
0xc8: {  	(tm) =	ssettm $0x7FFFFFFF  }
0xc9: {  	_ =	shalt  }
tec
execute0_lowered:
.L_overlay_start_1:
0x0: {  	(tag) =	ssettag $0x1  }
0x1: {  	s1 =	srdreg.scid  }
0x2: {  	s8 =	rddreg [dreg:$0x0];
	s0 =	stileid.u32;
	s14 =	sand.u32 $0x1, s1  }
0x3: {  	s13 =	rddreg [dreg:$0x1];
	s3 =	sshll.u32 s0, $0xB;
	s4 =	sshll.u32 s14, $0xA  }
0x4: {  	s2 =	simm.s32 $0x0;
	s1 =	rddreg [dreg:$0x2];
	s15 =	sor.u32 s4, s3  }
0x5: {  	[smem:$0x7FF] =	sst s2;
	s3 =	sshrl.u32 s15, $0x3  }
0x6: {  	_ =	strace $0x80000050;
	s4 =	sadd.s32 s13, s3;
	s3 =	simm.s32 $0x2  }
0x7: {  	[tilespmem:s2], [sflag:$0x2] =	stream.linear.gather [hbm4b:s4+s2], $0x100, $0x38;
	[tilespmem:$0x8100] =	vst v63  }
0x8: {  	_ =	swait.ge [sflag:s3], $0x100  }
0x9: {  	s6 =	simm.s32 $0x100;
	[sflag:s3] =	ssyncset.done $0x0  }
0xa: {  	s7 =	simm.s32 $0x1;
	s5 =	sadd.s32 $0x62400, s8;
	[sflag:s3] =	ssyncadd.s32 $0xFFFFFF00  }
0xb: {  	[tilespmem:s6], [sflag:$0x1] =	stream.indirect.gather [hbm4b:s5+s6], $0x80, s2, s6, $0xb8;
	[tilespmem:$0x8100] =	vst v63  }
0xc: {  	_ =	swait.ge [sflag:s7], $0x8000  }
0xd: {  	s16 =	sadd.s32 $0x222400, s8;
	s28 =	sshll.u32 s15, $0x4;
	[sflag:s7] =	ssyncset.done $0x0  }
0xe: {  	s8 =	sadd.s32 s16, s28;
	[sflag:s7] =	ssyncadd.s32 $0xFFFF8000  }
0xf: {  	[hbm4b:s8+s2] =	stream.linear.scatter [tilespmem:s6], [sflag:$0x2], $0x8000, $0x38;
	[tilespmem:$0x8100] =	vst v63  }
0x10: {  	s10 =	sor.u32 $0x100, s15;
	_ =	swait.ge [sflag:s3], $0x8000  }
0x11: {  	s9 =	sshrl.u32 s10, $0x3;
	[sflag:s3] =	ssyncset.done $0x0  }
0x12: {  	s9 =	sadd.s32 s13, s9;
	[sflag:s3] =	ssyncadd.s32 $0xFFFF8000  }
0x13: {  	[tilespmem:s2], [sflag:$0x2] =	stream.linear.gather [hbm4b:s9+s2], $0x100, $0x38;
	[tilespmem:$0x8100] =	vst v63  }
0x14: {  	_ =	swait.ge [sflag:s3], $0x100  }
0x15: {  	[sflag:s3] =	ssyncset.done $0x0  }
0x16: {  	[sflag:s3] =	ssyncadd.s32 $0xFFFFFF00  }
0x17: {  	[tilespmem:s6], [sflag:$0x1] =	stream.indirect.gather [hbm4b:s5+s6], $0x80, s2, s6, $0xb8;
	[tilespmem:$0x8100] =	vst v63  }
0x18: {  	_ =	swait.ge [sflag:s7], $0x8000  }
0x19: {  	s10 =	sshll.u32 s10, $0x4;
	[sflag:s7] =	ssyncset.done $0x0  }
0x1a: {  	s10 =	sadd.s32 s16, s10;
	[sflag:s7] =	ssyncadd.s32 $0xFFFF8000  }
0x1b: {  	[hbm4b:s10+s2] =	stream.linear.scatter [tilespmem:s6], [sflag:$0x2], $0x8000, $0x38;
	[tilespmem:$0x8100] =	vst v63  }
0x1c: {  	s12 =	sor.u32 $0x200, s15;
	_ =	swait.ge [sflag:s3], $0x8000  }
0x1d: {  	s11 =	sshrl.u32 s12, $0x3;
	[sflag:s3] =	ssyncset.done $0x0  }
0x1e: {  	s11 =	sadd.s32 s13, s11;
	[sflag:s3] =	ssyncadd.s32 $0xFFFF8000  }
0x1f: {  	[tilespmem:s2], [sflag:$0x2] =	stream.linear.gather [hbm4b:s11+s2], $0x100, $0x38;
	[tilespmem:$0x8100] =	vst v63  }
0x20: {  	_ =	swait.ge [sflag:s3], $0x100  }
0x21: {  	[sflag:s3] =	ssyncset.done $0x0  }
0x22: {  	[sflag:s3] =	ssyncadd.s32 $0xFFFFFF00  }
0x23: {  	[tilespmem:s6], [sflag:$0x1] =	stream.indirect.gather [hbm4b:s5+s6], $0x80, s2, s6, $0xb8;
	[tilespmem:$0x8100] =	vst v63  }
0x24: {  	_ =	swait.ge [sflag:s7], $0x8000  }
0x25: {  	s12 =	sshll.u32 s12, $0x4;
	[sflag:s7] =	ssyncset.done $0x0  }
0x26: {  	s12 =	sadd.s32 s16, s12;
	[sflag:s7] =	ssyncadd.s32 $0xFFFF8000  }
0x27: {  	[hbm4b:s12+s2] =	stream.linear.scatter [tilespmem:s6], [sflag:$0x2], $0x8000, $0x38;
	[tilespmem:$0x8100] =	vst v63  }
0x28: {  	s15 =	sor.u32 $0x300, s15;
	_ =	swait.ge [sflag:s3], $0x8000  }
0x29: {  	s17 =	sshrl.u32 s15, $0x3;
	[sflag:s3] =	ssyncset.done $0x0  }
0x2a: {  	s14 =	ssub.s32 $0x2, s14;
	s13 =	sadd.s32 s13, s17;
	[sflag:s3] =	ssyncadd.s32 $0xFFFF8000  }
0x2b: {  	[tilespmem:s2], [sflag:$0x2] =	stream.linear.gather [hbm4b:s13+s2], $0x100, $0x38;
	[tilespmem:$0x8100] =	vst v63  }
0x2c: {  	s29 =	sshrl.u32 s14, $0x1;
	_ =	swait.ge [sflag:s3], $0x100  }
0x2d: {  	s17 =	ssub.s32 s14, s29;
	[sflag:s3] =	ssyncset.done $0x0  }
0x2e: {  	s31 =	smax.u32 s17, $0x1;
	[sflag:s3] =	ssyncadd.s32 $0xFFFFFF00  }
0x2f: {  	[tilespmem:s6], [sflag:$0x1] =	stream.indirect.gather [hbm4b:s5+s6], $0x80, s2, s6, $0xb8;
	[tilespmem:$0x8100] =	vst v63  }
0x30: {  	p0 =	sne.s32 s31, $0x1;
	_ =	swait.ge [sflag:s7], $0x8000  }
.Ltmp0:
0x31: {  	s30 =	sshll.u32 s15, $0x4;
	[sflag:s7] =	ssyncset.done $0x0;
	(pc) =	sbr.rel @!p0 .LBB2_2-.Ltmp0, $4  }
0x32: {  	s14 =	sadd.s32 s16, s30;
	[sflag:s7] =	ssyncadd.s32 $0xFFFF8000  }
0x33: {  	[hbm4b:s14+s2] =	stream.linear.scatter [tilespmem:s6], [sflag:$0x2], $0x8000, $0x38;
	[tilespmem:$0x8100] =	vst v63  }
0x34: {  	_ =	swait.ge [sflag:s3], $0x8000  }
0x35: {  	s15 =	sadd.s32 $0xFFFFFFFF, s31;
	[sflag:s3] =	ssyncset.done $0x0  }
.LBB2_1:
0x36: {  	p0 =	sne.s32 s15, $0x1;
	s15 =	sadd.s32 $0xFFFFFFFF, s15;
	[sflag:s3] =	ssyncadd.s32 $0xFFFF8000  }
0x37: {  	[tilespmem:s2], [sflag:$0x2] =	stream.linear.gather [hbm4b:s4+s2], $0x100, $0x38;
	[tilespmem:$0x8100] =	vst v63  }
0x38: {  	_ =	swait.ge [sflag:s3], $0x100  }
0x39: {  	[sflag:s3] =	ssyncset.done $0x0  }
0x3a: {  	[sflag:s3] =	ssyncadd.s32 $0xFFFFFF00  }
0x3b: {  	[tilespmem:s6], [sflag:$0x1] =	stream.indirect.gather [hbm4b:s5+s6], $0x80, s2, s6, $0xb8;
	[tilespmem:$0x8100] =	vst v63  }
0x3c: {  	_ =	swait.ge [sflag:s7], $0x8000  }
0x3d: {  	[sflag:s7] =	ssyncset.done $0x0  }
0x3e: {  	[sflag:s7] =	ssyncadd.s32 $0xFFFF8000  }
0x3f: {  	[hbm4b:s8+s2] =	stream.linear.scatter [tilespmem:s6], [sflag:$0x2], $0x8000, $0x38;
	[tilespmem:$0x8100] =	vst v63  }
0x40: {  	_ =	swait.ge [sflag:s3], $0x8000  }
0x41: {  	[sflag:s3] =	ssyncset.done $0x0  }
0x42: {  	[sflag:s3] =	ssyncadd.s32 $0xFFFF8000  }
0x43: {  	[tilespmem:s2], [sflag:$0x2] =	stream.linear.gather [hbm4b:s9+s2], $0x100, $0x38;
	[tilespmem:$0x8100] =	vst v63  }
0x44: {  	_ =	swait.ge [sflag:s3], $0x100  }
0x45: {  	[sflag:s3] =	ssyncset.done $0x0  }
0x46: {  	[sflag:s3] =	ssyncadd.s32 $0xFFFFFF00  }
0x47: {  	[tilespmem:s6], [sflag:$0x1] =	stream.indirect.gather [hbm4b:s5+s6], $0x80, s2, s6, $0xb8;
	[tilespmem:$0x8100] =	vst v63  }
0x48: {  	_ =	swait.ge [sflag:s7], $0x8000  }
0x49: {  	[sflag:s7] =	ssyncset.done $0x0  }
0x4a: {  	[sflag:s7] =	ssyncadd.s32 $0xFFFF8000  }
0x4b: {  	[hbm4b:s10+s2] =	stream.linear.scatter [tilespmem:s6], [sflag:$0x2], $0x8000, $0x38;
	[tilespmem:$0x8100] =	vst v63  }
0x4c: {  	_ =	swait.ge [sflag:s3], $0x8000  }
0x4d: {  	[sflag:s3] =	ssyncset.done $0x0  }
0x4e: {  	[sflag:s3] =	ssyncadd.s32 $0xFFFF8000  }
0x4f: {  	[tilespmem:s2], [sflag:$0x2] =	stream.linear.gather [hbm4b:s11+s2], $0x100, $0x38;
	[tilespmem:$0x8100] =	vst v63  }
0x50: {  	_ =	swait.ge [sflag:s3], $0x100  }
0x51: {  	[sflag:s3] =	ssyncset.done $0x0  }
0x52: {  	[sflag:s3] =	ssyncadd.s32 $0xFFFFFF00  }
0x53: {  	[tilespmem:s6], [sflag:$0x1] =	stream.indirect.gather [hbm4b:s5+s6], $0x80, s2, s6, $0xb8;
	[tilespmem:$0x8100] =	vst v63  }
0x54: {  	_ =	swait.ge [sflag:s7], $0x8000  }
0x55: {  	[sflag:s7] =	ssyncset.done $0x0  }
0x56: {  	[sflag:s7] =	ssyncadd.s32 $0xFFFF8000  }
0x57: {  	[hbm4b:s12+s2] =	stream.linear.scatter [tilespmem:s6], [sflag:$0x2], $0x8000, $0x38;
	[tilespmem:$0x8100] =	vst v63  }
0x58: {  	_ =	swait.ge [sflag:s3], $0x8000  }
0x59: {  	[sflag:s3] =	ssyncset.done $0x0  }
0x5a: {  	[sflag:s3] =	ssyncadd.s32 $0xFFFF8000  }
0x5b: {  	[tilespmem:s2], [sflag:$0x2] =	stream.linear.gather [hbm4b:s13+s2], $0x100, $0x38;
	[tilespmem:$0x8100] =	vst v63  }
0x5c: {  	_ =	swait.ge [sflag:s3], $0x100  }
0x5d: {  	[sflag:s3] =	ssyncset.done $0x0  }
0x5e: {  	[sflag:s3] =	ssyncadd.s32 $0xFFFFFF00  }
0x5f: {  	[tilespmem:s6], [sflag:$0x1] =	stream.indirect.gather [hbm4b:s5+s6], $0x80, s2, s6, $0xb8;
	[tilespmem:$0x8100] =	vst v63  }
0x60: {  	_ =	swait.ge [sflag:s7], $0x8000  }
.Ltmp1:
0x61: {  	[sflag:s7] =	ssyncset.done $0x0;
	(pc) =	sbr.rel @p0 .LBB2_1-.Ltmp1, $4  }
0x62: {  	[sflag:s7] =	ssyncadd.s32 $0xFFFF8000  }
0x63: {  	[hbm4b:s14+s2] =	stream.linear.scatter [tilespmem:s6], [sflag:$0x2], $0x8000, $0x38;
	[tilespmem:$0x8100] =	vst v63  }
0x64: {  	_ =	swait.ge [sflag:s3], $0x8000  }
0x65: {  	[sflag:s3] =	ssyncset.done $0x0  }
.LBB2_2:
0x66: {  	[sflag:s3] =	ssyncadd.s32 $0xFFFF8000  }
0x67: {  	_ =	sfence.sel $0x180000  }
0x68: {  	[bflag:$0x0] =	sbarrier.arrive $0xFFFF  }
0x69: {  	p0 =	sne.s32 s0, $0x0;
	_ =	strace $0x90000050  }
0x6a: {  	s0 =	sadd.s32 @!p0 $0x100000, s1;
	[bflag:$0x2] =	sbarrier.arrive $0xFFFF  }
0x6b: {  	[sflag:s0] =	ssyncadd.tile.s32 @!p0 $0x1;
	_ =	shalt  }
.Lfunc_end2:
_tile_overlayer_lowered:
.L_overlay_start_2:
0x6c: {  	(tag) =	ssettag $0x2  }
0x6d: {  	s0 =	rddreg [dreg:$0x0];
	s2 =	stileid.u32  }
0x6e: {  	s1 =	rddreg [dreg:$0x1];
	p0 =	sne.s32 s2, $0x0  }
0x6f: {  	s3 =	rddreg [dreg:$0x2];
	[bflag:$0x3] =	sbarrier.arrive $0xFFFF;
	s2 =	simm.s32 @!p0 $0x1C02  }
0x70: {  	[timem:s3], [sflag:s2] =	dma.local @!p0 [hbm:s0], s1  }
0x71: {  	s0 =	simm.s32 @!p0 $0x2  }
0x72: {  	_ =	swait.ge @!p0 [sflag:s0], s1  }
0x73: {  	s1 =	ssub.s32 @!p0 $0x0, s1;
	[sflag:s0] =	ssyncset.done @!p0 $0x0  }
0x74: {  	[sflag:s0] =	ssyncadd.s32 @!p0 s1  }
0x75: {  	[bflag:$0x3] =	sbarrier.arrive $0xFFFF  }
0x76: {  	_ =	shalt  }

// kernel: kernel.31.cloned.1.call-start
scs
__scs_entry_jumppad:
0x0: {  	(pc) =	sbr.rel $0x88, $3  }
0x1: {  	(tag) =	ssettag $0x0;
	lr =	simm.s32 $0x1  }
0x2: {  	[smem:$0x3F9F] =	sst lr;
	_ =	strace $0xD0000000  }
0x3: {  	_ = 	snop  }
0x4: {  	_ = 	snop  }
0x5: {  	_ = 	snop  }
0x6: {  	_ = 	snop  }
0x7: {  	_ = 	snop  }
__scs_overlays_trampoline_lowered:
0x8: {  	[smem:$0x3FAE] =	sst s0  }
0x9: {  	[smem:$0x3FAF] =	sst s1  }
0xa: {  	[smem:$0x3FB0] =	sst s2  }
0xb: {  	[smem:$0x3FB1] =	sst s3  }
0xc: {  	[smem:$0x3FB2] =	sst s4  }
0xd: {  	[smem:$0x3FB3] =	sst s5  }
0xe: {  	[smem:$0x3FB4] =	sst s6  }
0xf: {  	[smem:$0x3FB5] =	sst s7  }
0x10: {  	[smem:$0x3FB6] =	sst s8  }
0x11: {  	[smem:$0x3FB7] =	sst s9;
	s0 =	simm.s32 @!p0 $0x0  }
0x12: {  	s1 =	sld [smem:$0x3F9D];
	s0 =	simm.s32 @p0 $0x1  }
0x13: {  	[smem:$0x3FB8] =	sst s0;
	s0 =	simm.s32 @!p1 $0x0  }
0x14: {  	s2 =	sld [smem:$0x3F9C];
	s0 =	simm.s32 @p1 $0x1  }
0x15: {  	[smem:$0x3FB9] =	sst s0;
	s0 =	simm.s32 @!p2 $0x0  }
0x16: {  	s3 =	sld [smem:$0x3FDB];
	s0 =	simm.s32 @p2 $0x1  }
0x17: {  	s4 =	simm.s32 $0x1BF5;
	[smem:$0x3FBB] =	sst s0  }
0x18: {  	s0 =	sld [smem:$0x3F9E];
	_ =	swait.ge [sflag:s4], $0x0  }
0x19: {  	s7 =	sld [smem:$0x3F9F]  }
0x1a: {  	s8 =	sadd.s32 $0xFFFFE003, lr  }
0x1b: {  	s9 =	sadd.s32 $0xFFFFFEF7, lr;
	s5 =	simm.s32 $0xFFFFFFFF;
	p2 =	slt.u32 s8, $0xFFFFF086  }
0x1c: {  	p1 =	slt.u32 s9, $0xF7A;
	s5 =	simm.s32 @!p2 $0x0  }
0x1d: {  	s5 =	simm.s32 @p1 $0x1;
	p0 =	seq.s32 s7, s2  }
0x1e: {  	s7 =	smul.u32 @!p0 $0xF7A, s2;
	p2 =	seq.s32 @!p0 s5, $0x0  }
0x1f: {  	s9 =	smul.u32 $0xF7A, s1;
	s8 =	simm.s32 @!p0 $0x1BF5;
	p2 =	por !p2, p0  }
0x20: {  	[sflag:s8] =	ssyncset.s32 @!p0 $0xFFFFF086;
	s6 =	sadd.s32 @!p0 s3, s7;
	s7 =	simm.s32 @!p0 $0x108  }
0x21: {  	s3 =	sadd.s32 s3, s9;
	s6 =	sadd.s32 @!p0 $0x88, s6;
	s7 =	simm.s32 @p2 $0x1082  }
0x22: {  	[simem:s7], [sflag:s8] =	dma.local @!p0 [hbm:s6], $0xF7A  }
0x23: {  	s9 =	sor.u32 $0xD0000000, s2;
	s6 =	simm.s32 $0x108;
	_ =	swait.ge @!p0 [sflag:s8], $0x0  }
0x24: {  	s3 =	sadd.s32 $0x88, s3;
	s6 =	simm.s32 @!p1 $0x1082;
	[sflag:s4] =	ssyncset.s32 $0xFFFFF086  }
0x25: {  	[simem:s6], [sflag:s4] =	dma.local [hbm:s3], $0xF7A  }
0x26: {  	[smem:$0x3F9F] =	sst s1;
	(tag) =	ssettag s2;
	_ =	strace s9  }
0x27: {  	s1 =	sld [smem:$0x3FAF]  }
0x28: {  	s2 =	sld [smem:$0x3FB0]  }
0x29: {  	s4 =	sld [smem:$0x3FB2]  }
0x2a: {  	p0 =	seq.s32 s5, $0x0;
	s5 =	sld [smem:$0x3FB3]  }
0x2b: {  	s6 =	sld [smem:$0x3FB4]  }
0x2c: {  	s7 =	sld [smem:$0x3FB5]  }
0x2d: {  	s3 =	simm.s32 $0x108;
	s8 =	sld [smem:$0x3FB6]  }
0x2e: {  	s3 =	simm.s32 @!p0 $0x1082;
	s9 =	sld [smem:$0x3FB7]  }
0x2f: {  	lr =	sadd.s32 s0, s3;
	s0 =	sld [smem:$0x3FAE]  }
0x30: {  	s3 =	sld [smem:$0x3FB1]  }
0x31: {  	[smem:$0x3FBA] =	sst s10  }
0x32: {  	s10 =	sld [smem:$0x3FB8];
	_ =	sdelay $0x3  }
0x33: {  	p0 =	seq.s32 s10, $0x1;
	s10 =	sld [smem:$0x3FBA];
	_ =	sdelay $0x3  }
0x34: {  	[smem:$0x3FBA] =	sst s10  }
0x35: {  	s10 =	sld [smem:$0x3FB9];
	_ =	sdelay $0x3  }
0x36: {  	p1 =	seq.s32 s10, $0x1;
	s10 =	sld [smem:$0x3FBA];
	_ =	sdelay $0x3  }
0x37: {  	[smem:$0x3FBA] =	sst s10  }
0x38: {  	s10 =	sld [smem:$0x3FBB]  }
0x39: {  	_ = 	snop;
	(pc) =	sbr.ind lr, $3  }
0x3a: {  	_ = 	snop  }
0x3b: {  	_ = 	snop  }
0x3c: {  	p2 =	seq.s32 s10, $0x1;
	s10 =	sld [smem:$0x3FBA]  }
0x3d: {  	_ =	shalt  }
0x3e: {  	_ =	shalt  }
0x3f: {  	_ =	shalt  }
0x40: {  	_ =	shalt  }
0x41: {  	_ =	shalt  }
0x42: {  	_ =	shalt  }
0x43: {  	_ =	shalt  }
0x44: {  	_ =	shalt  }
0x45: {  	_ =	shalt  }
0x46: {  	_ =	shalt  }
0x47: {  	_ =	shalt  }
0x48: {  	_ =	shalt  }
0x49: {  	_ =	shalt  }
0x4a: {  	_ =	shalt  }
0x4b: {  	_ =	shalt  }
0x4c: {  	_ =	shalt  }
0x4d: {  	_ =	shalt  }
0x4e: {  	_ =	shalt  }
0x4f: {  	_ =	shalt  }
0x50: {  	_ =	shalt  }
0x51: {  	_ =	shalt  }
0x52: {  	_ =	shalt  }
0x53: {  	_ =	shalt  }
0x54: {  	_ =	shalt  }
0x55: {  	_ =	shalt  }
0x56: {  	_ =	shalt  }
0x57: {  	_ =	shalt  }
0x58: {  	_ =	shalt  }
0x59: {  	_ =	shalt  }
0x5a: {  	_ =	shalt  }
0x5b: {  	_ =	shalt  }
0x5c: {  	_ =	shalt  }
0x5d: {  	_ =	shalt  }
0x5e: {  	_ =	shalt  }
0x5f: {  	_ =	shalt  }
0x60: {  	_ =	shalt  }
0x61: {  	_ =	shalt  }
0x62: {  	_ =	shalt  }
0x63: {  	_ =	shalt  }
0x64: {  	_ =	shalt  }
0x65: {  	_ =	shalt  }
0x66: {  	_ =	shalt  }
0x67: {  	_ =	shalt  }
0x68: {  	_ =	shalt  }
0x69: {  	_ =	shalt  }
0x6a: {  	_ =	shalt  }
0x6b: {  	_ =	shalt  }
0x6c: {  	_ =	shalt  }
0x6d: {  	_ =	shalt  }
0x6e: {  	_ =	shalt  }
0x6f: {  	_ =	shalt  }
0x70: {  	_ =	shalt  }
0x71: {  	_ =	shalt  }
0x72: {  	_ =	shalt  }
0x73: {  	_ =	shalt  }
0x74: {  	_ =	shalt  }
0x75: {  	_ =	shalt  }
0x76: {  	_ =	shalt  }
0x77: {  	_ =	shalt  }
0x78: {  	_ =	shalt  }
0x79: {  	_ =	shalt  }
0x7a: {  	_ =	shalt  }
0x7b: {  	_ =	shalt  }
0x7c: {  	_ =	shalt  }
0x7d: {  	_ =	shalt  }
0x7e: {  	_ =	shalt  }
0x7f: {  	_ =	shalt  }
0x80: {  	_ =	shalt  }
0x81: {  	_ =	shalt  }
0x82: {  	_ =	shalt  }
0x83: {  	_ =	shalt  }
0x84: {  	_ =	shalt  }
0x85: {  	_ =	shalt  }
0x86: {  	_ =	shalt  }
0x87: {  	_ =	shalt  }
.Lfunc_end0:
.L_simem_size_0:
called_computation.4_lowered:
.L_overlay_start_0:
0x88: {  	s2 =	sld [smem:$0x3FD9]  }
0x89: {  	s3 =	sld [smem:$0x3FFE];
	_ =	sdelay $0x1  }
0x8a: {  	s1 =	srdreg.scid  }
0x8b: {  	s0 =	sand.u32 $0x1, s1  }
0x8c: {  	s14 =	sshll.u32 s0, $0xA;
	s2 =	sadd.s32 s3, s2  }
0x8d: {  	s2 =	sadd.s32 s2, s14  }
0x8e: {  	[smem:$0x3FC6] =	sst s2  }
0x8f: {  	_ = 	snop  }
0x90: {  	s2 =	sld [smem:$0x3FD0];
	_ =	sdelay $0x2  }
0x91: {  	s15 =	simm.s32 $0xA;
	s4 =	simm.s32 $0x10  }
0x92: {  	[smem:s4], [sflag:s15] =	dma.local [hbm:s2], $0x1  }
0x93: {  	_ =	swait.eq [sflag:s15], $0x1  }
0x94: {  	[sflag:s15] =	ssyncset.done $0x0  }
0x95: {  	[sflag:s15] =	ssyncadd.s32 $0xFFFFFFFF  }
0x96: {  	s16 =	sld [smem:$0x11];
	(tm) =	ssettm $0x1  }
0x97: {  	s17 =	sld [smem:$0x3FFB];
	_ =	sdelay $0x3  }
0x98: {  	_ =	strace s17  }
0x99: {  	s3 =	sld [smem:$0x3FFC];
	_ =	sdelay $0x3  }
0x9a: {  	_ =	strace s3  }
0x9b: {  	s3 =	sld [smem:$0x3FFD];
	_ =	sdelay $0x3  }
0x9c: {  	_ =	strace s3  }
0x9d: {  	_ =	strace $0x8FFFFFFF  }
0x9e: {  	s18 =	sld [smem:$0x3FDB];
	_ =	sdelay $0x1  }
0x9f: {  	s19 =	simm.s32 $_scs_section_size  }
0xa0: {  	s5 =	simm.s32 $_size__tile_overlayer_lowered;
	s6 =	simm.s32 $_tile_overlayer_lowered  }
0xa1: {  	s22 =	simm.s32 $0x1BFF;
	s21 =	sshll.u32 s6, $0x1;
	s3 =	sadd.s32 s19, s18  }
0xa2: {  	s7 =	simm.s32 $0x0;
	s20 =	sshll.u32 s5, $0x1;
	s5 =	sadd.s32 s21, s3  }
0xa3: {  	[timem:s7], [sflag:s22] =	dma.local [hbm:s5], s20  }
0xa4: {  	_ =	swait.ge [sflag:s22], s20  }
0xa5: {  	s4 =	ssub.s32 $0x0, s20;
	[sflag:s22] =	ssyncset.done $0x0  }
0xa6: {  	[sflag:s22] =	ssyncadd.s32 s4;
	_ =	sdelay $0x1  }
0xa7: {  	s23 =	simm.s32 $0x1B8B  }
0xa8: {  	_ =	swait.ge [sflag:s23], $0x1  }
0xa9: {  	[sflag:s23] =	ssyncset.done $0x0  }
0xaa: {  	s25 =	simm.s32 $0x1B8E;
	s24 =	sld [smem:$0x3FFE];
	[sflag:s23] =	ssyncadd.s32 $0xFFFFFFFF  }
0xab: {  	s26 =	simm.s32 $execute0_lowered;
	[smem:$0x3FD2] =	sst s25  }
0xac: {  	s5 =	sshll.u32 s26, $0x1;
	_ =	strace $0x80000052;
	[dreg:$0x1] =	wrdreg $0xFFFFFFFF  }
0xad: {  	s28 =	simm.s32 $_size_execute0_lowered;
	s3 =	sadd.s32 s3, s5;
	[dreg:$0x0] =	wrdreg $0x0  }
0xae: {  	s5 =	sshll.u32 s28, $0x1;
	[dreg:$0x2] =	wrdreg s3  }
0xaf: {  	[dreg:$0x3] =	wrdreg s5  }
0xb0: {  	[dreg:$0x4] =	wrdreg $0xC0  }
0xb1: {  	_ =	task [dreg:s7], $0x5FFFF  }
0xb2: {  	[dreg:$0x1] =	wrdreg $0xFFFFFFFF  }
0xb3: {  	[dreg:$0x0] =	wrdreg $0x60  }
0xb4: {  	[dreg:$0x2] =	wrdreg s24  }
0xb5: {  	[dreg:$0x3] =	wrdreg s16  }
0xb6: {  	[dreg:$0x4] =	wrdreg $0x9  }
0xb7: {  	_ =	task.clear_ibuf [dreg:s7], $0x5FFFF;
	_ =	strace $0x90000052  }
0xb8: {  	s29 =	simm.s32 $0x9;
	_ =	strace $0x80000054  }
0xb9: {  	_ =	swait.ge [sflag:s29], $0x1  }
0xba: {  	[sflag:s29] =	ssyncadd.s32 $0xFFFFFFFF  }
0xbb: {  	_ =	strace $0x90000054  }
0xbc: {  	_ =	sfence  }
0xbd: {  	s30 =	sld [smem:$0x0];
	_ =	sdelay $0x2  }
0xbe: {  	s31 =	sshll.u32 s1, $0xD;
	s1 =	sshrl.u32 s1, $0x2  }
0xbf: {  	s3 =	sand.u32 $0x4000, s31;
	s1 =	sadd.s32 s1, s30  }
0xc0: {  	s0 =	sor.u32 s3, s0;
	s1 =	sshll.u32 s1, $0x11  }
0xc1: {  	s0 =	sor.u32 s1, s0  }
0xc2: {  	s0 =	sadd.s32 $0x8F2B, s0  }
0xc3: {  	[sflag:s0] =	ssyncadd.remote.s32 $0x1  }
0xc4: {  	_ =	sfence.sel $0xFFFF  }
0xc5: {  	[dreg:$0x0] =	wrdreg $0xFFFFFFFF;
	(pc) =	sbr.abs _section_cstart, $3  }
0xc6: {  	[dreg:$0x1] =	wrdreg $0xFFFFFFFF  }
0xc7: {  	_ =	task.clear_ibuf [dreg:s7], $0x2FFFF;
	_ =	strace $0x9FFFFFFF  }
0xc8: {  	(tm) =	ssettm $0x7FFFFFFF  }
0xc9: {  	_ =	shalt  }
tec
execute0_lowered:
.L_overlay_start_1:
0x0: {  	(tag) =	ssettag $0x1  }
0x1: {  	s1 =	srdreg.scid  }
0x2: {  	s8 =	rddreg [dreg:$0x0];
	s0 =	stileid.u32;
	s14 =	sand.u32 $0x1, s1  }
0x3: {  	s13 =	rddreg [dreg:$0x1];
	s3 =	sshll.u32 s0, $0xB;
	s4 =	sshll.u32 s14, $0xA  }
0x4: {  	s2 =	simm.s32 $0x0;
	s1 =	rddreg [dreg:$0x2];
	s15 =	sor.u32 s4, s3  }
0x5: {  	[smem:$0x7FF] =	sst s2;
	s3 =	sshrl.u32 s15, $0x3  }
0x6: {  	_ =	strace $0x80000053;
	s4 =	sadd.s32 s13, s3;
	s3 =	simm.s32 $0x2  }
0x7: {  	[tilespmem:s2], [sflag:$0x2] =	stream.linear.gather [hbm4b:s4+s2], $0x100, $0x38;
	[tilespmem:$0x8100] =	vst v63  }
0x8: {  	_ =	swait.ge [sflag:s3], $0x100  }
0x9: {  	s6 =	simm.s32 $0x100;
	[sflag:s3] =	ssyncset.done $0x0  }
0xa: {  	s7 =	simm.s32 $0x1;
	s5 =	sadd.s32 $0x82400, s8;
	[sflag:s3] =	ssyncadd.s32 $0xFFFFFF00  }
0xb: {  	[tilespmem:s6], [sflag:$0x1] =	stream.indirect.gather [hbm4b:s5+s6], $0x80, s2, s6, $0xb8;
	[tilespmem:$0x8100] =	vst v63  }
0xc: {  	_ =	swait.ge [sflag:s7], $0x8000  }
0xd: {  	s16 =	sadd.s32 $0x222400, s8;
	s28 =	sshll.u32 s15, $0x4;
	[sflag:s7] =	ssyncset.done $0x0  }
0xe: {  	s8 =	sadd.s32 s16, s28;
	[sflag:s7] =	ssyncadd.s32 $0xFFFF8000  }
0xf: {  	[hbm4b:s8+s2] =	stream.linear.scatter [tilespmem:s6], [sflag:$0x2], $0x8000, $0x38;
	[tilespmem:$0x8100] =	vst v63  }
0x10: {  	s10 =	sor.u32 $0x100, s15;
	_ =	swait.ge [sflag:s3], $0x8000  }
0x11: {  	s9 =	sshrl.u32 s10, $0x3;
	[sflag:s3] =	ssyncset.done $0x0  }
0x12: {  	s9 =	sadd.s32 s13, s9;
	[sflag:s3] =	ssyncadd.s32 $0xFFFF8000  }
0x13: {  	[tilespmem:s2], [sflag:$0x2] =	stream.linear.gather [hbm4b:s9+s2], $0x100, $0x38;
	[tilespmem:$0x8100] =	vst v63  }
0x14: {  	_ =	swait.ge [sflag:s3], $0x100  }
0x15: {  	[sflag:s3] =	ssyncset.done $0x0  }
0x16: {  	[sflag:s3] =	ssyncadd.s32 $0xFFFFFF00  }
0x17: {  	[tilespmem:s6], [sflag:$0x1] =	stream.indirect.gather [hbm4b:s5+s6], $0x80, s2, s6, $0xb8;
	[tilespmem:$0x8100] =	vst v63  }
0x18: {  	_ =	swait.ge [sflag:s7], $0x8000  }
0x19: {  	s10 =	sshll.u32 s10, $0x4;
	[sflag:s7] =	ssyncset.done $0x0  }
0x1a: {  	s10 =	sadd.s32 s16, s10;
	[sflag:s7] =	ssyncadd.s32 $0xFFFF8000  }
0x1b: {  	[hbm4b:s10+s2] =	stream.linear.scatter [tilespmem:s6], [sflag:$0x2], $0x8000, $0x38;
	[tilespmem:$0x8100] =	vst v63  }
0x1c: {  	s12 =	sor.u32 $0x200, s15;
	_ =	swait.ge [sflag:s3], $0x8000  }
0x1d: {  	s11 =	sshrl.u32 s12, $0x3;
	[sflag:s3] =	ssyncset.done $0x0  }
0x1e: {  	s11 =	sadd.s32 s13, s11;
	[sflag:s3] =	ssyncadd.s32 $0xFFFF8000  }
0x1f: {  	[tilespmem:s2], [sflag:$0x2] =	stream.linear.gather [hbm4b:s11+s2], $0x100, $0x38;
	[tilespmem:$0x8100] =	vst v63  }
0x20: {  	_ =	swait.ge [sflag:s3], $0x100  }
0x21: {  	[sflag:s3] =	ssyncset.done $0x0  }
0x22: {  	[sflag:s3] =	ssyncadd.s32 $0xFFFFFF00  }
0x23: {  	[tilespmem:s6], [sflag:$0x1] =	stream.indirect.gather [hbm4b:s5+s6], $0x80, s2, s6, $0xb8;
	[tilespmem:$0x8100] =	vst v63  }
0x24: {  	_ =	swait.ge [sflag:s7], $0x8000  }
0x25: {  	s12 =	sshll.u32 s12, $0x4;
	[sflag:s7] =	ssyncset.done $0x0  }
0x26: {  	s12 =	sadd.s32 s16, s12;
	[sflag:s7] =	ssyncadd.s32 $0xFFFF8000  }
0x27: {  	[hbm4b:s12+s2] =	stream.linear.scatter [tilespmem:s6], [sflag:$0x2], $0x8000, $0x38;
	[tilespmem:$0x8100] =	vst v63  }
0x28: {  	s15 =	sor.u32 $0x300, s15;
	_ =	swait.ge [sflag:s3], $0x8000  }
0x29: {  	s17 =	sshrl.u32 s15, $0x3;
	[sflag:s3] =	ssyncset.done $0x0  }
0x2a: {  	s14 =	ssub.s32 $0x2, s14;
	s13 =	sadd.s32 s13, s17;
	[sflag:s3] =	ssyncadd.s32 $0xFFFF8000  }
0x2b: {  	[tilespmem:s2], [sflag:$0x2] =	stream.linear.gather [hbm4b:s13+s2], $0x100, $0x38;
	[tilespmem:$0x8100] =	vst v63  }
0x2c: {  	s29 =	sshrl.u32 s14, $0x1;
	_ =	swait.ge [sflag:s3], $0x100  }
0x2d: {  	s17 =	ssub.s32 s14, s29;
	[sflag:s3] =	ssyncset.done $0x0  }
0x2e: {  	s31 =	smax.u32 s17, $0x1;
	[sflag:s3] =	ssyncadd.s32 $0xFFFFFF00  }
0x2f: {  	[tilespmem:s6], [sflag:$0x1] =	stream.indirect.gather [hbm4b:s5+s6], $0x80, s2, s6, $0xb8;
	[tilespmem:$0x8100] =	vst v63  }
0x30: {  	p0 =	sne.s32 s31, $0x1;
	_ =	swait.ge [sflag:s7], $0x8000  }
.Ltmp0:
0x31: {  	s30 =	sshll.u32 s15, $0x4;
	[sflag:s7] =	ssyncset.done $0x0;
	(pc) =	sbr.rel @!p0 .LBB2_2-.Ltmp0, $4  }
0x32: {  	s14 =	sadd.s32 s16, s30;
	[sflag:s7] =	ssyncadd.s32 $0xFFFF8000  }
0x33: {  	[hbm4b:s14+s2] =	stream.linear.scatter [tilespmem:s6], [sflag:$0x2], $0x8000, $0x38;
	[tilespmem:$0x8100] =	vst v63  }
0x34: {  	_ =	swait.ge [sflag:s3], $0x8000  }
0x35: {  	s15 =	sadd.s32 $0xFFFFFFFF, s31;
	[sflag:s3] =	ssyncset.done $0x0  }
.LBB2_1:
0x36: {  	p0 =	sne.s32 s15, $0x1;
	s15 =	sadd.s32 $0xFFFFFFFF, s15;
	[sflag:s3] =	ssyncadd.s32 $0xFFFF8000  }
0x37: {  	[tilespmem:s2], [sflag:$0x2] =	stream.linear.gather [hbm4b:s4+s2], $0x100, $0x38;
	[tilespmem:$0x8100] =	vst v63  }
0x38: {  	_ =	swait.ge [sflag:s3], $0x100  }
0x39: {  	[sflag:s3] =	ssyncset.done $0x0  }
0x3a: {  	[sflag:s3] =	ssyncadd.s32 $0xFFFFFF00  }
0x3b: {  	[tilespmem:s6], [sflag:$0x1] =	stream.indirect.gather [hbm4b:s5+s6], $0x80, s2, s6, $0xb8;
	[tilespmem:$0x8100] =	vst v63  }
0x3c: {  	_ =	swait.ge [sflag:s7], $0x8000  }
0x3d: {  	[sflag:s7] =	ssyncset.done $0x0  }
0x3e: {  	[sflag:s7] =	ssyncadd.s32 $0xFFFF8000  }
0x3f: {  	[hbm4b:s8+s2] =	stream.linear.scatter [tilespmem:s6], [sflag:$0x2], $0x8000, $0x38;
	[tilespmem:$0x8100] =	vst v63  }
0x40: {  	_ =	swait.ge [sflag:s3], $0x8000  }
0x41: {  	[sflag:s3] =	ssyncset.done $0x0  }
0x42: {  	[sflag:s3] =	ssyncadd.s32 $0xFFFF8000  }
0x43: {  	[tilespmem:s2], [sflag:$0x2] =	stream.linear.gather [hbm4b:s9+s2], $0x100, $0x38;
	[tilespmem:$0x8100] =	vst v63  }
0x44: {  	_ =	swait.ge [sflag:s3], $0x100  }
0x45: {  	[sflag:s3] =	ssyncset.done $0x0  }
0x46: {  	[sflag:s3] =	ssyncadd.s32 $0xFFFFFF00  }
0x47: {  	[tilespmem:s6], [sflag:$0x1] =	stream.indirect.gather [hbm4b:s5+s6], $0x80, s2, s6, $0xb8;
	[tilespmem:$0x8100] =	vst v63  }
0x48: {  	_ =	swait.ge [sflag:s7], $0x8000  }
0x49: {  	[sflag:s7] =	ssyncset.done $0x0  }
0x4a: {  	[sflag:s7] =	ssyncadd.s32 $0xFFFF8000  }
0x4b: {  	[hbm4b:s10+s2] =	stream.linear.scatter [tilespmem:s6], [sflag:$0x2], $0x8000, $0x38;
	[tilespmem:$0x8100] =	vst v63  }
0x4c: {  	_ =	swait.ge [sflag:s3], $0x8000  }
0x4d: {  	[sflag:s3] =	ssyncset.done $0x0  }
0x4e: {  	[sflag:s3] =	ssyncadd.s32 $0xFFFF8000  }
0x4f: {  	[tilespmem:s2], [sflag:$0x2] =	stream.linear.gather [hbm4b:s11+s2], $0x100, $0x38;
	[tilespmem:$0x8100] =	vst v63  }
0x50: {  	_ =	swait.ge [sflag:s3], $0x100  }
0x51: {  	[sflag:s3] =	ssyncset.done $0x0  }
0x52: {  	[sflag:s3] =	ssyncadd.s32 $0xFFFFFF00  }
0x53: {  	[tilespmem:s6], [sflag:$0x1] =	stream.indirect.gather [hbm4b:s5+s6], $0x80, s2, s6, $0xb8;
	[tilespmem:$0x8100] =	vst v63  }
0x54: {  	_ =	swait.ge [sflag:s7], $0x8000  }
0x55: {  	[sflag:s7] =	ssyncset.done $0x0  }
0x56: {  	[sflag:s7] =	ssyncadd.s32 $0xFFFF8000  }
0x57: {  	[hbm4b:s12+s2] =	stream.linear.scatter [tilespmem:s6], [sflag:$0x2], $0x8000, $0x38;
	[tilespmem:$0x8100] =	vst v63  }
0x58: {  	_ =	swait.ge [sflag:s3], $0x8000  }
0x59: {  	[sflag:s3] =	ssyncset.done $0x0  }
0x5a: {  	[sflag:s3] =	ssyncadd.s32 $0xFFFF8000  }
0x5b: {  	[tilespmem:s2], [sflag:$0x2] =	stream.linear.gather [hbm4b:s13+s2], $0x100, $0x38;
	[tilespmem:$0x8100] =	vst v63  }
0x5c: {  	_ =	swait.ge [sflag:s3], $0x100  }
0x5d: {  	[sflag:s3] =	ssyncset.done $0x0  }
0x5e: {  	[sflag:s3] =	ssyncadd.s32 $0xFFFFFF00  }
0x5f: {  	[tilespmem:s6], [sflag:$0x1] =	stream.indirect.gather [hbm4b:s5+s6], $0x80, s2, s6, $0xb8;
	[tilespmem:$0x8100] =	vst v63  }
0x60: {  	_ =	swait.ge [sflag:s7], $0x8000  }
.Ltmp1:
0x61: {  	[sflag:s7] =	ssyncset.done $0x0;
	(pc) =	sbr.rel @p0 .LBB2_1-.Ltmp1, $4  }
0x62: {  	[sflag:s7] =	ssyncadd.s32 $0xFFFF8000  }
0x63: {  	[hbm4b:s14+s2] =	stream.linear.scatter [tilespmem:s6], [sflag:$0x2], $0x8000, $0x38;
	[tilespmem:$0x8100] =	vst v63  }
0x64: {  	_ =	swait.ge [sflag:s3], $0x8000  }
0x65: {  	[sflag:s3] =	ssyncset.done $0x0  }
.LBB2_2:
0x66: {  	[sflag:s3] =	ssyncadd.s32 $0xFFFF8000  }
0x67: {  	_ =	sfence.sel $0x180000  }
0x68: {  	[bflag:$0x0] =	sbarrier.arrive $0xFFFF  }
0x69: {  	p0 =	sne.s32 s0, $0x0;
	_ =	strace $0x90000053  }
0x6a: {  	s0 =	sadd.s32 @!p0 $0x100000, s1;
	[bflag:$0x2] =	sbarrier.arrive $0xFFFF  }
0x6b: {  	[sflag:s0] =	ssyncadd.tile.s32 @!p0 $0x1;
	_ =	shalt  }
.Lfunc_end2:
_tile_overlayer_lowered:
.L_overlay_start_2:
0x6c: {  	(tag) =	ssettag $0x2  }
0x6d: {  	s0 =	rddreg [dreg:$0x0];
	s2 =	stileid.u32  }
0x6e: {  	s1 =	rddreg [dreg:$0x1];
	p0 =	sne.s32 s2, $0x0  }
0x6f: {  	s3 =	rddreg [dreg:$0x2];
	[bflag:$0x3] =	sbarrier.arrive $0xFFFF;
	s2 =	simm.s32 @!p0 $0x1C02  }
0x70: {  	[timem:s3], [sflag:s2] =	dma.local @!p0 [hbm:s0], s1  }
0x71: {  	s0 =	simm.s32 @!p0 $0x2  }
0x72: {  	_ =	swait.ge @!p0 [sflag:s0], s1  }
0x73: {  	s1 =	ssub.s32 @!p0 $0x0, s1;
	[sflag:s0] =	ssyncset.done @!p0 $0x0  }
0x74: {  	[sflag:s0] =	ssyncadd.s32 @!p0 s1  }
0x75: {  	[bflag:$0x3] =	sbarrier.arrive $0xFFFF  }
0x76: {  	_ =	shalt  }

// kernel: kernel.34.cloned.1.call-start
scs
__scs_entry_jumppad:
0x0: {  	(pc) =	sbr.rel $0x88, $3  }
0x1: {  	(tag) =	ssettag $0x0;
	lr =	simm.s32 $0x1  }
0x2: {  	[smem:$0x3F9F] =	sst lr;
	_ =	strace $0xD0000000  }
0x3: {  	_ = 	snop  }
0x4: {  	_ = 	snop  }
0x5: {  	_ = 	snop  }
0x6: {  	_ = 	snop  }
0x7: {  	_ = 	snop  }
__scs_overlays_trampoline_lowered:
0x8: {  	[smem:$0x3FAE] =	sst s0  }
0x9: {  	[smem:$0x3FAF] =	sst s1  }
0xa: {  	[smem:$0x3FB0] =	sst s2  }
0xb: {  	[smem:$0x3FB1] =	sst s3  }
0xc: {  	[smem:$0x3FB2] =	sst s4  }
0xd: {  	[smem:$0x3FB3] =	sst s5  }
0xe: {  	[smem:$0x3FB4] =	sst s6  }
0xf: {  	[smem:$0x3FB5] =	sst s7  }
0x10: {  	[smem:$0x3FB6] =	sst s8  }
0x11: {  	[smem:$0x3FB7] =	sst s9;
	s0 =	simm.s32 @!p0 $0x0  }
0x12: {  	s1 =	sld [smem:$0x3F9D];
	s0 =	simm.s32 @p0 $0x1  }
0x13: {  	[smem:$0x3FB8] =	sst s0;
	s0 =	simm.s32 @!p1 $0x0  }
0x14: {  	s2 =	sld [smem:$0x3F9C];
	s0 =	simm.s32 @p1 $0x1  }
0x15: {  	[smem:$0x3FB9] =	sst s0;
	s0 =	simm.s32 @!p2 $0x0  }
0x16: {  	s3 =	sld [smem:$0x3FDB];
	s0 =	simm.s32 @p2 $0x1  }
0x17: {  	s4 =	simm.s32 $0x1BF5;
	[smem:$0x3FBB] =	sst s0  }
0x18: {  	s0 =	sld [smem:$0x3F9E];
	_ =	swait.ge [sflag:s4], $0x0  }
0x19: {  	s7 =	sld [smem:$0x3F9F]  }
0x1a: {  	s8 =	sadd.s32 $0xFFFFE003, lr  }
0x1b: {  	s9 =	sadd.s32 $0xFFFFFEF7, lr;
	s5 =	simm.s32 $0xFFFFFFFF;
	p2 =	slt.u32 s8, $0xFFFFF086  }
0x1c: {  	p1 =	slt.u32 s9, $0xF7A;
	s5 =	simm.s32 @!p2 $0x0  }
0x1d: {  	s5 =	simm.s32 @p1 $0x1;
	p0 =	seq.s32 s7, s2  }
0x1e: {  	s7 =	smul.u32 @!p0 $0xF7A, s2;
	p2 =	seq.s32 @!p0 s5, $0x0  }
0x1f: {  	s9 =	smul.u32 $0xF7A, s1;
	s8 =	simm.s32 @!p0 $0x1BF5;
	p2 =	por !p2, p0  }
0x20: {  	[sflag:s8] =	ssyncset.s32 @!p0 $0xFFFFF086;
	s6 =	sadd.s32 @!p0 s3, s7;
	s7 =	simm.s32 @!p0 $0x108  }
0x21: {  	s3 =	sadd.s32 s3, s9;
	s6 =	sadd.s32 @!p0 $0x88, s6;
	s7 =	simm.s32 @p2 $0x1082  }
0x22: {  	[simem:s7], [sflag:s8] =	dma.local @!p0 [hbm:s6], $0xF7A  }
0x23: {  	s9 =	sor.u32 $0xD0000000, s2;
	s6 =	simm.s32 $0x108;
	_ =	swait.ge @!p0 [sflag:s8], $0x0  }
0x24: {  	s3 =	sadd.s32 $0x88, s3;
	s6 =	simm.s32 @!p1 $0x1082;
	[sflag:s4] =	ssyncset.s32 $0xFFFFF086  }
0x25: {  	[simem:s6], [sflag:s4] =	dma.local [hbm:s3], $0xF7A  }
0x26: {  	[smem:$0x3F9F] =	sst s1;
	(tag) =	ssettag s2;
	_ =	strace s9  }
0x27: {  	s1 =	sld [smem:$0x3FAF]  }
0x28: {  	s2 =	sld [smem:$0x3FB0]  }
0x29: {  	s4 =	sld [smem:$0x3FB2]  }
0x2a: {  	p0 =	seq.s32 s5, $0x0;
	s5 =	sld [smem:$0x3FB3]  }
0x2b: {  	s6 =	sld [smem:$0x3FB4]  }
0x2c: {  	s7 =	sld [smem:$0x3FB5]  }
0x2d: {  	s3 =	simm.s32 $0x108;
	s8 =	sld [smem:$0x3FB6]  }
0x2e: {  	s3 =	simm.s32 @!p0 $0x1082;
	s9 =	sld [smem:$0x3FB7]  }
0x2f: {  	lr =	sadd.s32 s0, s3;
	s0 =	sld [smem:$0x3FAE]  }
0x30: {  	s3 =	sld [smem:$0x3FB1]  }
0x31: {  	[smem:$0x3FBA] =	sst s10  }
0x32: {  	s10 =	sld [smem:$0x3FB8];
	_ =	sdelay $0x3  }
0x33: {  	p0 =	seq.s32 s10, $0x1;
	s10 =	sld [smem:$0x3FBA];
	_ =	sdelay $0x3  }
0x34: {  	[smem:$0x3FBA] =	sst s10  }
0x35: {  	s10 =	sld [smem:$0x3FB9];
	_ =	sdelay $0x3  }
0x36: {  	p1 =	seq.s32 s10, $0x1;
	s10 =	sld [smem:$0x3FBA];
	_ =	sdelay $0x3  }
0x37: {  	[smem:$0x3FBA] =	sst s10  }
0x38: {  	s10 =	sld [smem:$0x3FBB]  }
0x39: {  	_ = 	snop;
	(pc) =	sbr.ind lr, $3  }
0x3a: {  	_ = 	snop  }
0x3b: {  	_ = 	snop  }
0x3c: {  	p2 =	seq.s32 s10, $0x1;
	s10 =	sld [smem:$0x3FBA]  }
0x3d: {  	_ =	shalt  }
0x3e: {  	_ =	shalt  }
0x3f: {  	_ =	shalt  }
0x40: {  	_ =	shalt  }
0x41: {  	_ =	shalt  }
0x42: {  	_ =	shalt  }
0x43: {  	_ =	shalt  }
0x44: {  	_ =	shalt  }
0x45: {  	_ =	shalt  }
0x46: {  	_ =	shalt  }
0x47: {  	_ =	shalt  }
0x48: {  	_ =	shalt  }
0x49: {  	_ =	shalt  }
0x4a: {  	_ =	shalt  }
0x4b: {  	_ =	shalt  }
0x4c: {  	_ =	shalt  }
0x4d: {  	_ =	shalt  }
0x4e: {  	_ =	shalt  }
0x4f: {  	_ =	shalt  }
0x50: {  	_ =	shalt  }
0x51: {  	_ =	shalt  }
0x52: {  	_ =	shalt  }
0x53: {  	_ =	shalt  }
0x54: {  	_ =	shalt  }
0x55: {  	_ =	shalt  }
0x56: {  	_ =	shalt  }
0x57: {  	_ =	shalt  }
0x58: {  	_ =	shalt  }
0x59: {  	_ =	shalt  }
0x5a: {  	_ =	shalt  }
0x5b: {  	_ =	shalt  }
0x5c: {  	_ =	shalt  }
0x5d: {  	_ =	shalt  }
0x5e: {  	_ =	shalt  }
0x5f: {  	_ =	shalt  }
0x60: {  	_ =	shalt  }
0x61: {  	_ =	shalt  }
0x62: {  	_ =	shalt  }
0x63: {  	_ =	shalt  }
0x64: {  	_ =	shalt  }
0x65: {  	_ =	shalt  }
0x66: {  	_ =	shalt  }
0x67: {  	_ =	shalt  }
0x68: {  	_ =	shalt  }
0x69: {  	_ =	shalt  }
0x6a: {  	_ =	shalt  }
0x6b: {  	_ =	shalt  }
0x6c: {  	_ =	shalt  }
0x6d: {  	_ =	shalt  }
0x6e: {  	_ =	shalt  }
0x6f: {  	_ =	shalt  }
0x70: {  	_ =	shalt  }
0x71: {  	_ =	shalt  }
0x72: {  	_ =	shalt  }
0x73: {  	_ =	shalt  }
0x74: {  	_ =	shalt  }
0x75: {  	_ =	shalt  }
0x76: {  	_ =	shalt  }
0x77: {  	_ =	shalt  }
0x78: {  	_ =	shalt  }
0x79: {  	_ =	shalt  }
0x7a: {  	_ =	shalt  }
0x7b: {  	_ =	shalt  }
0x7c: {  	_ =	shalt  }
0x7d: {  	_ =	shalt  }
0x7e: {  	_ =	shalt  }
0x7f: {  	_ =	shalt  }
0x80: {  	_ =	shalt  }
0x81: {  	_ =	shalt  }
0x82: {  	_ =	shalt  }
0x83: {  	_ =	shalt  }
0x84: {  	_ =	shalt  }
0x85: {  	_ =	shalt  }
0x86: {  	_ =	shalt  }
0x87: {  	_ =	shalt  }
.Lfunc_end0:
.L_simem_size_0:
called_computation.5_lowered:
.L_overlay_start_0:
0x88: {  	s2 =	sld [smem:$0x3FD9]  }
0x89: {  	s3 =	sld [smem:$0x3FFE];
	_ =	sdelay $0x1  }
0x8a: {  	s1 =	srdreg.scid  }
0x8b: {  	s0 =	sand.u32 $0x1, s1  }
0x8c: {  	s14 =	sshll.u32 s0, $0xA;
	s2 =	sadd.s32 s3, s2  }
0x8d: {  	s2 =	sadd.s32 s2, s14  }
0x8e: {  	[smem:$0x3FC6] =	sst s2  }
0x8f: {  	_ = 	snop  }
0x90: {  	s2 =	sld [smem:$0x3FD0];
	_ =	sdelay $0x2  }
0x91: {  	s15 =	simm.s32 $0xA;
	s4 =	simm.s32 $0x10  }
0x92: {  	[smem:s4], [sflag:s15] =	dma.local [hbm:s2], $0x1  }
0x93: {  	_ =	swait.eq [sflag:s15], $0x1  }
0x94: {  	[sflag:s15] =	ssyncset.done $0x0  }
0x95: {  	[sflag:s15] =	ssyncadd.s32 $0xFFFFFFFF  }
0x96: {  	s16 =	sld [smem:$0x11];
	(tm) =	ssettm $0x1  }
0x97: {  	s17 =	sld [smem:$0x3FFB];
	_ =	sdelay $0x3  }
0x98: {  	_ =	strace s17  }
0x99: {  	s3 =	sld [smem:$0x3FFC];
	_ =	sdelay $0x3  }
0x9a: {  	_ =	strace s3  }
0x9b: {  	s3 =	sld [smem:$0x3FFD];
	_ =	sdelay $0x3  }
0x9c: {  	_ =	strace s3  }
0x9d: {  	_ =	strace $0x8FFFFFFF  }
0x9e: {  	s18 =	sld [smem:$0x3FDB];
	_ =	sdelay $0x1  }
0x9f: {  	s19 =	simm.s32 $_scs_section_size  }
0xa0: {  	s5 =	simm.s32 $_size__tile_overlayer_lowered;
	s6 =	simm.s32 $_tile_overlayer_lowered  }
0xa1: {  	s22 =	simm.s32 $0x1BFF;
	s21 =	sshll.u32 s6, $0x1;
	s3 =	sadd.s32 s19, s18  }
0xa2: {  	s7 =	simm.s32 $0x0;
	s20 =	sshll.u32 s5, $0x1;
	s5 =	sadd.s32 s21, s3  }
0xa3: {  	[timem:s7], [sflag:s22] =	dma.local [hbm:s5], s20  }
0xa4: {  	_ =	swait.ge [sflag:s22], s20  }
0xa5: {  	s4 =	ssub.s32 $0x0, s20;
	[sflag:s22] =	ssyncset.done $0x0  }
0xa6: {  	[sflag:s22] =	ssyncadd.s32 s4;
	_ =	sdelay $0x1  }
0xa7: {  	s23 =	simm.s32 $0x1B8B  }
0xa8: {  	_ =	swait.ge [sflag:s23], $0x1  }
0xa9: {  	[sflag:s23] =	ssyncset.done $0x0  }
0xaa: {  	s25 =	simm.s32 $0x1B8E;
	s24 =	sld [smem:$0x3FFE];
	[sflag:s23] =	ssyncadd.s32 $0xFFFFFFFF  }
0xab: {  	s26 =	simm.s32 $execute0_lowered;
	[smem:$0x3FD2] =	sst s25  }
0xac: {  	s5 =	sshll.u32 s26, $0x1;
	_ =	strace $0x80000055;
	[dreg:$0x1] =	wrdreg $0xFFFFFFFF  }
0xad: {  	s28 =	simm.s32 $_size_execute0_lowered;
	s3 =	sadd.s32 s3, s5;
	[dreg:$0x0] =	wrdreg $0x0  }
0xae: {  	s5 =	sshll.u32 s28, $0x1;
	[dreg:$0x2] =	wrdreg s3  }
0xaf: {  	[dreg:$0x3] =	wrdreg s5  }
0xb0: {  	[dreg:$0x4] =	wrdreg $0xC0  }
0xb1: {  	_ =	task [dreg:s7], $0x5FFFF  }
0xb2: {  	[dreg:$0x1] =	wrdreg $0xFFFFFFFF  }
0xb3: {  	[dreg:$0x0] =	wrdreg $0x60  }
0xb4: {  	[dreg:$0x2] =	wrdreg s24  }
0xb5: {  	[dreg:$0x3] =	wrdreg s16  }
0xb6: {  	[dreg:$0x4] =	wrdreg $0x9  }
0xb7: {  	_ =	task.clear_ibuf [dreg:s7], $0x5FFFF;
	_ =	strace $0x90000055  }
0xb8: {  	s29 =	simm.s32 $0x9;
	_ =	strace $0x80000057  }
0xb9: {  	_ =	swait.ge [sflag:s29], $0x1  }
0xba: {  	[sflag:s29] =	ssyncadd.s32 $0xFFFFFFFF  }
0xbb: {  	_ =	strace $0x90000057  }
0xbc: {  	_ =	sfence  }
0xbd: {  	s30 =	sld [smem:$0x0];
	_ =	sdelay $0x2  }
0xbe: {  	s31 =	sshll.u32 s1, $0xD;
	s1 =	sshrl.u32 s1, $0x2  }
0xbf: {  	s3 =	sand.u32 $0x4000, s31;
	s1 =	sadd.s32 s1, s30  }
0xc0: {  	s0 =	sor.u32 s3, s0;
	s1 =	sshll.u32 s1, $0x11  }
0xc1: {  	s0 =	sor.u32 s1, s0  }
0xc2: {  	s0 =	sadd.s32 $0x8F2B, s0  }
0xc3: {  	[sflag:s0] =	ssyncadd.remote.s32 $0x1  }
0xc4: {  	_ =	sfence.sel $0xFFFF  }
0xc5: {  	[dreg:$0x0] =	wrdreg $0xFFFFFFFF;
	(pc) =	sbr.abs _section_cstart, $3  }
0xc6: {  	[dreg:$0x1] =	wrdreg $0xFFFFFFFF  }
0xc7: {  	_ =	task.clear_ibuf [dreg:s7], $0x2FFFF;
	_ =	strace $0x9FFFFFFF  }
0xc8: {  	(tm) =	ssettm $0x7FFFFFFF  }
0xc9: {  	_ =	shalt  }
tec
execute0_lowered:
.L_overlay_start_1:
0x0: {  	(tag) =	ssettag $0x1  }
0x1: {  	s1 =	srdreg.scid  }
0x2: {  	s8 =	rddreg [dreg:$0x0];
	s0 =	stileid.u32;
	s14 =	sand.u32 $0x1, s1  }
0x3: {  	s13 =	rddreg [dreg:$0x1];
	s3 =	sshll.u32 s0, $0xB;
	s4 =	sshll.u32 s14, $0xA  }
0x4: {  	s2 =	simm.s32 $0x0;
	s1 =	rddreg [dreg:$0x2];
	s15 =	sor.u32 s4, s3  }
0x5: {  	[smem:$0x7FF] =	sst s2;
	s3 =	sshrl.u32 s15, $0x3  }
0x6: {  	_ =	strace $0x80000056;
	s4 =	sadd.s32 s13, s3;
	s3 =	simm.s32 $0x2  }
0x7: {  	[tilespmem:s2], [sflag:$0x2] =	stream.linear.gather [hbm4b:s4+s2], $0x100, $0x38;
	[tilespmem:$0x8100] =	vst v63  }
0x8: {  	_ =	swait.ge [sflag:s3], $0x100  }
0x9: {  	s6 =	simm.s32 $0x100;
	[sflag:s3] =	ssyncset.done $0x0  }
0xa: {  	s7 =	simm.s32 $0x1;
	s5 =	sadd.s32 $0xA2400, s8;
	[sflag:s3] =	ssyncadd.s32 $0xFFFFFF00  }
0xb: {  	[tilespmem:s6], [sflag:$0x1] =	stream.indirect.gather [hbm4b:s5+s6], $0x80, s2, s6, $0xb8;
	[tilespmem:$0x8100] =	vst v63  }
0xc: {  	_ =	swait.ge [sflag:s7], $0x8000  }
0xd: {  	s16 =	sadd.s32 $0x222400, s8;
	s28 =	sshll.u32 s15, $0x4;
	[sflag:s7] =	ssyncset.done $0x0  }
0xe: {  	s8 =	sadd.s32 s16, s28;
	[sflag:s7] =	ssyncadd.s32 $0xFFFF8000  }
0xf: {  	[hbm4b:s8+s2] =	stream.linear.scatter [tilespmem:s6], [sflag:$0x2], $0x8000, $0x38;
	[tilespmem:$0x8100] =	vst v63  }
0x10: {  	s10 =	sor.u32 $0x100, s15;
	_ =	swait.ge [sflag:s3], $0x8000  }
0x11: {  	s9 =	sshrl.u32 s10, $0x3;
	[sflag:s3] =	ssyncset.done $0x0  }
0x12: {  	s9 =	sadd.s32 s13, s9;
	[sflag:s3] =	ssyncadd.s32 $0xFFFF8000  }
0x13: {  	[tilespmem:s2], [sflag:$0x2] =	stream.linear.gather [hbm4b:s9+s2], $0x100, $0x38;
	[tilespmem:$0x8100] =	vst v63  }
0x14: {  	_ =	swait.ge [sflag:s3], $0x100  }
0x15: {  	[sflag:s3] =	ssyncset.done $0x0  }
0x16: {  	[sflag:s3] =	ssyncadd.s32 $0xFFFFFF00  }
0x17: {  	[tilespmem:s6], [sflag:$0x1] =	stream.indirect.gather [hbm4b:s5+s6], $0x80, s2, s6, $0xb8;
	[tilespmem:$0x8100] =	vst v63  }
0x18: {  	_ =	swait.ge [sflag:s7], $0x8000  }
0x19: {  	s10 =	sshll.u32 s10, $0x4;
	[sflag:s7] =	ssyncset.done $0x0  }
0x1a: {  	s10 =	sadd.s32 s16, s10;
	[sflag:s7] =	ssyncadd.s32 $0xFFFF8000  }
0x1b: {  	[hbm4b:s10+s2] =	stream.linear.scatter [tilespmem:s6], [sflag:$0x2], $0x8000, $0x38;
	[tilespmem:$0x8100] =	vst v63  }
0x1c: {  	s12 =	sor.u32 $0x200, s15;
	_ =	swait.ge [sflag:s3], $0x8000  }
0x1d: {  	s11 =	sshrl.u32 s12, $0x3;
	[sflag:s3] =	ssyncset.done $0x0  }
0x1e: {  	s11 =	sadd.s32 s13, s11;
	[sflag:s3] =	ssyncadd.s32 $0xFFFF8000  }
0x1f: {  	[tilespmem:s2], [sflag:$0x2] =	stream.linear.gather [hbm4b:s11+s2], $0x100, $0x38;
	[tilespmem:$0x8100] =	vst v63  }
0x20: {  	_ =	swait.ge [sflag:s3], $0x100  }
0x21: {  	[sflag:s3] =	ssyncset.done $0x0  }
0x22: {  	[sflag:s3] =	ssyncadd.s32 $0xFFFFFF00  }
0x23: {  	[tilespmem:s6], [sflag:$0x1] =	stream.indirect.gather [hbm4b:s5+s6], $0x80, s2, s6, $0xb8;
	[tilespmem:$0x8100] =	vst v63  }
0x24: {  	_ =	swait.ge [sflag:s7], $0x8000  }
0x25: {  	s12 =	sshll.u32 s12, $0x4;
	[sflag:s7] =	ssyncset.done $0x0  }
0x26: {  	s12 =	sadd.s32 s16, s12;
	[sflag:s7] =	ssyncadd.s32 $0xFFFF8000  }
0x27: {  	[hbm4b:s12+s2] =	stream.linear.scatter [tilespmem:s6], [sflag:$0x2], $0x8000, $0x38;
	[tilespmem:$0x8100] =	vst v63  }
0x28: {  	s15 =	sor.u32 $0x300, s15;
	_ =	swait.ge [sflag:s3], $0x8000  }
0x29: {  	s17 =	sshrl.u32 s15, $0x3;
	[sflag:s3] =	ssyncset.done $0x0  }
0x2a: {  	s14 =	ssub.s32 $0x2, s14;
	s13 =	sadd.s32 s13, s17;
	[sflag:s3] =	ssyncadd.s32 $0xFFFF8000  }
0x2b: {  	[tilespmem:s2], [sflag:$0x2] =	stream.linear.gather [hbm4b:s13+s2], $0x100, $0x38;
	[tilespmem:$0x8100] =	vst v63  }
0x2c: {  	s29 =	sshrl.u32 s14, $0x1;
	_ =	swait.ge [sflag:s3], $0x100  }
0x2d: {  	s17 =	ssub.s32 s14, s29;
	[sflag:s3] =	ssyncset.done $0x0  }
0x2e: {  	s31 =	smax.u32 s17, $0x1;
	[sflag:s3] =	ssyncadd.s32 $0xFFFFFF00  }
0x2f: {  	[tilespmem:s6], [sflag:$0x1] =	stream.indirect.gather [hbm4b:s5+s6], $0x80, s2, s6, $0xb8;
	[tilespmem:$0x8100] =	vst v63  }
0x30: {  	p0 =	sne.s32 s31, $0x1;
	_ =	swait.ge [sflag:s7], $0x8000  }
.Ltmp0:
0x31: {  	s30 =	sshll.u32 s15, $0x4;
	[sflag:s7] =	ssyncset.done $0x0;
	(pc) =	sbr.rel @!p0 .LBB2_2-.Ltmp0, $4  }
0x32: {  	s14 =	sadd.s32 s16, s30;
	[sflag:s7] =	ssyncadd.s32 $0xFFFF8000  }
0x33: {  	[hbm4b:s14+s2] =	stream.linear.scatter [tilespmem:s6], [sflag:$0x2], $0x8000, $0x38;
	[tilespmem:$0x8100] =	vst v63  }
0x34: {  	_ =	swait.ge [sflag:s3], $0x8000  }
0x35: {  	s15 =	sadd.s32 $0xFFFFFFFF, s31;
	[sflag:s3] =	ssyncset.done $0x0  }
.LBB2_1:
0x36: {  	p0 =	sne.s32 s15, $0x1;
	s15 =	sadd.s32 $0xFFFFFFFF, s15;
	[sflag:s3] =	ssyncadd.s32 $0xFFFF8000  }
0x37: {  	[tilespmem:s2], [sflag:$0x2] =	stream.linear.gather [hbm4b:s4+s2], $0x100, $0x38;
	[tilespmem:$0x8100] =	vst v63  }
0x38: {  	_ =	swait.ge [sflag:s3], $0x100  }
0x39: {  	[sflag:s3] =	ssyncset.done $0x0  }
0x3a: {  	[sflag:s3] =	ssyncadd.s32 $0xFFFFFF00  }
0x3b: {  	[tilespmem:s6], [sflag:$0x1] =	stream.indirect.gather [hbm4b:s5+s6], $0x80, s2, s6, $0xb8;
	[tilespmem:$0x8100] =	vst v63  }
0x3c: {  	_ =	swait.ge [sflag:s7], $0x8000  }
0x3d: {  	[sflag:s7] =	ssyncset.done $0x0  }
0x3e: {  	[sflag:s7] =	ssyncadd.s32 $0xFFFF8000  }
0x3f: {  	[hbm4b:s8+s2] =	stream.linear.scatter [tilespmem:s6], [sflag:$0x2], $0x8000, $0x38;
	[tilespmem:$0x8100] =	vst v63  }
0x40: {  	_ =	swait.ge [sflag:s3], $0x8000  }
0x41: {  	[sflag:s3] =	ssyncset.done $0x0  }
0x42: {  	[sflag:s3] =	ssyncadd.s32 $0xFFFF8000  }
0x43: {  	[tilespmem:s2], [sflag:$0x2] =	stream.linear.gather [hbm4b:s9+s2], $0x100, $0x38;
	[tilespmem:$0x8100] =	vst v63  }
0x44: {  	_ =	swait.ge [sflag:s3], $0x100  }
0x45: {  	[sflag:s3] =	ssyncset.done $0x0  }
0x46: {  	[sflag:s3] =	ssyncadd.s32 $0xFFFFFF00  }
0x47: {  	[tilespmem:s6], [sflag:$0x1] =	stream.indirect.gather [hbm4b:s5+s6], $0x80, s2, s6, $0xb8;
	[tilespmem:$0x8100] =	vst v63  }
0x48: {  	_ =	swait.ge [sflag:s7], $0x8000  }
0x49: {  	[sflag:s7] =	ssyncset.done $0x0  }
0x4a: {  	[sflag:s7] =	ssyncadd.s32 $0xFFFF8000  }
0x4b: {  	[hbm4b:s10+s2] =	stream.linear.scatter [tilespmem:s6], [sflag:$0x2], $0x8000, $0x38;
	[tilespmem:$0x8100] =	vst v63  }
0x4c: {  	_ =	swait.ge [sflag:s3], $0x8000  }
0x4d: {  	[sflag:s3] =	ssyncset.done $0x0  }
0x4e: {  	[sflag:s3] =	ssyncadd.s32 $0xFFFF8000  }
0x4f: {  	[tilespmem:s2], [sflag:$0x2] =	stream.linear.gather [hbm4b:s11+s2], $0x100, $0x38;
	[tilespmem:$0x8100] =	vst v63  }
0x50: {  	_ =	swait.ge [sflag:s3], $0x100  }
0x51: {  	[sflag:s3] =	ssyncset.done $0x0  }
0x52: {  	[sflag:s3] =	ssyncadd.s32 $0xFFFFFF00  }
0x53: {  	[tilespmem:s6], [sflag:$0x1] =	stream.indirect.gather [hbm4b:s5+s6], $0x80, s2, s6, $0xb8;
	[tilespmem:$0x8100] =	vst v63  }
0x54: {  	_ =	swait.ge [sflag:s7], $0x8000  }
0x55: {  	[sflag:s7] =	ssyncset.done $0x0  }
0x56: {  	[sflag:s7] =	ssyncadd.s32 $0xFFFF8000  }
0x57: {  	[hbm4b:s12+s2] =	stream.linear.scatter [tilespmem:s6], [sflag:$0x2], $0x8000, $0x38;
	[tilespmem:$0x8100] =	vst v63  }
0x58: {  	_ =	swait.ge [sflag:s3], $0x8000  }
0x59: {  	[sflag:s3] =	ssyncset.done $0x0  }
0x5a: {  	[sflag:s3] =	ssyncadd.s32 $0xFFFF8000  }
0x5b: {  	[tilespmem:s2], [sflag:$0x2] =	stream.linear.gather [hbm4b:s13+s2], $0x100, $0x38;
	[tilespmem:$0x8100] =	vst v63  }
0x5c: {  	_ =	swait.ge [sflag:s3], $0x100  }
0x5d: {  	[sflag:s3] =	ssyncset.done $0x0  }
0x5e: {  	[sflag:s3] =	ssyncadd.s32 $0xFFFFFF00  }
0x5f: {  	[tilespmem:s6], [sflag:$0x1] =	stream.indirect.gather [hbm4b:s5+s6], $0x80, s2, s6, $0xb8;
	[tilespmem:$0x8100] =	vst v63  }
0x60: {  	_ =	swait.ge [sflag:s7], $0x8000  }
.Ltmp1:
0x61: {  	[sflag:s7] =	ssyncset.done $0x0;
	(pc) =	sbr.rel @p0 .LBB2_1-.Ltmp1, $4  }
0x62: {  	[sflag:s7] =	ssyncadd.s32 $0xFFFF8000  }
0x63: {  	[hbm4b:s14+s2] =	stream.linear.scatter [tilespmem:s6], [sflag:$0x2], $0x8000, $0x38;
	[tilespmem:$0x8100] =	vst v63  }
0x64: {  	_ =	swait.ge [sflag:s3], $0x8000  }
0x65: {  	[sflag:s3] =	ssyncset.done $0x0  }
.LBB2_2:
0x66: {  	[sflag:s3] =	ssyncadd.s32 $0xFFFF8000  }
0x67: {  	_ =	sfence.sel $0x180000  }
0x68: {  	[bflag:$0x0] =	sbarrier.arrive $0xFFFF  }
0x69: {  	p0 =	sne.s32 s0, $0x0;
	_ =	strace $0x90000056  }
0x6a: {  	s0 =	sadd.s32 @!p0 $0x100000, s1;
	[bflag:$0x2] =	sbarrier.arrive $0xFFFF  }
0x6b: {  	[sflag:s0] =	ssyncadd.tile.s32 @!p0 $0x1;
	_ =	shalt  }
.Lfunc_end2:
_tile_overlayer_lowered:
.L_overlay_start_2:
0x6c: {  	(tag) =	ssettag $0x2  }
0x6d: {  	s0 =	rddreg [dreg:$0x0];
	s2 =	stileid.u32  }
0x6e: {  	s1 =	rddreg [dreg:$0x1];
	p0 =	sne.s32 s2, $0x0  }
0x6f: {  	s3 =	rddreg [dreg:$0x2];
	[bflag:$0x3] =	sbarrier.arrive $0xFFFF;
	s2 =	simm.s32 @!p0 $0x1C02  }
0x70: {  	[timem:s3], [sflag:s2] =	dma.local @!p0 [hbm:s0], s1  }
0x71: {  	s0 =	simm.s32 @!p0 $0x2  }
0x72: {  	_ =	swait.ge @!p0 [sflag:s0], s1  }
0x73: {  	s1 =	ssub.s32 @!p0 $0x0, s1;
	[sflag:s0] =	ssyncset.done @!p0 $0x0  }
0x74: {  	[sflag:s0] =	ssyncadd.s32 @!p0 s1  }
0x75: {  	[bflag:$0x3] =	sbarrier.arrive $0xFFFF  }
0x76: {  	_ =	shalt  }

// kernel: kernel.37.cloned.1.call-start
scs
__scs_entry_jumppad:
0x0: {  	(pc) =	sbr.rel $0x88, $3  }
0x1: {  	(tag) =	ssettag $0x0;
	lr =	simm.s32 $0x1  }
0x2: {  	[smem:$0x3F9F] =	sst lr;
	_ =	strace $0xD0000000  }
0x3: {  	_ = 	snop  }
0x4: {  	_ = 	snop  }
0x5: {  	_ = 	snop  }
0x6: {  	_ = 	snop  }
0x7: {  	_ = 	snop  }
__scs_overlays_trampoline_lowered:
0x8: {  	[smem:$0x3FAE] =	sst s0  }
0x9: {  	[smem:$0x3FAF] =	sst s1  }
0xa: {  	[smem:$0x3FB0] =	sst s2  }
0xb: {  	[smem:$0x3FB1] =	sst s3  }
0xc: {  	[smem:$0x3FB2] =	sst s4  }
0xd: {  	[smem:$0x3FB3] =	sst s5  }
0xe: {  	[smem:$0x3FB4] =	sst s6  }
0xf: {  	[smem:$0x3FB5] =	sst s7  }
0x10: {  	[smem:$0x3FB6] =	sst s8  }
0x11: {  	[smem:$0x3FB7] =	sst s9;
	s0 =	simm.s32 @!p0 $0x0  }
0x12: {  	s1 =	sld [smem:$0x3F9D];
	s0 =	simm.s32 @p0 $0x1  }
0x13: {  	[smem:$0x3FB8] =	sst s0;
	s0 =	simm.s32 @!p1 $0x0  }
0x14: {  	s2 =	sld [smem:$0x3F9C];
	s0 =	simm.s32 @p1 $0x1  }
0x15: {  	[smem:$0x3FB9] =	sst s0;
	s0 =	simm.s32 @!p2 $0x0  }
0x16: {  	s3 =	sld [smem:$0x3FDB];
	s0 =	simm.s32 @p2 $0x1  }
0x17: {  	s4 =	simm.s32 $0x1BF5;
	[smem:$0x3FBB] =	sst s0  }
0x18: {  	s0 =	sld [smem:$0x3F9E];
	_ =	swait.ge [sflag:s4], $0x0  }
0x19: {  	s7 =	sld [smem:$0x3F9F]  }
0x1a: {  	s8 =	sadd.s32 $0xFFFFE003, lr  }
0x1b: {  	s9 =	sadd.s32 $0xFFFFFEF7, lr;
	s5 =	simm.s32 $0xFFFFFFFF;
	p2 =	slt.u32 s8, $0xFFFFF086  }
0x1c: {  	p1 =	slt.u32 s9, $0xF7A;
	s5 =	simm.s32 @!p2 $0x0  }
0x1d: {  	s5 =	simm.s32 @p1 $0x1;
	p0 =	seq.s32 s7, s2  }
0x1e: {  	s7 =	smul.u32 @!p0 $0xF7A, s2;
	p2 =	seq.s32 @!p0 s5, $0x0  }
0x1f: {  	s9 =	smul.u32 $0xF7A, s1;
	s8 =	simm.s32 @!p0 $0x1BF5;
	p2 =	por !p2, p0  }
0x20: {  	[sflag:s8] =	ssyncset.s32 @!p0 $0xFFFFF086;
	s6 =	sadd.s32 @!p0 s3, s7;
	s7 =	simm.s32 @!p0 $0x108  }
0x21: {  	s3 =	sadd.s32 s3, s9;
	s6 =	sadd.s32 @!p0 $0x88, s6;
	s7 =	simm.s32 @p2 $0x1082  }
0x22: {  	[simem:s7], [sflag:s8] =	dma.local @!p0 [hbm:s6], $0xF7A  }
0x23: {  	s9 =	sor.u32 $0xD0000000, s2;
	s6 =	simm.s32 $0x108;
	_ =	swait.ge @!p0 [sflag:s8], $0x0  }
0x24: {  	s3 =	sadd.s32 $0x88, s3;
	s6 =	simm.s32 @!p1 $0x1082;
	[sflag:s4] =	ssyncset.s32 $0xFFFFF086  }
0x25: {  	[simem:s6], [sflag:s4] =	dma.local [hbm:s3], $0xF7A  }
0x26: {  	[smem:$0x3F9F] =	sst s1;
	(tag) =	ssettag s2;
	_ =	strace s9  }
0x27: {  	s1 =	sld [smem:$0x3FAF]  }
0x28: {  	s2 =	sld [smem:$0x3FB0]  }
0x29: {  	s4 =	sld [smem:$0x3FB2]  }
0x2a: {  	p0 =	seq.s32 s5, $0x0;
	s5 =	sld [smem:$0x3FB3]  }
0x2b: {  	s6 =	sld [smem:$0x3FB4]  }
0x2c: {  	s7 =	sld [smem:$0x3FB5]  }
0x2d: {  	s3 =	simm.s32 $0x108;
	s8 =	sld [smem:$0x3FB6]  }
0x2e: {  	s3 =	simm.s32 @!p0 $0x1082;
	s9 =	sld [smem:$0x3FB7]  }
0x2f: {  	lr =	sadd.s32 s0, s3;
	s0 =	sld [smem:$0x3FAE]  }
0x30: {  	s3 =	sld [smem:$0x3FB1]  }
0x31: {  	[smem:$0x3FBA] =	sst s10  }
0x32: {  	s10 =	sld [smem:$0x3FB8];
	_ =	sdelay $0x3  }
0x33: {  	p0 =	seq.s32 s10, $0x1;
	s10 =	sld [smem:$0x3FBA];
	_ =	sdelay $0x3  }
0x34: {  	[smem:$0x3FBA] =	sst s10  }
0x35: {  	s10 =	sld [smem:$0x3FB9];
	_ =	sdelay $0x3  }
0x36: {  	p1 =	seq.s32 s10, $0x1;
	s10 =	sld [smem:$0x3FBA];
	_ =	sdelay $0x3  }
0x37: {  	[smem:$0x3FBA] =	sst s10  }
0x38: {  	s10 =	sld [smem:$0x3FBB]  }
0x39: {  	_ = 	snop;
	(pc) =	sbr.ind lr, $3  }
0x3a: {  	_ = 	snop  }
0x3b: {  	_ = 	snop  }
0x3c: {  	p2 =	seq.s32 s10, $0x1;
	s10 =	sld [smem:$0x3FBA]  }
0x3d: {  	_ =	shalt  }
0x3e: {  	_ =	shalt  }
0x3f: {  	_ =	shalt  }
0x40: {  	_ =	shalt  }
0x41: {  	_ =	shalt  }
0x42: {  	_ =	shalt  }
0x43: {  	_ =	shalt  }
0x44: {  	_ =	shalt  }
0x45: {  	_ =	shalt  }
0x46: {  	_ =	shalt  }
0x47: {  	_ =	shalt  }
0x48: {  	_ =	shalt  }
0x49: {  	_ =	shalt  }
0x4a: {  	_ =	shalt  }
0x4b: {  	_ =	shalt  }
0x4c: {  	_ =	shalt  }
0x4d: {  	_ =	shalt  }
0x4e: {  	_ =	shalt  }
0x4f: {  	_ =	shalt  }
0x50: {  	_ =	shalt  }
0x51: {  	_ =	shalt  }
0x52: {  	_ =	shalt  }
0x53: {  	_ =	shalt  }
0x54: {  	_ =	shalt  }
0x55: {  	_ =	shalt  }
0x56: {  	_ =	shalt  }
0x57: {  	_ =	shalt  }
0x58: {  	_ =	shalt  }
0x59: {  	_ =	shalt  }
0x5a: {  	_ =	shalt  }
0x5b: {  	_ =	shalt  }
0x5c: {  	_ =	shalt  }
0x5d: {  	_ =	shalt  }
0x5e: {  	_ =	shalt  }
0x5f: {  	_ =	shalt  }
0x60: {  	_ =	shalt  }
0x61: {  	_ =	shalt  }
0x62: {  	_ =	shalt  }
0x63: {  	_ =	shalt  }
0x64: {  	_ =	shalt  }
0x65: {  	_ =	shalt  }
0x66: {  	_ =	shalt  }
0x67: {  	_ =	shalt  }
0x68: {  	_ =	shalt  }
0x69: {  	_ =	shalt  }
0x6a: {  	_ =	shalt  }
0x6b: {  	_ =	shalt  }
0x6c: {  	_ =	shalt  }
0x6d: {  	_ =	shalt  }
0x6e: {  	_ =	shalt  }
0x6f: {  	_ =	shalt  }
0x70: {  	_ =	shalt  }
0x71: {  	_ =	shalt  }
0x72: {  	_ =	shalt  }
0x73: {  	_ =	shalt  }
0x74: {  	_ =	shalt  }
0x75: {  	_ =	shalt  }
0x76: {  	_ =	shalt  }
0x77: {  	_ =	shalt  }
0x78: {  	_ =	shalt  }
0x79: {  	_ =	shalt  }
0x7a: {  	_ =	shalt  }
0x7b: {  	_ =	shalt  }
0x7c: {  	_ =	shalt  }
0x7d: {  	_ =	shalt  }
0x7e: {  	_ =	shalt  }
0x7f: {  	_ =	shalt  }
0x80: {  	_ =	shalt  }
0x81: {  	_ =	shalt  }
0x82: {  	_ =	shalt  }
0x83: {  	_ =	shalt  }
0x84: {  	_ =	shalt  }
0x85: {  	_ =	shalt  }
0x86: {  	_ =	shalt  }
0x87: {  	_ =	shalt  }
.Lfunc_end0:
.L_simem_size_0:
called_computation.6_lowered:
.L_overlay_start_0:
0x88: {  	s2 =	sld [smem:$0x3FD9]  }
0x89: {  	s3 =	sld [smem:$0x3FFE];
	_ =	sdelay $0x1  }
0x8a: {  	s1 =	srdreg.scid  }
0x8b: {  	s0 =	sand.u32 $0x1, s1  }
0x8c: {  	s14 =	sshll.u32 s0, $0xA;
	s2 =	sadd.s32 s3, s2  }
0x8d: {  	s2 =	sadd.s32 s2, s14  }
0x8e: {  	[smem:$0x3FC6] =	sst s2  }
0x8f: {  	_ = 	snop  }
0x90: {  	s2 =	sld [smem:$0x3FD0];
	_ =	sdelay $0x2  }
0x91: {  	s15 =	simm.s32 $0xA;
	s4 =	simm.s32 $0x10  }
0x92: {  	[smem:s4], [sflag:s15] =	dma.local [hbm:s2], $0x1  }
0x93: {  	_ =	swait.eq [sflag:s15], $0x1  }
0x94: {  	[sflag:s15] =	ssyncset.done $0x0  }
0x95: {  	[sflag:s15] =	ssyncadd.s32 $0xFFFFFFFF  }
0x96: {  	s16 =	sld [smem:$0x11];
	(tm) =	ssettm $0x1  }
0x97: {  	s17 =	sld [smem:$0x3FFB];
	_ =	sdelay $0x3  }
0x98: {  	_ =	strace s17  }
0x99: {  	s3 =	sld [smem:$0x3FFC];
	_ =	sdelay $0x3  }
0x9a: {  	_ =	strace s3  }
0x9b: {  	s3 =	sld [smem:$0x3FFD];
	_ =	sdelay $0x3  }
0x9c: {  	_ =	strace s3  }
0x9d: {  	_ =	strace $0x8FFFFFFF  }
0x9e: {  	s18 =	sld [smem:$0x3FDB];
	_ =	sdelay $0x1  }
0x9f: {  	s19 =	simm.s32 $_scs_section_size  }
0xa0: {  	s5 =	simm.s32 $_size__tile_overlayer_lowered;
	s6 =	simm.s32 $_tile_overlayer_lowered  }
0xa1: {  	s22 =	simm.s32 $0x1BFF;
	s21 =	sshll.u32 s6, $0x1;
	s3 =	sadd.s32 s19, s18  }
0xa2: {  	s7 =	simm.s32 $0x0;
	s20 =	sshll.u32 s5, $0x1;
	s5 =	sadd.s32 s21, s3  }
0xa3: {  	[timem:s7], [sflag:s22] =	dma.local [hbm:s5], s20  }
0xa4: {  	_ =	swait.ge [sflag:s22], s20  }
0xa5: {  	s4 =	ssub.s32 $0x0, s20;
	[sflag:s22] =	ssyncset.done $0x0  }
0xa6: {  	[sflag:s22] =	ssyncadd.s32 s4;
	_ =	sdelay $0x1  }
0xa7: {  	s23 =	simm.s32 $0x1B8B  }
0xa8: {  	_ =	swait.ge [sflag:s23], $0x1  }
0xa9: {  	[sflag:s23] =	ssyncset.done $0x0  }
0xaa: {  	s25 =	simm.s32 $0x1B8E;
	s24 =	sld [smem:$0x3FFE];
	[sflag:s23] =	ssyncadd.s32 $0xFFFFFFFF  }
0xab: {  	s26 =	simm.s32 $execute0_lowered;
	[smem:$0x3FD2] =	sst s25  }
0xac: {  	s5 =	sshll.u32 s26, $0x1;
	_ =	strace $0x80000058;
	[dreg:$0x1] =	wrdreg $0xFFFFFFFF  }
0xad: {  	s28 =	simm.s32 $_size_execute0_lowered;
	s3 =	sadd.s32 s3, s5;
	[dreg:$0x0] =	wrdreg $0x0  }
0xae: {  	s5 =	sshll.u32 s28, $0x1;
	[dreg:$0x2] =	wrdreg s3  }
0xaf: {  	[dreg:$0x3] =	wrdreg s5  }
0xb0: {  	[dreg:$0x4] =	wrdreg $0xC0  }
0xb1: {  	_ =	task [dreg:s7], $0x5FFFF  }
0xb2: {  	[dreg:$0x1] =	wrdreg $0xFFFFFFFF  }
0xb3: {  	[dreg:$0x0] =	wrdreg $0x60  }
0xb4: {  	[dreg:$0x2] =	wrdreg s24  }
0xb5: {  	[dreg:$0x3] =	wrdreg s16  }
0xb6: {  	[dreg:$0x4] =	wrdreg $0x9  }
0xb7: {  	_ =	task.clear_ibuf [dreg:s7], $0x5FFFF;
	_ =	strace $0x90000058  }
0xb8: {  	s29 =	simm.s32 $0x9;
	_ =	strace $0x8000005A  }
0xb9: {  	_ =	swait.ge [sflag:s29], $0x1  }
0xba: {  	[sflag:s29] =	ssyncadd.s32 $0xFFFFFFFF  }
0xbb: {  	_ =	strace $0x9000005A  }
0xbc: {  	_ =	sfence  }
0xbd: {  	s30 =	sld [smem:$0x0];
	_ =	sdelay $0x2  }
0xbe: {  	s31 =	sshll.u32 s1, $0xD;
	s1 =	sshrl.u32 s1, $0x2  }
0xbf: {  	s3 =	sand.u32 $0x4000, s31;
	s1 =	sadd.s32 s1, s30  }
0xc0: {  	s0 =	sor.u32 s3, s0;
	s1 =	sshll.u32 s1, $0x11  }
0xc1: {  	s0 =	sor.u32 s1, s0  }
0xc2: {  	s0 =	sadd.s32 $0x8F2B, s0  }
0xc3: {  	[sflag:s0] =	ssyncadd.remote.s32 $0x1  }
0xc4: {  	_ =	sfence.sel $0xFFFF  }
0xc5: {  	[dreg:$0x0] =	wrdreg $0xFFFFFFFF;
	(pc) =	sbr.abs _section_cstart, $3  }
0xc6: {  	[dreg:$0x1] =	wrdreg $0xFFFFFFFF  }
0xc7: {  	_ =	task.clear_ibuf [dreg:s7], $0x2FFFF;
	_ =	strace $0x9FFFFFFF  }
0xc8: {  	(tm) =	ssettm $0x7FFFFFFF  }
0xc9: {  	_ =	shalt  }
tec
execute0_lowered:
.L_overlay_start_1:
0x0: {  	(tag) =	ssettag $0x1  }
0x1: {  	s1 =	srdreg.scid  }
0x2: {  	s8 =	rddreg [dreg:$0x0];
	s0 =	stileid.u32;
	s14 =	sand.u32 $0x1, s1  }
0x3: {  	s13 =	rddreg [dreg:$0x1];
	s3 =	sshll.u32 s0, $0xB;
	s4 =	sshll.u32 s14, $0xA  }
0x4: {  	s2 =	simm.s32 $0x0;
	s1 =	rddreg [dreg:$0x2];
	s15 =	sor.u32 s4, s3  }
0x5: {  	[smem:$0x7FF] =	sst s2;
	s3 =	sshrl.u32 s15, $0x3  }
0x6: {  	_ =	strace $0x80000059;
	s4 =	sadd.s32 s13, s3;
	s3 =	simm.s32 $0x2  }
0x7: {  	[tilespmem:s2], [sflag:$0x2] =	stream.linear.gather [hbm4b:s4+s2], $0x100, $0x38;
	[tilespmem:$0x8100] =	vst v63  }
0x8: {  	_ =	swait.ge [sflag:s3], $0x100  }
0x9: {  	s6 =	simm.s32 $0x100;
	[sflag:s3] =	ssyncset.done $0x0  }
0xa: {  	s7 =	simm.s32 $0x1;
	s5 =	sadd.s32 $0xC2400, s8;
	[sflag:s3] =	ssyncadd.s32 $0xFFFFFF00  }
0xb: {  	[tilespmem:s6], [sflag:$0x1] =	stream.indirect.gather [hbm4b:s5+s6], $0x80, s2, s6, $0xb8;
	[tilespmem:$0x8100] =	vst v63  }
0xc: {  	_ =	swait.ge [sflag:s7], $0x8000  }
0xd: {  	s16 =	sadd.s32 $0x5A00, s8;
	s28 =	sshll.u32 s15, $0x4;
	[sflag:s7] =	ssyncset.done $0x0  }
0xe: {  	s8 =	sadd.s32 s16, s28;
	[sflag:s7] =	ssyncadd.s32 $0xFFFF8000  }
0xf: {  	[hbm4b:s8+s2] =	stream.linear.scatter [tilespmem:s6], [sflag:$0x2], $0x8000, $0x38;
	[tilespmem:$0x8100] =	vst v63  }
0x10: {  	s10 =	sor.u32 $0x100, s15;
	_ =	swait.ge [sflag:s3], $0x8000  }
0x11: {  	s9 =	sshrl.u32 s10, $0x3;
	[sflag:s3] =	ssyncset.done $0x0  }
0x12: {  	s9 =	sadd.s32 s13, s9;
	[sflag:s3] =	ssyncadd.s32 $0xFFFF8000  }
0x13: {  	[tilespmem:s2], [sflag:$0x2] =	stream.linear.gather [hbm4b:s9+s2], $0x100, $0x38;
	[tilespmem:$0x8100] =	vst v63  }
0x14: {  	_ =	swait.ge [sflag:s3], $0x100  }
0x15: {  	[sflag:s3] =	ssyncset.done $0x0  }
0x16: {  	[sflag:s3] =	ssyncadd.s32 $0xFFFFFF00  }
0x17: {  	[tilespmem:s6], [sflag:$0x1] =	stream.indirect.gather [hbm4b:s5+s6], $0x80, s2, s6, $0xb8;
	[tilespmem:$0x8100] =	vst v63  }
0x18: {  	_ =	swait.ge [sflag:s7], $0x8000  }
0x19: {  	s10 =	sshll.u32 s10, $0x4;
	[sflag:s7] =	ssyncset.done $0x0  }
0x1a: {  	s10 =	sadd.s32 s16, s10;
	[sflag:s7] =	ssyncadd.s32 $0xFFFF8000  }
0x1b: {  	[hbm4b:s10+s2] =	stream.linear.scatter [tilespmem:s6], [sflag:$0x2], $0x8000, $0x38;
	[tilespmem:$0x8100] =	vst v63  }
0x1c: {  	s12 =	sor.u32 $0x200, s15;
	_ =	swait.ge [sflag:s3], $0x8000  }
0x1d: {  	s11 =	sshrl.u32 s12, $0x3;
	[sflag:s3] =	ssyncset.done $0x0  }
0x1e: {  	s11 =	sadd.s32 s13, s11;
	[sflag:s3] =	ssyncadd.s32 $0xFFFF8000  }
0x1f: {  	[tilespmem:s2], [sflag:$0x2] =	stream.linear.gather [hbm4b:s11+s2], $0x100, $0x38;
	[tilespmem:$0x8100] =	vst v63  }
0x20: {  	_ =	swait.ge [sflag:s3], $0x100  }
0x21: {  	[sflag:s3] =	ssyncset.done $0x0  }
0x22: {  	[sflag:s3] =	ssyncadd.s32 $0xFFFFFF00  }
0x23: {  	[tilespmem:s6], [sflag:$0x1] =	stream.indirect.gather [hbm4b:s5+s6], $0x80, s2, s6, $0xb8;
	[tilespmem:$0x8100] =	vst v63  }
0x24: {  	_ =	swait.ge [sflag:s7], $0x8000  }
0x25: {  	s12 =	sshll.u32 s12, $0x4;
	[sflag:s7] =	ssyncset.done $0x0  }
0x26: {  	s12 =	sadd.s32 s16, s12;
	[sflag:s7] =	ssyncadd.s32 $0xFFFF8000  }
0x27: {  	[hbm4b:s12+s2] =	stream.linear.scatter [tilespmem:s6], [sflag:$0x2], $0x8000, $0x38;
	[tilespmem:$0x8100] =	vst v63  }
0x28: {  	s15 =	sor.u32 $0x300, s15;
	_ =	swait.ge [sflag:s3], $0x8000  }
0x29: {  	s17 =	sshrl.u32 s15, $0x3;
	[sflag:s3] =	ssyncset.done $0x0  }
0x2a: {  	s14 =	ssub.s32 $0x2, s14;
	s13 =	sadd.s32 s13, s17;
	[sflag:s3] =	ssyncadd.s32 $0xFFFF8000  }
0x2b: {  	[tilespmem:s2], [sflag:$0x2] =	stream.linear.gather [hbm4b:s13+s2], $0x100, $0x38;
	[tilespmem:$0x8100] =	vst v63  }
0x2c: {  	s29 =	sshrl.u32 s14, $0x1;
	_ =	swait.ge [sflag:s3], $0x100  }
0x2d: {  	s17 =	ssub.s32 s14, s29;
	[sflag:s3] =	ssyncset.done $0x0  }
0x2e: {  	s31 =	smax.u32 s17, $0x1;
	[sflag:s3] =	ssyncadd.s32 $0xFFFFFF00  }
0x2f: {  	[tilespmem:s6], [sflag:$0x1] =	stream.indirect.gather [hbm4b:s5+s6], $0x80, s2, s6, $0xb8;
	[tilespmem:$0x8100] =	vst v63  }
0x30: {  	p0 =	sne.s32 s31, $0x1;
	_ =	swait.ge [sflag:s7], $0x8000  }
.Ltmp0:
0x31: {  	s30 =	sshll.u32 s15, $0x4;
	[sflag:s7] =	ssyncset.done $0x0;
	(pc) =	sbr.rel @!p0 .LBB2_2-.Ltmp0, $4  }
0x32: {  	s14 =	sadd.s32 s16, s30;
	[sflag:s7] =	ssyncadd.s32 $0xFFFF8000  }
0x33: {  	[hbm4b:s14+s2] =	stream.linear.scatter [tilespmem:s6], [sflag:$0x2], $0x8000, $0x38;
	[tilespmem:$0x8100] =	vst v63  }
0x34: {  	_ =	swait.ge [sflag:s3], $0x8000  }
0x35: {  	s15 =	sadd.s32 $0xFFFFFFFF, s31;
	[sflag:s3] =	ssyncset.done $0x0  }
.LBB2_1:
0x36: {  	p0 =	sne.s32 s15, $0x1;
	s15 =	sadd.s32 $0xFFFFFFFF, s15;
	[sflag:s3] =	ssyncadd.s32 $0xFFFF8000  }
0x37: {  	[tilespmem:s2], [sflag:$0x2] =	stream.linear.gather [hbm4b:s4+s2], $0x100, $0x38;
	[tilespmem:$0x8100] =	vst v63  }
0x38: {  	_ =	swait.ge [sflag:s3], $0x100  }
0x39: {  	[sflag:s3] =	ssyncset.done $0x0  }
0x3a: {  	[sflag:s3] =	ssyncadd.s32 $0xFFFFFF00  }
0x3b: {  	[tilespmem:s6], [sflag:$0x1] =	stream.indirect.gather [hbm4b:s5+s6], $0x80, s2, s6, $0xb8;
	[tilespmem:$0x8100] =	vst v63  }
0x3c: {  	_ =	swait.ge [sflag:s7], $0x8000  }
0x3d: {  	[sflag:s7] =	ssyncset.done $0x0  }
0x3e: {  	[sflag:s7] =	ssyncadd.s32 $0xFFFF8000  }
0x3f: {  	[hbm4b:s8+s2] =	stream.linear.scatter [tilespmem:s6], [sflag:$0x2], $0x8000, $0x38;
	[tilespmem:$0x8100] =	vst v63  }
0x40: {  	_ =	swait.ge [sflag:s3], $0x8000  }
0x41: {  	[sflag:s3] =	ssyncset.done $0x0  }
0x42: {  	[sflag:s3] =	ssyncadd.s32 $0xFFFF8000  }
0x43: {  	[tilespmem:s2], [sflag:$0x2] =	stream.linear.gather [hbm4b:s9+s2], $0x100, $0x38;
	[tilespmem:$0x8100] =	vst v63  }
0x44: {  	_ =	swait.ge [sflag:s3], $0x100  }
0x45: {  	[sflag:s3] =	ssyncset.done $0x0  }
0x46: {  	[sflag:s3] =	ssyncadd.s32 $0xFFFFFF00  }
0x47: {  	[tilespmem:s6], [sflag:$0x1] =	stream.indirect.gather [hbm4b:s5+s6], $0x80, s2, s6, $0xb8;
	[tilespmem:$0x8100] =	vst v63  }
0x48: {  	_ =	swait.ge [sflag:s7], $0x8000  }
0x49: {  	[sflag:s7] =	ssyncset.done $0x0  }
0x4a: {  	[sflag:s7] =	ssyncadd.s32 $0xFFFF8000  }
0x4b: {  	[hbm4b:s10+s2] =	stream.linear.scatter [tilespmem:s6], [sflag:$0x2], $0x8000, $0x38;
	[tilespmem:$0x8100] =	vst v63  }
0x4c: {  	_ =	swait.ge [sflag:s3], $0x8000  }
0x4d: {  	[sflag:s3] =	ssyncset.done $0x0  }
0x4e: {  	[sflag:s3] =	ssyncadd.s32 $0xFFFF8000  }
0x4f: {  	[tilespmem:s2], [sflag:$0x2] =	stream.linear.gather [hbm4b:s11+s2], $0x100, $0x38;
	[tilespmem:$0x8100] =	vst v63  }
0x50: {  	_ =	swait.ge [sflag:s3], $0x100  }
0x51: {  	[sflag:s3] =	ssyncset.done $0x0  }
0x52: {  	[sflag:s3] =	ssyncadd.s32 $0xFFFFFF00  }
0x53: {  	[tilespmem:s6], [sflag:$0x1] =	stream.indirect.gather [hbm4b:s5+s6], $0x80, s2, s6, $0xb8;
	[tilespmem:$0x8100] =	vst v63  }
0x54: {  	_ =	swait.ge [sflag:s7], $0x8000  }
0x55: {  	[sflag:s7] =	ssyncset.done $0x0  }
0x56: {  	[sflag:s7] =	ssyncadd.s32 $0xFFFF8000  }
0x57: {  	[hbm4b:s12+s2] =	stream.linear.scatter [tilespmem:s6], [sflag:$0x2], $0x8000, $0x38;
	[tilespmem:$0x8100] =	vst v63  }
0x58: {  	_ =	swait.ge [sflag:s3], $0x8000  }
0x59: {  	[sflag:s3] =	ssyncset.done $0x0  }
0x5a: {  	[sflag:s3] =	ssyncadd.s32 $0xFFFF8000  }
0x5b: {  	[tilespmem:s2], [sflag:$0x2] =	stream.linear.gather [hbm4b:s13+s2], $0x100, $0x38;
	[tilespmem:$0x8100] =	vst v63  }
0x5c: {  	_ =	swait.ge [sflag:s3], $0x100  }
0x5d: {  	[sflag:s3] =	ssyncset.done $0x0  }
0x5e: {  	[sflag:s3] =	ssyncadd.s32 $0xFFFFFF00  }
0x5f: {  	[tilespmem:s6], [sflag:$0x1] =	stream.indirect.gather [hbm4b:s5+s6], $0x80, s2, s6, $0xb8;
	[tilespmem:$0x8100] =	vst v63  }
0x60: {  	_ =	swait.ge [sflag:s7], $0x8000  }
.Ltmp1:
0x61: {  	[sflag:s7] =	ssyncset.done $0x0;
	(pc) =	sbr.rel @p0 .LBB2_1-.Ltmp1, $4  }
0x62: {  	[sflag:s7] =	ssyncadd.s32 $0xFFFF8000  }
0x63: {  	[hbm4b:s14+s2] =	stream.linear.scatter [tilespmem:s6], [sflag:$0x2], $0x8000, $0x38;
	[tilespmem:$0x8100] =	vst v63  }
0x64: {  	_ =	swait.ge [sflag:s3], $0x8000  }
0x65: {  	[sflag:s3] =	ssyncset.done $0x0  }
.LBB2_2:
0x66: {  	[sflag:s3] =	ssyncadd.s32 $0xFFFF8000  }
0x67: {  	_ =	sfence.sel $0x180000  }
0x68: {  	[bflag:$0x0] =	sbarrier.arrive $0xFFFF  }
0x69: {  	p0 =	sne.s32 s0, $0x0;
	_ =	strace $0x90000059  }
0x6a: {  	s0 =	sadd.s32 @!p0 $0x100000, s1;
	[bflag:$0x2] =	sbarrier.arrive $0xFFFF  }
0x6b: {  	[sflag:s0] =	ssyncadd.tile.s32 @!p0 $0x1;
	_ =	shalt  }
.Lfunc_end2:
_tile_overlayer_lowered:
.L_overlay_start_2:
0x6c: {  	(tag) =	ssettag $0x2  }
0x6d: {  	s0 =	rddreg [dreg:$0x0];
	s2 =	stileid.u32  }
0x6e: {  	s1 =	rddreg [dreg:$0x1];
	p0 =	sne.s32 s2, $0x0  }
0x6f: {  	s3 =	rddreg [dreg:$0x2];
	[bflag:$0x3] =	sbarrier.arrive $0xFFFF;
	s2 =	simm.s32 @!p0 $0x1C02  }
0x70: {  	[timem:s3], [sflag:s2] =	dma.local @!p0 [hbm:s0], s1  }
0x71: {  	s0 =	simm.s32 @!p0 $0x2  }
0x72: {  	_ =	swait.ge @!p0 [sflag:s0], s1  }
0x73: {  	s1 =	ssub.s32 @!p0 $0x0, s1;
	[sflag:s0] =	ssyncset.done @!p0 $0x0  }
0x74: {  	[sflag:s0] =	ssyncadd.s32 @!p0 s1  }
0x75: {  	[bflag:$0x3] =	sbarrier.arrive $0xFFFF  }
0x76: {  	_ =	shalt  }

// kernel: kernel.40.cloned.1.call-start
scs
__scs_entry_jumppad:
0x0: {  	(pc) =	sbr.rel $0x88, $3  }
0x1: {  	(tag) =	ssettag $0x0;
	lr =	simm.s32 $0x1  }
0x2: {  	[smem:$0x3F9F] =	sst lr;
	_ =	strace $0xD0000000  }
0x3: {  	_ = 	snop  }
0x4: {  	_ = 	snop  }
0x5: {  	_ = 	snop  }
0x6: {  	_ = 	snop  }
0x7: {  	_ = 	snop  }
__scs_overlays_trampoline_lowered:
0x8: {  	[smem:$0x3FAE] =	sst s0  }
0x9: {  	[smem:$0x3FAF] =	sst s1  }
0xa: {  	[smem:$0x3FB0] =	sst s2  }
0xb: {  	[smem:$0x3FB1] =	sst s3  }
0xc: {  	[smem:$0x3FB2] =	sst s4  }
0xd: {  	[smem:$0x3FB3] =	sst s5  }
0xe: {  	[smem:$0x3FB4] =	sst s6  }
0xf: {  	[smem:$0x3FB5] =	sst s7  }
0x10: {  	[smem:$0x3FB6] =	sst s8  }
0x11: {  	[smem:$0x3FB7] =	sst s9;
	s0 =	simm.s32 @!p0 $0x0  }
0x12: {  	s1 =	sld [smem:$0x3F9D];
	s0 =	simm.s32 @p0 $0x1  }
0x13: {  	[smem:$0x3FB8] =	sst s0;
	s0 =	simm.s32 @!p1 $0x0  }
0x14: {  	s2 =	sld [smem:$0x3F9C];
	s0 =	simm.s32 @p1 $0x1  }
0x15: {  	[smem:$0x3FB9] =	sst s0;
	s0 =	simm.s32 @!p2 $0x0  }
0x16: {  	s3 =	sld [smem:$0x3FDB];
	s0 =	simm.s32 @p2 $0x1  }
0x17: {  	s4 =	simm.s32 $0x1BF5;
	[smem:$0x3FBB] =	sst s0  }
0x18: {  	s0 =	sld [smem:$0x3F9E];
	_ =	swait.ge [sflag:s4], $0x0  }
0x19: {  	s7 =	sld [smem:$0x3F9F]  }
0x1a: {  	s8 =	sadd.s32 $0xFFFFE003, lr  }
0x1b: {  	s9 =	sadd.s32 $0xFFFFFEF7, lr;
	s5 =	simm.s32 $0xFFFFFFFF;
	p2 =	slt.u32 s8, $0xFFFFF086  }
0x1c: {  	p1 =	slt.u32 s9, $0xF7A;
	s5 =	simm.s32 @!p2 $0x0  }
0x1d: {  	s5 =	simm.s32 @p1 $0x1;
	p0 =	seq.s32 s7, s2  }
0x1e: {  	s7 =	smul.u32 @!p0 $0xF7A, s2;
	p2 =	seq.s32 @!p0 s5, $0x0  }
0x1f: {  	s9 =	smul.u32 $0xF7A, s1;
	s8 =	simm.s32 @!p0 $0x1BF5;
	p2 =	por !p2, p0  }
0x20: {  	[sflag:s8] =	ssyncset.s32 @!p0 $0xFFFFF086;
	s6 =	sadd.s32 @!p0 s3, s7;
	s7 =	simm.s32 @!p0 $0x108  }
0x21: {  	s3 =	sadd.s32 s3, s9;
	s6 =	sadd.s32 @!p0 $0x88, s6;
	s7 =	simm.s32 @p2 $0x1082  }
0x22: {  	[simem:s7], [sflag:s8] =	dma.local @!p0 [hbm:s6], $0xF7A  }
0x23: {  	s9 =	sor.u32 $0xD0000000, s2;
	s6 =	simm.s32 $0x108;
	_ =	swait.ge @!p0 [sflag:s8], $0x0  }
0x24: {  	s3 =	sadd.s32 $0x88, s3;
	s6 =	simm.s32 @!p1 $0x1082;
	[sflag:s4] =	ssyncset.s32 $0xFFFFF086  }
0x25: {  	[simem:s6], [sflag:s4] =	dma.local [hbm:s3], $0xF7A  }
0x26: {  	[smem:$0x3F9F] =	sst s1;
	(tag) =	ssettag s2;
	_ =	strace s9  }
0x27: {  	s1 =	sld [smem:$0x3FAF]  }
0x28: {  	s2 =	sld [smem:$0x3FB0]  }
0x29: {  	s4 =	sld [smem:$0x3FB2]  }
0x2a: {  	p0 =	seq.s32 s5, $0x0;
	s5 =	sld [smem:$0x3FB3]  }
0x2b: {  	s6 =	sld [smem:$0x3FB4]  }
0x2c: {  	s7 =	sld [smem:$0x3FB5]  }
0x2d: {  	s3 =	simm.s32 $0x108;
	s8 =	sld [smem:$0x3FB6]  }
0x2e: {  	s3 =	simm.s32 @!p0 $0x1082;
	s9 =	sld [smem:$0x3FB7]  }
0x2f: {  	lr =	sadd.s32 s0, s3;
	s0 =	sld [smem:$0x3FAE]  }
0x30: {  	s3 =	sld [smem:$0x3FB1]  }
0x31: {  	[smem:$0x3FBA] =	sst s10  }
0x32: {  	s10 =	sld [smem:$0x3FB8];
	_ =	sdelay $0x3  }
0x33: {  	p0 =	seq.s32 s10, $0x1;
	s10 =	sld [smem:$0x3FBA];
	_ =	sdelay $0x3  }
0x34: {  	[smem:$0x3FBA] =	sst s10  }
0x35: {  	s10 =	sld [smem:$0x3FB9];
	_ =	sdelay $0x3  }
0x36: {  	p1 =	seq.s32 s10, $0x1;
	s10 =	sld [smem:$0x3FBA];
	_ =	sdelay $0x3  }
0x37: {  	[smem:$0x3FBA] =	sst s10  }
0x38: {  	s10 =	sld [smem:$0x3FBB]  }
0x39: {  	_ = 	snop;
	(pc) =	sbr.ind lr, $3  }
0x3a: {  	_ = 	snop  }
0x3b: {  	_ = 	snop  }
0x3c: {  	p2 =	seq.s32 s10, $0x1;
	s10 =	sld [smem:$0x3FBA]  }
0x3d: {  	_ =	shalt  }
0x3e: {  	_ =	shalt  }
0x3f: {  	_ =	shalt  }
0x40: {  	_ =	shalt  }
0x41: {  	_ =	shalt  }
0x42: {  	_ =	shalt  }
0x43: {  	_ =	shalt  }
0x44: {  	_ =	shalt  }
0x45: {  	_ =	shalt  }
0x46: {  	_ =	shalt  }
0x47: {  	_ =	shalt  }
0x48: {  	_ =	shalt  }
0x49: {  	_ =	shalt  }
0x4a: {  	_ =	shalt  }
0x4b: {  	_ =	shalt  }
0x4c: {  	_ =	shalt  }
0x4d: {  	_ =	shalt  }
0x4e: {  	_ =	shalt  }
0x4f: {  	_ =	shalt  }
0x50: {  	_ =	shalt  }
0x51: {  	_ =	shalt  }
0x52: {  	_ =	shalt  }
0x53: {  	_ =	shalt  }
0x54: {  	_ =	shalt  }
0x55: {  	_ =	shalt  }
0x56: {  	_ =	shalt  }
0x57: {  	_ =	shalt  }
0x58: {  	_ =	shalt  }
0x59: {  	_ =	shalt  }
0x5a: {  	_ =	shalt  }
0x5b: {  	_ =	shalt  }
0x5c: {  	_ =	shalt  }
0x5d: {  	_ =	shalt  }
0x5e: {  	_ =	shalt  }
0x5f: {  	_ =	shalt  }
0x60: {  	_ =	shalt  }
0x61: {  	_ =	shalt  }
0x62: {  	_ =	shalt  }
0x63: {  	_ =	shalt  }
0x64: {  	_ =	shalt  }
0x65: {  	_ =	shalt  }
0x66: {  	_ =	shalt  }
0x67: {  	_ =	shalt  }
0x68: {  	_ =	shalt  }
0x69: {  	_ =	shalt  }
0x6a: {  	_ =	shalt  }
0x6b: {  	_ =	shalt  }
0x6c: {  	_ =	shalt  }
0x6d: {  	_ =	shalt  }
0x6e: {  	_ =	shalt  }
0x6f: {  	_ =	shalt  }
0x70: {  	_ =	shalt  }
0x71: {  	_ =	shalt  }
0x72: {  	_ =	shalt  }
0x73: {  	_ =	shalt  }
0x74: {  	_ =	shalt  }
0x75: {  	_ =	shalt  }
0x76: {  	_ =	shalt  }
0x77: {  	_ =	shalt  }
0x78: {  	_ =	shalt  }
0x79: {  	_ =	shalt  }
0x7a: {  	_ =	shalt  }
0x7b: {  	_ =	shalt  }
0x7c: {  	_ =	shalt  }
0x7d: {  	_ =	shalt  }
0x7e: {  	_ =	shalt  }
0x7f: {  	_ =	shalt  }
0x80: {  	_ =	shalt  }
0x81: {  	_ =	shalt  }
0x82: {  	_ =	shalt  }
0x83: {  	_ =	shalt  }
0x84: {  	_ =	shalt  }
0x85: {  	_ =	shalt  }
0x86: {  	_ =	shalt  }
0x87: {  	_ =	shalt  }
.Lfunc_end0:
.L_simem_size_0:
called_computation.7_lowered:
.L_overlay_start_0:
0x88: {  	s2 =	sld [smem:$0x3FD9]  }
0x89: {  	s3 =	sld [smem:$0x3FFE];
	_ =	sdelay $0x1  }
0x8a: {  	s1 =	srdreg.scid  }
0x8b: {  	s0 =	sand.u32 $0x1, s1  }
0x8c: {  	s14 =	sshll.u32 s0, $0xA;
	s2 =	sadd.s32 s3, s2  }
0x8d: {  	s2 =	sadd.s32 s2, s14  }
0x8e: {  	[smem:$0x3FC6] =	sst s2  }
0x8f: {  	_ = 	snop  }
0x90: {  	s2 =	sld [smem:$0x3FD0];
	_ =	sdelay $0x2  }
0x91: {  	s15 =	simm.s32 $0xA;
	s4 =	simm.s32 $0x10  }
0x92: {  	[smem:s4], [sflag:s15] =	dma.local [hbm:s2], $0x1  }
0x93: {  	_ =	swait.eq [sflag:s15], $0x1  }
0x94: {  	[sflag:s15] =	ssyncset.done $0x0  }
0x95: {  	[sflag:s15] =	ssyncadd.s32 $0xFFFFFFFF  }
0x96: {  	s16 =	sld [smem:$0x10];
	(tm) =	ssettm $0x1  }
0x97: {  	s17 =	sld [smem:$0x3FFB];
	_ =	sdelay $0x3  }
0x98: {  	_ =	strace s17  }
0x99: {  	s3 =	sld [smem:$0x3FFC];
	_ =	sdelay $0x3  }
0x9a: {  	_ =	strace s3  }
0x9b: {  	s3 =	sld [smem:$0x3FFD];
	_ =	sdelay $0x3  }
0x9c: {  	_ =	strace s3  }
0x9d: {  	_ =	strace $0x8FFFFFFF  }
0x9e: {  	s18 =	sld [smem:$0x3FDB];
	_ =	sdelay $0x1  }
0x9f: {  	s19 =	simm.s32 $_scs_section_size  }
0xa0: {  	s5 =	simm.s32 $_size__tile_overlayer_lowered;
	s6 =	simm.s32 $_tile_overlayer_lowered  }
0xa1: {  	s22 =	simm.s32 $0x1BFF;
	s21 =	sshll.u32 s6, $0x1;
	s3 =	sadd.s32 s19, s18  }
0xa2: {  	s7 =	simm.s32 $0x0;
	s20 =	sshll.u32 s5, $0x1;
	s5 =	sadd.s32 s21, s3  }
0xa3: {  	[timem:s7], [sflag:s22] =	dma.local [hbm:s5], s20  }
0xa4: {  	_ =	swait.ge [sflag:s22], s20  }
0xa5: {  	s4 =	ssub.s32 $0x0, s20;
	[sflag:s22] =	ssyncset.done $0x0  }
0xa6: {  	[sflag:s22] =	ssyncadd.s32 s4;
	_ =	sdelay $0x1  }
0xa7: {  	s23 =	simm.s32 $0x1B8B  }
0xa8: {  	_ =	swait.ge [sflag:s23], $0x1  }
0xa9: {  	[sflag:s23] =	ssyncset.done $0x0  }
0xaa: {  	s25 =	simm.s32 $0x1B8E;
	s24 =	sld [smem:$0x3FFE];
	[sflag:s23] =	ssyncadd.s32 $0xFFFFFFFF  }
0xab: {  	s26 =	simm.s32 $execute0_lowered;
	[smem:$0x3FD2] =	sst s25  }
0xac: {  	s5 =	sshll.u32 s26, $0x1;
	_ =	strace $0x8000005B;
	[dreg:$0x1] =	wrdreg $0xFFFFFFFF  }
0xad: {  	s28 =	simm.s32 $_size_execute0_lowered;
	s3 =	sadd.s32 s3, s5;
	[dreg:$0x0] =	wrdreg $0x0  }
0xae: {  	s5 =	sshll.u32 s28, $0x1;
	[dreg:$0x2] =	wrdreg s3  }
0xaf: {  	[dreg:$0x3] =	wrdreg s5  }
0xb0: {  	[dreg:$0x4] =	wrdreg $0xC0  }
0xb1: {  	_ =	task [dreg:s7], $0x5FFFF  }
0xb2: {  	[dreg:$0x1] =	wrdreg $0xFFFFFFFF  }
0xb3: {  	[dreg:$0x0] =	wrdreg $0x60  }
0xb4: {  	[dreg:$0x2] =	wrdreg s16  }
0xb5: {  	[dreg:$0x3] =	wrdreg s24  }
0xb6: {  	[dreg:$0x4] =	wrdreg $0x9  }
0xb7: {  	_ =	task.clear_ibuf [dreg:s7], $0x5FFFF;
	_ =	strace $0x9000005B  }
0xb8: {  	s29 =	simm.s32 $0x9;
	_ =	strace $0x8000005D  }
0xb9: {  	_ =	swait.ge [sflag:s29], $0x1  }
0xba: {  	[sflag:s29] =	ssyncadd.s32 $0xFFFFFFFF  }
0xbb: {  	_ =	strace $0x9000005D  }
0xbc: {  	_ =	sfence  }
0xbd: {  	s30 =	sld [smem:$0x0];
	_ =	sdelay $0x2  }
0xbe: {  	s31 =	sshll.u32 s1, $0xD;
	s1 =	sshrl.u32 s1, $0x2  }
0xbf: {  	s3 =	sand.u32 $0x4000, s31;
	s1 =	sadd.s32 s1, s30  }
0xc0: {  	s0 =	sor.u32 s3, s0;
	s1 =	sshll.u32 s1, $0x11  }
0xc1: {  	s0 =	sor.u32 s1, s0  }
0xc2: {  	s0 =	sadd.s32 $0x8F2B, s0  }
0xc3: {  	[sflag:s0] =	ssyncadd.remote.s32 $0x1  }
0xc4: {  	_ =	sfence.sel $0xFFFF  }
0xc5: {  	[dreg:$0x0] =	wrdreg $0xFFFFFFFF;
	(pc) =	sbr.abs _section_cstart, $3  }
0xc6: {  	[dreg:$0x1] =	wrdreg $0xFFFFFFFF  }
0xc7: {  	_ =	task.clear_ibuf [dreg:s7], $0x2FFFF;
	_ =	strace $0x9FFFFFFF  }
0xc8: {  	(tm) =	ssettm $0x7FFFFFFF  }
0xc9: {  	_ =	shalt  }
tec
execute0_lowered:
.L_overlay_start_1:
0x0: {  	(tag) =	ssettag $0x1  }
0x1: {  	s1 =	srdreg.scid  }
0x2: {  	s2 =	rddreg [dreg:$0x0];
	s0 =	stileid.u32;
	s14 =	sand.u32 $0x1, s1  }
0x3: {  	s8 =	rddreg [dreg:$0x1];
	s4 =	sshll.u32 s0, $0xB;
	s5 =	sshll.u32 s14, $0xA  }
0x4: {  	s3 =	simm.s32 $0x0;
	s1 =	rddreg [dreg:$0x2];
	s13 =	sor.u32 s5, s4  }
0x5: {  	[smem:$0x7FF] =	sst s3;
	s15 =	sadd.s32 $0x104400, s8;
	s4 =	sshrl.u32 s13, $0x3  }
0x6: {  	_ =	strace $0x8000005C;
	s5 =	sadd.s32 s15, s4;
	s4 =	simm.s32 $0x2  }
0x7: {  	[tilespmem:s3], [sflag:$0x2] =	stream.linear.gather [hbm4b:s5+s3], $0x100, $0x38;
	[tilespmem:$0x8100] =	vst v63  }
0x8: {  	_ =	swait.ge [sflag:s4], $0x100  }
0x9: {  	[sflag:s4] =	ssyncset.done $0x0  }
0xa: {  	s6 =	simm.s32 $0x100;
	s7 =	simm.s32 $0x1;
	[sflag:s4] =	ssyncadd.s32 $0xFFFFFF00  }
0xb: {  	[tilespmem:s6], [sflag:$0x1] =	stream.indirect.gather [hbm4b:s2+s6], $0x80, s3, s6, $0xb8;
	[tilespmem:$0x8100] =	vst v63  }
0xc: {  	_ =	swait.ge [sflag:s7], $0x8000  }
0xd: {  	s16 =	sadd.s32 $0x105400, s8;
	s29 =	sshll.u32 s13, $0x4;
	[sflag:s7] =	ssyncset.done $0x0  }
0xe: {  	s8 =	sadd.s32 s16, s29;
	[sflag:s7] =	ssyncadd.s32 $0xFFFF8000  }
0xf: {  	[hbm4b:s8+s3] =	stream.linear.scatter [tilespmem:s6], [sflag:$0x2], $0x8000, $0x38;
	[tilespmem:$0x8100] =	vst v63  }
0x10: {  	s10 =	sor.u32 $0x100, s13;
	_ =	swait.ge [sflag:s4], $0x8000  }
0x11: {  	s9 =	sshrl.u32 s10, $0x3;
	[sflag:s4] =	ssyncset.done $0x0  }
0x12: {  	s9 =	sadd.s32 s15, s9;
	[sflag:s4] =	ssyncadd.s32 $0xFFFF8000  }
0x13: {  	[tilespmem:s3], [sflag:$0x2] =	stream.linear.gather [hbm4b:s9+s3], $0x100, $0x38;
	[tilespmem:$0x8100] =	vst v63  }
0x14: {  	_ =	swait.ge [sflag:s4], $0x100  }
0x15: {  	[sflag:s4] =	ssyncset.done $0x0  }
0x16: {  	[sflag:s4] =	ssyncadd.s32 $0xFFFFFF00  }
0x17: {  	[tilespmem:s6], [sflag:$0x1] =	stream.indirect.gather [hbm4b:s2+s6], $0x80, s3, s6, $0xb8;
	[tilespmem:$0x8100] =	vst v63  }
0x18: {  	_ =	swait.ge [sflag:s7], $0x8000  }
0x19: {  	s10 =	sshll.u32 s10, $0x4;
	[sflag:s7] =	ssyncset.done $0x0  }
0x1a: {  	s10 =	sadd.s32 s16, s10;
	[sflag:s7] =	ssyncadd.s32 $0xFFFF8000  }
0x1b: {  	[hbm4b:s10+s3] =	stream.linear.scatter [tilespmem:s6], [sflag:$0x2], $0x8000, $0x38;
	[tilespmem:$0x8100] =	vst v63  }
0x1c: {  	s12 =	sor.u32 $0x200, s13;
	_ =	swait.ge [sflag:s4], $0x8000  }
0x1d: {  	s11 =	sshrl.u32 s12, $0x3;
	[sflag:s4] =	ssyncset.done $0x0  }
0x1e: {  	s11 =	sadd.s32 s15, s11;
	[sflag:s4] =	ssyncadd.s32 $0xFFFF8000  }
0x1f: {  	[tilespmem:s3], [sflag:$0x2] =	stream.linear.gather [hbm4b:s11+s3], $0x100, $0x38;
	[tilespmem:$0x8100] =	vst v63  }
0x20: {  	_ =	swait.ge [sflag:s4], $0x100  }
0x21: {  	[sflag:s4] =	ssyncset.done $0x0  }
0x22: {  	[sflag:s4] =	ssyncadd.s32 $0xFFFFFF00  }
0x23: {  	[tilespmem:s6], [sflag:$0x1] =	stream.indirect.gather [hbm4b:s2+s6], $0x80, s3, s6, $0xb8;
	[tilespmem:$0x8100] =	vst v63  }
0x24: {  	_ =	swait.ge [sflag:s7], $0x8000  }
0x25: {  	s12 =	sshll.u32 s12, $0x4;
	[sflag:s7] =	ssyncset.done $0x0  }
0x26: {  	s12 =	sadd.s32 s16, s12;
	[sflag:s7] =	ssyncadd.s32 $0xFFFF8000  }
0x27: {  	[hbm4b:s12+s3] =	stream.linear.scatter [tilespmem:s6], [sflag:$0x2], $0x8000, $0x38;
	[tilespmem:$0x8100] =	vst v63  }
0x28: {  	s17 =	sor.u32 $0x300, s13;
	_ =	swait.ge [sflag:s4], $0x8000  }
0x29: {  	s13 =	sshrl.u32 s17, $0x3;
	[sflag:s4] =	ssyncset.done $0x0  }
0x2a: {  	s14 =	ssub.s32 $0x2, s14;
	s13 =	sadd.s32 s15, s13;
	[sflag:s4] =	ssyncadd.s32 $0xFFFF8000  }
0x2b: {  	[tilespmem:s3], [sflag:$0x2] =	stream.linear.gather [hbm4b:s13+s3], $0x100, $0x38;
	[tilespmem:$0x8100] =	vst v63  }
0x2c: {  	s30 =	sshrl.u32 s14, $0x1;
	_ =	swait.ge [sflag:s4], $0x100  }
0x2d: {  	s15 =	ssub.s32 s14, s30;
	[sflag:s4] =	ssyncset.done $0x0  }
0x2e: {  	s15 =	smax.u32 s15, $0x1;
	[sflag:s4] =	ssyncadd.s32 $0xFFFFFF00  }
0x2f: {  	[tilespmem:s6], [sflag:$0x1] =	stream.indirect.gather [hbm4b:s2+s6], $0x80, s3, s6, $0xb8;
	[tilespmem:$0x8100] =	vst v63  }
0x30: {  	p0 =	sne.s32 s15, $0x1;
	_ =	swait.ge [sflag:s7], $0x8000  }
.Ltmp0:
0x31: {  	s31 =	sshll.u32 s17, $0x4;
	[sflag:s7] =	ssyncset.done $0x0;
	(pc) =	sbr.rel @!p0 .LBB2_2-.Ltmp0, $4  }
0x32: {  	s14 =	sadd.s32 s16, s31;
	[sflag:s7] =	ssyncadd.s32 $0xFFFF8000  }
0x33: {  	[hbm4b:s14+s3] =	stream.linear.scatter [tilespmem:s6], [sflag:$0x2], $0x8000, $0x38;
	[tilespmem:$0x8100] =	vst v63  }
0x34: {  	_ =	swait.ge [sflag:s4], $0x8000  }
0x35: {  	s15 =	sadd.s32 $0xFFFFFFFF, s15;
	[sflag:s4] =	ssyncset.done $0x0  }
.LBB2_1:
0x36: {  	p0 =	sne.s32 s15, $0x1;
	s15 =	sadd.s32 $0xFFFFFFFF, s15;
	[sflag:s4] =	ssyncadd.s32 $0xFFFF8000  }
0x37: {  	[tilespmem:s3], [sflag:$0x2] =	stream.linear.gather [hbm4b:s5+s3], $0x100, $0x38;
	[tilespmem:$0x8100] =	vst v63  }
0x38: {  	_ =	swait.ge [sflag:s4], $0x100  }
0x39: {  	[sflag:s4] =	ssyncset.done $0x0  }
0x3a: {  	[sflag:s4] =	ssyncadd.s32 $0xFFFFFF00  }
0x3b: {  	[tilespmem:s6], [sflag:$0x1] =	stream.indirect.gather [hbm4b:s2+s6], $0x80, s3, s6, $0xb8;
	[tilespmem:$0x8100] =	vst v63  }
0x3c: {  	_ =	swait.ge [sflag:s7], $0x8000  }
0x3d: {  	[sflag:s7] =	ssyncset.done $0x0  }
0x3e: {  	[sflag:s7] =	ssyncadd.s32 $0xFFFF8000  }
0x3f: {  	[hbm4b:s8+s3] =	stream.linear.scatter [tilespmem:s6], [sflag:$0x2], $0x8000, $0x38;
	[tilespmem:$0x8100] =	vst v63  }
0x40: {  	_ =	swait.ge [sflag:s4], $0x8000  }
0x41: {  	[sflag:s4] =	ssyncset.done $0x0  }
0x42: {  	[sflag:s4] =	ssyncadd.s32 $0xFFFF8000  }
0x43: {  	[tilespmem:s3], [sflag:$0x2] =	stream.linear.gather [hbm4b:s9+s3], $0x100, $0x38;
	[tilespmem:$0x8100] =	vst v63  }
0x44: {  	_ =	swait.ge [sflag:s4], $0x100  }
0x45: {  	[sflag:s4] =	ssyncset.done $0x0  }
0x46: {  	[sflag:s4] =	ssyncadd.s32 $0xFFFFFF00  }
0x47: {  	[tilespmem:s6], [sflag:$0x1] =	stream.indirect.gather [hbm4b:s2+s6], $0x80, s3, s6, $0xb8;
	[tilespmem:$0x8100] =	vst v63  }
0x48: {  	_ =	swait.ge [sflag:s7], $0x8000  }
0x49: {  	[sflag:s7] =	ssyncset.done $0x0  }
0x4a: {  	[sflag:s7] =	ssyncadd.s32 $0xFFFF8000  }
0x4b: {  	[hbm4b:s10+s3] =	stream.linear.scatter [tilespmem:s6], [sflag:$0x2], $0x8000, $0x38;
	[tilespmem:$0x8100] =	vst v63  }
0x4c: {  	_ =	swait.ge [sflag:s4], $0x8000  }
0x4d: {  	[sflag:s4] =	ssyncset.done $0x0  }
0x4e: {  	[sflag:s4] =	ssyncadd.s32 $0xFFFF8000  }
0x4f: {  	[tilespmem:s3], [sflag:$0x2] =	stream.linear.gather [hbm4b:s11+s3], $0x100, $0x38;
	[tilespmem:$0x8100] =	vst v63  }
0x50: {  	_ =	swait.ge [sflag:s4], $0x100  }
0x51: {  	[sflag:s4] =	ssyncset.done $0x0  }
0x52: {  	[sflag:s4] =	ssyncadd.s32 $0xFFFFFF00  }
0x53: {  	[tilespmem:s6], [sflag:$0x1] =	stream.indirect.gather [hbm4b:s2+s6], $0x80, s3, s6, $0xb8;
	[tilespmem:$0x8100] =	vst v63  }
0x54: {  	_ =	swait.ge [sflag:s7], $0x8000  }
0x55: {  	[sflag:s7] =	ssyncset.done $0x0  }
0x56: {  	[sflag:s7] =	ssyncadd.s32 $0xFFFF8000  }
0x57: {  	[hbm4b:s12+s3] =	stream.linear.scatter [tilespmem:s6], [sflag:$0x2], $0x8000, $0x38;
	[tilespmem:$0x8100] =	vst v63  }
0x58: {  	_ =	swait.ge [sflag:s4], $0x8000  }
0x59: {  	[sflag:s4] =	ssyncset.done $0x0  }
0x5a: {  	[sflag:s4] =	ssyncadd.s32 $0xFFFF8000  }
0x5b: {  	[tilespmem:s3], [sflag:$0x2] =	stream.linear.gather [hbm4b:s13+s3], $0x100, $0x38;
	[tilespmem:$0x8100] =	vst v63  }
0x5c: {  	_ =	swait.ge [sflag:s4], $0x100  }
0x5d: {  	[sflag:s4] =	ssyncset.done $0x0  }
0x5e: {  	[sflag:s4] =	ssyncadd.s32 $0xFFFFFF00  }
0x5f: {  	[tilespmem:s6], [sflag:$0x1] =	stream.indirect.gather [hbm4b:s2+s6], $0x80, s3, s6, $0xb8;
	[tilespmem:$0x8100] =	vst v63  }
0x60: {  	_ =	swait.ge [sflag:s7], $0x8000  }
.Ltmp1:
0x61: {  	[sflag:s7] =	ssyncset.done $0x0;
	(pc) =	sbr.rel @p0 .LBB2_1-.Ltmp1, $4  }
0x62: {  	[sflag:s7] =	ssyncadd.s32 $0xFFFF8000  }
0x63: {  	[hbm4b:s14+s3] =	stream.linear.scatter [tilespmem:s6], [sflag:$0x2], $0x8000, $0x38;
	[tilespmem:$0x8100] =	vst v63  }
0x64: {  	_ =	swait.ge [sflag:s4], $0x8000  }
0x65: {  	[sflag:s4] =	ssyncset.done $0x0  }
.LBB2_2:
0x66: {  	[sflag:s4] =	ssyncadd.s32 $0xFFFF8000  }
0x67: {  	_ =	sfence.sel $0x180000  }
0x68: {  	[bflag:$0x0] =	sbarrier.arrive $0xFFFF  }
0x69: {  	p0 =	sne.s32 s0, $0x0;
	_ =	strace $0x9000005C  }
0x6a: {  	s0 =	sadd.s32 @!p0 $0x100000, s1;
	[bflag:$0x2] =	sbarrier.arrive $0xFFFF  }
0x6b: {  	[sflag:s0] =	ssyncadd.tile.s32 @!p0 $0x1;
	_ =	shalt  }
.Lfunc_end2:
_tile_overlayer_lowered:
.L_overlay_start_2:
0x6c: {  	(tag) =	ssettag $0x2  }
0x6d: {  	s0 =	rddreg [dreg:$0x0];
	s2 =	stileid.u32  }
0x6e: {  	s1 =	rddreg [dreg:$0x1];
	p0 =	sne.s32 s2, $0x0  }
0x6f: {  	s3 =	rddreg [dreg:$0x2];
	[bflag:$0x3] =	sbarrier.arrive $0xFFFF;
	s2 =	simm.s32 @!p0 $0x1C02  }
0x70: {  	[timem:s3], [sflag:s2] =	dma.local @!p0 [hbm:s0], s1  }
0x71: {  	s0 =	simm.s32 @!p0 $0x2  }
0x72: {  	_ =	swait.ge @!p0 [sflag:s0], s1  }
0x73: {  	s1 =	ssub.s32 @!p0 $0x0, s1;
	[sflag:s0] =	ssyncset.done @!p0 $0x0  }
0x74: {  	[sflag:s0] =	ssyncadd.s32 @!p0 s1  }
0x75: {  	[bflag:$0x3] =	sbarrier.arrive $0xFFFF  }
0x76: {  	_ =	shalt  }

</sc_bundles>
